<compile_context>
chip_gen: v7x
topology: tpu7x:2x2x1
jax: 0.10.2.dev20260603
libtpu: 0.0.44.dev20260713+nightly
codegen_flags: <defaults>
</compile_context>

<pallas_src>
import functools

import jax
import jax.numpy as jnp
from jax import lax
from jax.experimental import pallas as pl
from jax.experimental.pallas import tpu as pltpu
from jax.experimental.pallas import tpu_sc as plsc

_F32 = jnp.float32
_BF16 = jnp.bfloat16

_SC_NC = 2
_SC_NS = 16
_SC_NW = _SC_NC * _SC_NS
_SC_LANES = 16
_IDX_CHUNK = 128


def _sc_gather_rows(tv, dv, t_tab, d_tab, t_hi, d_hi, dim):
    rows = tv.shape[0]
    per_w = rows // _SC_NW
    n_grp = per_w // _SC_LANES

    mesh = plsc.VectorSubcoreMesh(core_axis_name="c", subcore_axis_name="s")

    @functools.partial(
        pl.kernel,
        mesh=mesh,
        out_type=[
            jax.ShapeDtypeStruct((rows * dim,), _F32),
            jax.ShapeDtypeStruct((rows * dim,), _F32),
        ],
        scratch_types=[
            pltpu.VMEM(t_tab.shape, _F32),
            pltpu.VMEM(d_tab.shape, _F32),
            pltpu.VMEM((per_w,), _F32),
            pltpu.VMEM((per_w * dim,), _F32),
        ],
        compiler_params=pltpu.CompilerParams(needs_layout_passes=False),
    )
    def sc_kern(tv_hbm, dv_hbm, temb_hbm, demb_hbm, tout_hbm, dout_hbm,
                tab_t_v, tab_d_v, val_v, cmp_v):
        wid = lax.axis_index("s") * _SC_NC + lax.axis_index("c")
        base = wid * per_w
        lane_iota = lax.iota(jnp.int32, _SC_LANES)
        pos_base = lane_iota * dim
        rot_lo = [jnp.bitwise_and(lane_iota + c, dim - 1)
                  for c in range(dim // 2)]
        for src_hbm, tab_hbm, tab_v, out_hbm, hi in (
            (tv_hbm, temb_hbm, tab_t_v, tout_hbm, t_hi),
            (dv_hbm, demb_hbm, tab_d_v, dout_hbm, d_hi),
        ):
            pltpu.sync_copy(tab_hbm, tab_v)
            pltpu.sync_copy(src_hbm.at[pl.ds(base, per_w)], val_v)
            scale = jnp.float32(hi)

            @plsc.parallel_loop(0, n_grp, 1, unroll=8)
            def _(g):
                v = val_v[pl.ds(g * _SC_LANES, _SC_LANES)]
                idx16 = jnp.clip((v * scale).astype(jnp.int32), 0, hi - 1)
                fidx = idx16 * dim
                gbase = pos_base + g * (_SC_LANES * dim)
                for c in range(dim):
                    if c < dim // 2:
                        rot = rot_lo[c]
                    else:
                        rot = jnp.bitwise_xor(rot_lo[c - dim // 2],
                                              jnp.int32(dim // 2))
                    vals = plsc.load_gather(tab_v, [fidx + rot])
                    plsc.store_scatter(cmp_v, [gbase + rot], vals)
            pltpu.sync_copy(cmp_v, out_hbm.at[pl.ds(base * dim, per_w * dim)])

    return sc_kern(tv, dv, t_tab, d_tab)


def kernel(history_data, future_data, batch_seen, epoch, train, node_emb, R,
           W_inv, t_emb, d_emb, W_ts, W_fc_in, betas, W1, b1, W2, b2, W_reg,
           b_reg):
    B, L, N, _ = history_data.shape
    D = node_emb.shape[1]
    OUT = W_reg.shape[0]
    TEMP = W1.shape[1]
    n_gnn = betas.shape[0]
    n_mlp = W1.shape[0]
    RW = N * B

    TN = 256
    RT = TN * B
    n_tiles = N // TN

    x_bln = history_data[:, :, :, 0]
    tv = jnp.transpose(history_data[:, -1, :, 1]).reshape(RW)
    dv = jnp.transpose(history_data[:, -1, :, 2]).reshape(RW)
    WtsT = jnp.transpose(W_ts)
    WfT = jnp.transpose(W_fc_in)
    W1T = jnp.transpose(W1, (0, 2, 1)).astype(_BF16)
    W2T = jnp.transpose(W2, (0, 2, 1)).astype(_BF16)
    b1r = b1[:, None, :]
    b2r = b2[:, None, :]
    WregT = jnp.transpose(W_reg).astype(_BF16)
    bregr = b_reg[None, :]

    t_flat, d_flat = _sc_gather_rows(tv, dv, t_emb.reshape(-1),
                                     d_emb.reshape(-1), t_emb.shape[0],
                                     d_emb.shape[0], D)
    t_rows = t_flat.reshape(RW, D)
    d_rows = d_flat.reshape(RW, D)

    def proj_body(ne_ref, r_ref, winv_ref, proj_ref):
        t = lax.dot_general(r_ref[...], ne_ref[...], (((1,), (0,)), ((), ())),
                            preferred_element_type=_F32)
        proj_ref[...] = lax.dot_general(
            winv_ref[...], t, (((1,), (0,)), ((), ())),
            preferred_element_type=_F32)

    proj = pl.pallas_call(
        proj_body,
        out_shape=jax.ShapeDtypeStruct((N, D), _F32),
    )(node_emb, R, W_inv)

    def tse_from_raw(x_ref, wts_ref, scr):
        for b in range(B):
            scr[:, b, :] = lax.dot_general(x_ref[b], wts_ref[...],
                                           (((0,), (0,)), ((), ())),
                                           preferred_element_type=_F32)
        return scr[...].reshape(RT, D)

    def h0_body(x_ref, t_ref, d_ref, proj_ref, wts_ref, wf_ref, h0b_ref,
                tse_scr):
        tse = tse_from_raw(x_ref, wts_ref, tse_scr)
        node_e = jnp.broadcast_to(proj_ref[...][:, None, :],
                                  (TN, B, D)).reshape(RT, D)
        acc = lax.dot_general(tse, wf_ref[0:D], (((1,), (0,)), ((), ())),
                              preferred_element_type=_F32)
        acc += lax.dot_general(node_e, wf_ref[D:2 * D],
                               (((1,), (0,)), ((), ())),
                               preferred_element_type=_F32)
        acc += lax.dot_general(t_ref[...], wf_ref[2 * D:3 * D],
                               (((1,), (0,)), ((), ())),
                               preferred_element_type=_F32)
        acc += lax.dot_general(d_ref[...], wf_ref[3 * D:4 * D],
                               (((1,), (0,)), ((), ())),
                               preferred_element_type=_F32)
        h0b_ref[...] = acc.astype(_BF16)

    h0b_rows = pl.pallas_call(
        h0_body,
        grid=(n_tiles,),
        in_specs=[
            pl.BlockSpec((B, L, TN), lambda i: (0, 0, i)),
            pl.BlockSpec((RT, D), lambda i: (i, 0)),
            pl.BlockSpec((RT, D), lambda i: (i, 0)),
            pl.BlockSpec((TN, D), lambda i: (i, 0)),
            pl.BlockSpec((L, D), lambda i: (0, 0)),
            pl.BlockSpec((4 * D, D), lambda i: (0, 0)),
        ],
        out_specs=pl.BlockSpec((RT, D), lambda i: (i, 0)),
        out_shape=jax.ShapeDtypeStruct((RW, D), _BF16),
        scratch_shapes=[pltpu.VMEM((TN, B, D), _F32)],
    )(x_bln, t_rows, d_rows, proj, WtsT, WfT)

    BD = B * D
    h0b_mat = h0b_rows.reshape(N, BD)

    def adjprop_body(ptile_ref, pfull_ref, h0b_full_ref, betas_ref, out_ref,
                     a_scr, h1_scr):
        i = pl.program_id(0)
        ph = i // n_tiles
        j = lax.rem(i, n_tiles)
        rows = pl.ds(j * TN, TN)

        @pl.when(ph == 0)
        def _():
            s = lax.dot_general(ptile_ref[...], pfull_ref[...],
                                (((1,), (1,)), ((), ())),
                                preferred_element_type=_F32)
            s = jnp.maximum(s, 0.0)
            m = jnp.max(s, axis=1, keepdims=True)
            e = jnp.exp(s - m)
            a_scr[rows, :] = (e / jnp.sum(e, axis=1, keepdims=True)
                              ).astype(_BF16)
            out_ref[...] = h0b_full_ref[rows, :]

        @pl.when(ph == 1)
        def _():
            acc = lax.dot_general(a_scr[rows, :], h0b_full_ref[...],
                                  (((1,), (0,)), ((), ())),
                                  preferred_element_type=_F32)
            b0 = betas_ref[0]
            h1 = (b0 * h0b_full_ref[rows, :].astype(_F32)
                  + (1.0 - b0) * acc)
            h1_scr[rows, :] = h1.astype(_BF16)
            out_ref[...] = h1.astype(_BF16)

        @pl.when(ph == 2)
        def _():
            acc = lax.dot_general(a_scr[rows, :], h1_scr[...],
                                  (((1,), (0,)), ((), ())),
                                  preferred_element_type=_F32)
            b1_ = betas_ref[n_gnn - 1]
            h2 = (b1_ * h0b_full_ref[rows, :].astype(_F32)
                  + (1.0 - b1_) * acc)
            out_ref[...] = h2.astype(_BF16)

    h_mat = pl.pallas_call(
        adjprop_body,
        grid=((n_gnn + 1) * n_tiles,),
        in_specs=[
            pl.BlockSpec((TN, D), lambda i: (i % n_tiles, 0)),
            pl.BlockSpec((N, D), lambda i: (0, 0)),
            pl.BlockSpec((N, BD), lambda i: (0, 0)),
            pl.BlockSpec(memory_space=pltpu.SMEM),
        ],
        out_specs=pl.BlockSpec((TN, BD), lambda i: (i % n_tiles, 0)),
        out_shape=jax.ShapeDtypeStruct((N, BD), _BF16),
        scratch_shapes=[
            pltpu.VMEM((N, N), _BF16),
            pltpu.VMEM((N, BD), _BF16),
        ],
        compiler_params=pltpu.CompilerParams(
            vmem_limit_bytes=110 * 1024 * 1024),
    )(proj, proj, h0b_mat, betas)

    h2_rows = h_mat.reshape(RW, D)

    def mlp_body(x_ref, t_ref, d_ref, proj_ref, h2_ref, wts_ref, w1_ref,
                 b1_ref, w2_ref, b2_ref, wreg_ref, breg_ref, out_ref,
                 tse_scr):
        tse = tse_from_raw(x_ref, wts_ref, tse_scr)
        node_e = jnp.broadcast_to(proj_ref[...][:, None, :],
                                  (TN, B, D)).reshape(RT, D)
        xx = jnp.concatenate(
            [tse, node_e, t_ref[...], d_ref[...],
             h2_ref[...].astype(_F32)], axis=1)
        for l in range(n_mlp):
            hid = lax.dot_general(xx.astype(_BF16), w1_ref[l],
                                  (((1,), (0,)), ((), ())),
                                  preferred_element_type=_F32) + b1_ref[l]
            hid = jnp.maximum(hid, 0.0)
            xx = xx + lax.dot_general(hid.astype(_BF16), w2_ref[l],
                                      (((1,), (0,)), ((), ())),
                                      preferred_element_type=_F32) + b2_ref[l]
        out_ref[...] = lax.dot_general(xx.astype(_BF16), wreg_ref[...],
                                       (((1,), (0,)), ((), ())),
                                       preferred_element_type=_F32) + breg_ref[...]

    pred_rows = pl.pallas_call(
        mlp_body,
        grid=(n_tiles,),
        in_specs=[
            pl.BlockSpec((B, L, TN), lambda i: (0, 0, i)),
            pl.BlockSpec((RT, D), lambda i: (i, 0)),
            pl.BlockSpec((RT, D), lambda i: (i, 0)),
            pl.BlockSpec((TN, D), lambda i: (i, 0)),
            pl.BlockSpec((RT, D), lambda i: (i, 0)),
            pl.BlockSpec((L, D), lambda i: (0, 0)),
            pl.BlockSpec((n_mlp, TEMP, TEMP), lambda i: (0, 0, 0)),
            pl.BlockSpec((n_mlp, 1, TEMP), lambda i: (0, 0, 0)),
            pl.BlockSpec((n_mlp, TEMP, TEMP), lambda i: (0, 0, 0)),
            pl.BlockSpec((n_mlp, 1, TEMP), lambda i: (0, 0, 0)),
            pl.BlockSpec((TEMP, OUT), lambda i: (0, 0)),
            pl.BlockSpec((1, OUT), lambda i: (0, 0)),
        ],
        out_specs=pl.BlockSpec((RT, OUT), lambda i: (i, 0)),
        out_shape=jax.ShapeDtypeStruct((RW, OUT), _F32),
        scratch_shapes=[pltpu.VMEM((TN, B, D), _F32)],
        compiler_params=pltpu.CompilerParams(
            vmem_limit_bytes=100 * 1024 * 1024),
    )(x_bln, t_rows, d_rows, proj, h2_rows, WtsT, W1T, b1r, W2T, b2r, WregT,
      bregr)

    pred = jnp.transpose(pred_rows.reshape(N, B, OUT), (1, 2, 0))
    return pred[..., None]

# --- scband reference (transcript-rebuilt; emitter-appended) ---
"""Pipeline reference for scband-s2-gnn-37769942401304 (READ-ONLY COPY).

The authoritative reference and input builder live on the scoring server;
editing this copy changes nothing except your own understanding.
"""

import jax, jax.numpy as jnp
import numpy as np

B, L, N, C = 32, 12, 2048, 3
D = 32
H = 139  # int(constant * sparsity * log(N / sparsity)) = int(20*0.9*ln(2048/0.9))
OUT_LEN = 12
N_GNN = 2
N_MLP = 3
TEMP_DIM = 5 * D  # (1 + n_feature) * D, n_feature = 4
SPAT_DIM = 4 * D  # n_feature * D
TOD, DOW = 288, 7


def setup_inputs(seed: int = 0) -> dict:
    key = jax.random.key(seed)
    ks = jax.random.split(key, 16)
    inp = {}
    inp['history_data'] = jax.random.uniform(ks[0], (B, L, N, C), dtype=jnp.float32)
    inp['future_data'] = jax.random.uniform(ks[1], (B, OUT_LEN, N, C), dtype=jnp.float32)
    inp['batch_seen'] = 0
    inp['epoch'] = 1
    inp['train'] = 1
    # learned / fixed parameters
    inp['node_emb'] = jax.random.normal(ks[2], (N, D), dtype=jnp.float32) * 0.01
    inp['R'] = jax.random.normal(ks[3], (H, N), dtype=jnp.float32) / np.sqrt(H)  # fixed random projection
    inp['W_inv'] = jax.random.normal(ks[4], (N, H), dtype=jnp.float32) * 0.05    # inverse-RP trainer weight
    inp['t_emb'] = jax.random.normal(ks[5], (TOD, D), dtype=jnp.float32) * 0.01
    inp['d_emb'] = jax.random.normal(ks[6], (DOW, D), dtype=jnp.float32) * 0.01
    inp['W_ts'] = jax.random.normal(ks[7], (D, L), dtype=jnp.float32) * 0.1      # 1x1 conv, bias=False
    inp['W_fc_in'] = jax.random.normal(ks[8], (D, SPAT_DIM), dtype=jnp.float32) * 0.05
    inp['betas'] = jnp.full((N_GNN,), 0.5, dtype=jnp.float32)
    inp['W1'] = jax.random.normal(ks[9], (N_MLP, TEMP_DIM, TEMP_DIM), dtype=jnp.float32) * 0.05
    inp['b1'] = jnp.zeros((N_MLP, TEMP_DIM), dtype=jnp.float32)
    inp['W2'] = jax.random.normal(ks[10], (N_MLP, TEMP_DIM, TEMP_DIM), dtype=jnp.float32) * 0.05
    inp['b2'] = jnp.zeros((N_MLP, TEMP_DIM), dtype=jnp.float32)
    inp['W_reg'] = jax.random.normal(ks[11], (OUT_LEN, TEMP_DIM), dtype=jnp.float32) * 0.05
    inp['b_reg'] = jnp.zeros((OUT_LEN,), dtype=jnp.float32)
    return inp


def reference(history_data, future_data, batch_seen, epoch, train, node_emb, R, W_inv,
              t_emb, d_emb, W_ts, W_fc_in, betas, W1, b1, W2, b2, W_reg, b_reg):
    b, l, n, _ = history_data.shape
    d = node_emb.shape[1]
    # input_data = history_data[..., :input_dim]; reshape to (B, L*input_dim, N, 1)
    input_data = history_data[..., :1]
    x = jnp.transpose(input_data, (0, 2, 1, 3)).reshape(b, n, l)
    x = jnp.transpose(x, (0, 2, 1))  # (B, L, N)
    time_series_emb = jnp.einsum('ol,bln->bon', W_ts, x)  # (B, D, N)
    # EmbeddingTrainer with random projection: compress then learned inverse projection
    proj = W_inv @ (R @ node_emb)  # (N, D)
    node_e = jnp.broadcast_to(jnp.transpose(proj)[None], (b, d, n))
    # time-of-day / day-of-week embedding gathers (indices from last timestep)
    t_idx = jnp.clip((jax.lax.stop_gradient(history_data[:, -1, :, 1]) * TOD).astype(jnp.int32), 0, TOD - 1)
    tide = jnp.transpose(t_emb[t_idx], (0, 2, 1))  # (B, D, N)
    d_idx = jnp.clip((jax.lax.stop_gradient(history_data[:, -1, :, 2]) * DOW).astype(jnp.int32), 0, DOW - 1)
    diwe = jnp.transpose(d_emb[d_idx], (0, 2, 1))  # (B, D, N)
    spatial_enc_in = jnp.concatenate([time_series_emb, node_e, tide, diwe], axis=1)  # (B, 4D, N)
    # SpatiaEncoder: 1x1 conv in + GPR-style propagation over adaptive dense adjacency
    h0 = jnp.einsum('oi,bin->bon', W_fc_in, spatial_enc_in)  # (B, D, N)
    adp = jax.nn.softmax(jax.nn.relu(proj @ proj.T), axis=-1)  # (N, N)
    h = h0
    for li in range(N_GNN):
        h = betas[li] * h0 + (1.0 - betas[li]) * jnp.einsum('mn,bdn->bdm', adp, h)
    s_enc_out = h  # (B, D, N)
    temporal_enc_in = jnp.concatenate([spatial_enc_in, s_enc_out], axis=1)  # (B, 5D, N)
    xx = temporal_enc_in
    for li in range(N_MLP):
        hid = jax.nn.relu(jnp.einsum('oi,bin->bon', W1[li], xx) + b1[li][None, :, None])
        xx = xx + jnp.einsum('oi,bin->bon', W2[li], hid) + b2[li][None, :, None]
    pred = jnp.einsum('oi,bin->bon', W_reg, xx) + b_reg[None, :, None]
    return pred[..., None]  # (B, output_len, N, 1)

if __name__ == "__main__":
    import jax
    _d = setup_inputs()
    print(jax.jit(kernel)(*tuple(_d.values())))

</pallas_src>

<mosaic_0001>
#map = affine_map<(d0, d1) -> (0)>
module attributes {stable_mosaic.version = 14 : i64} {
  func.func @sc_kern(%arg0: i32, %arg1: i32, %arg2: memref<65536xf32, #tpu.memory_space<hbm>>, %arg3: memref<65536xf32, #tpu.memory_space<hbm>>, %arg4: memref<9216xf32, #tpu.memory_space<hbm>>, %arg5: memref<224xf32, #tpu.memory_space<hbm>>, %arg6: memref<2097152xf32, #tpu.memory_space<hbm>>, %arg7: memref<2097152xf32, #tpu.memory_space<hbm>>, %arg8: memref<9216xf32, #tpu.memory_space<vmem>>, %arg9: memref<224xf32, #tpu.memory_space<vmem>>, %arg10: memref<2048xf32, #tpu.memory_space<vmem>>, %arg11: memref<65536xf32, #tpu.memory_space<vmem>>) attributes {dimension_semantics = [#tpu.dimension_semantics<core_parallel>, #tpu.dimension_semantics<subcore_parallel>], iteration_bounds = array<i64: 2, 16>, scalar_prefetch = 0 : i64, scratch_operands = 4 : i64, tpu.core_type = #tpu.core_type<sc_vector_subcore>, window_params = [{transform_indices = #map}, {transform_indices = #map}, {transform_indices = #map}, {transform_indices = #map}, {transform_indices = #map}, {transform_indices = #map}]} {
    %mul3A = arith.constant 2 : i32
    %mul3A_0 = arith.muli %arg1, %mul3A : i32
    %add3A = arith.addi %mul3A_0, %arg0 : i32
    %mul3A_1 = arith.constant 2048 : i32
    %mul3A_2 = arith.muli %add3A, %mul3A_1 : i32
    %iota3A = tpu.iota {dimensions = array<i32: 0>} : vector<16xi32>
    %mul3A_3 = arith.constant 32 : i32
    %mul3A_4 = vector.broadcast %mul3A_3 : i32 to vector<16xi32>
    %mul3A_5 = arith.muli %iota3A, %mul3A_4 : vector<16xi32>
    %add3A_6 = arith.constant 0 : i32
    %add3A_7 = vector.broadcast %add3A_6 : i32 to vector<16xi32>
    %add3A_8 = arith.addi %iota3A, %add3A_7 : vector<16xi32>
    %and3A = arith.constant 31 : i32
    %and3A_9 = vector.broadcast %and3A : i32 to vector<16xi32>
    %and3A_10 = arith.andi %add3A_8, %and3A_9 : vector<16xi32>
    %add3A_11 = arith.constant 1 : i32
    %add3A_12 = vector.broadcast %add3A_11 : i32 to vector<16xi32>
    %add3A_13 = arith.addi %iota3A, %add3A_12 : vector<16xi32>
    %and3A_14 = arith.constant 31 : i32
    %and3A_15 = vector.broadcast %and3A_14 : i32 to vector<16xi32>
    %and3A_16 = arith.andi %add3A_13, %and3A_15 : vector<16xi32>
    %add3A_17 = arith.constant 2 : i32
    %add3A_18 = vector.broadcast %add3A_17 : i32 to vector<16xi32>
    %add3A_19 = arith.addi %iota3A, %add3A_18 : vector<16xi32>
    %and3A_20 = arith.constant 31 : i32
    %and3A_21 = vector.broadcast %and3A_20 : i32 to vector<16xi32>
    %and3A_22 = arith.andi %add3A_19, %and3A_21 : vector<16xi32>
    %add3A_23 = arith.constant 3 : i32
    %add3A_24 = vector.broadcast %add3A_23 : i32 to vector<16xi32>
    %add3A_25 = arith.addi %iota3A, %add3A_24 : vector<16xi32>
    %and3A_26 = arith.constant 31 : i32
    %and3A_27 = vector.broadcast %and3A_26 : i32 to vector<16xi32>
    %and3A_28 = arith.andi %add3A_25, %and3A_27 : vector<16xi32>
    %add3A_29 = arith.constant 4 : i32
    %add3A_30 = vector.broadcast %add3A_29 : i32 to vector<16xi32>
    %add3A_31 = arith.addi %iota3A, %add3A_30 : vector<16xi32>
    %and3A_32 = arith.constant 31 : i32
    %and3A_33 = vector.broadcast %and3A_32 : i32 to vector<16xi32>
    %and3A_34 = arith.andi %add3A_31, %and3A_33 : vector<16xi32>
    %add3A_35 = arith.constant 5 : i32
    %add3A_36 = vector.broadcast %add3A_35 : i32 to vector<16xi32>
    %add3A_37 = arith.addi %iota3A, %add3A_36 : vector<16xi32>
    %and3A_38 = arith.constant 31 : i32
    %and3A_39 = vector.broadcast %and3A_38 : i32 to vector<16xi32>
    %and3A_40 = arith.andi %add3A_37, %and3A_39 : vector<16xi32>
    %add3A_41 = arith.constant 6 : i32
    %add3A_42 = vector.broadcast %add3A_41 : i32 to vector<16xi32>
    %add3A_43 = arith.addi %iota3A, %add3A_42 : vector<16xi32>
    %and3A_44 = arith.constant 31 : i32
    %and3A_45 = vector.broadcast %and3A_44 : i32 to vector<16xi32>
    %and3A_46 = arith.andi %add3A_43, %and3A_45 : vector<16xi32>
    %add3A_47 = arith.constant 7 : i32
    %add3A_48 = vector.broadcast %add3A_47 : i32 to vector<16xi32>
    %add3A_49 = arith.addi %iota3A, %add3A_48 : vector<16xi32>
    %and3A_50 = arith.constant 31 : i32
    %and3A_51 = vector.broadcast %and3A_50 : i32 to vector<16xi32>
    %and3A_52 = arith.andi %add3A_49, %and3A_51 : vector<16xi32>
    %add3A_53 = arith.constant 8 : i32
    %add3A_54 = vector.broadcast %add3A_53 : i32 to vector<16xi32>
    %add3A_55 = arith.addi %iota3A, %add3A_54 : vector<16xi32>
    %and3A_56 = arith.constant 31 : i32
    %and3A_57 = vector.broadcast %and3A_56 : i32 to vector<16xi32>
    %and3A_58 = arith.andi %add3A_55, %and3A_57 : vector<16xi32>
    %add3A_59 = arith.constant 9 : i32
    %add3A_60 = vector.broadcast %add3A_59 : i32 to vector<16xi32>
    %add3A_61 = arith.addi %iota3A, %add3A_60 : vector<16xi32>
    %and3A_62 = arith.constant 31 : i32
    %and3A_63 = vector.broadcast %and3A_62 : i32 to vector<16xi32>
    %and3A_64 = arith.andi %add3A_61, %and3A_63 : vector<16xi32>
    %add3A_65 = arith.constant 10 : i32
    %add3A_66 = vector.broadcast %add3A_65 : i32 to vector<16xi32>
    %add3A_67 = arith.addi %iota3A, %add3A_66 : vector<16xi32>
    %and3A_68 = arith.constant 31 : i32
    %and3A_69 = vector.broadcast %and3A_68 : i32 to vector<16xi32>
    %and3A_70 = arith.andi %add3A_67, %and3A_69 : vector<16xi32>
    %add3A_71 = arith.constant 11 : i32
    %add3A_72 = vector.broadcast %add3A_71 : i32 to vector<16xi32>
    %add3A_73 = arith.addi %iota3A, %add3A_72 : vector<16xi32>
    %and3A_74 = arith.constant 31 : i32
    %and3A_75 = vector.broadcast %and3A_74 : i32 to vector<16xi32>
    %and3A_76 = arith.andi %add3A_73, %and3A_75 : vector<16xi32>
    %add3A_77 = arith.constant 12 : i32
    %add3A_78 = vector.broadcast %add3A_77 : i32 to vector<16xi32>
    %add3A_79 = arith.addi %iota3A, %add3A_78 : vector<16xi32>
    %and3A_80 = arith.constant 31 : i32
    %and3A_81 = vector.broadcast %and3A_80 : i32 to vector<16xi32>
    %and3A_82 = arith.andi %add3A_79, %and3A_81 : vector<16xi32>
    %add3A_83 = arith.constant 13 : i32
    %add3A_84 = vector.broadcast %add3A_83 : i32 to vector<16xi32>
    %add3A_85 = arith.addi %iota3A, %add3A_84 : vector<16xi32>
    %and3A_86 = arith.constant 31 : i32
    %and3A_87 = vector.broadcast %and3A_86 : i32 to vector<16xi32>
    %and3A_88 = arith.andi %add3A_85, %and3A_87 : vector<16xi32>
    %add3A_89 = arith.constant 14 : i32
    %add3A_90 = vector.broadcast %add3A_89 : i32 to vector<16xi32>
    %add3A_91 = arith.addi %iota3A, %add3A_90 : vector<16xi32>
    %and3A_92 = arith.constant 31 : i32
    %and3A_93 = vector.broadcast %and3A_92 : i32 to vector<16xi32>
    %and3A_94 = arith.andi %add3A_91, %and3A_93 : vector<16xi32>
    %add3A_95 = arith.constant 15 : i32
    %add3A_96 = vector.broadcast %add3A_95 : i32 to vector<16xi32>
    %add3A_97 = arith.addi %iota3A, %add3A_96 : vector<16xi32>
    %and3A_98 = arith.constant 31 : i32
    %and3A_99 = vector.broadcast %and3A_98 : i32 to vector<16xi32>
    %and3A_100 = arith.andi %add3A_97, %and3A_99 : vector<16xi32>
    "tpu.region"() ({
      %run_scoped3A = tpu.sem_alloc : memref<!tpu.dma_semaphore, #tpu.memory_space<semaphore_mem>>
      tpu.enqueue_dma source(%arg4 : memref<9216xf32, #tpu.memory_space<hbm>>) target(%arg8 : memref<9216xf32, #tpu.memory_space<vmem>>) target_semaphore(%run_scoped3A : memref<!tpu.dma_semaphore, #tpu.memory_space<semaphore_mem>>)
      tpu.wait_dma2 semaphore(%run_scoped3A : memref<!tpu.dma_semaphore, #tpu.memory_space<semaphore_mem>>) src(%arg4 : memref<9216xf32, #tpu.memory_space<hbm>>) dst(%arg8 : memref<9216xf32, #tpu.memory_space<vmem>>)
      tpu.yield
    }) : () -> ()
    "tpu.region"() ({
      %run_scoped3A = tpu.sem_alloc : memref<!tpu.dma_semaphore, #tpu.memory_space<semaphore_mem>>
      %dma_start3A = tpu.memref_slice %arg2[%mul3A_2] : memref<65536xf32, #tpu.memory_space<hbm>> -> memref<2048xf32, #tpu.memory_space<hbm>>
      %dma_start3A_112 = tpu.memref_slice %arg2[%mul3A_2] : memref<65536xf32, #tpu.memory_space<hbm>> -> memref<2048xf32, #tpu.memory_space<hbm>>
      tpu.enqueue_dma source(%dma_start3A_112 : memref<2048xf32, #tpu.memory_space<hbm>>) target(%arg10 : memref<2048xf32, #tpu.memory_space<vmem>>) target_semaphore(%run_scoped3A : memref<!tpu.dma_semaphore, #tpu.memory_space<semaphore_mem>>)
      %dma_wait3A = tpu.memref_slice %arg2[%mul3A_2] : memref<65536xf32, #tpu.memory_space<hbm>> -> memref<2048xf32, #tpu.memory_space<hbm>>
      %dma_wait3A_113 = tpu.memref_slice %arg2[%mul3A_2] : memref<65536xf32, #tpu.memory_space<hbm>> -> memref<2048xf32, #tpu.memory_space<hbm>>
      tpu.wait_dma2 semaphore(%run_scoped3A : memref<!tpu.dma_semaphore, #tpu.memory_space<semaphore_mem>>) src(%dma_wait3A_113 : memref<2048xf32, #tpu.memory_space<hbm>>) dst(%arg10 : memref<2048xf32, #tpu.memory_space<vmem>>)
      tpu.yield
    }) : () -> ()
    %parallel_loop3A = arith.constant 0 : i32
    %parallel_loop3A_101 = arith.constant 128 : i32
    %parallel_loop3A_102 = arith.constant 1 : i32
    %parallel_loop3A_103 = arith.constant 2.880000e+02 : f32
    scf.for %parallel_loop3A_112 = %parallel_loop3A to %parallel_loop3A_101 step %parallel_loop3A_102  : i32 {
      %parallel_loop3A_113 = arith.constant 16 : i32
      %parallel_loop3A_114 = arith.muli %parallel_loop3A_112, %parallel_loop3A_113 : i32
      %parallel_loop3A_115 = arith.index_cast %parallel_loop3A_114 : i32 to index
      %parallel_loop3A_116 = tpu.vector_load %arg10[%parallel_loop3A_115] {strides = array<i32>} : memref<2048xf32, #tpu.memory_space<vmem>>, vector<16xf32>,
      %parallel_loop3A_117 = vector.broadcast %parallel_loop3A_103 : f32 to vector<16xf32>
      %parallel_loop3A_118 = arith.mulf %parallel_loop3A_116, %parallel_loop3A_117 : vector<16xf32>
      %parallel_loop3A_119 = arith.fptosi %parallel_loop3A_118 : vector<16xf32> to vector<16xi32>
      %parallel_loop3A_120 = arith.constant 0 : i32
      %parallel_loop3A_121 = arith.constant 287 : i32
      %parallel_loop3A_122 = vector.broadcast %parallel_loop3A_120 : i32 to vector<16xi32>
      %parallel_loop3A_123 = arith.maxsi %parallel_loop3A_122, %parallel_loop3A_119 : vector<16xi32>
      %parallel_loop3A_124 = vector.broadcast %parallel_loop3A_121 : i32 to vector<16xi32>
      %parallel_loop3A_125 = arith.minsi %parallel_loop3A_124, %parallel_loop3A_123 : vector<16xi32>
      %parallel_loop3A_126 = arith.constant 32 : i32
      %parallel_loop3A_127 = vector.broadcast %parallel_loop3A_126 : i32 to vector<16xi32>
      %parallel_loop3A_128 = arith.muli %parallel_loop3A_125, %parallel_loop3A_127 : vector<16xi32>
      %parallel_loop3A_129 = arith.constant 512 : i32
      %parallel_loop3A_130 = arith.muli %parallel_loop3A_112, %parallel_loop3A_129 : i32
      %parallel_loop3A_131 = vector.broadcast %parallel_loop3A_130 : i32 to vector<16xi32>
      %parallel_loop3A_132 = arith.addi %mul3A_5, %parallel_loop3A_131 : vector<16xi32>
      %parallel_loop3A_133 = arith.addi %parallel_loop3A_128, %and3A_10 : vector<16xi32>
      %parallel_loop3A_134 = tpu.vector_load_idx %arg8[%parallel_loop3A_133] : memref<9216xf32, #tpu.memory_space<vmem>>[vector<16xi32>], vector<16xf32>,
      %parallel_loop3A_135 = arith.addi %parallel_loop3A_132, %and3A_10 : vector<16xi32>
      tpu.vector_store_idx %arg11[%parallel_loop3A_135], %parallel_loop3A_134 : memref<65536xf32, #tpu.memory_space<vmem>>[vector<16xi32>], vector<16xf32>,
      %parallel_loop3A_136 = arith.addi %parallel_loop3A_128, %and3A_16 : vector<16xi32>
      %parallel_loop3A_137 = tpu.vector_load_idx %arg8[%parallel_loop3A_136] : memref<9216xf32, #tpu.memory_space<vmem>>[vector<16xi32>], vector<16xf32>,
      %parallel_loop3A_138 = arith.addi %parallel_loop3A_132, %and3A_16 : vector<16xi32>
      tpu.vector_store_idx %arg11[%parallel_loop3A_138], %parallel_loop3A_137 : memref<65536xf32, #tpu.memory_space<vmem>>[vector<16xi32>], vector<16xf32>,
      %parallel_loop3A_139 = arith.addi %parallel_loop3A_128, %and3A_22 : vector<16xi32>
      %parallel_loop3A_140 = tpu.vector_load_idx %arg8[%parallel_loop3A_139] : memref<9216xf32, #tpu.memory_space<vmem>>[vector<16xi32>], vector<16xf32>,
      %parallel_loop3A_141 = arith.addi %parallel_loop3A_132, %and3A_22 : vector<16xi32>
      tpu.vector_store_idx %arg11[%parallel_loop3A_141], %parallel_loop3A_140 : memref<65536xf32, #tpu.memory_space<vmem>>[vector<16xi32>], vector<16xf32>,
      %parallel_loop3A_142 = arith.addi %parallel_loop3A_128, %and3A_28 : vector<16xi32>
      %parallel_loop3A_143 = tpu.vector_load_idx %arg8[%parallel_loop3A_142] : memref<9216xf32, #tpu.memory_space<vmem>>[vector<16xi32>], vector<16xf32>,
      %parallel_loop3A_144 = arith.addi %parallel_loop3A_132, %and3A_28 : vector<16xi32>
      tpu.vector_store_idx %arg11[%parallel_loop3A_144], %parallel_loop3A_143 : memref<65536xf32, #tpu.memory_space<vmem>>[vector<16xi32>], vector<16xf32>,
      %parallel_loop3A_145 = arith.addi %parallel_loop3A_128, %and3A_34 : vector<16xi32>
      %parallel_loop3A_146 = tpu.vector_load_idx %arg8[%parallel_loop3A_145] : memref<9216xf32, #tpu.memory_space<vmem>>[vector<16xi32>], vector<16xf32>,
      %parallel_loop3A_147 = arith.addi %parallel_loop3A_132, %and3A_34 : vector<16xi32>
      tpu.vector_store_idx %arg11[%parallel_loop3A_147], %parallel_loop3A_146 : memref<65536xf32, #tpu.memory_space<vmem>>[vector<16xi32>], vector<16xf32>,
      %parallel_loop3A_148 = arith.addi %parallel_loop3A_128, %and3A_40 : vector<16xi32>
      %parallel_loop3A_149 = tpu.vector_load_idx %arg8[%parallel_loop3A_148] : memref<9216xf32, #tpu.memory_space<vmem>>[vector<16xi32>], vector<16xf32>,
      %parallel_loop3A_150 = arith.addi %parallel_loop3A_132, %and3A_40 : vector<16xi32>
      tpu.vector_store_idx %arg11[%parallel_loop3A_150], %parallel_loop3A_149 : memref<65536xf32, #tpu.memory_space<vmem>>[vector<16xi32>], vector<16xf32>,
      %parallel_loop3A_151 = arith.addi %parallel_loop3A_128, %and3A_46 : vector<16xi32>
      %parallel_loop3A_152 = tpu.vector_load_idx %arg8[%parallel_loop3A_151] : memref<9216xf32, #tpu.memory_space<vmem>>[vector<16xi32>], vector<16xf32>,
      %parallel_loop3A_153 = arith.addi %parallel_loop3A_132, %and3A_46 : vector<16xi32>
      tpu.vector_store_idx %arg11[%parallel_loop3A_153], %parallel_loop3A_152 : memref<65536xf32, #tpu.memory_space<vmem>>[vector<16xi32>], vector<16xf32>,
      %parallel_loop3A_154 = arith.addi %parallel_loop3A_128, %and3A_52 : vector<16xi32>
      %parallel_loop3A_155 = tpu.vector_load_idx %arg8[%parallel_loop3A_154] : memref<9216xf32, #tpu.memory_space<vmem>>[vector<16xi32>], vector<16xf32>,
      %parallel_loop3A_156 = arith.addi %parallel_loop3A_132, %and3A_52 : vector<16xi32>
      tpu.vector_store_idx %arg11[%parallel_loop3A_156], %parallel_loop3A_155 : memref<65536xf32, #tpu.memory_space<vmem>>[vector<16xi32>], vector<16xf32>,
      %parallel_loop3A_157 = arith.addi %parallel_loop3A_128, %and3A_58 : vector<16xi32>
      %parallel_loop3A_158 = tpu.vector_load_idx %arg8[%parallel_loop3A_157] : memref<9216xf32, #tpu.memory_space<vmem>>[vector<16xi32>], vector<16xf32>,
      %parallel_loop3A_159 = arith.addi %parallel_loop3A_132, %and3A_58 : vector<16xi32>
      tpu.vector_store_idx %arg11[%parallel_loop3A_159], %parallel_loop3A_158 : memref<65536xf32, #tpu.memory_space<vmem>>[vector<16xi32>], vector<16xf32>,
      %parallel_loop3A_160 = arith.addi %parallel_loop3A_128, %and3A_64 : vector<16xi32>
      %parallel_loop3A_161 = tpu.vector_load_idx %arg8[%parallel_loop3A_160] : memref<9216xf32, #tpu.memory_space<vmem>>[vector<16xi32>], vector<16xf32>,
      %parallel_loop3A_162 = arith.addi %parallel_loop3A_132, %and3A_64 : vector<16xi32>
      tpu.vector_store_idx %arg11[%parallel_loop3A_162], %parallel_loop3A_161 : memref<65536xf32, #tpu.memory_space<vmem>>[vector<16xi32>], vector<16xf32>,
      %parallel_loop3A_163 = arith.addi %parallel_loop3A_128, %and3A_70 : vector<16xi32>
      %parallel_loop3A_164 = tpu.vector_load_idx %arg8[%parallel_loop3A_163] : memref<9216xf32, #tpu.memory_space<vmem>>[vector<16xi32>], vector<16xf32>,
      %parallel_loop3A_165 = arith.addi %parallel_loop3A_132, %and3A_70 : vector<16xi32>
      tpu.vector_store_idx %arg11[%parallel_loop3A_165], %parallel_loop3A_164 : memref<65536xf32, #tpu.memory_space<vmem>>[vector<16xi32>], vector<16xf32>,
      %parallel_loop3A_166 = arith.addi %parallel_loop3A_128, %and3A_76 : vector<16xi32>
      %parallel_loop3A_167 = tpu.vector_load_idx %arg8[%parallel_loop3A_166] : memref<9216xf32, #tpu.memory_space<vmem>>[vector<16xi32>], vector<16xf32>,
      %parallel_loop3A_168 = arith.addi %parallel_loop3A_132, %and3A_76 : vector<16xi32>
      tpu.vector_store_idx %arg11[%parallel_loop3A_168], %parallel_loop3A_167 : memref<65536xf32, #tpu.memory_space<vmem>>[vector<16xi32>], vector<16xf32>,
      %parallel_loop3A_169 = arith.addi %parallel_loop3A_128, %and3A_82 : vector<16xi32>
      %parallel_loop3A_170 = tpu.vector_load_idx %arg8[%parallel_loop3A_169] : memref<9216xf32, #tpu.memory_space<vmem>>[vector<16xi32>], vector<16xf32>,
      %parallel_loop3A_171 = arith.addi %parallel_loop3A_132, %and3A_82 : vector<16xi32>
      tpu.vector_store_idx %arg11[%parallel_loop3A_171], %parallel_loop3A_170 : memref<65536xf32, #tpu.memory_space<vmem>>[vector<16xi32>], vector<16xf32>,
      %parallel_loop3A_172 = arith.addi %parallel_loop3A_128, %and3A_88 : vector<16xi32>
      %parallel_loop3A_173 = tpu.vector_load_idx %arg8[%parallel_loop3A_172] : memref<9216xf32, #tpu.memory_space<vmem>>[vector<16xi32>], vector<16xf32>,
      %parallel_loop3A_174 = arith.addi %parallel_loop3A_132, %and3A_88 : vector<16xi32>
      tpu.vector_store_idx %arg11[%parallel_loop3A_174], %parallel_loop3A_173 : memref<65536xf32, #tpu.memory_space<vmem>>[vector<16xi32>], vector<16xf32>,
      %parallel_loop3A_175 = arith.addi %parallel_loop3A_128, %and3A_94 : vector<16xi32>
      %parallel_loop3A_176 = tpu.vector_load_idx %arg8[%parallel_loop3A_175] : memref<9216xf32, #tpu.memory_space<vmem>>[vector<16xi32>], vector<16xf32>,
      %parallel_loop3A_177 = arith.addi %parallel_loop3A_132, %and3A_94 : vector<16xi32>
      tpu.vector_store_idx %arg11[%parallel_loop3A_177], %parallel_loop3A_176 : memref<65536xf32, #tpu.memory_space<vmem>>[vector<16xi32>], vector<16xf32>,
      %parallel_loop3A_178 = arith.addi %parallel_loop3A_128, %and3A_100 : vector<16xi32>
      %parallel_loop3A_179 = tpu.vector_load_idx %arg8[%parallel_loop3A_178] : memref<9216xf32, #tpu.memory_space<vmem>>[vector<16xi32>], vector<16xf32>,
      %parallel_loop3A_180 = arith.addi %parallel_loop3A_132, %and3A_100 : vector<16xi32>
      tpu.vector_store_idx %arg11[%parallel_loop3A_180], %parallel_loop3A_179 : memref<65536xf32, #tpu.memory_space<vmem>>[vector<16xi32>], vector<16xf32>,
      %parallel_loop3A_181 = arith.constant 16 : i32
      %parallel_loop3A_182 = vector.broadcast %parallel_loop3A_181 : i32 to vector<16xi32>
      %parallel_loop3A_183 = arith.xori %and3A_10, %parallel_loop3A_182 : vector<16xi32>
      %parallel_loop3A_184 = arith.addi %parallel_loop3A_128, %parallel_loop3A_183 : vector<16xi32>
      %parallel_loop3A_185 = tpu.vector_load_idx %arg8[%parallel_loop3A_184] : memref<9216xf32, #tpu.memory_space<vmem>>[vector<16xi32>], vector<16xf32>,
      %parallel_loop3A_186 = arith.addi %parallel_loop3A_132, %parallel_loop3A_183 : vector<16xi32>
      tpu.vector_store_idx %arg11[%parallel_loop3A_186], %parallel_loop3A_185 : memref<65536xf32, #tpu.memory_space<vmem>>[vector<16xi32>], vector<16xf32>,
      %parallel_loop3A_187 = arith.constant 16 : i32
      %parallel_loop3A_188 = vector.broadcast %parallel_loop3A_187 : i32 to vector<16xi32>
      %parallel_loop3A_189 = arith.xori %and3A_16, %parallel_loop3A_188 : vector<16xi32>
      %parallel_loop3A_190 = arith.addi %parallel_loop3A_128, %parallel_loop3A_189 : vector<16xi32>
      %parallel_loop3A_191 = tpu.vector_load_idx %arg8[%parallel_loop3A_190] : memref<9216xf32, #tpu.memory_space<vmem>>[vector<16xi32>], vector<16xf32>,
      %parallel_loop3A_192 = arith.addi %parallel_loop3A_132, %parallel_loop3A_189 : vector<16xi32>
      tpu.vector_store_idx %arg11[%parallel_loop3A_192], %parallel_loop3A_191 : memref<65536xf32, #tpu.memory_space<vmem>>[vector<16xi32>], vector<16xf32>,
      %parallel_loop3A_193 = arith.constant 16 : i32
      %parallel_loop3A_194 = vector.broadcast %parallel_loop3A_193 : i32 to vector<16xi32>
      %parallel_loop3A_195 = arith.xori %and3A_22, %parallel_loop3A_194 : vector<16xi32>
      %parallel_loop3A_196 = arith.addi %parallel_loop3A_128, %parallel_loop3A_195 : vector<16xi32>
      %parallel_loop3A_197 = tpu.vector_load_idx %arg8[%parallel_loop3A_196] : memref<9216xf32, #tpu.memory_space<vmem>>[vector<16xi32>], vector<16xf32>,
      %parallel_loop3A_198 = arith.addi %parallel_loop3A_132, %parallel_loop3A_195 : vector<16xi32>
      tpu.vector_store_idx %arg11[%parallel_loop3A_198], %parallel_loop3A_197 : memref<65536xf32, #tpu.memory_space<vmem>>[vector<16xi32>], vector<16xf32>,
      %parallel_loop3A_199 = arith.constant 16 : i32
      %parallel_loop3A_200 = vector.broadcast %parallel_loop3A_199 : i32 to vector<16xi32>
      %parallel_loop3A_201 = arith.xori %and3A_28, %parallel_loop3A_200 : vector<16xi32>
      %parallel_loop3A_202 = arith.addi %parallel_loop3A_128, %parallel_loop3A_201 : vector<16xi32>
      %parallel_loop3A_203 = tpu.vector_load_idx %arg8[%parallel_loop3A_202] : memref<9216xf32, #tpu.memory_space<vmem>>[vector<16xi32>], vector<16xf32>,
      %parallel_loop3A_204 = arith.addi %parallel_loop3A_132, %parallel_loop3A_201 : vector<16xi32>
      tpu.vector_store_idx %arg11[%parallel_loop3A_204], %parallel_loop3A_203 : memref<65536xf32, #tpu.memory_space<vmem>>[vector<16xi32>], vector<16xf32>,
      %parallel_loop3A_205 = arith.constant 16 : i32
      %parallel_loop3A_206 = vector.broadcast %parallel_loop3A_205 : i32 to vector<16xi32>
      %parallel_loop3A_207 = arith.xori %and3A_34, %parallel_loop3A_206 : vector<16xi32>
      %parallel_loop3A_208 = arith.addi %parallel_loop3A_128, %parallel_loop3A_207 : vector<16xi32>
      %parallel_loop3A_209 = tpu.vector_load_idx %arg8[%parallel_loop3A_208] : memref<9216xf32, #tpu.memory_space<vmem>>[vector<16xi32>], vector<16xf32>,
      %parallel_loop3A_210 = arith.addi %parallel_loop3A_132, %parallel_loop3A_207 : vector<16xi32>
      tpu.vector_store_idx %arg11[%parallel_loop3A_210], %parallel_loop3A_209 : memref<65536xf32, #tpu.memory_space<vmem>>[vector<16xi32>], vector<16xf32>,
      %parallel_loop3A_211 = arith.constant 16 : i32
      %parallel_loop3A_212 = vector.broadcast %parallel_loop3A_211 : i32 to vector<16xi32>
      %parallel_loop3A_213 = arith.xori %and3A_40, %parallel_loop3A_212 : vector<16xi32>
      %parallel_loop3A_214 = arith.addi %parallel_loop3A_128, %parallel_loop3A_213 : vector<16xi32>
      %parallel_loop3A_215 = tpu.vector_load_idx %arg8[%parallel_loop3A_214] : memref<9216xf32, #tpu.memory_space<vmem>>[vector<16xi32>], vector<16xf32>,
      %parallel_loop3A_216 = arith.addi %parallel_loop3A_132, %parallel_loop3A_213 : vector<16xi32>
      tpu.vector_store_idx %arg11[%parallel_loop3A_216], %parallel_loop3A_215 : memref<65536xf32, #tpu.memory_space<vmem>>[vector<16xi32>], vector<16xf32>,
      %parallel_loop3A_217 = arith.constant 16 : i32
      %parallel_loop3A_218 = vector.broadcast %parallel_loop3A_217 : i32 to vector<16xi32>
      %parallel_loop3A_219 = arith.xori %and3A_46, %parallel_loop3A_218 : vector<16xi32>
      %parallel_loop3A_220 = arith.addi %parallel_loop3A_128, %parallel_loop3A_219 : vector<16xi32>
      %parallel_loop3A_221 = tpu.vector_load_idx %arg8[%parallel_loop3A_220] : memref<9216xf32, #tpu.memory_space<vmem>>[vector<16xi32>], vector<16xf32>,
      %parallel_loop3A_222 = arith.addi %parallel_loop3A_132, %parallel_loop3A_219 : vector<16xi32>
      tpu.vector_store_idx %arg11[%parallel_loop3A_222], %parallel_loop3A_221 : memref<65536xf32, #tpu.memory_space<vmem>>[vector<16xi32>], vector<16xf32>,
      %parallel_loop3A_223 = arith.constant 16 : i32
      %parallel_loop3A_224 = vector.broadcast %parallel_loop3A_223 : i32 to vector<16xi32>
      %parallel_loop3A_225 = arith.xori %and3A_52, %parallel_loop3A_224 : vector<16xi32>
      %parallel_loop3A_226 = arith.addi %parallel_loop3A_128, %parallel_loop3A_225 : vector<16xi32>
      %parallel_loop3A_227 = tpu.vector_load_idx %arg8[%parallel_loop3A_226] : memref<9216xf32, #tpu.memory_space<vmem>>[vector<16xi32>], vector<16xf32>,
      %parallel_loop3A_228 = arith.addi %parallel_loop3A_132, %parallel_loop3A_225 : vector<16xi32>
      tpu.vector_store_idx %arg11[%parallel_loop3A_228], %parallel_loop3A_227 : memref<65536xf32, #tpu.memory_space<vmem>>[vector<16xi32>], vector<16xf32>,
      %parallel_loop3A_229 = arith.constant 16 : i32
      %parallel_loop3A_230 = vector.broadcast %parallel_loop3A_229 : i32 to vector<16xi32>
      %parallel_loop3A_231 = arith.xori %and3A_58, %parallel_loop3A_230 : vector<16xi32>
      %parallel_loop3A_232 = arith.addi %parallel_loop3A_128, %parallel_loop3A_231 : vector<16xi32>
      %parallel_loop3A_233 = tpu.vector_load_idx %arg8[%parallel_loop3A_232] : memref<9216xf32, #tpu.memory_space<vmem>>[vector<16xi32>], vector<16xf32>,
      %parallel_loop3A_234 = arith.addi %parallel_loop3A_132, %parallel_loop3A_231 : vector<16xi32>
      tpu.vector_store_idx %arg11[%parallel_loop3A_234], %parallel_loop3A_233 : memref<65536xf32, #tpu.memory_space<vmem>>[vector<16xi32>], vector<16xf32>,
      %parallel_loop3A_235 = arith.constant 16 : i32
      %parallel_loop3A_236 = vector.broadcast %parallel_loop3A_235 : i32 to vector<16xi32>
      %parallel_loop3A_237 = arith.xori %and3A_64, %parallel_loop3A_236 : vector<16xi32>
      %parallel_loop3A_238 = arith.addi %parallel_loop3A_128, %parallel_loop3A_237 : vector<16xi32>
      %parallel_loop3A_239 = tpu.vector_load_idx %arg8[%parallel_loop3A_238] : memref<9216xf32, #tpu.memory_space<vmem>>[vector<16xi32>], vector<16xf32>,
      %parallel_loop3A_240 = arith.addi %parallel_loop3A_132, %parallel_loop3A_237 : vector<16xi32>
      tpu.vector_store_idx %arg11[%parallel_loop3A_240], %parallel_loop3A_239 : memref<65536xf32, #tpu.memory_space<vmem>>[vector<16xi32>], vector<16xf32>,
      %parallel_loop3A_241 = arith.constant 16 : i32
      %parallel_loop3A_242 = vector.broadcast %parallel_loop3A_241 : i32 to vector<16xi32>
      %parallel_loop3A_243 = arith.xori %and3A_70, %parallel_loop3A_242 : vector<16xi32>
      %parallel_loop3A_244 = arith.addi %parallel_loop3A_128, %parallel_loop3A_243 : vector<16xi32>
      %parallel_loop3A_245 = tpu.vector_load_idx %arg8[%parallel_loop3A_244] : memref<9216xf32, #tpu.memory_space<vmem>>[vector<16xi32>], vector<16xf32>,
      %parallel_loop3A_246 = arith.addi %parallel_loop3A_132, %parallel_loop3A_243 : vector<16xi32>
      tpu.vector_store_idx %arg11[%parallel_loop3A_246], %parallel_loop3A_245 : memref<65536xf32, #tpu.memory_space<vmem>>[vector<16xi32>], vector<16xf32>,
      %parallel_loop3A_247 = arith.constant 16 : i32
      %parallel_loop3A_248 = vector.broadcast %parallel_loop3A_247 : i32 to vector<16xi32>
      %parallel_loop3A_249 = arith.xori %and3A_76, %parallel_loop3A_248 : vector<16xi32>
      %parallel_loop3A_250 = arith.addi %parallel_loop3A_128, %parallel_loop3A_249 : vector<16xi32>
      %parallel_loop3A_251 = tpu.vector_load_idx %arg8[%parallel_loop3A_250] : memref<9216xf32, #tpu.memory_space<vmem>>[vector<16xi32>], vector<16xf32>,
      %parallel_loop3A_252 = arith.addi %parallel_loop3A_132, %parallel_loop3A_249 : vector<16xi32>
      tpu.vector_store_idx %arg11[%parallel_loop3A_252], %parallel_loop3A_251 : memref<65536xf32, #tpu.memory_space<vmem>>[vector<16xi32>], vector<16xf32>,
      %parallel_loop3A_253 = arith.constant 16 : i32
      %parallel_loop3A_254 = vector.broadcast %parallel_loop3A_253 : i32 to vector<16xi32>
      %parallel_loop3A_255 = arith.xori %and3A_82, %parallel_loop3A_254 : vector<16xi32>
      %parallel_loop3A_256 = arith.addi %parallel_loop3A_128, %parallel_loop3A_255 : vector<16xi32>
      %parallel_loop3A_257 = tpu.vector_load_idx %arg8[%parallel_loop3A_256] : memref<9216xf32, #tpu.memory_space<vmem>>[vector<16xi32>], vector<16xf32>,
      %parallel_loop3A_258 = arith.addi %parallel_loop3A_132, %parallel_loop3A_255 : vector<16xi32>
      tpu.vector_store_idx %arg11[%parallel_loop3A_258], %parallel_loop3A_257 : memref<65536xf32, #tpu.memory_space<vmem>>[vector<16xi32>], vector<16xf32>,
      %parallel_loop3A_259 = arith.constant 16 : i32
      %parallel_loop3A_260 = vector.broadcast %parallel_loop3A_259 : i32 to vector<16xi32>
      %parallel_loop3A_261 = arith.xori %and3A_88, %parallel_loop3A_260 : vector<16xi32>
      %parallel_loop3A_262 = arith.addi %parallel_loop3A_128, %parallel_loop3A_261 : vector<16xi32>
      %parallel_loop3A_263 = tpu.vector_load_idx %arg8[%parallel_loop3A_262] : memref<9216xf32, #tpu.memory_space<vmem>>[vector<16xi32>], vector<16xf32>,
      %parallel_loop3A_264 = arith.addi %parallel_loop3A_132, %parallel_loop3A_261 : vector<16xi32>
      tpu.vector_store_idx %arg11[%parallel_loop3A_264], %parallel_loop3A_263 : memref<65536xf32, #tpu.memory_space<vmem>>[vector<16xi32>], vector<16xf32>,
      %parallel_loop3A_265 = arith.constant 16 : i32
      %parallel_loop3A_266 = vector.broadcast %parallel_loop3A_265 : i32 to vector<16xi32>
      %parallel_loop3A_267 = arith.xori %and3A_94, %parallel_loop3A_266 : vector<16xi32>
      %parallel_loop3A_268 = arith.addi %parallel_loop3A_128, %parallel_loop3A_267 : vector<16xi32>
      %parallel_loop3A_269 = tpu.vector_load_idx %arg8[%parallel_loop3A_268] : memref<9216xf32, #tpu.memory_space<vmem>>[vector<16xi32>], vector<16xf32>,
      %parallel_loop3A_270 = arith.addi %parallel_loop3A_132, %parallel_loop3A_267 : vector<16xi32>
      tpu.vector_store_idx %arg11[%parallel_loop3A_270], %parallel_loop3A_269 : memref<65536xf32, #tpu.memory_space<vmem>>[vector<16xi32>], vector<16xf32>,
      %parallel_loop3A_271 = arith.constant 16 : i32
      %parallel_loop3A_272 = vector.broadcast %parallel_loop3A_271 : i32 to vector<16xi32>
      %parallel_loop3A_273 = arith.xori %and3A_100, %parallel_loop3A_272 : vector<16xi32>
      %parallel_loop3A_274 = arith.addi %parallel_loop3A_128, %parallel_loop3A_273 : vector<16xi32>
      %parallel_loop3A_275 = tpu.vector_load_idx %arg8[%parallel_loop3A_274] : memref<9216xf32, #tpu.memory_space<vmem>>[vector<16xi32>], vector<16xf32>,
      %parallel_loop3A_276 = arith.addi %parallel_loop3A_132, %parallel_loop3A_273 : vector<16xi32>
      tpu.vector_store_idx %arg11[%parallel_loop3A_276], %parallel_loop3A_275 : memref<65536xf32, #tpu.memory_space<vmem>>[vector<16xi32>], vector<16xf32>,
    } {sc.loop_unroll_factor = 8 : i64, sc.parallel_access}
    %mul3A_104 = arith.constant 32 : i32
    %mul3A_105 = arith.muli %mul3A_2, %mul3A_104 : i32
    "tpu.region"() ({
      %run_scoped3A = tpu.sem_alloc : memref<!tpu.dma_semaphore, #tpu.memory_space<semaphore_mem>>
      %dma_start3A = tpu.memref_slice %arg6[%mul3A_105] : memref<2097152xf32, #tpu.memory_space<hbm>> -> memref<65536xf32, #tpu.memory_space<hbm>>
      %dma_start3A_112 = tpu.memref_slice %arg6[%mul3A_105] : memref<2097152xf32, #tpu.memory_space<hbm>> -> memref<65536xf32, #tpu.memory_space<hbm>>
      tpu.enqueue_dma source(%arg11 : memref<65536xf32, #tpu.memory_space<vmem>>) target(%dma_start3A_112 : memref<65536xf32, #tpu.memory_space<hbm>>) target_semaphore(%run_scoped3A : memref<!tpu.dma_semaphore, #tpu.memory_space<semaphore_mem>>)
      %dma_wait3A = tpu.memref_slice %arg6[%mul3A_105] : memref<2097152xf32, #tpu.memory_space<hbm>> -> memref<65536xf32, #tpu.memory_space<hbm>>
      %dma_wait3A_113 = tpu.memref_slice %arg6[%mul3A_105] : memref<2097152xf32, #tpu.memory_space<hbm>> -> memref<65536xf32, #tpu.memory_space<hbm>>
      tpu.wait_dma2 semaphore(%run_scoped3A : memref<!tpu.dma_semaphore, #tpu.memory_space<semaphore_mem>>) src(%arg11 : memref<65536xf32, #tpu.memory_space<vmem>>) dst(%dma_wait3A_113 : memref<65536xf32, #tpu.memory_space<hbm>>)
      tpu.yield
    }) : () -> ()
    "tpu.region"() ({
      %run_scoped3A = tpu.sem_alloc : memref<!tpu.dma_semaphore, #tpu.memory_space<semaphore_mem>>
      tpu.enqueue_dma source(%arg5 : memref<224xf32, #tpu.memory_space<hbm>>) target(%arg9 : memref<224xf32, #tpu.memory_space<vmem>>) target_semaphore(%run_scoped3A : memref<!tpu.dma_semaphore, #tpu.memory_space<semaphore_mem>>)
      tpu.wait_dma2 semaphore(%run_scoped3A : memref<!tpu.dma_semaphore, #tpu.memory_space<semaphore_mem>>) src(%arg5 : memref<224xf32, #tpu.memory_space<hbm>>) dst(%arg9 : memref<224xf32, #tpu.memory_space<vmem>>)
      tpu.yield
    }) : () -> ()
    "tpu.region"() ({
      %run_scoped3A = tpu.sem_alloc : memref<!tpu.dma_semaphore, #tpu.memory_space<semaphore_mem>>
      %dma_start3A = tpu.memref_slice %arg3[%mul3A_2] : memref<65536xf32, #tpu.memory_space<hbm>> -> memref<2048xf32, #tpu.memory_space<hbm>>
      %dma_start3A_112 = tpu.memref_slice %arg3[%mul3A_2] : memref<65536xf32, #tpu.memory_space<hbm>> -> memref<2048xf32, #tpu.memory_space<hbm>>
      tpu.enqueue_dma source(%dma_start3A_112 : memref<2048xf32, #tpu.memory_space<hbm>>) target(%arg10 : memref<2048xf32, #tpu.memory_space<vmem>>) target_semaphore(%run_scoped3A : memref<!tpu.dma_semaphore, #tpu.memory_space<semaphore_mem>>)
      %dma_wait3A = tpu.memref_slice %arg3[%mul3A_2] : memref<65536xf32, #tpu.memory_space<hbm>> -> memref<2048xf32, #tpu.memory_space<hbm>>
      %dma_wait3A_113 = tpu.memref_slice %arg3[%mul3A_2] : memref<65536xf32, #tpu.memory_space<hbm>> -> memref<2048xf32, #tpu.memory_space<hbm>>
      tpu.wait_dma2 semaphore(%run_scoped3A : memref<!tpu.dma_semaphore, #tpu.memory_space<semaphore_mem>>) src(%dma_wait3A_113 : memref<2048xf32, #tpu.memory_space<hbm>>) dst(%arg10 : memref<2048xf32, #tpu.memory_space<vmem>>)
      tpu.yield
    }) : () -> ()
    %parallel_loop3A_106 = arith.constant 0 : i32
    %parallel_loop3A_107 = arith.constant 128 : i32
    %parallel_loop3A_108 = arith.constant 1 : i32
    %parallel_loop3A_109 = arith.constant 7.000000e+00 : f32
    scf.for %parallel_loop3A_112 = %parallel_loop3A_106 to %parallel_loop3A_107 step %parallel_loop3A_108  : i32 {
      %parallel_loop3A_113 = arith.constant 16 : i32
      %parallel_loop3A_114 = arith.muli %parallel_loop3A_112, %parallel_loop3A_113 : i32
      %parallel_loop3A_115 = arith.index_cast %parallel_loop3A_114 : i32 to index
      %parallel_loop3A_116 = tpu.vector_load %arg10[%parallel_loop3A_115] {strides = array<i32>} : memref<2048xf32, #tpu.memory_space<vmem>>, vector<16xf32>,
      %parallel_loop3A_117 = vector.broadcast %parallel_loop3A_109 : f32 to vector<16xf32>
      %parallel_loop3A_118 = arith.mulf %parallel_loop3A_116, %parallel_loop3A_117 : vector<16xf32>
      %parallel_loop3A_119 = arith.fptosi %parallel_loop3A_118 : vector<16xf32> to vector<16xi32>
      %parallel_loop3A_120 = arith.constant 0 : i32
      %parallel_loop3A_121 = arith.constant 6 : i32
      %parallel_loop3A_122 = vector.broadcast %parallel_loop3A_120 : i32 to vector<16xi32>
      %parallel_loop3A_123 = arith.maxsi %parallel_loop3A_122, %parallel_loop3A_119 : vector<16xi32>
      %parallel_loop3A_124 = vector.broadcast %parallel_loop3A_121 : i32 to vector<16xi32>
      %parallel_loop3A_125 = arith.minsi %parallel_loop3A_124, %parallel_loop3A_123 : vector<16xi32>
      %parallel_loop3A_126 = arith.constant 32 : i32
      %parallel_loop3A_127 = vector.broadcast %parallel_loop3A_126 : i32 to vector<16xi32>
      %parallel_loop3A_128 = arith.muli %parallel_loop3A_125, %parallel_loop3A_127 : vector<16xi32>
      %parallel_loop3A_129 = arith.constant 512 : i32
      %parallel_loop3A_130 = arith.muli %parallel_loop3A_112, %parallel_loop3A_129 : i32
      %parallel_loop3A_131 = vector.broadcast %parallel_loop3A_130 : i32 to vector<16xi32>
      %parallel_loop3A_132 = arith.addi %mul3A_5, %parallel_loop3A_131 : vector<16xi32>
      %parallel_loop3A_133 = arith.addi %parallel_loop3A_128, %and3A_10 : vector<16xi32>
      %parallel_loop3A_134 = tpu.vector_load_idx %arg9[%parallel_loop3A_133] : memref<224xf32, #tpu.memory_space<vmem>>[vector<16xi32>], vector<16xf32>,
      %parallel_loop3A_135 = arith.addi %parallel_loop3A_132, %and3A_10 : vector<16xi32>
      tpu.vector_store_idx %arg11[%parallel_loop3A_135], %parallel_loop3A_134 : memref<65536xf32, #tpu.memory_space<vmem>>[vector<16xi32>], vector<16xf32>,
      %parallel_loop3A_136 = arith.addi %parallel_loop3A_128, %and3A_16 : vector<16xi32>
      %parallel_loop3A_137 = tpu.vector_load_idx %arg9[%parallel_loop3A_136] : memref<224xf32, #tpu.memory_space<vmem>>[vector<16xi32>], vector<16xf32>,
      %parallel_loop3A_138 = arith.addi %parallel_loop3A_132, %and3A_16 : vector<16xi32>
      tpu.vector_store_idx %arg11[%parallel_loop3A_138], %parallel_loop3A_137 : memref<65536xf32, #tpu.memory_space<vmem>>[vector<16xi32>], vector<16xf32>,
      %parallel_loop3A_139 = arith.addi %parallel_loop3A_128, %and3A_22 : vector<16xi32>
      %parallel_loop3A_140 = tpu.vector_load_idx %arg9[%parallel_loop3A_139] : memref<224xf32, #tpu.memory_space<vmem>>[vector<16xi32>], vector<16xf32>,
      %parallel_loop3A_141 = arith.addi %parallel_loop3A_132, %and3A_22 : vector<16xi32>
      tpu.vector_store_idx %arg11[%parallel_loop3A_141], %parallel_loop3A_140 : memref<65536xf32, #tpu.memory_space<vmem>>[vector<16xi32>], vector<16xf32>,
      %parallel_loop3A_142 = arith.addi %parallel_loop3A_128, %and3A_28 : vector<16xi32>
      %parallel_loop3A_143 = tpu.vector_load_idx %arg9[%parallel_loop3A_142] : memref<224xf32, #tpu.memory_space<vmem>>[vector<16xi32>], vector<16xf32>,
      %parallel_loop3A_144 = arith.addi %parallel_loop3A_132, %and3A_28 : vector<16xi32>
      tpu.vector_store_idx %arg11[%parallel_loop3A_144], %parallel_loop3A_143 : memref<65536xf32, #tpu.memory_space<vmem>>[vector<16xi32>], vector<16xf32>,
      %parallel_loop3A_145 = arith.addi %parallel_loop3A_128, %and3A_34 : vector<16xi32>
      %parallel_loop3A_146 = tpu.vector_load_idx %arg9[%parallel_loop3A_145] : memref<224xf32, #tpu.memory_space<vmem>>[vector<16xi32>], vector<16xf32>,
      %parallel_loop3A_147 = arith.addi %parallel_loop3A_132, %and3A_34 : vector<16xi32>
      tpu.vector_store_idx %arg11[%parallel_loop3A_147], %parallel_loop3A_146 : memref<65536xf32, #tpu.memory_space<vmem>>[vector<16xi32>], vector<16xf32>,
      %parallel_loop3A_148 = arith.addi %parallel_loop3A_128, %and3A_40 : vector<16xi32>
      %parallel_loop3A_149 = tpu.vector_load_idx %arg9[%parallel_loop3A_148] : memref<224xf32, #tpu.memory_space<vmem>>[vector<16xi32>], vector<16xf32>,
      %parallel_loop3A_150 = arith.addi %parallel_loop3A_132, %and3A_40 : vector<16xi32>
      tpu.vector_store_idx %arg11[%parallel_loop3A_150], %parallel_loop3A_149 : memref<65536xf32, #tpu.memory_space<vmem>>[vector<16xi32>], vector<16xf32>,
      %parallel_loop3A_151 = arith.addi %parallel_loop3A_128, %and3A_46 : vector<16xi32>
      %parallel_loop3A_152 = tpu.vector_load_idx %arg9[%parallel_loop3A_151] : memref<224xf32, #tpu.memory_space<vmem>>[vector<16xi32>], vector<16xf32>,
      %parallel_loop3A_153 = arith.addi %parallel_loop3A_132, %and3A_46 : vector<16xi32>
      tpu.vector_store_idx %arg11[%parallel_loop3A_153], %parallel_loop3A_152 : memref<65536xf32, #tpu.memory_space<vmem>>[vector<16xi32>], vector<16xf32>,
      %parallel_loop3A_154 = arith.addi %parallel_loop3A_128, %and3A_52 : vector<16xi32>
      %parallel_loop3A_155 = tpu.vector_load_idx %arg9[%parallel_loop3A_154] : memref<224xf32, #tpu.memory_space<vmem>>[vector<16xi32>], vector<16xf32>,
      %parallel_loop3A_156 = arith.addi %parallel_loop3A_132, %and3A_52 : vector<16xi32>
      tpu.vector_store_idx %arg11[%parallel_loop3A_156], %parallel_loop3A_155 : memref<65536xf32, #tpu.memory_space<vmem>>[vector<16xi32>], vector<16xf32>,
      %parallel_loop3A_157 = arith.addi %parallel_loop3A_128, %and3A_58 : vector<16xi32>
      %parallel_loop3A_158 = tpu.vector_load_idx %arg9[%parallel_loop3A_157] : memref<224xf32, #tpu.memory_space<vmem>>[vector<16xi32>], vector<16xf32>,
      %parallel_loop3A_159 = arith.addi %parallel_loop3A_132, %and3A_58 : vector<16xi32>
      tpu.vector_store_idx %arg11[%parallel_loop3A_159], %parallel_loop3A_158 : memref<65536xf32, #tpu.memory_space<vmem>>[vector<16xi32>], vector<16xf32>,
      %parallel_loop3A_160 = arith.addi %parallel_loop3A_128, %and3A_64 : vector<16xi32>
      %parallel_loop3A_161 = tpu.vector_load_idx %arg9[%parallel_loop3A_160] : memref<224xf32, #tpu.memory_space<vmem>>[vector<16xi32>], vector<16xf32>,
      %parallel_loop3A_162 = arith.addi %parallel_loop3A_132, %and3A_64 : vector<16xi32>
      tpu.vector_store_idx %arg11[%parallel_loop3A_162], %parallel_loop3A_161 : memref<65536xf32, #tpu.memory_space<vmem>>[vector<16xi32>], vector<16xf32>,
      %parallel_loop3A_163 = arith.addi %parallel_loop3A_128, %and3A_70 : vector<16xi32>
      %parallel_loop3A_164 = tpu.vector_load_idx %arg9[%parallel_loop3A_163] : memref<224xf32, #tpu.memory_space<vmem>>[vector<16xi32>], vector<16xf32>,
      %parallel_loop3A_165 = arith.addi %parallel_loop3A_132, %and3A_70 : vector<16xi32>
      tpu.vector_store_idx %arg11[%parallel_loop3A_165], %parallel_loop3A_164 : memref<65536xf32, #tpu.memory_space<vmem>>[vector<16xi32>], vector<16xf32>,
      %parallel_loop3A_166 = arith.addi %parallel_loop3A_128, %and3A_76 : vector<16xi32>
      %parallel_loop3A_167 = tpu.vector_load_idx %arg9[%parallel_loop3A_166] : memref<224xf32, #tpu.memory_space<vmem>>[vector<16xi32>], vector<16xf32>,
      %parallel_loop3A_168 = arith.addi %parallel_loop3A_132, %and3A_76 : vector<16xi32>
      tpu.vector_store_idx %arg11[%parallel_loop3A_168], %parallel_loop3A_167 : memref<65536xf32, #tpu.memory_space<vmem>>[vector<16xi32>], vector<16xf32>,
      %parallel_loop3A_169 = arith.addi %parallel_loop3A_128, %and3A_82 : vector<16xi32>
      %parallel_loop3A_170 = tpu.vector_load_idx %arg9[%parallel_loop3A_169] : memref<224xf32, #tpu.memory_space<vmem>>[vector<16xi32>], vector<16xf32>,
      %parallel_loop3A_171 = arith.addi %parallel_loop3A_132, %and3A_82 : vector<16xi32>
      tpu.vector_store_idx %arg11[%parallel_loop3A_171], %parallel_loop3A_170 : memref<65536xf32, #tpu.memory_space<vmem>>[vector<16xi32>], vector<16xf32>,
      %parallel_loop3A_172 = arith.addi %parallel_loop3A_128, %and3A_88 : vector<16xi32>
      %parallel_loop3A_173 = tpu.vector_load_idx %arg9[%parallel_loop3A_172] : memref<224xf32, #tpu.memory_space<vmem>>[vector<16xi32>], vector<16xf32>,
      %parallel_loop3A_174 = arith.addi %parallel_loop3A_132, %and3A_88 : vector<16xi32>
      tpu.vector_store_idx %arg11[%parallel_loop3A_174], %parallel_loop3A_173 : memref<65536xf32, #tpu.memory_space<vmem>>[vector<16xi32>], vector<16xf32>,
      %parallel_loop3A_175 = arith.addi %parallel_loop3A_128, %and3A_94 : vector<16xi32>
      %parallel_loop3A_176 = tpu.vector_load_idx %arg9[%parallel_loop3A_175] : memref<224xf32, #tpu.memory_space<vmem>>[vector<16xi32>], vector<16xf32>,
      %parallel_loop3A_177 = arith.addi %parallel_loop3A_132, %and3A_94 : vector<16xi32>
      tpu.vector_store_idx %arg11[%parallel_loop3A_177], %parallel_loop3A_176 : memref<65536xf32, #tpu.memory_space<vmem>>[vector<16xi32>], vector<16xf32>,
      %parallel_loop3A_178 = arith.addi %parallel_loop3A_128, %and3A_100 : vector<16xi32>
      %parallel_loop3A_179 = tpu.vector_load_idx %arg9[%parallel_loop3A_178] : memref<224xf32, #tpu.memory_space<vmem>>[vector<16xi32>], vector<16xf32>,
      %parallel_loop3A_180 = arith.addi %parallel_loop3A_132, %and3A_100 : vector<16xi32>
      tpu.vector_store_idx %arg11[%parallel_loop3A_180], %parallel_loop3A_179 : memref<65536xf32, #tpu.memory_space<vmem>>[vector<16xi32>], vector<16xf32>,
      %parallel_loop3A_181 = arith.constant 16 : i32
      %parallel_loop3A_182 = vector.broadcast %parallel_loop3A_181 : i32 to vector<16xi32>
      %parallel_loop3A_183 = arith.xori %and3A_10, %parallel_loop3A_182 : vector<16xi32>
      %parallel_loop3A_184 = arith.addi %parallel_loop3A_128, %parallel_loop3A_183 : vector<16xi32>
      %parallel_loop3A_185 = tpu.vector_load_idx %arg9[%parallel_loop3A_184] : memref<224xf32, #tpu.memory_space<vmem>>[vector<16xi32>], vector<16xf32>,
      %parallel_loop3A_186 = arith.addi %parallel_loop3A_132, %parallel_loop3A_183 : vector<16xi32>
      tpu.vector_store_idx %arg11[%parallel_loop3A_186], %parallel_loop3A_185 : memref<65536xf32, #tpu.memory_space<vmem>>[vector<16xi32>], vector<16xf32>,
      %parallel_loop3A_187 = arith.constant 16 : i32
      %parallel_loop3A_188 = vector.broadcast %parallel_loop3A_187 : i32 to vector<16xi32>
      %parallel_loop3A_189 = arith.xori %and3A_16, %parallel_loop3A_188 : vector<16xi32>
      %parallel_loop3A_190 = arith.addi %parallel_loop3A_128, %parallel_loop3A_189 : vector<16xi32>
      %parallel_loop3A_191 = tpu.vector_load_idx %arg9[%parallel_loop3A_190] : memref<224xf32, #tpu.memory_space<vmem>>[vector<16xi32>], vector<16xf32>,
      %parallel_loop3A_192 = arith.addi %parallel_loop3A_132, %parallel_loop3A_189 : vector<16xi32>
      tpu.vector_store_idx %arg11[%parallel_loop3A_192], %parallel_loop3A_191 : memref<65536xf32, #tpu.memory_space<vmem>>[vector<16xi32>], vector<16xf32>,
      %parallel_loop3A_193 = arith.constant 16 : i32
      %parallel_loop3A_194 = vector.broadcast %parallel_loop3A_193 : i32 to vector<16xi32>
      %parallel_loop3A_195 = arith.xori %and3A_22, %parallel_loop3A_194 : vector<16xi32>
      %parallel_loop3A_196 = arith.addi %parallel_loop3A_128, %parallel_loop3A_195 : vector<16xi32>
      %parallel_loop3A_197 = tpu.vector_load_idx %arg9[%parallel_loop3A_196] : memref<224xf32, #tpu.memory_space<vmem>>[vector<16xi32>], vector<16xf32>,
      %parallel_loop3A_198 = arith.addi %parallel_loop3A_132, %parallel_loop3A_195 : vector<16xi32>
      tpu.vector_store_idx %arg11[%parallel_loop3A_198], %parallel_loop3A_197 : memref<65536xf32, #tpu.memory_space<vmem>>[vector<16xi32>], vector<16xf32>,
      %parallel_loop3A_199 = arith.constant 16 : i32
      %parallel_loop3A_200 = vector.broadcast %parallel_loop3A_199 : i32 to vector<16xi32>
      %parallel_loop3A_201 = arith.xori %and3A_28, %parallel_loop3A_200 : vector<16xi32>
      %parallel_loop3A_202 = arith.addi %parallel_loop3A_128, %parallel_loop3A_201 : vector<16xi32>
      %parallel_loop3A_203 = tpu.vector_load_idx %arg9[%parallel_loop3A_202] : memref<224xf32, #tpu.memory_space<vmem>>[vector<16xi32>], vector<16xf32>,
      %parallel_loop3A_204 = arith.addi %parallel_loop3A_132, %parallel_loop3A_201 : vector<16xi32>
      tpu.vector_store_idx %arg11[%parallel_loop3A_204], %parallel_loop3A_203 : memref<65536xf32, #tpu.memory_space<vmem>>[vector<16xi32>], vector<16xf32>,
      %parallel_loop3A_205 = arith.constant 16 : i32
      %parallel_loop3A_206 = vector.broadcast %parallel_loop3A_205 : i32 to vector<16xi32>
      %parallel_loop3A_207 = arith.xori %and3A_34, %parallel_loop3A_206 : vector<16xi32>
      %parallel_loop3A_208 = arith.addi %parallel_loop3A_128, %parallel_loop3A_207 : vector<16xi32>
      %parallel_loop3A_209 = tpu.vector_load_idx %arg9[%parallel_loop3A_208] : memref<224xf32, #tpu.memory_space<vmem>>[vector<16xi32>], vector<16xf32>,
      %parallel_loop3A_210 = arith.addi %parallel_loop3A_132, %parallel_loop3A_207 : vector<16xi32>
      tpu.vector_store_idx %arg11[%parallel_loop3A_210], %parallel_loop3A_209 : memref<65536xf32, #tpu.memory_space<vmem>>[vector<16xi32>], vector<16xf32>,
      %parallel_loop3A_211 = arith.constant 16 : i32
      %parallel_loop3A_212 = vector.broadcast %parallel_loop3A_211 : i32 to vector<16xi32>
      %parallel_loop3A_213 = arith.xori %and3A_40, %parallel_loop3A_212 : vector<16xi32>
      %parallel_loop3A_214 = arith.addi %parallel_loop3A_128, %parallel_loop3A_213 : vector<16xi32>
      %parallel_loop3A_215 = tpu.vector_load_idx %arg9[%parallel_loop3A_214] : memref<224xf32, #tpu.memory_space<vmem>>[vector<16xi32>], vector<16xf32>,
      %parallel_loop3A_216 = arith.addi %parallel_loop3A_132, %parallel_loop3A_213 : vector<16xi32>
      tpu.vector_store_idx %arg11[%parallel_loop3A_216], %parallel_loop3A_215 : memref<65536xf32, #tpu.memory_space<vmem>>[vector<16xi32>], vector<16xf32>,
      %parallel_loop3A_217 = arith.constant 16 : i32
      %parallel_loop3A_218 = vector.broadcast %parallel_loop3A_217 : i32 to vector<16xi32>
      %parallel_loop3A_219 = arith.xori %and3A_46, %parallel_loop3A_218 : vector<16xi32>
      %parallel_loop3A_220 = arith.addi %parallel_loop3A_128, %parallel_loop3A_219 : vector<16xi32>
      %parallel_loop3A_221 = tpu.vector_load_idx %arg9[%parallel_loop3A_220] : memref<224xf32, #tpu.memory_space<vmem>>[vector<16xi32>], vector<16xf32>,
      %parallel_loop3A_222 = arith.addi %parallel_loop3A_132, %parallel_loop3A_219 : vector<16xi32>
      tpu.vector_store_idx %arg11[%parallel_loop3A_222], %parallel_loop3A_221 : memref<65536xf32, #tpu.memory_space<vmem>>[vector<16xi32>], vector<16xf32>,
      %parallel_loop3A_223 = arith.constant 16 : i32
      %parallel_loop3A_224 = vector.broadcast %parallel_loop3A_223 : i32 to vector<16xi32>
      %parallel_loop3A_225 = arith.xori %and3A_52, %parallel_loop3A_224 : vector<16xi32>
      %parallel_loop3A_226 = arith.addi %parallel_loop3A_128, %parallel_loop3A_225 : vector<16xi32>
      %parallel_loop3A_227 = tpu.vector_load_idx %arg9[%parallel_loop3A_226] : memref<224xf32, #tpu.memory_space<vmem>>[vector<16xi32>], vector<16xf32>,
      %parallel_loop3A_228 = arith.addi %parallel_loop3A_132, %parallel_loop3A_225 : vector<16xi32>
      tpu.vector_store_idx %arg11[%parallel_loop3A_228], %parallel_loop3A_227 : memref<65536xf32, #tpu.memory_space<vmem>>[vector<16xi32>], vector<16xf32>,
      %parallel_loop3A_229 = arith.constant 16 : i32
      %parallel_loop3A_230 = vector.broadcast %parallel_loop3A_229 : i32 to vector<16xi32>
      %parallel_loop3A_231 = arith.xori %and3A_58, %parallel_loop3A_230 : vector<16xi32>
      %parallel_loop3A_232 = arith.addi %parallel_loop3A_128, %parallel_loop3A_231 : vector<16xi32>
      %parallel_loop3A_233 = tpu.vector_load_idx %arg9[%parallel_loop3A_232] : memref<224xf32, #tpu.memory_space<vmem>>[vector<16xi32>], vector<16xf32>,
      %parallel_loop3A_234 = arith.addi %parallel_loop3A_132, %parallel_loop3A_231 : vector<16xi32>
      tpu.vector_store_idx %arg11[%parallel_loop3A_234], %parallel_loop3A_233 : memref<65536xf32, #tpu.memory_space<vmem>>[vector<16xi32>], vector<16xf32>,
      %parallel_loop3A_235 = arith.constant 16 : i32
      %parallel_loop3A_236 = vector.broadcast %parallel_loop3A_235 : i32 to vector<16xi32>
      %parallel_loop3A_237 = arith.xori %and3A_64, %parallel_loop3A_236 : vector<16xi32>
      %parallel_loop3A_238 = arith.addi %parallel_loop3A_128, %parallel_loop3A_237 : vector<16xi32>
      %parallel_loop3A_239 = tpu.vector_load_idx %arg9[%parallel_loop3A_238] : memref<224xf32, #tpu.memory_space<vmem>>[vector<16xi32>], vector<16xf32>,
      %parallel_loop3A_240 = arith.addi %parallel_loop3A_132, %parallel_loop3A_237 : vector<16xi32>
      tpu.vector_store_idx %arg11[%parallel_loop3A_240], %parallel_loop3A_239 : memref<65536xf32, #tpu.memory_space<vmem>>[vector<16xi32>], vector<16xf32>,
      %parallel_loop3A_241 = arith.constant 16 : i32
      %parallel_loop3A_242 = vector.broadcast %parallel_loop3A_241 : i32 to vector<16xi32>
      %parallel_loop3A_243 = arith.xori %and3A_70, %parallel_loop3A_242 : vector<16xi32>
      %parallel_loop3A_244 = arith.addi %parallel_loop3A_128, %parallel_loop3A_243 : vector<16xi32>
      %parallel_loop3A_245 = tpu.vector_load_idx %arg9[%parallel_loop3A_244] : memref<224xf32, #tpu.memory_space<vmem>>[vector<16xi32>], vector<16xf32>,
      %parallel_loop3A_246 = arith.addi %parallel_loop3A_132, %parallel_loop3A_243 : vector<16xi32>
      tpu.vector_store_idx %arg11[%parallel_loop3A_246], %parallel_loop3A_245 : memref<65536xf32, #tpu.memory_space<vmem>>[vector<16xi32>], vector<16xf32>,
      %parallel_loop3A_247 = arith.constant 16 : i32
      %parallel_loop3A_248 = vector.broadcast %parallel_loop3A_247 : i32 to vector<16xi32>
      %parallel_loop3A_249 = arith.xori %and3A_76, %parallel_loop3A_248 : vector<16xi32>
      %parallel_loop3A_250 = arith.addi %parallel_loop3A_128, %parallel_loop3A_249 : vector<16xi32>
      %parallel_loop3A_251 = tpu.vector_load_idx %arg9[%parallel_loop3A_250] : memref<224xf32, #tpu.memory_space<vmem>>[vector<16xi32>], vector<16xf32>,
      %parallel_loop3A_252 = arith.addi %parallel_loop3A_132, %parallel_loop3A_249 : vector<16xi32>
      tpu.vector_store_idx %arg11[%parallel_loop3A_252], %parallel_loop3A_251 : memref<65536xf32, #tpu.memory_space<vmem>>[vector<16xi32>], vector<16xf32>,
      %parallel_loop3A_253 = arith.constant 16 : i32
      %parallel_loop3A_254 = vector.broadcast %parallel_loop3A_253 : i32 to vector<16xi32>
      %parallel_loop3A_255 = arith.xori %and3A_82, %parallel_loop3A_254 : vector<16xi32>
      %parallel_loop3A_256 = arith.addi %parallel_loop3A_128, %parallel_loop3A_255 : vector<16xi32>
      %parallel_loop3A_257 = tpu.vector_load_idx %arg9[%parallel_loop3A_256] : memref<224xf32, #tpu.memory_space<vmem>>[vector<16xi32>], vector<16xf32>,
      %parallel_loop3A_258 = arith.addi %parallel_loop3A_132, %parallel_loop3A_255 : vector<16xi32>
      tpu.vector_store_idx %arg11[%parallel_loop3A_258], %parallel_loop3A_257 : memref<65536xf32, #tpu.memory_space<vmem>>[vector<16xi32>], vector<16xf32>,
      %parallel_loop3A_259 = arith.constant 16 : i32
      %parallel_loop3A_260 = vector.broadcast %parallel_loop3A_259 : i32 to vector<16xi32>
      %parallel_loop3A_261 = arith.xori %and3A_88, %parallel_loop3A_260 : vector<16xi32>
      %parallel_loop3A_262 = arith.addi %parallel_loop3A_128, %parallel_loop3A_261 : vector<16xi32>
      %parallel_loop3A_263 = tpu.vector_load_idx %arg9[%parallel_loop3A_262] : memref<224xf32, #tpu.memory_space<vmem>>[vector<16xi32>], vector<16xf32>,
      %parallel_loop3A_264 = arith.addi %parallel_loop3A_132, %parallel_loop3A_261 : vector<16xi32>
      tpu.vector_store_idx %arg11[%parallel_loop3A_264], %parallel_loop3A_263 : memref<65536xf32, #tpu.memory_space<vmem>>[vector<16xi32>], vector<16xf32>,
      %parallel_loop3A_265 = arith.constant 16 : i32
      %parallel_loop3A_266 = vector.broadcast %parallel_loop3A_265 : i32 to vector<16xi32>
      %parallel_loop3A_267 = arith.xori %and3A_94, %parallel_loop3A_266 : vector<16xi32>
      %parallel_loop3A_268 = arith.addi %parallel_loop3A_128, %parallel_loop3A_267 : vector<16xi32>
      %parallel_loop3A_269 = tpu.vector_load_idx %arg9[%parallel_loop3A_268] : memref<224xf32, #tpu.memory_space<vmem>>[vector<16xi32>], vector<16xf32>,
      %parallel_loop3A_270 = arith.addi %parallel_loop3A_132, %parallel_loop3A_267 : vector<16xi32>
      tpu.vector_store_idx %arg11[%parallel_loop3A_270], %parallel_loop3A_269 : memref<65536xf32, #tpu.memory_space<vmem>>[vector<16xi32>], vector<16xf32>,
      %parallel_loop3A_271 = arith.constant 16 : i32
      %parallel_loop3A_272 = vector.broadcast %parallel_loop3A_271 : i32 to vector<16xi32>
      %parallel_loop3A_273 = arith.xori %and3A_100, %parallel_loop3A_272 : vector<16xi32>
      %parallel_loop3A_274 = arith.addi %parallel_loop3A_128, %parallel_loop3A_273 : vector<16xi32>
      %parallel_loop3A_275 = tpu.vector_load_idx %arg9[%parallel_loop3A_274] : memref<224xf32, #tpu.memory_space<vmem>>[vector<16xi32>], vector<16xf32>,
      %parallel_loop3A_276 = arith.addi %parallel_loop3A_132, %parallel_loop3A_273 : vector<16xi32>
      tpu.vector_store_idx %arg11[%parallel_loop3A_276], %parallel_loop3A_275 : memref<65536xf32, #tpu.memory_space<vmem>>[vector<16xi32>], vector<16xf32>,
    } {sc.loop_unroll_factor = 8 : i64, sc.parallel_access}
    %mul3A_110 = arith.constant 32 : i32
    %mul3A_111 = arith.muli %mul3A_2, %mul3A_110 : i32
    "tpu.region"() ({
      %run_scoped3A = tpu.sem_alloc : memref<!tpu.dma_semaphore, #tpu.memory_space<semaphore_mem>>
      %dma_start3A = tpu.memref_slice %arg7[%mul3A_111] : memref<2097152xf32, #tpu.memory_space<hbm>> -> memref<65536xf32, #tpu.memory_space<hbm>>
      %dma_start3A_112 = tpu.memref_slice %arg7[%mul3A_111] : memref<2097152xf32, #tpu.memory_space<hbm>> -> memref<65536xf32, #tpu.memory_space<hbm>>
      tpu.enqueue_dma source(%arg11 : memref<65536xf32, #tpu.memory_space<vmem>>) target(%dma_start3A_112 : memref<65536xf32, #tpu.memory_space<hbm>>) target_semaphore(%run_scoped3A : memref<!tpu.dma_semaphore, #tpu.memory_space<semaphore_mem>>)
      %dma_wait3A = tpu.memref_slice %arg7[%mul3A_111] : memref<2097152xf32, #tpu.memory_space<hbm>> -> memref<65536xf32, #tpu.memory_space<hbm>>
      %dma_wait3A_113 = tpu.memref_slice %arg7[%mul3A_111] : memref<2097152xf32, #tpu.memory_space<hbm>> -> memref<65536xf32, #tpu.memory_space<hbm>>
      tpu.wait_dma2 semaphore(%run_scoped3A : memref<!tpu.dma_semaphore, #tpu.memory_space<semaphore_mem>>) src(%arg11 : memref<65536xf32, #tpu.memory_space<vmem>>) dst(%dma_wait3A_113 : memref<65536xf32, #tpu.memory_space<hbm>>)
      tpu.yield
    }) : () -> ()
    return
  }
}

module attributes {stable_mosaic.version = 14 : i64} {
  func.func @proj_body(%arg0: memref<2048x32xf32, #tpu.memory_space<vmem>>, %arg1: memref<139x2048xf32, #tpu.memory_space<vmem>>, %arg2: memref<2048x139xf32, #tpu.memory_space<vmem>>, %arg3: memref<2048x32xf32, #tpu.memory_space<vmem>>) attributes {dimension_semantics = [], scalar_prefetch = 0 : i64, scratch_operands = 0 : i64, tpu.core_type = #tpu.core_type<tc>} {
    %get3A = arith.constant 0 : index
    %get3A_0 = arith.constant 0 : index
    %get3A_1 = vector.load %arg1[%get3A, %get3A_0] : memref<139x2048xf32, #tpu.memory_space<vmem>>, vector<139x2048xf32>
    %get3A_2 = arith.constant 0 : index
    %get3A_3 = arith.constant 0 : index
    %get3A_4 = vector.load %arg0[%get3A_2, %get3A_3] : memref<2048x32xf32, #tpu.memory_space<vmem>>, vector<2048x32xf32>
    %dot_general3A = arith.constant dense<0.000000e+00> : vector<139x32xf32>
    %dot_general3A_5 = tpu.matmul %get3A_1, %get3A_4, %dot_general3A {dimension_numbers = #tpu.dot_dimension_numbers<[1], [0], [0], [1], [0, 0, 1, 1], [], []>, transpose_lhs_hint = false} : vector<139x2048xf32>, vector<2048x32xf32>, vector<139x32xf32> -> vector<139x32xf32>
    %get3A_6 = arith.constant 0 : index
    %get3A_7 = arith.constant 0 : index
    %get3A_8 = vector.load %arg2[%get3A_6, %get3A_7] : memref<2048x139xf32, #tpu.memory_space<vmem>>, vector<2048x139xf32>
    %dot_general3A_9 = arith.constant dense<0.000000e+00> : vector<2048x32xf32>
    %dot_general3A_10 = tpu.matmul %get3A_8, %dot_general3A_5, %dot_general3A_9 {dimension_numbers = #tpu.dot_dimension_numbers<[1], [0], [0], [1], [0, 0, 1, 1], [], []>, transpose_lhs_hint = false} : vector<2048x139xf32>, vector<139x32xf32>, vector<2048x32xf32> -> vector<2048x32xf32>
    %swap3A = arith.constant 0 : index
    %swap3A_11 = arith.constant 0 : index
    %swap3A_12 = vector.load %arg3[%swap3A, %swap3A_11] : memref<2048x32xf32, #tpu.memory_space<vmem>>, vector<2048x32xf32>
    tpu.vector_store %arg3[%swap3A, %swap3A_11], %dot_general3A_10 {strides = array<i32>} : memref<2048x32xf32, #tpu.memory_space<vmem>>, vector<2048x32xf32>,
    return
  }
}

module attributes {stable_mosaic.version = 14 : i64} {
  func.func @h0_body(%arg0: i32, %arg1: memref<32x12x256xf32, #tpu.memory_space<vmem>>, %arg2: memref<8192x32xf32, #tpu.memory_space<vmem>>, %arg3: memref<8192x32xf32, #tpu.memory_space<vmem>>, %arg4: memref<256x32xf32, #tpu.memory_space<vmem>>, %arg5: memref<12x32xf32, #tpu.memory_space<vmem>>, %arg6: memref<128x32xf32, #tpu.memory_space<vmem>>, %arg7: memref<8192x32xbf16, #tpu.memory_space<vmem>>, %arg8: memref<256x32x32xf32, #tpu.memory_space<vmem>>) attributes {dimension_semantics = [#tpu.dimension_semantics<arbitrary>], iteration_bounds = array<i64: 8>, scalar_prefetch = 0 : i64, scratch_operands = 1 : i64, tpu.core_type = #tpu.core_type<tc>, window_params = [{transform_indices = @transform_0, window_bounds = array<i64: 32, 12, 256>}, {transform_indices = @transform_1, window_bounds = array<i64: 8192, 32>}, {transform_indices = @transform_2, window_bounds = array<i64: 8192, 32>}, {transform_indices = @transform_3, window_bounds = array<i64: 256, 32>}, {pipeline_mode = #tpu.pipeline_mode<synchronous>, transform_indices = @transform_4, window_bounds = array<i64: 12, 32>}, {pipeline_mode = #tpu.pipeline_mode<synchronous>, transform_indices = @transform_5, window_bounds = array<i64: 128, 32>}, {transform_indices = @transform_6, window_bounds = array<i64: 8192, 32>}]} {
    %get3A = arith.constant 0 : index
    %get3A_0 = arith.constant 0 : index
    %get3A_1 = arith.constant 0 : index
    %get3A_2 = vector.load %arg1[%get3A, %get3A_0, %get3A_1] : memref<32x12x256xf32, #tpu.memory_space<vmem>>, vector<1x12x256xf32>
    %get3A_3 = vector.shape_cast %get3A_2 : vector<1x12x256xf32> to vector<12x256xf32>
    %get3A_4 = arith.constant 0 : index
    %get3A_5 = arith.constant 0 : index
    %get3A_6 = vector.load %arg5[%get3A_4, %get3A_5] : memref<12x32xf32, #tpu.memory_space<vmem>>, vector<12x32xf32>
    %dot_general3A = arith.constant dense<0.000000e+00> : vector<256x32xf32>
    %dot_general3A_7 = tpu.matmul %get3A_3, %get3A_6, %dot_general3A {dimension_numbers = #tpu.dot_dimension_numbers<[0], [0], [1], [1], [0, 1, 1, 1], [], []>, transpose_lhs_hint = false} : vector<12x256xf32>, vector<12x32xf32>, vector<256x32xf32> -> vector<256x32xf32>
    %swap3A = arith.constant 0 : index
    %swap3A_8 = arith.constant 0 : index
    %swap3A_9 = arith.constant 0 : index
    %swap3A_10 = vector.load %arg8[%swap3A, %swap3A_8, %swap3A_9] : memref<256x32x32xf32, #tpu.memory_space<vmem>>, vector<256x1x32xf32>
    %swap3A_11 = vector.shape_cast %swap3A_10 : vector<256x1x32xf32> to vector<256x32xf32>
    %swap3A_12 = vector.shape_cast %dot_general3A_7 : vector<256x32xf32> to vector<256x1x32xf32>
    tpu.vector_store %arg8[%swap3A, %swap3A_8, %swap3A_9], %swap3A_12 {strides = array<i32>} : memref<256x32x32xf32, #tpu.memory_space<vmem>>, vector<256x1x32xf32>,
    %get3A_13 = arith.constant 1 : index
    %get3A_14 = arith.constant 0 : index
    %get3A_15 = arith.constant 0 : index
    %get3A_16 = vector.load %arg1[%get3A_13, %get3A_14, %get3A_15] : memref<32x12x256xf32, #tpu.memory_space<vmem>>, vector<1x12x256xf32>
    %get3A_17 = vector.shape_cast %get3A_16 : vector<1x12x256xf32> to vector<12x256xf32>
    %get3A_18 = arith.constant 0 : index
    %get3A_19 = arith.constant 0 : index
    %get3A_20 = vector.load %arg5[%get3A_18, %get3A_19] : memref<12x32xf32, #tpu.memory_space<vmem>>, vector<12x32xf32>
    %dot_general3A_21 = arith.constant dense<0.000000e+00> : vector<256x32xf32>
    %dot_general3A_22 = tpu.matmul %get3A_17, %get3A_20, %dot_general3A_21 {dimension_numbers = #tpu.dot_dimension_numbers<[0], [0], [1], [1], [0, 1, 1, 1], [], []>, transpose_lhs_hint = false} : vector<12x256xf32>, vector<12x32xf32>, vector<256x32xf32> -> vector<256x32xf32>
    %swap3A_23 = arith.constant 0 : index
    %swap3A_24 = arith.constant 1 : index
    %swap3A_25 = arith.constant 0 : index
    %swap3A_26 = vector.load %arg8[%swap3A_23, %swap3A_24, %swap3A_25] : memref<256x32x32xf32, #tpu.memory_space<vmem>>, vector<256x1x32xf32>
    %swap3A_27 = vector.shape_cast %swap3A_26 : vector<256x1x32xf32> to vector<256x32xf32>
    %swap3A_28 = vector.shape_cast %dot_general3A_22 : vector<256x32xf32> to vector<256x1x32xf32>
    tpu.vector_store %arg8[%swap3A_23, %swap3A_24, %swap3A_25], %swap3A_28 {strides = array<i32>} : memref<256x32x32xf32, #tpu.memory_space<vmem>>, vector<256x1x32xf32>,
    %get3A_29 = arith.constant 2 : index
    %get3A_30 = arith.constant 0 : index
    %get3A_31 = arith.constant 0 : index
    %get3A_32 = vector.load %arg1[%get3A_29, %get3A_30, %get3A_31] : memref<32x12x256xf32, #tpu.memory_space<vmem>>, vector<1x12x256xf32>
    %get3A_33 = vector.shape_cast %get3A_32 : vector<1x12x256xf32> to vector<12x256xf32>
    %get3A_34 = arith.constant 0 : index
    %get3A_35 = arith.constant 0 : index
    %get3A_36 = vector.load %arg5[%get3A_34, %get3A_35] : memref<12x32xf32, #tpu.memory_space<vmem>>, vector<12x32xf32>
    %dot_general3A_37 = arith.constant dense<0.000000e+00> : vector<256x32xf32>
    %dot_general3A_38 = tpu.matmul %get3A_33, %get3A_36, %dot_general3A_37 {dimension_numbers = #tpu.dot_dimension_numbers<[0], [0], [1], [1], [0, 1, 1, 1], [], []>, transpose_lhs_hint = false} : vector<12x256xf32>, vector<12x32xf32>, vector<256x32xf32> -> vector<256x32xf32>
    %swap3A_39 = arith.constant 0 : index
    %swap3A_40 = arith.constant 2 : index
    %swap3A_41 = arith.constant 0 : index
    %swap3A_42 = vector.load %arg8[%swap3A_39, %swap3A_40, %swap3A_41] : memref<256x32x32xf32, #tpu.memory_space<vmem>>, vector<256x1x32xf32>
    %swap3A_43 = vector.shape_cast %swap3A_42 : vector<256x1x32xf32> to vector<256x32xf32>
    %swap3A_44 = vector.shape_cast %dot_general3A_38 : vector<256x32xf32> to vector<256x1x32xf32>
    tpu.vector_store %arg8[%swap3A_39, %swap3A_40, %swap3A_41], %swap3A_44 {strides = array<i32>} : memref<256x32x32xf32, #tpu.memory_space<vmem>>, vector<256x1x32xf32>,
    %get3A_45 = arith.constant 3 : index
    %get3A_46 = arith.constant 0 : index
    %get3A_47 = arith.constant 0 : index
    %get3A_48 = vector.load %arg1[%get3A_45, %get3A_46, %get3A_47] : memref<32x12x256xf32, #tpu.memory_space<vmem>>, vector<1x12x256xf32>
    %get3A_49 = vector.shape_cast %get3A_48 : vector<1x12x256xf32> to vector<12x256xf32>
    %get3A_50 = arith.constant 0 : index
    %get3A_51 = arith.constant 0 : index
    %get3A_52 = vector.load %arg5[%get3A_50, %get3A_51] : memref<12x32xf32, #tpu.memory_space<vmem>>, vector<12x32xf32>
    %dot_general3A_53 = arith.constant dense<0.000000e+00> : vector<256x32xf32>
    %dot_general3A_54 = tpu.matmul %get3A_49, %get3A_52, %dot_general3A_53 {dimension_numbers = #tpu.dot_dimension_numbers<[0], [0], [1], [1], [0, 1, 1, 1], [], []>, transpose_lhs_hint = false} : vector<12x256xf32>, vector<12x32xf32>, vector<256x32xf32> -> vector<256x32xf32>
    %swap3A_55 = arith.constant 0 : index
    %swap3A_56 = arith.constant 3 : index
    %swap3A_57 = arith.constant 0 : index
    %swap3A_58 = vector.load %arg8[%swap3A_55, %swap3A_56, %swap3A_57] : memref<256x32x32xf32, #tpu.memory_space<vmem>>, vector<256x1x32xf32>
    %swap3A_59 = vector.shape_cast %swap3A_58 : vector<256x1x32xf32> to vector<256x32xf32>
    %swap3A_60 = vector.shape_cast %dot_general3A_54 : vector<256x32xf32> to vector<256x1x32xf32>
    tpu.vector_store %arg8[%swap3A_55, %swap3A_56, %swap3A_57], %swap3A_60 {strides = array<i32>} : memref<256x32x32xf32, #tpu.memory_space<vmem>>, vector<256x1x32xf32>,
    %get3A_61 = arith.constant 4 : index
    %get3A_62 = arith.constant 0 : index
    %get3A_63 = arith.constant 0 : index
    %get3A_64 = vector.load %arg1[%get3A_61, %get3A_62, %get3A_63] : memref<32x12x256xf32, #tpu.memory_space<vmem>>, vector<1x12x256xf32>
    %get3A_65 = vector.shape_cast %get3A_64 : vector<1x12x256xf32> to vector<12x256xf32>
    %get3A_66 = arith.constant 0 : index
    %get3A_67 = arith.constant 0 : index
    %get3A_68 = vector.load %arg5[%get3A_66, %get3A_67] : memref<12x32xf32, #tpu.memory_space<vmem>>, vector<12x32xf32>
    %dot_general3A_69 = arith.constant dense<0.000000e+00> : vector<256x32xf32>
    %dot_general3A_70 = tpu.matmul %get3A_65, %get3A_68, %dot_general3A_69 {dimension_numbers = #tpu.dot_dimension_numbers<[0], [0], [1], [1], [0, 1, 1, 1], [], []>, transpose_lhs_hint = false} : vector<12x256xf32>, vector<12x32xf32>, vector<256x32xf32> -> vector<256x32xf32>
    %swap3A_71 = arith.constant 0 : index
    %swap3A_72 = arith.constant 4 : index
    %swap3A_73 = arith.constant 0 : index
    %swap3A_74 = vector.load %arg8[%swap3A_71, %swap3A_72, %swap3A_73] : memref<256x32x32xf32, #tpu.memory_space<vmem>>, vector<256x1x32xf32>
    %swap3A_75 = vector.shape_cast %swap3A_74 : vector<256x1x32xf32> to vector<256x32xf32>
    %swap3A_76 = vector.shape_cast %dot_general3A_70 : vector<256x32xf32> to vector<256x1x32xf32>
    tpu.vector_store %arg8[%swap3A_71, %swap3A_72, %swap3A_73], %swap3A_76 {strides = array<i32>} : memref<256x32x32xf32, #tpu.memory_space<vmem>>, vector<256x1x32xf32>,
    %get3A_77 = arith.constant 5 : index
    %get3A_78 = arith.constant 0 : index
    %get3A_79 = arith.constant 0 : index
    %get3A_80 = vector.load %arg1[%get3A_77, %get3A_78, %get3A_79] : memref<32x12x256xf32, #tpu.memory_space<vmem>>, vector<1x12x256xf32>
    %get3A_81 = vector.shape_cast %get3A_80 : vector<1x12x256xf32> to vector<12x256xf32>
    %get3A_82 = arith.constant 0 : index
    %get3A_83 = arith.constant 0 : index
    %get3A_84 = vector.load %arg5[%get3A_82, %get3A_83] : memref<12x32xf32, #tpu.memory_space<vmem>>, vector<12x32xf32>
    %dot_general3A_85 = arith.constant dense<0.000000e+00> : vector<256x32xf32>
    %dot_general3A_86 = tpu.matmul %get3A_81, %get3A_84, %dot_general3A_85 {dimension_numbers = #tpu.dot_dimension_numbers<[0], [0], [1], [1], [0, 1, 1, 1], [], []>, transpose_lhs_hint = false} : vector<12x256xf32>, vector<12x32xf32>, vector<256x32xf32> -> vector<256x32xf32>
    %swap3A_87 = arith.constant 0 : index
    %swap3A_88 = arith.constant 5 : index
    %swap3A_89 = arith.constant 0 : index
    %swap3A_90 = vector.load %arg8[%swap3A_87, %swap3A_88, %swap3A_89] : memref<256x32x32xf32, #tpu.memory_space<vmem>>, vector<256x1x32xf32>
    %swap3A_91 = vector.shape_cast %swap3A_90 : vector<256x1x32xf32> to vector<256x32xf32>
    %swap3A_92 = vector.shape_cast %dot_general3A_86 : vector<256x32xf32> to vector<256x1x32xf32>
    tpu.vector_store %arg8[%swap3A_87, %swap3A_88, %swap3A_89], %swap3A_92 {strides = array<i32>} : memref<256x32x32xf32, #tpu.memory_space<vmem>>, vector<256x1x32xf32>,
    %get3A_93 = arith.constant 6 : index
    %get3A_94 = arith.constant 0 : index
    %get3A_95 = arith.constant 0 : index
    %get3A_96 = vector.load %arg1[%get3A_93, %get3A_94, %get3A_95] : memref<32x12x256xf32, #tpu.memory_space<vmem>>, vector<1x12x256xf32>
    %get3A_97 = vector.shape_cast %get3A_96 : vector<1x12x256xf32> to vector<12x256xf32>
    %get3A_98 = arith.constant 0 : index
    %get3A_99 = arith.constant 0 : index
    %get3A_100 = vector.load %arg5[%get3A_98, %get3A_99] : memref<12x32xf32, #tpu.memory_space<vmem>>, vector<12x32xf32>
    %dot_general3A_101 = arith.constant dense<0.000000e+00> : vector<256x32xf32>
    %dot_general3A_102 = tpu.matmul %get3A_97, %get3A_100, %dot_general3A_101 {dimension_numbers = #tpu.dot_dimension_numbers<[0], [0], [1], [1], [0, 1, 1, 1], [], []>, transpose_lhs_hint = false} : vector<12x256xf32>, vector<12x32xf32>, vector<256x32xf32> -> vector<256x32xf32>
    %swap3A_103 = arith.constant 0 : index
    %swap3A_104 = arith.constant 6 : index
    %swap3A_105 = arith.constant 0 : index
    %swap3A_106 = vector.load %arg8[%swap3A_103, %swap3A_104, %swap3A_105] : memref<256x32x32xf32, #tpu.memory_space<vmem>>, vector<256x1x32xf32>
    %swap3A_107 = vector.shape_cast %swap3A_106 : vector<256x1x32xf32> to vector<256x32xf32>
    %swap3A_108 = vector.shape_cast %dot_general3A_102 : vector<256x32xf32> to vector<256x1x32xf32>
    tpu.vector_store %arg8[%swap3A_103, %swap3A_104, %swap3A_105], %swap3A_108 {strides = array<i32>} : memref<256x32x32xf32, #tpu.memory_space<vmem>>, vector<256x1x32xf32>,
    %get3A_109 = arith.constant 7 : index
    %get3A_110 = arith.constant 0 : index
    %get3A_111 = arith.constant 0 : index
    %get3A_112 = vector.load %arg1[%get3A_109, %get3A_110, %get3A_111] : memref<32x12x256xf32, #tpu.memory_space<vmem>>, vector<1x12x256xf32>
    %get3A_113 = vector.shape_cast %get3A_112 : vector<1x12x256xf32> to vector<12x256xf32>
    %get3A_114 = arith.constant 0 : index
    %get3A_115 = arith.constant 0 : index
    %get3A_116 = vector.load %arg5[%get3A_114, %get3A_115] : memref<12x32xf32, #tpu.memory_space<vmem>>, vector<12x32xf32>
    %dot_general3A_117 = arith.constant dense<0.000000e+00> : vector<256x32xf32>
    %dot_general3A_118 = tpu.matmul %get3A_113, %get3A_116, %dot_general3A_117 {dimension_numbers = #tpu.dot_dimension_numbers<[0], [0], [1], [1], [0, 1, 1, 1], [], []>, transpose_lhs_hint = false} : vector<12x256xf32>, vector<12x32xf32>, vector<256x32xf32> -> vector<256x32xf32>
    %swap3A_119 = arith.constant 0 : index
    %swap3A_120 = arith.constant 7 : index
    %swap3A_121 = arith.constant 0 : index
    %swap3A_122 = vector.load %arg8[%swap3A_119, %swap3A_120, %swap3A_121] : memref<256x32x32xf32, #tpu.memory_space<vmem>>, vector<256x1x32xf32>
    %swap3A_123 = vector.shape_cast %swap3A_122 : vector<256x1x32xf32> to vector<256x32xf32>
    %swap3A_124 = vector.shape_cast %dot_general3A_118 : vector<256x32xf32> to vector<256x1x32xf32>
    tpu.vector_store %arg8[%swap3A_119, %swap3A_120, %swap3A_121], %swap3A_124 {strides = array<i32>} : memref<256x32x32xf32, #tpu.memory_space<vmem>>, vector<256x1x32xf32>,
    %get3A_125 = arith.constant 8 : index
    %get3A_126 = arith.constant 0 : index
    %get3A_127 = arith.constant 0 : index
    %get3A_128 = vector.load %arg1[%get3A_125, %get3A_126, %get3A_127] : memref<32x12x256xf32, #tpu.memory_space<vmem>>, vector<1x12x256xf32>
    %get3A_129 = vector.shape_cast %get3A_128 : vector<1x12x256xf32> to vector<12x256xf32>
    %get3A_130 = arith.constant 0 : index
    %get3A_131 = arith.constant 0 : index
    %get3A_132 = vector.load %arg5[%get3A_130, %get3A_131] : memref<12x32xf32, #tpu.memory_space<vmem>>, vector<12x32xf32>
    %dot_general3A_133 = arith.constant dense<0.000000e+00> : vector<256x32xf32>
    %dot_general3A_134 = tpu.matmul %get3A_129, %get3A_132, %dot_general3A_133 {dimension_numbers = #tpu.dot_dimension_numbers<[0], [0], [1], [1], [0, 1, 1, 1], [], []>, transpose_lhs_hint = false} : vector<12x256xf32>, vector<12x32xf32>, vector<256x32xf32> -> vector<256x32xf32>
    %swap3A_135 = arith.constant 0 : index
    %swap3A_136 = arith.constant 8 : index
    %swap3A_137 = arith.constant 0 : index
    %swap3A_138 = vector.load %arg8[%swap3A_135, %swap3A_136, %swap3A_137] : memref<256x32x32xf32, #tpu.memory_space<vmem>>, vector<256x1x32xf32>
    %swap3A_139 = vector.shape_cast %swap3A_138 : vector<256x1x32xf32> to vector<256x32xf32>
    %swap3A_140 = vector.shape_cast %dot_general3A_134 : vector<256x32xf32> to vector<256x1x32xf32>
    tpu.vector_store %arg8[%swap3A_135, %swap3A_136, %swap3A_137], %swap3A_140 {strides = array<i32>} : memref<256x32x32xf32, #tpu.memory_space<vmem>>, vector<256x1x32xf32>,
    %get3A_141 = arith.constant 9 : index
    %get3A_142 = arith.constant 0 : index
    %get3A_143 = arith.constant 0 : index
    %get3A_144 = vector.load %arg1[%get3A_141, %get3A_142, %get3A_143] : memref<32x12x256xf32, #tpu.memory_space<vmem>>, vector<1x12x256xf32>
    %get3A_145 = vector.shape_cast %get3A_144 : vector<1x12x256xf32> to vector<12x256xf32>
    %get3A_146 = arith.constant 0 : index
    %get3A_147 = arith.constant 0 : index
    %get3A_148 = vector.load %arg5[%get3A_146, %get3A_147] : memref<12x32xf32, #tpu.memory_space<vmem>>, vector<12x32xf32>
    %dot_general3A_149 = arith.constant dense<0.000000e+00> : vector<256x32xf32>
    %dot_general3A_150 = tpu.matmul %get3A_145, %get3A_148, %dot_general3A_149 {dimension_numbers = #tpu.dot_dimension_numbers<[0], [0], [1], [1], [0, 1, 1, 1], [], []>, transpose_lhs_hint = false} : vector<12x256xf32>, vector<12x32xf32>, vector<256x32xf32> -> vector<256x32xf32>
    %swap3A_151 = arith.constant 0 : index
    %swap3A_152 = arith.constant 9 : index
    %swap3A_153 = arith.constant 0 : index
    %swap3A_154 = vector.load %arg8[%swap3A_151, %swap3A_152, %swap3A_153] : memref<256x32x32xf32, #tpu.memory_space<vmem>>, vector<256x1x32xf32>
    %swap3A_155 = vector.shape_cast %swap3A_154 : vector<256x1x32xf32> to vector<256x32xf32>
    %swap3A_156 = vector.shape_cast %dot_general3A_150 : vector<256x32xf32> to vector<256x1x32xf32>
    tpu.vector_store %arg8[%swap3A_151, %swap3A_152, %swap3A_153], %swap3A_156 {strides = array<i32>} : memref<256x32x32xf32, #tpu.memory_space<vmem>>, vector<256x1x32xf32>,
    %get3A_157 = arith.constant 10 : index
    %get3A_158 = arith.constant 0 : index
    %get3A_159 = arith.constant 0 : index
    %get3A_160 = vector.load %arg1[%get3A_157, %get3A_158, %get3A_159] : memref<32x12x256xf32, #tpu.memory_space<vmem>>, vector<1x12x256xf32>
    %get3A_161 = vector.shape_cast %get3A_160 : vector<1x12x256xf32> to vector<12x256xf32>
    %get3A_162 = arith.constant 0 : index
    %get3A_163 = arith.constant 0 : index
    %get3A_164 = vector.load %arg5[%get3A_162, %get3A_163] : memref<12x32xf32, #tpu.memory_space<vmem>>, vector<12x32xf32>
    %dot_general3A_165 = arith.constant dense<0.000000e+00> : vector<256x32xf32>
    %dot_general3A_166 = tpu.matmul %get3A_161, %get3A_164, %dot_general3A_165 {dimension_numbers = #tpu.dot_dimension_numbers<[0], [0], [1], [1], [0, 1, 1, 1], [], []>, transpose_lhs_hint = false} : vector<12x256xf32>, vector<12x32xf32>, vector<256x32xf32> -> vector<256x32xf32>
    %swap3A_167 = arith.constant 0 : index
    %swap3A_168 = arith.constant 10 : index
    %swap3A_169 = arith.constant 0 : index
    %swap3A_170 = vector.load %arg8[%swap3A_167, %swap3A_168, %swap3A_169] : memref<256x32x32xf32, #tpu.memory_space<vmem>>, vector<256x1x32xf32>
    %swap3A_171 = vector.shape_cast %swap3A_170 : vector<256x1x32xf32> to vector<256x32xf32>
    %swap3A_172 = vector.shape_cast %dot_general3A_166 : vector<256x32xf32> to vector<256x1x32xf32>
    tpu.vector_store %arg8[%swap3A_167, %swap3A_168, %swap3A_169], %swap3A_172 {strides = array<i32>} : memref<256x32x32xf32, #tpu.memory_space<vmem>>, vector<256x1x32xf32>,
    %get3A_173 = arith.constant 11 : index
    %get3A_174 = arith.constant 0 : index
    %get3A_175 = arith.constant 0 : index
    %get3A_176 = vector.load %arg1[%get3A_173, %get3A_174, %get3A_175] : memref<32x12x256xf32, #tpu.memory_space<vmem>>, vector<1x12x256xf32>
    %get3A_177 = vector.shape_cast %get3A_176 : vector<1x12x256xf32> to vector<12x256xf32>
    %get3A_178 = arith.constant 0 : index
    %get3A_179 = arith.constant 0 : index
    %get3A_180 = vector.load %arg5[%get3A_178, %get3A_179] : memref<12x32xf32, #tpu.memory_space<vmem>>, vector<12x32xf32>
    %dot_general3A_181 = arith.constant dense<0.000000e+00> : vector<256x32xf32>
    %dot_general3A_182 = tpu.matmul %get3A_177, %get3A_180, %dot_general3A_181 {dimension_numbers = #tpu.dot_dimension_numbers<[0], [0], [1], [1], [0, 1, 1, 1], [], []>, transpose_lhs_hint = false} : vector<12x256xf32>, vector<12x32xf32>, vector<256x32xf32> -> vector<256x32xf32>
    %swap3A_183 = arith.constant 0 : index
    %swap3A_184 = arith.constant 11 : index
    %swap3A_185 = arith.constant 0 : index
    %swap3A_186 = vector.load %arg8[%swap3A_183, %swap3A_184, %swap3A_185] : memref<256x32x32xf32, #tpu.memory_space<vmem>>, vector<256x1x32xf32>
    %swap3A_187 = vector.shape_cast %swap3A_186 : vector<256x1x32xf32> to vector<256x32xf32>
    %swap3A_188 = vector.shape_cast %dot_general3A_182 : vector<256x32xf32> to vector<256x1x32xf32>
    tpu.vector_store %arg8[%swap3A_183, %swap3A_184, %swap3A_185], %swap3A_188 {strides = array<i32>} : memref<256x32x32xf32, #tpu.memory_space<vmem>>, vector<256x1x32xf32>,
    %get3A_189 = arith.constant 12 : index
    %get3A_190 = arith.constant 0 : index
    %get3A_191 = arith.constant 0 : index
    %get3A_192 = vector.load %arg1[%get3A_189, %get3A_190, %get3A_191] : memref<32x12x256xf32, #tpu.memory_space<vmem>>, vector<1x12x256xf32>
    %get3A_193 = vector.shape_cast %get3A_192 : vector<1x12x256xf32> to vector<12x256xf32>
    %get3A_194 = arith.constant 0 : index
    %get3A_195 = arith.constant 0 : index
    %get3A_196 = vector.load %arg5[%get3A_194, %get3A_195] : memref<12x32xf32, #tpu.memory_space<vmem>>, vector<12x32xf32>
    %dot_general3A_197 = arith.constant dense<0.000000e+00> : vector<256x32xf32>
    %dot_general3A_198 = tpu.matmul %get3A_193, %get3A_196, %dot_general3A_197 {dimension_numbers = #tpu.dot_dimension_numbers<[0], [0], [1], [1], [0, 1, 1, 1], [], []>, transpose_lhs_hint = false} : vector<12x256xf32>, vector<12x32xf32>, vector<256x32xf32> -> vector<256x32xf32>
    %swap3A_199 = arith.constant 0 : index
    %swap3A_200 = arith.constant 12 : index
    %swap3A_201 = arith.constant 0 : index
    %swap3A_202 = vector.load %arg8[%swap3A_199, %swap3A_200, %swap3A_201] : memref<256x32x32xf32, #tpu.memory_space<vmem>>, vector<256x1x32xf32>
    %swap3A_203 = vector.shape_cast %swap3A_202 : vector<256x1x32xf32> to vector<256x32xf32>
    %swap3A_204 = vector.shape_cast %dot_general3A_198 : vector<256x32xf32> to vector<256x1x32xf32>
    tpu.vector_store %arg8[%swap3A_199, %swap3A_200, %swap3A_201], %swap3A_204 {strides = array<i32>} : memref<256x32x32xf32, #tpu.memory_space<vmem>>, vector<256x1x32xf32>,
    %get3A_205 = arith.constant 13 : index
    %get3A_206 = arith.constant 0 : index
    %get3A_207 = arith.constant 0 : index
    %get3A_208 = vector.load %arg1[%get3A_205, %get3A_206, %get3A_207] : memref<32x12x256xf32, #tpu.memory_space<vmem>>, vector<1x12x256xf32>
    %get3A_209 = vector.shape_cast %get3A_208 : vector<1x12x256xf32> to vector<12x256xf32>
    %get3A_210 = arith.constant 0 : index
    %get3A_211 = arith.constant 0 : index
    %get3A_212 = vector.load %arg5[%get3A_210, %get3A_211] : memref<12x32xf32, #tpu.memory_space<vmem>>, vector<12x32xf32>
    %dot_general3A_213 = arith.constant dense<0.000000e+00> : vector<256x32xf32>
    %dot_general3A_214 = tpu.matmul %get3A_209, %get3A_212, %dot_general3A_213 {dimension_numbers = #tpu.dot_dimension_numbers<[0], [0], [1], [1], [0, 1, 1, 1], [], []>, transpose_lhs_hint = false} : vector<12x256xf32>, vector<12x32xf32>, vector<256x32xf32> -> vector<256x32xf32>
    %swap3A_215 = arith.constant 0 : index
    %swap3A_216 = arith.constant 13 : index
    %swap3A_217 = arith.constant 0 : index
    %swap3A_218 = vector.load %arg8[%swap3A_215, %swap3A_216, %swap3A_217] : memref<256x32x32xf32, #tpu.memory_space<vmem>>, vector<256x1x32xf32>
    %swap3A_219 = vector.shape_cast %swap3A_218 : vector<256x1x32xf32> to vector<256x32xf32>
    %swap3A_220 = vector.shape_cast %dot_general3A_214 : vector<256x32xf32> to vector<256x1x32xf32>
    tpu.vector_store %arg8[%swap3A_215, %swap3A_216, %swap3A_217], %swap3A_220 {strides = array<i32>} : memref<256x32x32xf32, #tpu.memory_space<vmem>>, vector<256x1x32xf32>,
    %get3A_221 = arith.constant 14 : index
    %get3A_222 = arith.constant 0 : index
    %get3A_223 = arith.constant 0 : index
    %get3A_224 = vector.load %arg1[%get3A_221, %get3A_222, %get3A_223] : memref<32x12x256xf32, #tpu.memory_space<vmem>>, vector<1x12x256xf32>
    %get3A_225 = vector.shape_cast %get3A_224 : vector<1x12x256xf32> to vector<12x256xf32>
    %get3A_226 = arith.constant 0 : index
    %get3A_227 = arith.constant 0 : index
    %get3A_228 = vector.load %arg5[%get3A_226, %get3A_227] : memref<12x32xf32, #tpu.memory_space<vmem>>, vector<12x32xf32>
    %dot_general3A_229 = arith.constant dense<0.000000e+00> : vector<256x32xf32>
    %dot_general3A_230 = tpu.matmul %get3A_225, %get3A_228, %dot_general3A_229 {dimension_numbers = #tpu.dot_dimension_numbers<[0], [0], [1], [1], [0, 1, 1, 1], [], []>, transpose_lhs_hint = false} : vector<12x256xf32>, vector<12x32xf32>, vector<256x32xf32> -> vector<256x32xf32>
    %swap3A_231 = arith.constant 0 : index
    %swap3A_232 = arith.constant 14 : index
    %swap3A_233 = arith.constant 0 : index
    %swap3A_234 = vector.load %arg8[%swap3A_231, %swap3A_232, %swap3A_233] : memref<256x32x32xf32, #tpu.memory_space<vmem>>, vector<256x1x32xf32>
    %swap3A_235 = vector.shape_cast %swap3A_234 : vector<256x1x32xf32> to vector<256x32xf32>
    %swap3A_236 = vector.shape_cast %dot_general3A_230 : vector<256x32xf32> to vector<256x1x32xf32>
    tpu.vector_store %arg8[%swap3A_231, %swap3A_232, %swap3A_233], %swap3A_236 {strides = array<i32>} : memref<256x32x32xf32, #tpu.memory_space<vmem>>, vector<256x1x32xf32>,
    %get3A_237 = arith.constant 15 : index
    %get3A_238 = arith.constant 0 : index
    %get3A_239 = arith.constant 0 : index
    %get3A_240 = vector.load %arg1[%get3A_237, %get3A_238, %get3A_239] : memref<32x12x256xf32, #tpu.memory_space<vmem>>, vector<1x12x256xf32>
    %get3A_241 = vector.shape_cast %get3A_240 : vector<1x12x256xf32> to vector<12x256xf32>
    %get3A_242 = arith.constant 0 : index
    %get3A_243 = arith.constant 0 : index
    %get3A_244 = vector.load %arg5[%get3A_242, %get3A_243] : memref<12x32xf32, #tpu.memory_space<vmem>>, vector<12x32xf32>
    %dot_general3A_245 = arith.constant dense<0.000000e+00> : vector<256x32xf32>
    %dot_general3A_246 = tpu.matmul %get3A_241, %get3A_244, %dot_general3A_245 {dimension_numbers = #tpu.dot_dimension_numbers<[0], [0], [1], [1], [0, 1, 1, 1], [], []>, transpose_lhs_hint = false} : vector<12x256xf32>, vector<12x32xf32>, vector<256x32xf32> -> vector<256x32xf32>
    %swap3A_247 = arith.constant 0 : index
    %swap3A_248 = arith.constant 15 : index
    %swap3A_249 = arith.constant 0 : index
    %swap3A_250 = vector.load %arg8[%swap3A_247, %swap3A_248, %swap3A_249] : memref<256x32x32xf32, #tpu.memory_space<vmem>>, vector<256x1x32xf32>
    %swap3A_251 = vector.shape_cast %swap3A_250 : vector<256x1x32xf32> to vector<256x32xf32>
    %swap3A_252 = vector.shape_cast %dot_general3A_246 : vector<256x32xf32> to vector<256x1x32xf32>
    tpu.vector_store %arg8[%swap3A_247, %swap3A_248, %swap3A_249], %swap3A_252 {strides = array<i32>} : memref<256x32x32xf32, #tpu.memory_space<vmem>>, vector<256x1x32xf32>,
    %get3A_253 = arith.constant 16 : index
    %get3A_254 = arith.constant 0 : index
    %get3A_255 = arith.constant 0 : index
    %get3A_256 = vector.load %arg1[%get3A_253, %get3A_254, %get3A_255] : memref<32x12x256xf32, #tpu.memory_space<vmem>>, vector<1x12x256xf32>
    %get3A_257 = vector.shape_cast %get3A_256 : vector<1x12x256xf32> to vector<12x256xf32>
    %get3A_258 = arith.constant 0 : index
    %get3A_259 = arith.constant 0 : index
    %get3A_260 = vector.load %arg5[%get3A_258, %get3A_259] : memref<12x32xf32, #tpu.memory_space<vmem>>, vector<12x32xf32>
    %dot_general3A_261 = arith.constant dense<0.000000e+00> : vector<256x32xf32>
    %dot_general3A_262 = tpu.matmul %get3A_257, %get3A_260, %dot_general3A_261 {dimension_numbers = #tpu.dot_dimension_numbers<[0], [0], [1], [1], [0, 1, 1, 1], [], []>, transpose_lhs_hint = false} : vector<12x256xf32>, vector<12x32xf32>, vector<256x32xf32> -> vector<256x32xf32>
    %swap3A_263 = arith.constant 0 : index
    %swap3A_264 = arith.constant 16 : index
    %swap3A_265 = arith.constant 0 : index
    %swap3A_266 = vector.load %arg8[%swap3A_263, %swap3A_264, %swap3A_265] : memref<256x32x32xf32, #tpu.memory_space<vmem>>, vector<256x1x32xf32>
    %swap3A_267 = vector.shape_cast %swap3A_266 : vector<256x1x32xf32> to vector<256x32xf32>
    %swap3A_268 = vector.shape_cast %dot_general3A_262 : vector<256x32xf32> to vector<256x1x32xf32>
    tpu.vector_store %arg8[%swap3A_263, %swap3A_264, %swap3A_265], %swap3A_268 {strides = array<i32>} : memref<256x32x32xf32, #tpu.memory_space<vmem>>, vector<256x1x32xf32>,
    %get3A_269 = arith.constant 17 : index
    %get3A_270 = arith.constant 0 : index
    %get3A_271 = arith.constant 0 : index
    %get3A_272 = vector.load %arg1[%get3A_269, %get3A_270, %get3A_271] : memref<32x12x256xf32, #tpu.memory_space<vmem>>, vector<1x12x256xf32>
    %get3A_273 = vector.shape_cast %get3A_272 : vector<1x12x256xf32> to vector<12x256xf32>
    %get3A_274 = arith.constant 0 : index
    %get3A_275 = arith.constant 0 : index
    %get3A_276 = vector.load %arg5[%get3A_274, %get3A_275] : memref<12x32xf32, #tpu.memory_space<vmem>>, vector<12x32xf32>
    %dot_general3A_277 = arith.constant dense<0.000000e+00> : vector<256x32xf32>
    %dot_general3A_278 = tpu.matmul %get3A_273, %get3A_276, %dot_general3A_277 {dimension_numbers = #tpu.dot_dimension_numbers<[0], [0], [1], [1], [0, 1, 1, 1], [], []>, transpose_lhs_hint = false} : vector<12x256xf32>, vector<12x32xf32>, vector<256x32xf32> -> vector<256x32xf32>
    %swap3A_279 = arith.constant 0 : index
    %swap3A_280 = arith.constant 17 : index
    %swap3A_281 = arith.constant 0 : index
    %swap3A_282 = vector.load %arg8[%swap3A_279, %swap3A_280, %swap3A_281] : memref<256x32x32xf32, #tpu.memory_space<vmem>>, vector<256x1x32xf32>
    %swap3A_283 = vector.shape_cast %swap3A_282 : vector<256x1x32xf32> to vector<256x32xf32>
    %swap3A_284 = vector.shape_cast %dot_general3A_278 : vector<256x32xf32> to vector<256x1x32xf32>
    tpu.vector_store %arg8[%swap3A_279, %swap3A_280, %swap3A_281], %swap3A_284 {strides = array<i32>} : memref<256x32x32xf32, #tpu.memory_space<vmem>>, vector<256x1x32xf32>,
    %get3A_285 = arith.constant 18 : index
    %get3A_286 = arith.constant 0 : index
    %get3A_287 = arith.constant 0 : index
    %get3A_288 = vector.load %arg1[%get3A_285, %get3A_286, %get3A_287] : memref<32x12x256xf32, #tpu.memory_space<vmem>>, vector<1x12x256xf32>
    %get3A_289 = vector.shape_cast %get3A_288 : vector<1x12x256xf32> to vector<12x256xf32>
    %get3A_290 = arith.constant 0 : index
    %get3A_291 = arith.constant 0 : index
    %get3A_292 = vector.load %arg5[%get3A_290, %get3A_291] : memref<12x32xf32, #tpu.memory_space<vmem>>, vector<12x32xf32>
    %dot_general3A_293 = arith.constant dense<0.000000e+00> : vector<256x32xf32>
    %dot_general3A_294 = tpu.matmul %get3A_289, %get3A_292, %dot_general3A_293 {dimension_numbers = #tpu.dot_dimension_numbers<[0], [0], [1], [1], [0, 1, 1, 1], [], []>, transpose_lhs_hint = false} : vector<12x256xf32>, vector<12x32xf32>, vector<256x32xf32> -> vector<256x32xf32>
    %swap3A_295 = arith.constant 0 : index
    %swap3A_296 = arith.constant 18 : index
    %swap3A_297 = arith.constant 0 : index
    %swap3A_298 = vector.load %arg8[%swap3A_295, %swap3A_296, %swap3A_297] : memref<256x32x32xf32, #tpu.memory_space<vmem>>, vector<256x1x32xf32>
    %swap3A_299 = vector.shape_cast %swap3A_298 : vector<256x1x32xf32> to vector<256x32xf32>
    %swap3A_300 = vector.shape_cast %dot_general3A_294 : vector<256x32xf32> to vector<256x1x32xf32>
    tpu.vector_store %arg8[%swap3A_295, %swap3A_296, %swap3A_297], %swap3A_300 {strides = array<i32>} : memref<256x32x32xf32, #tpu.memory_space<vmem>>, vector<256x1x32xf32>,
    %get3A_301 = arith.constant 19 : index
    %get3A_302 = arith.constant 0 : index
    %get3A_303 = arith.constant 0 : index
    %get3A_304 = vector.load %arg1[%get3A_301, %get3A_302, %get3A_303] : memref<32x12x256xf32, #tpu.memory_space<vmem>>, vector<1x12x256xf32>
    %get3A_305 = vector.shape_cast %get3A_304 : vector<1x12x256xf32> to vector<12x256xf32>
    %get3A_306 = arith.constant 0 : index
    %get3A_307 = arith.constant 0 : index
    %get3A_308 = vector.load %arg5[%get3A_306, %get3A_307] : memref<12x32xf32, #tpu.memory_space<vmem>>, vector<12x32xf32>
    %dot_general3A_309 = arith.constant dense<0.000000e+00> : vector<256x32xf32>
    %dot_general3A_310 = tpu.matmul %get3A_305, %get3A_308, %dot_general3A_309 {dimension_numbers = #tpu.dot_dimension_numbers<[0], [0], [1], [1], [0, 1, 1, 1], [], []>, transpose_lhs_hint = false} : vector<12x256xf32>, vector<12x32xf32>, vector<256x32xf32> -> vector<256x32xf32>
    %swap3A_311 = arith.constant 0 : index
    %swap3A_312 = arith.constant 19 : index
    %swap3A_313 = arith.constant 0 : index
    %swap3A_314 = vector.load %arg8[%swap3A_311, %swap3A_312, %swap3A_313] : memref<256x32x32xf32, #tpu.memory_space<vmem>>, vector<256x1x32xf32>
    %swap3A_315 = vector.shape_cast %swap3A_314 : vector<256x1x32xf32> to vector<256x32xf32>
    %swap3A_316 = vector.shape_cast %dot_general3A_310 : vector<256x32xf32> to vector<256x1x32xf32>
    tpu.vector_store %arg8[%swap3A_311, %swap3A_312, %swap3A_313], %swap3A_316 {strides = array<i32>} : memref<256x32x32xf32, #tpu.memory_space<vmem>>, vector<256x1x32xf32>,
    %get3A_317 = arith.constant 20 : index
    %get3A_318 = arith.constant 0 : index
    %get3A_319 = arith.constant 0 : index
    %get3A_320 = vector.load %arg1[%get3A_317, %get3A_318, %get3A_319] : memref<32x12x256xf32, #tpu.memory_space<vmem>>, vector<1x12x256xf32>
    %get3A_321 = vector.shape_cast %get3A_320 : vector<1x12x256xf32> to vector<12x256xf32>
    %get3A_322 = arith.constant 0 : index
    %get3A_323 = arith.constant 0 : index
    %get3A_324 = vector.load %arg5[%get3A_322, %get3A_323] : memref<12x32xf32, #tpu.memory_space<vmem>>, vector<12x32xf32>
    %dot_general3A_325 = arith.constant dense<0.000000e+00> : vector<256x32xf32>
    %dot_general3A_326 = tpu.matmul %get3A_321, %get3A_324, %dot_general3A_325 {dimension_numbers = #tpu.dot_dimension_numbers<[0], [0], [1], [1], [0, 1, 1, 1], [], []>, transpose_lhs_hint = false} : vector<12x256xf32>, vector<12x32xf32>, vector<256x32xf32> -> vector<256x32xf32>
    %swap3A_327 = arith.constant 0 : index
    %swap3A_328 = arith.constant 20 : index
    %swap3A_329 = arith.constant 0 : index
    %swap3A_330 = vector.load %arg8[%swap3A_327, %swap3A_328, %swap3A_329] : memref<256x32x32xf32, #tpu.memory_space<vmem>>, vector<256x1x32xf32>
    %swap3A_331 = vector.shape_cast %swap3A_330 : vector<256x1x32xf32> to vector<256x32xf32>
    %swap3A_332 = vector.shape_cast %dot_general3A_326 : vector<256x32xf32> to vector<256x1x32xf32>
    tpu.vector_store %arg8[%swap3A_327, %swap3A_328, %swap3A_329], %swap3A_332 {strides = array<i32>} : memref<256x32x32xf32, #tpu.memory_space<vmem>>, vector<256x1x32xf32>,
    %get3A_333 = arith.constant 21 : index
    %get3A_334 = arith.constant 0 : index
    %get3A_335 = arith.constant 0 : index
    %get3A_336 = vector.load %arg1[%get3A_333, %get3A_334, %get3A_335] : memref<32x12x256xf32, #tpu.memory_space<vmem>>, vector<1x12x256xf32>
    %get3A_337 = vector.shape_cast %get3A_336 : vector<1x12x256xf32> to vector<12x256xf32>
    %get3A_338 = arith.constant 0 : index
    %get3A_339 = arith.constant 0 : index
    %get3A_340 = vector.load %arg5[%get3A_338, %get3A_339] : memref<12x32xf32, #tpu.memory_space<vmem>>, vector<12x32xf32>
    %dot_general3A_341 = arith.constant dense<0.000000e+00> : vector<256x32xf32>
    %dot_general3A_342 = tpu.matmul %get3A_337, %get3A_340, %dot_general3A_341 {dimension_numbers = #tpu.dot_dimension_numbers<[0], [0], [1], [1], [0, 1, 1, 1], [], []>, transpose_lhs_hint = false} : vector<12x256xf32>, vector<12x32xf32>, vector<256x32xf32> -> vector<256x32xf32>
    %swap3A_343 = arith.constant 0 : index
    %swap3A_344 = arith.constant 21 : index
    %swap3A_345 = arith.constant 0 : index
    %swap3A_346 = vector.load %arg8[%swap3A_343, %swap3A_344, %swap3A_345] : memref<256x32x32xf32, #tpu.memory_space<vmem>>, vector<256x1x32xf32>
    %swap3A_347 = vector.shape_cast %swap3A_346 : vector<256x1x32xf32> to vector<256x32xf32>
    %swap3A_348 = vector.shape_cast %dot_general3A_342 : vector<256x32xf32> to vector<256x1x32xf32>
    tpu.vector_store %arg8[%swap3A_343, %swap3A_344, %swap3A_345], %swap3A_348 {strides = array<i32>} : memref<256x32x32xf32, #tpu.memory_space<vmem>>, vector<256x1x32xf32>,
    %get3A_349 = arith.constant 22 : index
    %get3A_350 = arith.constant 0 : index
    %get3A_351 = arith.constant 0 : index
    %get3A_352 = vector.load %arg1[%get3A_349, %get3A_350, %get3A_351] : memref<32x12x256xf32, #tpu.memory_space<vmem>>, vector<1x12x256xf32>
    %get3A_353 = vector.shape_cast %get3A_352 : vector<1x12x256xf32> to vector<12x256xf32>
    %get3A_354 = arith.constant 0 : index
    %get3A_355 = arith.constant 0 : index
    %get3A_356 = vector.load %arg5[%get3A_354, %get3A_355] : memref<12x32xf32, #tpu.memory_space<vmem>>, vector<12x32xf32>
    %dot_general3A_357 = arith.constant dense<0.000000e+00> : vector<256x32xf32>
    %dot_general3A_358 = tpu.matmul %get3A_353, %get3A_356, %dot_general3A_357 {dimension_numbers = #tpu.dot_dimension_numbers<[0], [0], [1], [1], [0, 1, 1, 1], [], []>, transpose_lhs_hint = false} : vector<12x256xf32>, vector<12x32xf32>, vector<256x32xf32> -> vector<256x32xf32>
    %swap3A_359 = arith.constant 0 : index
    %swap3A_360 = arith.constant 22 : index
    %swap3A_361 = arith.constant 0 : index
    %swap3A_362 = vector.load %arg8[%swap3A_359, %swap3A_360, %swap3A_361] : memref<256x32x32xf32, #tpu.memory_space<vmem>>, vector<256x1x32xf32>
    %swap3A_363 = vector.shape_cast %swap3A_362 : vector<256x1x32xf32> to vector<256x32xf32>
    %swap3A_364 = vector.shape_cast %dot_general3A_358 : vector<256x32xf32> to vector<256x1x32xf32>
    tpu.vector_store %arg8[%swap3A_359, %swap3A_360, %swap3A_361], %swap3A_364 {strides = array<i32>} : memref<256x32x32xf32, #tpu.memory_space<vmem>>, vector<256x1x32xf32>,
    %get3A_365 = arith.constant 23 : index
    %get3A_366 = arith.constant 0 : index
    %get3A_367 = arith.constant 0 : index
    %get3A_368 = vector.load %arg1[%get3A_365, %get3A_366, %get3A_367] : memref<32x12x256xf32, #tpu.memory_space<vmem>>, vector<1x12x256xf32>
    %get3A_369 = vector.shape_cast %get3A_368 : vector<1x12x256xf32> to vector<12x256xf32>
    %get3A_370 = arith.constant 0 : index
    %get3A_371 = arith.constant 0 : index
    %get3A_372 = vector.load %arg5[%get3A_370, %get3A_371] : memref<12x32xf32, #tpu.memory_space<vmem>>, vector<12x32xf32>
    %dot_general3A_373 = arith.constant dense<0.000000e+00> : vector<256x32xf32>
    %dot_general3A_374 = tpu.matmul %get3A_369, %get3A_372, %dot_general3A_373 {dimension_numbers = #tpu.dot_dimension_numbers<[0], [0], [1], [1], [0, 1, 1, 1], [], []>, transpose_lhs_hint = false} : vector<12x256xf32>, vector<12x32xf32>, vector<256x32xf32> -> vector<256x32xf32>
    %swap3A_375 = arith.constant 0 : index
    %swap3A_376 = arith.constant 23 : index
    %swap3A_377 = arith.constant 0 : index
    %swap3A_378 = vector.load %arg8[%swap3A_375, %swap3A_376, %swap3A_377] : memref<256x32x32xf32, #tpu.memory_space<vmem>>, vector<256x1x32xf32>
    %swap3A_379 = vector.shape_cast %swap3A_378 : vector<256x1x32xf32> to vector<256x32xf32>
    %swap3A_380 = vector.shape_cast %dot_general3A_374 : vector<256x32xf32> to vector<256x1x32xf32>
    tpu.vector_store %arg8[%swap3A_375, %swap3A_376, %swap3A_377], %swap3A_380 {strides = array<i32>} : memref<256x32x32xf32, #tpu.memory_space<vmem>>, vector<256x1x32xf32>,
    %get3A_381 = arith.constant 24 : index
    %get3A_382 = arith.constant 0 : index
    %get3A_383 = arith.constant 0 : index
    %get3A_384 = vector.load %arg1[%get3A_381, %get3A_382, %get3A_383] : memref<32x12x256xf32, #tpu.memory_space<vmem>>, vector<1x12x256xf32>
    %get3A_385 = vector.shape_cast %get3A_384 : vector<1x12x256xf32> to vector<12x256xf32>
    %get3A_386 = arith.constant 0 : index
    %get3A_387 = arith.constant 0 : index
    %get3A_388 = vector.load %arg5[%get3A_386, %get3A_387] : memref<12x32xf32, #tpu.memory_space<vmem>>, vector<12x32xf32>
    %dot_general3A_389 = arith.constant dense<0.000000e+00> : vector<256x32xf32>
    %dot_general3A_390 = tpu.matmul %get3A_385, %get3A_388, %dot_general3A_389 {dimension_numbers = #tpu.dot_dimension_numbers<[0], [0], [1], [1], [0, 1, 1, 1], [], []>, transpose_lhs_hint = false} : vector<12x256xf32>, vector<12x32xf32>, vector<256x32xf32> -> vector<256x32xf32>
    %swap3A_391 = arith.constant 0 : index
    %swap3A_392 = arith.constant 24 : index
    %swap3A_393 = arith.constant 0 : index
    %swap3A_394 = vector.load %arg8[%swap3A_391, %swap3A_392, %swap3A_393] : memref<256x32x32xf32, #tpu.memory_space<vmem>>, vector<256x1x32xf32>
    %swap3A_395 = vector.shape_cast %swap3A_394 : vector<256x1x32xf32> to vector<256x32xf32>
    %swap3A_396 = vector.shape_cast %dot_general3A_390 : vector<256x32xf32> to vector<256x1x32xf32>
    tpu.vector_store %arg8[%swap3A_391, %swap3A_392, %swap3A_393], %swap3A_396 {strides = array<i32>} : memref<256x32x32xf32, #tpu.memory_space<vmem>>, vector<256x1x32xf32>,
    %get3A_397 = arith.constant 25 : index
    %get3A_398 = arith.constant 0 : index
    %get3A_399 = arith.constant 0 : index
    %get3A_400 = vector.load %arg1[%get3A_397, %get3A_398, %get3A_399] : memref<32x12x256xf32, #tpu.memory_space<vmem>>, vector<1x12x256xf32>
    %get3A_401 = vector.shape_cast %get3A_400 : vector<1x12x256xf32> to vector<12x256xf32>
    %get3A_402 = arith.constant 0 : index
    %get3A_403 = arith.constant 0 : index
    %get3A_404 = vector.load %arg5[%get3A_402, %get3A_403] : memref<12x32xf32, #tpu.memory_space<vmem>>, vector<12x32xf32>
    %dot_general3A_405 = arith.constant dense<0.000000e+00> : vector<256x32xf32>
    %dot_general3A_406 = tpu.matmul %get3A_401, %get3A_404, %dot_general3A_405 {dimension_numbers = #tpu.dot_dimension_numbers<[0], [0], [1], [1], [0, 1, 1, 1], [], []>, transpose_lhs_hint = false} : vector<12x256xf32>, vector<12x32xf32>, vector<256x32xf32> -> vector<256x32xf32>
    %swap3A_407 = arith.constant 0 : index
    %swap3A_408 = arith.constant 25 : index
    %swap3A_409 = arith.constant 0 : index
    %swap3A_410 = vector.load %arg8[%swap3A_407, %swap3A_408, %swap3A_409] : memref<256x32x32xf32, #tpu.memory_space<vmem>>, vector<256x1x32xf32>
    %swap3A_411 = vector.shape_cast %swap3A_410 : vector<256x1x32xf32> to vector<256x32xf32>
    %swap3A_412 = vector.shape_cast %dot_general3A_406 : vector<256x32xf32> to vector<256x1x32xf32>
    tpu.vector_store %arg8[%swap3A_407, %swap3A_408, %swap3A_409], %swap3A_412 {strides = array<i32>} : memref<256x32x32xf32, #tpu.memory_space<vmem>>, vector<256x1x32xf32>,
    %get3A_413 = arith.constant 26 : index
    %get3A_414 = arith.constant 0 : index
    %get3A_415 = arith.constant 0 : index
    %get3A_416 = vector.load %arg1[%get3A_413, %get3A_414, %get3A_415] : memref<32x12x256xf32, #tpu.memory_space<vmem>>, vector<1x12x256xf32>
    %get3A_417 = vector.shape_cast %get3A_416 : vector<1x12x256xf32> to vector<12x256xf32>
    %get3A_418 = arith.constant 0 : index
    %get3A_419 = arith.constant 0 : index
    %get3A_420 = vector.load %arg5[%get3A_418, %get3A_419] : memref<12x32xf32, #tpu.memory_space<vmem>>, vector<12x32xf32>
    %dot_general3A_421 = arith.constant dense<0.000000e+00> : vector<256x32xf32>
    %dot_general3A_422 = tpu.matmul %get3A_417, %get3A_420, %dot_general3A_421 {dimension_numbers = #tpu.dot_dimension_numbers<[0], [0], [1], [1], [0, 1, 1, 1], [], []>, transpose_lhs_hint = false} : vector<12x256xf32>, vector<12x32xf32>, vector<256x32xf32> -> vector<256x32xf32>
    %swap3A_423 = arith.constant 0 : index
    %swap3A_424 = arith.constant 26 : index
    %swap3A_425 = arith.constant 0 : index
    %swap3A_426 = vector.load %arg8[%swap3A_423, %swap3A_424, %swap3A_425] : memref<256x32x32xf32, #tpu.memory_space<vmem>>, vector<256x1x32xf32>
    %swap3A_427 = vector.shape_cast %swap3A_426 : vector<256x1x32xf32> to vector<256x32xf32>
    %swap3A_428 = vector.shape_cast %dot_general3A_422 : vector<256x32xf32> to vector<256x1x32xf32>
    tpu.vector_store %arg8[%swap3A_423, %swap3A_424, %swap3A_425], %swap3A_428 {strides = array<i32>} : memref<256x32x32xf32, #tpu.memory_space<vmem>>, vector<256x1x32xf32>,
    %get3A_429 = arith.constant 27 : index
    %get3A_430 = arith.constant 0 : index
    %get3A_431 = arith.constant 0 : index
    %get3A_432 = vector.load %arg1[%get3A_429, %get3A_430, %get3A_431] : memref<32x12x256xf32, #tpu.memory_space<vmem>>, vector<1x12x256xf32>
    %get3A_433 = vector.shape_cast %get3A_432 : vector<1x12x256xf32> to vector<12x256xf32>
    %get3A_434 = arith.constant 0 : index
    %get3A_435 = arith.constant 0 : index
    %get3A_436 = vector.load %arg5[%get3A_434, %get3A_435] : memref<12x32xf32, #tpu.memory_space<vmem>>, vector<12x32xf32>
    %dot_general3A_437 = arith.constant dense<0.000000e+00> : vector<256x32xf32>
    %dot_general3A_438 = tpu.matmul %get3A_433, %get3A_436, %dot_general3A_437 {dimension_numbers = #tpu.dot_dimension_numbers<[0], [0], [1], [1], [0, 1, 1, 1], [], []>, transpose_lhs_hint = false} : vector<12x256xf32>, vector<12x32xf32>, vector<256x32xf32> -> vector<256x32xf32>
    %swap3A_439 = arith.constant 0 : index
    %swap3A_440 = arith.constant 27 : index
    %swap3A_441 = arith.constant 0 : index
    %swap3A_442 = vector.load %arg8[%swap3A_439, %swap3A_440, %swap3A_441] : memref<256x32x32xf32, #tpu.memory_space<vmem>>, vector<256x1x32xf32>
    %swap3A_443 = vector.shape_cast %swap3A_442 : vector<256x1x32xf32> to vector<256x32xf32>
    %swap3A_444 = vector.shape_cast %dot_general3A_438 : vector<256x32xf32> to vector<256x1x32xf32>
    tpu.vector_store %arg8[%swap3A_439, %swap3A_440, %swap3A_441], %swap3A_444 {strides = array<i32>} : memref<256x32x32xf32, #tpu.memory_space<vmem>>, vector<256x1x32xf32>,
    %get3A_445 = arith.constant 28 : index
    %get3A_446 = arith.constant 0 : index
    %get3A_447 = arith.constant 0 : index
    %get3A_448 = vector.load %arg1[%get3A_445, %get3A_446, %get3A_447] : memref<32x12x256xf32, #tpu.memory_space<vmem>>, vector<1x12x256xf32>
    %get3A_449 = vector.shape_cast %get3A_448 : vector<1x12x256xf32> to vector<12x256xf32>
    %get3A_450 = arith.constant 0 : index
    %get3A_451 = arith.constant 0 : index
    %get3A_452 = vector.load %arg5[%get3A_450, %get3A_451] : memref<12x32xf32, #tpu.memory_space<vmem>>, vector<12x32xf32>
    %dot_general3A_453 = arith.constant dense<0.000000e+00> : vector<256x32xf32>
    %dot_general3A_454 = tpu.matmul %get3A_449, %get3A_452, %dot_general3A_453 {dimension_numbers = #tpu.dot_dimension_numbers<[0], [0], [1], [1], [0, 1, 1, 1], [], []>, transpose_lhs_hint = false} : vector<12x256xf32>, vector<12x32xf32>, vector<256x32xf32> -> vector<256x32xf32>
    %swap3A_455 = arith.constant 0 : index
    %swap3A_456 = arith.constant 28 : index
    %swap3A_457 = arith.constant 0 : index
    %swap3A_458 = vector.load %arg8[%swap3A_455, %swap3A_456, %swap3A_457] : memref<256x32x32xf32, #tpu.memory_space<vmem>>, vector<256x1x32xf32>
    %swap3A_459 = vector.shape_cast %swap3A_458 : vector<256x1x32xf32> to vector<256x32xf32>
    %swap3A_460 = vector.shape_cast %dot_general3A_454 : vector<256x32xf32> to vector<256x1x32xf32>
    tpu.vector_store %arg8[%swap3A_455, %swap3A_456, %swap3A_457], %swap3A_460 {strides = array<i32>} : memref<256x32x32xf32, #tpu.memory_space<vmem>>, vector<256x1x32xf32>,
    %get3A_461 = arith.constant 29 : index
    %get3A_462 = arith.constant 0 : index
    %get3A_463 = arith.constant 0 : index
    %get3A_464 = vector.load %arg1[%get3A_461, %get3A_462, %get3A_463] : memref<32x12x256xf32, #tpu.memory_space<vmem>>, vector<1x12x256xf32>
    %get3A_465 = vector.shape_cast %get3A_464 : vector<1x12x256xf32> to vector<12x256xf32>
    %get3A_466 = arith.constant 0 : index
    %get3A_467 = arith.constant 0 : index
    %get3A_468 = vector.load %arg5[%get3A_466, %get3A_467] : memref<12x32xf32, #tpu.memory_space<vmem>>, vector<12x32xf32>
    %dot_general3A_469 = arith.constant dense<0.000000e+00> : vector<256x32xf32>
    %dot_general3A_470 = tpu.matmul %get3A_465, %get3A_468, %dot_general3A_469 {dimension_numbers = #tpu.dot_dimension_numbers<[0], [0], [1], [1], [0, 1, 1, 1], [], []>, transpose_lhs_hint = false} : vector<12x256xf32>, vector<12x32xf32>, vector<256x32xf32> -> vector<256x32xf32>
    %swap3A_471 = arith.constant 0 : index
    %swap3A_472 = arith.constant 29 : index
    %swap3A_473 = arith.constant 0 : index
    %swap3A_474 = vector.load %arg8[%swap3A_471, %swap3A_472, %swap3A_473] : memref<256x32x32xf32, #tpu.memory_space<vmem>>, vector<256x1x32xf32>
    %swap3A_475 = vector.shape_cast %swap3A_474 : vector<256x1x32xf32> to vector<256x32xf32>
    %swap3A_476 = vector.shape_cast %dot_general3A_470 : vector<256x32xf32> to vector<256x1x32xf32>
    tpu.vector_store %arg8[%swap3A_471, %swap3A_472, %swap3A_473], %swap3A_476 {strides = array<i32>} : memref<256x32x32xf32, #tpu.memory_space<vmem>>, vector<256x1x32xf32>,
    %get3A_477 = arith.constant 30 : index
    %get3A_478 = arith.constant 0 : index
    %get3A_479 = arith.constant 0 : index
    %get3A_480 = vector.load %arg1[%get3A_477, %get3A_478, %get3A_479] : memref<32x12x256xf32, #tpu.memory_space<vmem>>, vector<1x12x256xf32>
    %get3A_481 = vector.shape_cast %get3A_480 : vector<1x12x256xf32> to vector<12x256xf32>
    %get3A_482 = arith.constant 0 : index
    %get3A_483 = arith.constant 0 : index
    %get3A_484 = vector.load %arg5[%get3A_482, %get3A_483] : memref<12x32xf32, #tpu.memory_space<vmem>>, vector<12x32xf32>
    %dot_general3A_485 = arith.constant dense<0.000000e+00> : vector<256x32xf32>
    %dot_general3A_486 = tpu.matmul %get3A_481, %get3A_484, %dot_general3A_485 {dimension_numbers = #tpu.dot_dimension_numbers<[0], [0], [1], [1], [0, 1, 1, 1], [], []>, transpose_lhs_hint = false} : vector<12x256xf32>, vector<12x32xf32>, vector<256x32xf32> -> vector<256x32xf32>
    %swap3A_487 = arith.constant 0 : index
    %swap3A_488 = arith.constant 30 : index
    %swap3A_489 = arith.constant 0 : index
    %swap3A_490 = vector.load %arg8[%swap3A_487, %swap3A_488, %swap3A_489] : memref<256x32x32xf32, #tpu.memory_space<vmem>>, vector<256x1x32xf32>
    %swap3A_491 = vector.shape_cast %swap3A_490 : vector<256x1x32xf32> to vector<256x32xf32>
    %swap3A_492 = vector.shape_cast %dot_general3A_486 : vector<256x32xf32> to vector<256x1x32xf32>
    tpu.vector_store %arg8[%swap3A_487, %swap3A_488, %swap3A_489], %swap3A_492 {strides = array<i32>} : memref<256x32x32xf32, #tpu.memory_space<vmem>>, vector<256x1x32xf32>,
    %get3A_493 = arith.constant 31 : index
    %get3A_494 = arith.constant 0 : index
    %get3A_495 = arith.constant 0 : index
    %get3A_496 = vector.load %arg1[%get3A_493, %get3A_494, %get3A_495] : memref<32x12x256xf32, #tpu.memory_space<vmem>>, vector<1x12x256xf32>
    %get3A_497 = vector.shape_cast %get3A_496 : vector<1x12x256xf32> to vector<12x256xf32>
    %get3A_498 = arith.constant 0 : index
    %get3A_499 = arith.constant 0 : index
    %get3A_500 = vector.load %arg5[%get3A_498, %get3A_499] : memref<12x32xf32, #tpu.memory_space<vmem>>, vector<12x32xf32>
    %dot_general3A_501 = arith.constant dense<0.000000e+00> : vector<256x32xf32>
    %dot_general3A_502 = tpu.matmul %get3A_497, %get3A_500, %dot_general3A_501 {dimension_numbers = #tpu.dot_dimension_numbers<[0], [0], [1], [1], [0, 1, 1, 1], [], []>, transpose_lhs_hint = false} : vector<12x256xf32>, vector<12x32xf32>, vector<256x32xf32> -> vector<256x32xf32>
    %swap3A_503 = arith.constant 0 : index
    %swap3A_504 = arith.constant 31 : index
    %swap3A_505 = arith.constant 0 : index
    %swap3A_506 = vector.load %arg8[%swap3A_503, %swap3A_504, %swap3A_505] : memref<256x32x32xf32, #tpu.memory_space<vmem>>, vector<256x1x32xf32>
    %swap3A_507 = vector.shape_cast %swap3A_506 : vector<256x1x32xf32> to vector<256x32xf32>
    %swap3A_508 = vector.shape_cast %dot_general3A_502 : vector<256x32xf32> to vector<256x1x32xf32>
    tpu.vector_store %arg8[%swap3A_503, %swap3A_504, %swap3A_505], %swap3A_508 {strides = array<i32>} : memref<256x32x32xf32, #tpu.memory_space<vmem>>, vector<256x1x32xf32>,
    %get3A_509 = arith.constant 0 : index
    %get3A_510 = arith.constant 0 : index
    %get3A_511 = arith.constant 0 : index
    %get3A_512 = vector.load %arg8[%get3A_509, %get3A_510, %get3A_511] : memref<256x32x32xf32, #tpu.memory_space<vmem>>, vector<256x32x32xf32>
    %reshape3A = vector.shape_cast %get3A_512 : vector<256x32x32xf32> to vector<8192x32xf32>
    %get3A_513 = arith.constant 0 : index
    %get3A_514 = arith.constant 0 : index
    %get3A_515 = vector.load %arg4[%get3A_513, %get3A_514] : memref<256x32xf32, #tpu.memory_space<vmem>>, vector<256x32xf32>
    %broadcast_in_dim3A = vector.shape_cast %get3A_515 : vector<256x32xf32> to vector<256x1x32xf32>
    %broadcast_in_dim3A_516 = vector.shape_cast %broadcast_in_dim3A : vector<256x1x32xf32> to vector<256x1x32xf32>
    %broadcast_in_dim3A_517 = vector.broadcast %broadcast_in_dim3A_516 : vector<256x1x32xf32> to vector<256x32x32xf32>
    %reshape3A_518 = vector.shape_cast %broadcast_in_dim3A_517 : vector<256x32x32xf32> to vector<8192x32xf32>
    %get3A_519 = arith.constant 0 : index
    %get3A_520 = arith.constant 0 : index
    %get3A_521 = vector.load %arg6[%get3A_519, %get3A_520] : memref<128x32xf32, #tpu.memory_space<vmem>>, vector<32x32xf32>
    %dot_general3A_522 = arith.constant dense<0.000000e+00> : vector<8192x32xf32>
    %dot_general3A_523 = tpu.matmul %reshape3A, %get3A_521, %dot_general3A_522 {dimension_numbers = #tpu.dot_dimension_numbers<[1], [0], [0], [1], [0, 0, 1, 1], [], []>, transpose_lhs_hint = false} : vector<8192x32xf32>, vector<32x32xf32>, vector<8192x32xf32> -> vector<8192x32xf32>
    %get3A_524 = arith.constant 32 : index
    %get3A_525 = arith.constant 0 : index
    %get3A_526 = vector.load %arg6[%get3A_524, %get3A_525] : memref<128x32xf32, #tpu.memory_space<vmem>>, vector<32x32xf32>
    %dot_general3A_527 = arith.constant dense<0.000000e+00> : vector<8192x32xf32>
    %dot_general3A_528 = tpu.matmul %reshape3A_518, %get3A_526, %dot_general3A_527 {dimension_numbers = #tpu.dot_dimension_numbers<[1], [0], [0], [1], [0, 0, 1, 1], [], []>, transpose_lhs_hint = false} : vector<8192x32xf32>, vector<32x32xf32>, vector<8192x32xf32> -> vector<8192x32xf32>
    %add3A = arith.addf %dot_general3A_523, %dot_general3A_528 : vector<8192x32xf32>
    %get3A_529 = arith.constant 0 : index
    %get3A_530 = arith.constant 0 : index
    %get3A_531 = vector.load %arg2[%get3A_529, %get3A_530] : memref<8192x32xf32, #tpu.memory_space<vmem>>, vector<8192x32xf32>
    %get3A_532 = arith.constant 64 : index
    %get3A_533 = arith.constant 0 : index
    %get3A_534 = vector.load %arg6[%get3A_532, %get3A_533] : memref<128x32xf32, #tpu.memory_space<vmem>>, vector<32x32xf32>
    %dot_general3A_535 = arith.constant dense<0.000000e+00> : vector<8192x32xf32>
    %dot_general3A_536 = tpu.matmul %get3A_531, %get3A_534, %dot_general3A_535 {dimension_numbers = #tpu.dot_dimension_numbers<[1], [0], [0], [1], [0, 0, 1, 1], [], []>, transpose_lhs_hint = false} : vector<8192x32xf32>, vector<32x32xf32>, vector<8192x32xf32> -> vector<8192x32xf32>
    %add3A_537 = arith.addf %add3A, %dot_general3A_536 : vector<8192x32xf32>
    %get3A_538 = arith.constant 0 : index
    %get3A_539 = arith.constant 0 : index
    %get3A_540 = vector.load %arg3[%get3A_538, %get3A_539] : memref<8192x32xf32, #tpu.memory_space<vmem>>, vector<8192x32xf32>
    %get3A_541 = arith.constant 96 : index
    %get3A_542 = arith.constant 0 : index
    %get3A_543 = vector.load %arg6[%get3A_541, %get3A_542] : memref<128x32xf32, #tpu.memory_space<vmem>>, vector<32x32xf32>
    %dot_general3A_544 = arith.constant dense<0.000000e+00> : vector<8192x32xf32>
    %dot_general3A_545 = tpu.matmul %get3A_540, %get3A_543, %dot_general3A_544 {dimension_numbers = #tpu.dot_dimension_numbers<[1], [0], [0], [1], [0, 0, 1, 1], [], []>, transpose_lhs_hint = false} : vector<8192x32xf32>, vector<32x32xf32>, vector<8192x32xf32> -> vector<8192x32xf32>
    %add3A_546 = arith.addf %add3A_537, %dot_general3A_545 : vector<8192x32xf32>
    %convert_element_type3A = arith.truncf %add3A_546 : vector<8192x32xf32> to vector<8192x32xbf16>
    %swap3A_547 = arith.constant 0 : index
    %swap3A_548 = arith.constant 0 : index
    %swap3A_549 = vector.load %arg7[%swap3A_547, %swap3A_548] : memref<8192x32xbf16, #tpu.memory_space<vmem>>, vector<8192x32xbf16>
    tpu.vector_store %arg7[%swap3A_547, %swap3A_548], %convert_element_type3A {strides = array<i32>} : memref<8192x32xbf16, #tpu.memory_space<vmem>>, vector<8192x32xbf16>,
    return
  }
  func.func @transform_0(%arg0: i32) -> (i32, i32, i32) {
    %c0_i32 = arith.constant 0 : i32
    %c0_i32_0 = arith.constant 0 : i32
    %c0_i32_1 = arith.constant 0 : i32
    return %c0_i32, %c0_i32_0, %arg0 : i32, i32, i32
  }
  func.func @transform_1(%arg0: i32) -> (i32, i32) {
    %c0_i32 = arith.constant 0 : i32
    %c0_i32_0 = arith.constant 0 : i32
    return %arg0, %c0_i32 : i32, i32
  }
  func.func @transform_2(%arg0: i32) -> (i32, i32) {
    %c0_i32 = arith.constant 0 : i32
    %c0_i32_0 = arith.constant 0 : i32
    return %arg0, %c0_i32 : i32, i32
  }
  func.func @transform_3(%arg0: i32) -> (i32, i32) {
    %c0_i32 = arith.constant 0 : i32
    %c0_i32_0 = arith.constant 0 : i32
    return %arg0, %c0_i32 : i32, i32
  }
  func.func @transform_4(%arg0: i32) -> (i32, i32) {
    %c0_i32 = arith.constant 0 : i32
    %c0_i32_0 = arith.constant 0 : i32
    %c0_i32_1 = arith.constant 0 : i32
    return %c0_i32, %c0_i32_0 : i32, i32
  }
  func.func @transform_5(%arg0: i32) -> (i32, i32) {
    %c0_i32 = arith.constant 0 : i32
    %c0_i32_0 = arith.constant 0 : i32
    %c0_i32_1 = arith.constant 0 : i32
    return %c0_i32, %c0_i32_0 : i32, i32
  }
  func.func @transform_6(%arg0: i32) -> (i32, i32) {
    %c0_i32 = arith.constant 0 : i32
    %c0_i32_0 = arith.constant 0 : i32
    return %arg0, %c0_i32 : i32, i32
  }
}

module attributes {stable_mosaic.version = 14 : i64} {
  func.func @adjprop_body(%arg0: i32, %arg1: memref<256x32xf32, #tpu.memory_space<vmem>>, %arg2: memref<2048x32xf32, #tpu.memory_space<vmem>>, %arg3: memref<2048x1024xbf16, #tpu.memory_space<vmem>>, %arg4: memref<2xf32, #tpu.memory_space<smem>>, %arg5: memref<256x1024xbf16, #tpu.memory_space<vmem>>, %arg6: memref<2048x2048xbf16, #tpu.memory_space<vmem>>, %arg7: memref<2048x1024xbf16, #tpu.memory_space<vmem>>) attributes {dimension_semantics = [#tpu.dimension_semantics<arbitrary>], iteration_bounds = array<i64: 24>, scalar_prefetch = 0 : i64, scratch_operands = 2 : i64, tpu.core_type = #tpu.core_type<tc>, window_params = [{transform_indices = @transform_0, window_bounds = array<i64: 256, 32>}, {pipeline_mode = #tpu.pipeline_mode<synchronous>, transform_indices = @transform_1, window_bounds = array<i64: 2048, 32>}, {pipeline_mode = #tpu.pipeline_mode<synchronous>, transform_indices = @transform_2, window_bounds = array<i64: 2048, 1024>}, {transform_indices = @transform_3, window_bounds = array<i64: 2>}, {transform_indices = @transform_4, window_bounds = array<i64: 256, 1024>}]} {
    %jit3A = arith.constant 8 : i32
    %div3A = arith.divsi %arg0, %jit3A : i32
    %sign3A = arith.constant 0 : i32
    %sign3A_0 = arith.cmpi sgt, %arg0, %sign3A : i32
    %sign3A_1 = arith.extui %sign3A_0 : i1 to i32
    %sign3A_2 = arith.constant 0 : i32
    %sign3A_3 = arith.cmpi slt, %arg0, %sign3A_2 : i32
    %sign3A_4 = arith.extui %sign3A_3 : i1 to i32
    %sign3A_5 = arith.subi %sign3A_1, %sign3A_4 : i32
    %sign3A_6 = arith.constant 0 : i32
    %sign3A_7 = arith.cmpi sgt, %jit3A, %sign3A_6 : i32
    %sign3A_8 = arith.extui %sign3A_7 : i1 to i32
    %sign3A_9 = arith.constant 0 : i32
    %sign3A_10 = arith.cmpi slt, %jit3A, %sign3A_9 : i32
    %sign3A_11 = arith.extui %sign3A_10 : i1 to i32
    %sign3A_12 = arith.subi %sign3A_8, %sign3A_11 : i32
    %ne3A = arith.cmpi ne, %sign3A_5, %sign3A_12 : i32
    %rem3A = arith.remsi %arg0, %jit3A : i32
    %ne3A_13 = arith.constant 0 : i32
    %ne3A_14 = arith.cmpi ne, %rem3A, %ne3A_13 : i32
    %and3A = arith.andi %ne3A, %ne3A_14 : i1
    %sub3A = arith.constant 1 : i32
    %sub3A_15 = arith.subi %div3A, %sub3A : i32
    %select_n3A = arith.select %and3A, %sub3A_15, %div3A : i32
    %rem3A_16 = arith.constant 8 : i32
    %rem3A_17 = arith.remsi %arg0, %rem3A_16 : i32
    %mul3A = arith.constant 256 : i32
    %mul3A_18 = arith.muli %rem3A_17, %mul3A : i32
    %eq3A = arith.constant 0 : i32
    %eq3A_19 = arith.cmpi eq, %select_n3A, %eq3A : i32
    %convert_element_type3A = arith.extui %eq3A_19 : i1 to i32
    %cond3A = arith.constant 0 : i32
    %cond3A_20 = arith.cmpi ne, %convert_element_type3A, %cond3A : i32
    scf.if %cond3A_20 {
      %get3A = arith.constant 0 : index
      %get3A_31 = arith.constant 0 : index
      %get3A_32 = vector.load %arg1[%get3A, %get3A_31] : memref<256x32xf32, #tpu.memory_space<vmem>>, vector<256x32xf32>
      %get3A_33 = arith.constant 0 : index
      %get3A_34 = arith.constant 0 : index
      %get3A_35 = vector.load %arg2[%get3A_33, %get3A_34] : memref<2048x32xf32, #tpu.memory_space<vmem>>, vector<2048x32xf32>
      %dot_general3A = arith.constant dense<0.000000e+00> : vector<256x2048xf32>
      %dot_general3A_36 = tpu.matmul %get3A_32, %get3A_35, %dot_general3A {dimension_numbers = #tpu.dot_dimension_numbers<[1], [1], [0], [0], [0, 0, 1, 0], [], []>, transpose_lhs_hint = false} : vector<256x32xf32>, vector<2048x32xf32>, vector<256x2048xf32> -> vector<256x2048xf32>
      %max3A = arith.constant 0.000000e+00 : f32
      %max3A_37 = vector.broadcast %max3A : f32 to vector<256x2048xf32>
      %max3A_38 = arith.maximumf %dot_general3A_36, %max3A_37 : vector<256x2048xf32>
      %reduce_max3A = arith.constant dense<0xFF800000> : vector<256xf32>
      %reduce_max3A_39 = vector.multi_reduction <maximumf>, %max3A_38, %reduce_max3A [1] : vector<256x2048xf32> to vector<256xf32>
      %broadcast_in_dim3A = vector.shape_cast %reduce_max3A_39 : vector<256xf32> to vector<256x1xf32>
      %sub3A_40 = vector.broadcast %broadcast_in_dim3A : vector<256x1xf32> to vector<256x2048xf32>
      %sub3A_41 = arith.subf %max3A_38, %sub3A_40 : vector<256x2048xf32>
      %exp3A = math.exp %sub3A_41 : vector<256x2048xf32>
      %reduce_sum3A = arith.constant dense<0.000000e+00> : vector<256xf32>
      %reduce_sum3A_42 = vector.multi_reduction <add>, %exp3A, %reduce_sum3A [1] : vector<256x2048xf32> to vector<256xf32>
      %broadcast_in_dim3A_43 = vector.shape_cast %reduce_sum3A_42 : vector<256xf32> to vector<256x1xf32>
      %div3A_44 = vector.broadcast %broadcast_in_dim3A_43 : vector<256x1xf32> to vector<256x2048xf32>
      %div3A_45 = arith.divf %exp3A, %div3A_44 : vector<256x2048xf32>
      %convert_element_type3A_46 = arith.truncf %div3A_45 : vector<256x2048xf32> to vector<256x2048xbf16>
      %swap3A = arith.index_cast %mul3A_18 : i32 to index
      %swap3A_47 = arith.constant 0 : index
      %swap3A_48 = vector.load %arg6[%swap3A, %swap3A_47] : memref<2048x2048xbf16, #tpu.memory_space<vmem>>, vector<256x2048xbf16>
      tpu.vector_store %arg6[%swap3A, %swap3A_47], %convert_element_type3A_46 {strides = array<i32>} : memref<2048x2048xbf16, #tpu.memory_space<vmem>>, vector<256x2048xbf16>,
      %get3A_49 = arith.index_cast %mul3A_18 : i32 to index
      %get3A_50 = arith.constant 0 : index
      %get3A_51 = vector.load %arg3[%get3A_49, %get3A_50] : memref<2048x1024xbf16, #tpu.memory_space<vmem>>, vector<256x1024xbf16>
      %swap3A_52 = arith.constant 0 : index
      %swap3A_53 = arith.constant 0 : index
      %swap3A_54 = vector.load %arg5[%swap3A_52, %swap3A_53] : memref<256x1024xbf16, #tpu.memory_space<vmem>>, vector<256x1024xbf16>
      tpu.vector_store %arg5[%swap3A_52, %swap3A_53], %get3A_51 {strides = array<i32>} : memref<256x1024xbf16, #tpu.memory_space<vmem>>, vector<256x1024xbf16>,
    } else {
    }
    %eq3A_21 = arith.constant 1 : i32
    %eq3A_22 = arith.cmpi eq, %select_n3A, %eq3A_21 : i32
    %convert_element_type3A_23 = arith.extui %eq3A_22 : i1 to i32
    %cond3A_24 = arith.constant 0 : i32
    %cond3A_25 = arith.cmpi ne, %convert_element_type3A_23, %cond3A_24 : i32
    scf.if %cond3A_25 {
      %get3A = arith.index_cast %mul3A_18 : i32 to index
      %get3A_31 = arith.constant 0 : index
      %get3A_32 = vector.load %arg6[%get3A, %get3A_31] : memref<2048x2048xbf16, #tpu.memory_space<vmem>>, vector<256x2048xbf16>
      %get3A_33 = arith.constant 0 : index
      %get3A_34 = arith.constant 0 : index
      %get3A_35 = vector.load %arg3[%get3A_33, %get3A_34] : memref<2048x1024xbf16, #tpu.memory_space<vmem>>, vector<2048x1024xbf16>
      %dot_general3A = arith.constant dense<0.000000e+00> : vector<256x1024xf32>
      %dot_general3A_36 = tpu.matmul %get3A_32, %get3A_35, %dot_general3A {dimension_numbers = #tpu.dot_dimension_numbers<[1], [0], [0], [1], [0, 0, 1, 1], [], []>, transpose_lhs_hint = false} : vector<256x2048xbf16>, vector<2048x1024xbf16>, vector<256x1024xf32> -> vector<256x1024xf32>
      %get3A_37 = arith.constant 0 : index
      %get3A_38 = memref.load %arg4[%get3A_37] : memref<2xf32, #tpu.memory_space<smem>>
      %get3A_39 = arith.index_cast %mul3A_18 : i32 to index
      %get3A_40 = arith.constant 0 : index
      %get3A_41 = vector.load %arg3[%get3A_39, %get3A_40] : memref<2048x1024xbf16, #tpu.memory_space<vmem>>, vector<256x1024xbf16>
      %convert_element_type3A_42 = arith.extf %get3A_41 : vector<256x1024xbf16> to vector<256x1024xf32>
      %mul3A_43 = vector.broadcast %get3A_38 : f32 to vector<256x1024xf32>
      %mul3A_44 = arith.mulf %mul3A_43, %convert_element_type3A_42 : vector<256x1024xf32>
      %sub3A_45 = arith.constant 1.000000e+00 : f32
      %sub3A_46 = arith.subf %sub3A_45, %get3A_38 : f32
      %mul3A_47 = vector.broadcast %sub3A_46 : f32 to vector<256x1024xf32>
      %mul3A_48 = arith.mulf %mul3A_47, %dot_general3A_36 : vector<256x1024xf32>
      %add3A = arith.addf %mul3A_44, %mul3A_48 : vector<256x1024xf32>
      %convert_element_type3A_49 = arith.truncf %add3A : vector<256x1024xf32> to vector<256x1024xbf16>
      %swap3A = arith.index_cast %mul3A_18 : i32 to index
      %swap3A_50 = arith.constant 0 : index
      %swap3A_51 = vector.load %arg7[%swap3A, %swap3A_50] : memref<2048x1024xbf16, #tpu.memory_space<vmem>>, vector<256x1024xbf16>
      tpu.vector_store %arg7[%swap3A, %swap3A_50], %convert_element_type3A_49 {strides = array<i32>} : memref<2048x1024xbf16, #tpu.memory_space<vmem>>, vector<256x1024xbf16>,
      %convert_element_type3A_52 = arith.truncf %add3A : vector<256x1024xf32> to vector<256x1024xbf16>
      %swap3A_53 = arith.constant 0 : index
      %swap3A_54 = arith.constant 0 : index
      %swap3A_55 = vector.load %arg5[%swap3A_53, %swap3A_54] : memref<256x1024xbf16, #tpu.memory_space<vmem>>, vector<256x1024xbf16>
      tpu.vector_store %arg5[%swap3A_53, %swap3A_54], %convert_element_type3A_52 {strides = array<i32>} : memref<256x1024xbf16, #tpu.memory_space<vmem>>, vector<256x1024xbf16>,
    } else {
    }
    %eq3A_26 = arith.constant 2 : i32
    %eq3A_27 = arith.cmpi eq, %select_n3A, %eq3A_26 : i32
    %convert_element_type3A_28 = arith.extui %eq3A_27 : i1 to i32
    %cond3A_29 = arith.constant 0 : i32
    %cond3A_30 = arith.cmpi ne, %convert_element_type3A_28, %cond3A_29 : i32
    scf.if %cond3A_30 {
      %get3A = arith.index_cast %mul3A_18 : i32 to index
      %get3A_31 = arith.constant 0 : index
      %get3A_32 = vector.load %arg6[%get3A, %get3A_31] : memref<2048x2048xbf16, #tpu.memory_space<vmem>>, vector<256x2048xbf16>
      %get3A_33 = arith.constant 0 : index
      %get3A_34 = arith.constant 0 : index
      %get3A_35 = vector.load %arg7[%get3A_33, %get3A_34] : memref<2048x1024xbf16, #tpu.memory_space<vmem>>, vector<2048x1024xbf16>
      %dot_general3A = arith.constant dense<0.000000e+00> : vector<256x1024xf32>
      %dot_general3A_36 = tpu.matmul %get3A_32, %get3A_35, %dot_general3A {dimension_numbers = #tpu.dot_dimension_numbers<[1], [0], [0], [1], [0, 0, 1, 1], [], []>, transpose_lhs_hint = false} : vector<256x2048xbf16>, vector<2048x1024xbf16>, vector<256x1024xf32> -> vector<256x1024xf32>
      %get3A_37 = arith.constant 1 : index
      %get3A_38 = memref.load %arg4[%get3A_37] : memref<2xf32, #tpu.memory_space<smem>>
      %get3A_39 = arith.index_cast %mul3A_18 : i32 to index
      %get3A_40 = arith.constant 0 : index
      %get3A_41 = vector.load %arg3[%get3A_39, %get3A_40] : memref<2048x1024xbf16, #tpu.memory_space<vmem>>, vector<256x1024xbf16>
      %convert_element_type3A_42 = arith.extf %get3A_41 : vector<256x1024xbf16> to vector<256x1024xf32>
      %mul3A_43 = vector.broadcast %get3A_38 : f32 to vector<256x1024xf32>
      %mul3A_44 = arith.mulf %mul3A_43, %convert_element_type3A_42 : vector<256x1024xf32>
      %sub3A_45 = arith.constant 1.000000e+00 : f32
      %sub3A_46 = arith.subf %sub3A_45, %get3A_38 : f32
      %mul3A_47 = vector.broadcast %sub3A_46 : f32 to vector<256x1024xf32>
      %mul3A_48 = arith.mulf %mul3A_47, %dot_general3A_36 : vector<256x1024xf32>
      %add3A = arith.addf %mul3A_44, %mul3A_48 : vector<256x1024xf32>
      %convert_element_type3A_49 = arith.truncf %add3A : vector<256x1024xf32> to vector<256x1024xbf16>
      %swap3A = arith.constant 0 : index
      %swap3A_50 = arith.constant 0 : index
      %swap3A_51 = vector.load %arg5[%swap3A, %swap3A_50] : memref<256x1024xbf16, #tpu.memory_space<vmem>>, vector<256x1024xbf16>
      tpu.vector_store %arg5[%swap3A, %swap3A_50], %convert_element_type3A_49 {strides = array<i32>} : memref<256x1024xbf16, #tpu.memory_space<vmem>>, vector<256x1024xbf16>,
    } else {
    }
    return
  }
  func.func @transform_0(%arg0: i32) -> (i32, i32) {
    %jit3A = arith.constant 8 : i32
    %eq3A = arith.constant 0 : i32
    %eq3A_0 = arith.cmpi eq, %jit3A, %eq3A : i32
    %jit3A_1 = arith.constant 1 : i32
    %select_n3A = arith.select %eq3A_0, %jit3A_1, %jit3A : i32
    %rem3A = arith.remsi %arg0, %select_n3A : i32
    %ne3A = arith.constant 0 : i32
    %ne3A_2 = arith.cmpi ne, %rem3A, %ne3A : i32
    %lt3A = arith.constant 0 : i32
    %lt3A_3 = arith.cmpi slt, %rem3A, %lt3A : i32
    %lt3A_4 = arith.constant 0 : i32
    %lt3A_5 = arith.cmpi slt, %select_n3A, %lt3A_4 : i32
    %ne3A_6 = arith.xori %lt3A_3, %lt3A_5 : i1
    %and3A = arith.andi %ne3A_6, %ne3A_2 : i1
    %add3A = arith.addi %rem3A, %select_n3A : i32
    %select_n3A_7 = arith.select %and3A, %add3A, %rem3A : i32
    %c0_i32 = arith.constant 0 : i32
    %c0_i32_8 = arith.constant 0 : i32
    return %select_n3A_7, %c0_i32 : i32, i32
  }
  func.func @transform_1(%arg0: i32) -> (i32, i32) {
    %c0_i32 = arith.constant 0 : i32
    %c0_i32_0 = arith.constant 0 : i32
    %c0_i32_1 = arith.constant 0 : i32
    return %c0_i32, %c0_i32_0 : i32, i32
  }
  func.func @transform_2(%arg0: i32) -> (i32, i32) {
    %c0_i32 = arith.constant 0 : i32
    %c0_i32_0 = arith.constant 0 : i32
    %c0_i32_1 = arith.constant 0 : i32
    return %c0_i32, %c0_i32_0 : i32, i32
  }
  func.func @transform_3(%arg0: i32) -> i32 {
    %c0_i32 = arith.constant 0 : i32
    %c0_i32_0 = arith.constant 0 : i32
    return %c0_i32 : i32
  }
  func.func @transform_4(%arg0: i32) -> (i32, i32) {
    %jit3A = arith.constant 8 : i32
    %eq3A = arith.constant 0 : i32
    %eq3A_0 = arith.cmpi eq, %jit3A, %eq3A : i32
    %jit3A_1 = arith.constant 1 : i32
    %select_n3A = arith.select %eq3A_0, %jit3A_1, %jit3A : i32
    %rem3A = arith.remsi %arg0, %select_n3A : i32
    %ne3A = arith.constant 0 : i32
    %ne3A_2 = arith.cmpi ne, %rem3A, %ne3A : i32
    %lt3A = arith.constant 0 : i32
    %lt3A_3 = arith.cmpi slt, %rem3A, %lt3A : i32
    %lt3A_4 = arith.constant 0 : i32
    %lt3A_5 = arith.cmpi slt, %select_n3A, %lt3A_4 : i32
    %ne3A_6 = arith.xori %lt3A_3, %lt3A_5 : i1
    %and3A = arith.andi %ne3A_6, %ne3A_2 : i1
    %add3A = arith.addi %rem3A, %select_n3A : i32
    %select_n3A_7 = arith.select %and3A, %add3A, %rem3A : i32
    %c0_i32 = arith.constant 0 : i32
    %c0_i32_8 = arith.constant 0 : i32
    return %select_n3A_7, %c0_i32 : i32, i32
  }
}

module attributes {stable_mosaic.version = 14 : i64} {
  func.func @mlp_body(%arg0: i32, %arg1: memref<32x12x256xf32, #tpu.memory_space<vmem>>, %arg2: memref<8192x32xf32, #tpu.memory_space<vmem>>, %arg3: memref<8192x32xf32, #tpu.memory_space<vmem>>, %arg4: memref<256x32xf32, #tpu.memory_space<vmem>>, %arg5: memref<8192x32xbf16, #tpu.memory_space<vmem>>, %arg6: memref<12x32xf32, #tpu.memory_space<vmem>>, %arg7: memref<3x160x160xbf16, #tpu.memory_space<vmem>>, %arg8: memref<3x1x160xf32, #tpu.memory_space<vmem>>, %arg9: memref<3x160x160xbf16, #tpu.memory_space<vmem>>, %arg10: memref<3x1x160xf32, #tpu.memory_space<vmem>>, %arg11: memref<160x12xbf16, #tpu.memory_space<vmem>>, %arg12: memref<1x12xf32, #tpu.memory_space<vmem>>, %arg13: memref<8192x12xf32, #tpu.memory_space<vmem>>, %arg14: memref<256x32x32xf32, #tpu.memory_space<vmem>>) attributes {dimension_semantics = [#tpu.dimension_semantics<arbitrary>], iteration_bounds = array<i64: 8>, scalar_prefetch = 0 : i64, scratch_operands = 1 : i64, tpu.core_type = #tpu.core_type<tc>, window_params = [{transform_indices = @transform_0, window_bounds = array<i64: 32, 12, 256>}, {transform_indices = @transform_1, window_bounds = array<i64: 8192, 32>}, {transform_indices = @transform_2, window_bounds = array<i64: 8192, 32>}, {transform_indices = @transform_3, window_bounds = array<i64: 256, 32>}, {transform_indices = @transform_4, window_bounds = array<i64: 8192, 32>}, {pipeline_mode = #tpu.pipeline_mode<synchronous>, transform_indices = @transform_5, window_bounds = array<i64: 12, 32>}, {pipeline_mode = #tpu.pipeline_mode<synchronous>, transform_indices = @transform_6, window_bounds = array<i64: 3, 160, 160>}, {pipeline_mode = #tpu.pipeline_mode<synchronous>, transform_indices = @transform_7, window_bounds = array<i64: 3, 1, 160>}, {pipeline_mode = #tpu.pipeline_mode<synchronous>, transform_indices = @transform_8, window_bounds = array<i64: 3, 160, 160>}, {pipeline_mode = #tpu.pipeline_mode<synchronous>, transform_indices = @transform_9, window_bounds = array<i64: 3, 1, 160>}, {pipeline_mode = #tpu.pipeline_mode<synchronous>, transform_indices = @transform_10, window_bounds = array<i64: 160, 12>}, {pipeline_mode = #tpu.pipeline_mode<synchronous>, transform_indices = @transform_11, window_bounds = array<i64: 1, 12>}, {transform_indices = @transform_12, window_bounds = array<i64: 8192, 12>}]} {
    %get3A = arith.constant 0 : index
    %get3A_0 = arith.constant 0 : index
    %get3A_1 = arith.constant 0 : index
    %get3A_2 = vector.load %arg1[%get3A, %get3A_0, %get3A_1] : memref<32x12x256xf32, #tpu.memory_space<vmem>>, vector<1x12x256xf32>
    %get3A_3 = vector.shape_cast %get3A_2 : vector<1x12x256xf32> to vector<12x256xf32>
    %get3A_4 = arith.constant 0 : index
    %get3A_5 = arith.constant 0 : index
    %get3A_6 = vector.load %arg6[%get3A_4, %get3A_5] : memref<12x32xf32, #tpu.memory_space<vmem>>, vector<12x32xf32>
    %dot_general3A = arith.constant dense<0.000000e+00> : vector<256x32xf32>
    %dot_general3A_7 = tpu.matmul %get3A_3, %get3A_6, %dot_general3A {dimension_numbers = #tpu.dot_dimension_numbers<[0], [0], [1], [1], [0, 1, 1, 1], [], []>, transpose_lhs_hint = false} : vector<12x256xf32>, vector<12x32xf32>, vector<256x32xf32> -> vector<256x32xf32>
    %swap3A = arith.constant 0 : index
    %swap3A_8 = arith.constant 0 : index
    %swap3A_9 = arith.constant 0 : index
    %swap3A_10 = vector.load %arg14[%swap3A, %swap3A_8, %swap3A_9] : memref<256x32x32xf32, #tpu.memory_space<vmem>>, vector<256x1x32xf32>
    %swap3A_11 = vector.shape_cast %swap3A_10 : vector<256x1x32xf32> to vector<256x32xf32>
    %swap3A_12 = vector.shape_cast %dot_general3A_7 : vector<256x32xf32> to vector<256x1x32xf32>
    tpu.vector_store %arg14[%swap3A, %swap3A_8, %swap3A_9], %swap3A_12 {strides = array<i32>} : memref<256x32x32xf32, #tpu.memory_space<vmem>>, vector<256x1x32xf32>,
    %get3A_13 = arith.constant 1 : index
    %get3A_14 = arith.constant 0 : index
    %get3A_15 = arith.constant 0 : index
    %get3A_16 = vector.load %arg1[%get3A_13, %get3A_14, %get3A_15] : memref<32x12x256xf32, #tpu.memory_space<vmem>>, vector<1x12x256xf32>
    %get3A_17 = vector.shape_cast %get3A_16 : vector<1x12x256xf32> to vector<12x256xf32>
    %get3A_18 = arith.constant 0 : index
    %get3A_19 = arith.constant 0 : index
    %get3A_20 = vector.load %arg6[%get3A_18, %get3A_19] : memref<12x32xf32, #tpu.memory_space<vmem>>, vector<12x32xf32>
    %dot_general3A_21 = arith.constant dense<0.000000e+00> : vector<256x32xf32>
    %dot_general3A_22 = tpu.matmul %get3A_17, %get3A_20, %dot_general3A_21 {dimension_numbers = #tpu.dot_dimension_numbers<[0], [0], [1], [1], [0, 1, 1, 1], [], []>, transpose_lhs_hint = false} : vector<12x256xf32>, vector<12x32xf32>, vector<256x32xf32> -> vector<256x32xf32>
    %swap3A_23 = arith.constant 0 : index
    %swap3A_24 = arith.constant 1 : index
    %swap3A_25 = arith.constant 0 : index
    %swap3A_26 = vector.load %arg14[%swap3A_23, %swap3A_24, %swap3A_25] : memref<256x32x32xf32, #tpu.memory_space<vmem>>, vector<256x1x32xf32>
    %swap3A_27 = vector.shape_cast %swap3A_26 : vector<256x1x32xf32> to vector<256x32xf32>
    %swap3A_28 = vector.shape_cast %dot_general3A_22 : vector<256x32xf32> to vector<256x1x32xf32>
    tpu.vector_store %arg14[%swap3A_23, %swap3A_24, %swap3A_25], %swap3A_28 {strides = array<i32>} : memref<256x32x32xf32, #tpu.memory_space<vmem>>, vector<256x1x32xf32>,
    %get3A_29 = arith.constant 2 : index
    %get3A_30 = arith.constant 0 : index
    %get3A_31 = arith.constant 0 : index
    %get3A_32 = vector.load %arg1[%get3A_29, %get3A_30, %get3A_31] : memref<32x12x256xf32, #tpu.memory_space<vmem>>, vector<1x12x256xf32>
    %get3A_33 = vector.shape_cast %get3A_32 : vector<1x12x256xf32> to vector<12x256xf32>
    %get3A_34 = arith.constant 0 : index
    %get3A_35 = arith.constant 0 : index
    %get3A_36 = vector.load %arg6[%get3A_34, %get3A_35] : memref<12x32xf32, #tpu.memory_space<vmem>>, vector<12x32xf32>
    %dot_general3A_37 = arith.constant dense<0.000000e+00> : vector<256x32xf32>
    %dot_general3A_38 = tpu.matmul %get3A_33, %get3A_36, %dot_general3A_37 {dimension_numbers = #tpu.dot_dimension_numbers<[0], [0], [1], [1], [0, 1, 1, 1], [], []>, transpose_lhs_hint = false} : vector<12x256xf32>, vector<12x32xf32>, vector<256x32xf32> -> vector<256x32xf32>
    %swap3A_39 = arith.constant 0 : index
    %swap3A_40 = arith.constant 2 : index
    %swap3A_41 = arith.constant 0 : index
    %swap3A_42 = vector.load %arg14[%swap3A_39, %swap3A_40, %swap3A_41] : memref<256x32x32xf32, #tpu.memory_space<vmem>>, vector<256x1x32xf32>
    %swap3A_43 = vector.shape_cast %swap3A_42 : vector<256x1x32xf32> to vector<256x32xf32>
    %swap3A_44 = vector.shape_cast %dot_general3A_38 : vector<256x32xf32> to vector<256x1x32xf32>
    tpu.vector_store %arg14[%swap3A_39, %swap3A_40, %swap3A_41], %swap3A_44 {strides = array<i32>} : memref<256x32x32xf32, #tpu.memory_space<vmem>>, vector<256x1x32xf32>,
    %get3A_45 = arith.constant 3 : index
    %get3A_46 = arith.constant 0 : index
    %get3A_47 = arith.constant 0 : index
    %get3A_48 = vector.load %arg1[%get3A_45, %get3A_46, %get3A_47] : memref<32x12x256xf32, #tpu.memory_space<vmem>>, vector<1x12x256xf32>
    %get3A_49 = vector.shape_cast %get3A_48 : vector<1x12x256xf32> to vector<12x256xf32>
    %get3A_50 = arith.constant 0 : index
    %get3A_51 = arith.constant 0 : index
    %get3A_52 = vector.load %arg6[%get3A_50, %get3A_51] : memref<12x32xf32, #tpu.memory_space<vmem>>, vector<12x32xf32>
    %dot_general3A_53 = arith.constant dense<0.000000e+00> : vector<256x32xf32>
    %dot_general3A_54 = tpu.matmul %get3A_49, %get3A_52, %dot_general3A_53 {dimension_numbers = #tpu.dot_dimension_numbers<[0], [0], [1], [1], [0, 1, 1, 1], [], []>, transpose_lhs_hint = false} : vector<12x256xf32>, vector<12x32xf32>, vector<256x32xf32> -> vector<256x32xf32>
    %swap3A_55 = arith.constant 0 : index
    %swap3A_56 = arith.constant 3 : index
    %swap3A_57 = arith.constant 0 : index
    %swap3A_58 = vector.load %arg14[%swap3A_55, %swap3A_56, %swap3A_57] : memref<256x32x32xf32, #tpu.memory_space<vmem>>, vector<256x1x32xf32>
    %swap3A_59 = vector.shape_cast %swap3A_58 : vector<256x1x32xf32> to vector<256x32xf32>
    %swap3A_60 = vector.shape_cast %dot_general3A_54 : vector<256x32xf32> to vector<256x1x32xf32>
    tpu.vector_store %arg14[%swap3A_55, %swap3A_56, %swap3A_57], %swap3A_60 {strides = array<i32>} : memref<256x32x32xf32, #tpu.memory_space<vmem>>, vector<256x1x32xf32>,
    %get3A_61 = arith.constant 4 : index
    %get3A_62 = arith.constant 0 : index
    %get3A_63 = arith.constant 0 : index
    %get3A_64 = vector.load %arg1[%get3A_61, %get3A_62, %get3A_63] : memref<32x12x256xf32, #tpu.memory_space<vmem>>, vector<1x12x256xf32>
    %get3A_65 = vector.shape_cast %get3A_64 : vector<1x12x256xf32> to vector<12x256xf32>
    %get3A_66 = arith.constant 0 : index
    %get3A_67 = arith.constant 0 : index
    %get3A_68 = vector.load %arg6[%get3A_66, %get3A_67] : memref<12x32xf32, #tpu.memory_space<vmem>>, vector<12x32xf32>
    %dot_general3A_69 = arith.constant dense<0.000000e+00> : vector<256x32xf32>
    %dot_general3A_70 = tpu.matmul %get3A_65, %get3A_68, %dot_general3A_69 {dimension_numbers = #tpu.dot_dimension_numbers<[0], [0], [1], [1], [0, 1, 1, 1], [], []>, transpose_lhs_hint = false} : vector<12x256xf32>, vector<12x32xf32>, vector<256x32xf32> -> vector<256x32xf32>
    %swap3A_71 = arith.constant 0 : index
    %swap3A_72 = arith.constant 4 : index
    %swap3A_73 = arith.constant 0 : index
    %swap3A_74 = vector.load %arg14[%swap3A_71, %swap3A_72, %swap3A_73] : memref<256x32x32xf32, #tpu.memory_space<vmem>>, vector<256x1x32xf32>
    %swap3A_75 = vector.shape_cast %swap3A_74 : vector<256x1x32xf32> to vector<256x32xf32>
    %swap3A_76 = vector.shape_cast %dot_general3A_70 : vector<256x32xf32> to vector<256x1x32xf32>
    tpu.vector_store %arg14[%swap3A_71, %swap3A_72, %swap3A_73], %swap3A_76 {strides = array<i32>} : memref<256x32x32xf32, #tpu.memory_space<vmem>>, vector<256x1x32xf32>,
    %get3A_77 = arith.constant 5 : index
    %get3A_78 = arith.constant 0 : index
    %get3A_79 = arith.constant 0 : index
    %get3A_80 = vector.load %arg1[%get3A_77, %get3A_78, %get3A_79] : memref<32x12x256xf32, #tpu.memory_space<vmem>>, vector<1x12x256xf32>
    %get3A_81 = vector.shape_cast %get3A_80 : vector<1x12x256xf32> to vector<12x256xf32>
    %get3A_82 = arith.constant 0 : index
    %get3A_83 = arith.constant 0 : index
    %get3A_84 = vector.load %arg6[%get3A_82, %get3A_83] : memref<12x32xf32, #tpu.memory_space<vmem>>, vector<12x32xf32>
    %dot_general3A_85 = arith.constant dense<0.000000e+00> : vector<256x32xf32>
    %dot_general3A_86 = tpu.matmul %get3A_81, %get3A_84, %dot_general3A_85 {dimension_numbers = #tpu.dot_dimension_numbers<[0], [0], [1], [1], [0, 1, 1, 1], [], []>, transpose_lhs_hint = false} : vector<12x256xf32>, vector<12x32xf32>, vector<256x32xf32> -> vector<256x32xf32>
    %swap3A_87 = arith.constant 0 : index
    %swap3A_88 = arith.constant 5 : index
    %swap3A_89 = arith.constant 0 : index
    %swap3A_90 = vector.load %arg14[%swap3A_87, %swap3A_88, %swap3A_89] : memref<256x32x32xf32, #tpu.memory_space<vmem>>, vector<256x1x32xf32>
    %swap3A_91 = vector.shape_cast %swap3A_90 : vector<256x1x32xf32> to vector<256x32xf32>
    %swap3A_92 = vector.shape_cast %dot_general3A_86 : vector<256x32xf32> to vector<256x1x32xf32>
    tpu.vector_store %arg14[%swap3A_87, %swap3A_88, %swap3A_89], %swap3A_92 {strides = array<i32>} : memref<256x32x32xf32, #tpu.memory_space<vmem>>, vector<256x1x32xf32>,
    %get3A_93 = arith.constant 6 : index
    %get3A_94 = arith.constant 0 : index
    %get3A_95 = arith.constant 0 : index
    %get3A_96 = vector.load %arg1[%get3A_93, %get3A_94, %get3A_95] : memref<32x12x256xf32, #tpu.memory_space<vmem>>, vector<1x12x256xf32>
    %get3A_97 = vector.shape_cast %get3A_96 : vector<1x12x256xf32> to vector<12x256xf32>
    %get3A_98 = arith.constant 0 : index
    %get3A_99 = arith.constant 0 : index
    %get3A_100 = vector.load %arg6[%get3A_98, %get3A_99] : memref<12x32xf32, #tpu.memory_space<vmem>>, vector<12x32xf32>
    %dot_general3A_101 = arith.constant dense<0.000000e+00> : vector<256x32xf32>
    %dot_general3A_102 = tpu.matmul %get3A_97, %get3A_100, %dot_general3A_101 {dimension_numbers = #tpu.dot_dimension_numbers<[0], [0], [1], [1], [0, 1, 1, 1], [], []>, transpose_lhs_hint = false} : vector<12x256xf32>, vector<12x32xf32>, vector<256x32xf32> -> vector<256x32xf32>
    %swap3A_103 = arith.constant 0 : index
    %swap3A_104 = arith.constant 6 : index
    %swap3A_105 = arith.constant 0 : index
    %swap3A_106 = vector.load %arg14[%swap3A_103, %swap3A_104, %swap3A_105] : memref<256x32x32xf32, #tpu.memory_space<vmem>>, vector<256x1x32xf32>
    %swap3A_107 = vector.shape_cast %swap3A_106 : vector<256x1x32xf32> to vector<256x32xf32>
    %swap3A_108 = vector.shape_cast %dot_general3A_102 : vector<256x32xf32> to vector<256x1x32xf32>
    tpu.vector_store %arg14[%swap3A_103, %swap3A_104, %swap3A_105], %swap3A_108 {strides = array<i32>} : memref<256x32x32xf32, #tpu.memory_space<vmem>>, vector<256x1x32xf32>,
    %get3A_109 = arith.constant 7 : index
    %get3A_110 = arith.constant 0 : index
    %get3A_111 = arith.constant 0 : index
    %get3A_112 = vector.load %arg1[%get3A_109, %get3A_110, %get3A_111] : memref<32x12x256xf32, #tpu.memory_space<vmem>>, vector<1x12x256xf32>
    %get3A_113 = vector.shape_cast %get3A_112 : vector<1x12x256xf32> to vector<12x256xf32>
    %get3A_114 = arith.constant 0 : index
    %get3A_115 = arith.constant 0 : index
    %get3A_116 = vector.load %arg6[%get3A_114, %get3A_115] : memref<12x32xf32, #tpu.memory_space<vmem>>, vector<12x32xf32>
    %dot_general3A_117 = arith.constant dense<0.000000e+00> : vector<256x32xf32>
    %dot_general3A_118 = tpu.matmul %get3A_113, %get3A_116, %dot_general3A_117 {dimension_numbers = #tpu.dot_dimension_numbers<[0], [0], [1], [1], [0, 1, 1, 1], [], []>, transpose_lhs_hint = false} : vector<12x256xf32>, vector<12x32xf32>, vector<256x32xf32> -> vector<256x32xf32>
    %swap3A_119 = arith.constant 0 : index
    %swap3A_120 = arith.constant 7 : index
    %swap3A_121 = arith.constant 0 : index
    %swap3A_122 = vector.load %arg14[%swap3A_119, %swap3A_120, %swap3A_121] : memref<256x32x32xf32, #tpu.memory_space<vmem>>, vector<256x1x32xf32>
    %swap3A_123 = vector.shape_cast %swap3A_122 : vector<256x1x32xf32> to vector<256x32xf32>
    %swap3A_124 = vector.shape_cast %dot_general3A_118 : vector<256x32xf32> to vector<256x1x32xf32>
    tpu.vector_store %arg14[%swap3A_119, %swap3A_120, %swap3A_121], %swap3A_124 {strides = array<i32>} : memref<256x32x32xf32, #tpu.memory_space<vmem>>, vector<256x1x32xf32>,
    %get3A_125 = arith.constant 8 : index
    %get3A_126 = arith.constant 0 : index
    %get3A_127 = arith.constant 0 : index
    %get3A_128 = vector.load %arg1[%get3A_125, %get3A_126, %get3A_127] : memref<32x12x256xf32, #tpu.memory_space<vmem>>, vector<1x12x256xf32>
    %get3A_129 = vector.shape_cast %get3A_128 : vector<1x12x256xf32> to vector<12x256xf32>
    %get3A_130 = arith.constant 0 : index
    %get3A_131 = arith.constant 0 : index
    %get3A_132 = vector.load %arg6[%get3A_130, %get3A_131] : memref<12x32xf32, #tpu.memory_space<vmem>>, vector<12x32xf32>
    %dot_general3A_133 = arith.constant dense<0.000000e+00> : vector<256x32xf32>
    %dot_general3A_134 = tpu.matmul %get3A_129, %get3A_132, %dot_general3A_133 {dimension_numbers = #tpu.dot_dimension_numbers<[0], [0], [1], [1], [0, 1, 1, 1], [], []>, transpose_lhs_hint = false} : vector<12x256xf32>, vector<12x32xf32>, vector<256x32xf32> -> vector<256x32xf32>
    %swap3A_135 = arith.constant 0 : index
    %swap3A_136 = arith.constant 8 : index
    %swap3A_137 = arith.constant 0 : index
    %swap3A_138 = vector.load %arg14[%swap3A_135, %swap3A_136, %swap3A_137] : memref<256x32x32xf32, #tpu.memory_space<vmem>>, vector<256x1x32xf32>
    %swap3A_139 = vector.shape_cast %swap3A_138 : vector<256x1x32xf32> to vector<256x32xf32>
    %swap3A_140 = vector.shape_cast %dot_general3A_134 : vector<256x32xf32> to vector<256x1x32xf32>
    tpu.vector_store %arg14[%swap3A_135, %swap3A_136, %swap3A_137], %swap3A_140 {strides = array<i32>} : memref<256x32x32xf32, #tpu.memory_space<vmem>>, vector<256x1x32xf32>,
    %get3A_141 = arith.constant 9 : index
    %get3A_142 = arith.constant 0 : index
    %get3A_143 = arith.constant 0 : index
    %get3A_144 = vector.load %arg1[%get3A_141, %get3A_142, %get3A_143] : memref<32x12x256xf32, #tpu.memory_space<vmem>>, vector<1x12x256xf32>
    %get3A_145 = vector.shape_cast %get3A_144 : vector<1x12x256xf32> to vector<12x256xf32>
    %get3A_146 = arith.constant 0 : index
    %get3A_147 = arith.constant 0 : index
    %get3A_148 = vector.load %arg6[%get3A_146, %get3A_147] : memref<12x32xf32, #tpu.memory_space<vmem>>, vector<12x32xf32>
    %dot_general3A_149 = arith.constant dense<0.000000e+00> : vector<256x32xf32>
    %dot_general3A_150 = tpu.matmul %get3A_145, %get3A_148, %dot_general3A_149 {dimension_numbers = #tpu.dot_dimension_numbers<[0], [0], [1], [1], [0, 1, 1, 1], [], []>, transpose_lhs_hint = false} : vector<12x256xf32>, vector<12x32xf32>, vector<256x32xf32> -> vector<256x32xf32>
    %swap3A_151 = arith.constant 0 : index
    %swap3A_152 = arith.constant 9 : index
    %swap3A_153 = arith.constant 0 : index
    %swap3A_154 = vector.load %arg14[%swap3A_151, %swap3A_152, %swap3A_153] : memref<256x32x32xf32, #tpu.memory_space<vmem>>, vector<256x1x32xf32>
    %swap3A_155 = vector.shape_cast %swap3A_154 : vector<256x1x32xf32> to vector<256x32xf32>
    %swap3A_156 = vector.shape_cast %dot_general3A_150 : vector<256x32xf32> to vector<256x1x32xf32>
    tpu.vector_store %arg14[%swap3A_151, %swap3A_152, %swap3A_153], %swap3A_156 {strides = array<i32>} : memref<256x32x32xf32, #tpu.memory_space<vmem>>, vector<256x1x32xf32>,
    %get3A_157 = arith.constant 10 : index
    %get3A_158 = arith.constant 0 : index
    %get3A_159 = arith.constant 0 : index
    %get3A_160 = vector.load %arg1[%get3A_157, %get3A_158, %get3A_159] : memref<32x12x256xf32, #tpu.memory_space<vmem>>, vector<1x12x256xf32>
    %get3A_161 = vector.shape_cast %get3A_160 : vector<1x12x256xf32> to vector<12x256xf32>
    %get3A_162 = arith.constant 0 : index
    %get3A_163 = arith.constant 0 : index
    %get3A_164 = vector.load %arg6[%get3A_162, %get3A_163] : memref<12x32xf32, #tpu.memory_space<vmem>>, vector<12x32xf32>
    %dot_general3A_165 = arith.constant dense<0.000000e+00> : vector<256x32xf32>
    %dot_general3A_166 = tpu.matmul %get3A_161, %get3A_164, %dot_general3A_165 {dimension_numbers = #tpu.dot_dimension_numbers<[0], [0], [1], [1], [0, 1, 1, 1], [], []>, transpose_lhs_hint = false} : vector<12x256xf32>, vector<12x32xf32>, vector<256x32xf32> -> vector<256x32xf32>
    %swap3A_167 = arith.constant 0 : index
    %swap3A_168 = arith.constant 10 : index
    %swap3A_169 = arith.constant 0 : index
    %swap3A_170 = vector.load %arg14[%swap3A_167, %swap3A_168, %swap3A_169] : memref<256x32x32xf32, #tpu.memory_space<vmem>>, vector<256x1x32xf32>
    %swap3A_171 = vector.shape_cast %swap3A_170 : vector<256x1x32xf32> to vector<256x32xf32>
    %swap3A_172 = vector.shape_cast %dot_general3A_166 : vector<256x32xf32> to vector<256x1x32xf32>
    tpu.vector_store %arg14[%swap3A_167, %swap3A_168, %swap3A_169], %swap3A_172 {strides = array<i32>} : memref<256x32x32xf32, #tpu.memory_space<vmem>>, vector<256x1x32xf32>,
    %get3A_173 = arith.constant 11 : index
    %get3A_174 = arith.constant 0 : index
    %get3A_175 = arith.constant 0 : index
    %get3A_176 = vector.load %arg1[%get3A_173, %get3A_174, %get3A_175] : memref<32x12x256xf32, #tpu.memory_space<vmem>>, vector<1x12x256xf32>
    %get3A_177 = vector.shape_cast %get3A_176 : vector<1x12x256xf32> to vector<12x256xf32>
    %get3A_178 = arith.constant 0 : index
    %get3A_179 = arith.constant 0 : index
    %get3A_180 = vector.load %arg6[%get3A_178, %get3A_179] : memref<12x32xf32, #tpu.memory_space<vmem>>, vector<12x32xf32>
    %dot_general3A_181 = arith.constant dense<0.000000e+00> : vector<256x32xf32>
    %dot_general3A_182 = tpu.matmul %get3A_177, %get3A_180, %dot_general3A_181 {dimension_numbers = #tpu.dot_dimension_numbers<[0], [0], [1], [1], [0, 1, 1, 1], [], []>, transpose_lhs_hint = false} : vector<12x256xf32>, vector<12x32xf32>, vector<256x32xf32> -> vector<256x32xf32>
    %swap3A_183 = arith.constant 0 : index
    %swap3A_184 = arith.constant 11 : index
    %swap3A_185 = arith.constant 0 : index
    %swap3A_186 = vector.load %arg14[%swap3A_183, %swap3A_184, %swap3A_185] : memref<256x32x32xf32, #tpu.memory_space<vmem>>, vector<256x1x32xf32>
    %swap3A_187 = vector.shape_cast %swap3A_186 : vector<256x1x32xf32> to vector<256x32xf32>
    %swap3A_188 = vector.shape_cast %dot_general3A_182 : vector<256x32xf32> to vector<256x1x32xf32>
    tpu.vector_store %arg14[%swap3A_183, %swap3A_184, %swap3A_185], %swap3A_188 {strides = array<i32>} : memref<256x32x32xf32, #tpu.memory_space<vmem>>, vector<256x1x32xf32>,
    %get3A_189 = arith.constant 12 : index
    %get3A_190 = arith.constant 0 : index
    %get3A_191 = arith.constant 0 : index
    %get3A_192 = vector.load %arg1[%get3A_189, %get3A_190, %get3A_191] : memref<32x12x256xf32, #tpu.memory_space<vmem>>, vector<1x12x256xf32>
    %get3A_193 = vector.shape_cast %get3A_192 : vector<1x12x256xf32> to vector<12x256xf32>
    %get3A_194 = arith.constant 0 : index
    %get3A_195 = arith.constant 0 : index
    %get3A_196 = vector.load %arg6[%get3A_194, %get3A_195] : memref<12x32xf32, #tpu.memory_space<vmem>>, vector<12x32xf32>
    %dot_general3A_197 = arith.constant dense<0.000000e+00> : vector<256x32xf32>
    %dot_general3A_198 = tpu.matmul %get3A_193, %get3A_196, %dot_general3A_197 {dimension_numbers = #tpu.dot_dimension_numbers<[0], [0], [1], [1], [0, 1, 1, 1], [], []>, transpose_lhs_hint = false} : vector<12x256xf32>, vector<12x32xf32>, vector<256x32xf32> -> vector<256x32xf32>
    %swap3A_199 = arith.constant 0 : index
    %swap3A_200 = arith.constant 12 : index
    %swap3A_201 = arith.constant 0 : index
    %swap3A_202 = vector.load %arg14[%swap3A_199, %swap3A_200, %swap3A_201] : memref<256x32x32xf32, #tpu.memory_space<vmem>>, vector<256x1x32xf32>
    %swap3A_203 = vector.shape_cast %swap3A_202 : vector<256x1x32xf32> to vector<256x32xf32>
    %swap3A_204 = vector.shape_cast %dot_general3A_198 : vector<256x32xf32> to vector<256x1x32xf32>
    tpu.vector_store %arg14[%swap3A_199, %swap3A_200, %swap3A_201], %swap3A_204 {strides = array<i32>} : memref<256x32x32xf32, #tpu.memory_space<vmem>>, vector<256x1x32xf32>,
    %get3A_205 = arith.constant 13 : index
    %get3A_206 = arith.constant 0 : index
    %get3A_207 = arith.constant 0 : index
    %get3A_208 = vector.load %arg1[%get3A_205, %get3A_206, %get3A_207] : memref<32x12x256xf32, #tpu.memory_space<vmem>>, vector<1x12x256xf32>
    %get3A_209 = vector.shape_cast %get3A_208 : vector<1x12x256xf32> to vector<12x256xf32>
    %get3A_210 = arith.constant 0 : index
    %get3A_211 = arith.constant 0 : index
    %get3A_212 = vector.load %arg6[%get3A_210, %get3A_211] : memref<12x32xf32, #tpu.memory_space<vmem>>, vector<12x32xf32>
    %dot_general3A_213 = arith.constant dense<0.000000e+00> : vector<256x32xf32>
    %dot_general3A_214 = tpu.matmul %get3A_209, %get3A_212, %dot_general3A_213 {dimension_numbers = #tpu.dot_dimension_numbers<[0], [0], [1], [1], [0, 1, 1, 1], [], []>, transpose_lhs_hint = false} : vector<12x256xf32>, vector<12x32xf32>, vector<256x32xf32> -> vector<256x32xf32>
    %swap3A_215 = arith.constant 0 : index
    %swap3A_216 = arith.constant 13 : index
    %swap3A_217 = arith.constant 0 : index
    %swap3A_218 = vector.load %arg14[%swap3A_215, %swap3A_216, %swap3A_217] : memref<256x32x32xf32, #tpu.memory_space<vmem>>, vector<256x1x32xf32>
    %swap3A_219 = vector.shape_cast %swap3A_218 : vector<256x1x32xf32> to vector<256x32xf32>
    %swap3A_220 = vector.shape_cast %dot_general3A_214 : vector<256x32xf32> to vector<256x1x32xf32>
    tpu.vector_store %arg14[%swap3A_215, %swap3A_216, %swap3A_217], %swap3A_220 {strides = array<i32>} : memref<256x32x32xf32, #tpu.memory_space<vmem>>, vector<256x1x32xf32>,
    %get3A_221 = arith.constant 14 : index
    %get3A_222 = arith.constant 0 : index
    %get3A_223 = arith.constant 0 : index
    %get3A_224 = vector.load %arg1[%get3A_221, %get3A_222, %get3A_223] : memref<32x12x256xf32, #tpu.memory_space<vmem>>, vector<1x12x256xf32>
    %get3A_225 = vector.shape_cast %get3A_224 : vector<1x12x256xf32> to vector<12x256xf32>
    %get3A_226 = arith.constant 0 : index
    %get3A_227 = arith.constant 0 : index
    %get3A_228 = vector.load %arg6[%get3A_226, %get3A_227] : memref<12x32xf32, #tpu.memory_space<vmem>>, vector<12x32xf32>
    %dot_general3A_229 = arith.constant dense<0.000000e+00> : vector<256x32xf32>
    %dot_general3A_230 = tpu.matmul %get3A_225, %get3A_228, %dot_general3A_229 {dimension_numbers = #tpu.dot_dimension_numbers<[0], [0], [1], [1], [0, 1, 1, 1], [], []>, transpose_lhs_hint = false} : vector<12x256xf32>, vector<12x32xf32>, vector<256x32xf32> -> vector<256x32xf32>
    %swap3A_231 = arith.constant 0 : index
    %swap3A_232 = arith.constant 14 : index
    %swap3A_233 = arith.constant 0 : index
    %swap3A_234 = vector.load %arg14[%swap3A_231, %swap3A_232, %swap3A_233] : memref<256x32x32xf32, #tpu.memory_space<vmem>>, vector<256x1x32xf32>
    %swap3A_235 = vector.shape_cast %swap3A_234 : vector<256x1x32xf32> to vector<256x32xf32>
    %swap3A_236 = vector.shape_cast %dot_general3A_230 : vector<256x32xf32> to vector<256x1x32xf32>
    tpu.vector_store %arg14[%swap3A_231, %swap3A_232, %swap3A_233], %swap3A_236 {strides = array<i32>} : memref<256x32x32xf32, #tpu.memory_space<vmem>>, vector<256x1x32xf32>,
    %get3A_237 = arith.constant 15 : index
    %get3A_238 = arith.constant 0 : index
    %get3A_239 = arith.constant 0 : index
    %get3A_240 = vector.load %arg1[%get3A_237, %get3A_238, %get3A_239] : memref<32x12x256xf32, #tpu.memory_space<vmem>>, vector<1x12x256xf32>
    %get3A_241 = vector.shape_cast %get3A_240 : vector<1x12x256xf32> to vector<12x256xf32>
    %get3A_242 = arith.constant 0 : index
    %get3A_243 = arith.constant 0 : index
    %get3A_244 = vector.load %arg6[%get3A_242, %get3A_243] : memref<12x32xf32, #tpu.memory_space<vmem>>, vector<12x32xf32>
    %dot_general3A_245 = arith.constant dense<0.000000e+00> : vector<256x32xf32>
    %dot_general3A_246 = tpu.matmul %get3A_241, %get3A_244, %dot_general3A_245 {dimension_numbers = #tpu.dot_dimension_numbers<[0], [0], [1], [1], [0, 1, 1, 1], [], []>, transpose_lhs_hint = false} : vector<12x256xf32>, vector<12x32xf32>, vector<256x32xf32> -> vector<256x32xf32>
    %swap3A_247 = arith.constant 0 : index
    %swap3A_248 = arith.constant 15 : index
    %swap3A_249 = arith.constant 0 : index
    %swap3A_250 = vector.load %arg14[%swap3A_247, %swap3A_248, %swap3A_249] : memref<256x32x32xf32, #tpu.memory_space<vmem>>, vector<256x1x32xf32>
    %swap3A_251 = vector.shape_cast %swap3A_250 : vector<256x1x32xf32> to vector<256x32xf32>
    %swap3A_252 = vector.shape_cast %dot_general3A_246 : vector<256x32xf32> to vector<256x1x32xf32>
    tpu.vector_store %arg14[%swap3A_247, %swap3A_248, %swap3A_249], %swap3A_252 {strides = array<i32>} : memref<256x32x32xf32, #tpu.memory_space<vmem>>, vector<256x1x32xf32>,
    %get3A_253 = arith.constant 16 : index
    %get3A_254 = arith.constant 0 : index
    %get3A_255 = arith.constant 0 : index
    %get3A_256 = vector.load %arg1[%get3A_253, %get3A_254, %get3A_255] : memref<32x12x256xf32, #tpu.memory_space<vmem>>, vector<1x12x256xf32>
    %get3A_257 = vector.shape_cast %get3A_256 : vector<1x12x256xf32> to vector<12x256xf32>
    %get3A_258 = arith.constant 0 : index
    %get3A_259 = arith.constant 0 : index
    %get3A_260 = vector.load %arg6[%get3A_258, %get3A_259] : memref<12x32xf32, #tpu.memory_space<vmem>>, vector<12x32xf32>
    %dot_general3A_261 = arith.constant dense<0.000000e+00> : vector<256x32xf32>
    %dot_general3A_262 = tpu.matmul %get3A_257, %get3A_260, %dot_general3A_261 {dimension_numbers = #tpu.dot_dimension_numbers<[0], [0], [1], [1], [0, 1, 1, 1], [], []>, transpose_lhs_hint = false} : vector<12x256xf32>, vector<12x32xf32>, vector<256x32xf32> -> vector<256x32xf32>
    %swap3A_263 = arith.constant 0 : index
    %swap3A_264 = arith.constant 16 : index
    %swap3A_265 = arith.constant 0 : index
    %swap3A_266 = vector.load %arg14[%swap3A_263, %swap3A_264, %swap3A_265] : memref<256x32x32xf32, #tpu.memory_space<vmem>>, vector<256x1x32xf32>
    %swap3A_267 = vector.shape_cast %swap3A_266 : vector<256x1x32xf32> to vector<256x32xf32>
    %swap3A_268 = vector.shape_cast %dot_general3A_262 : vector<256x32xf32> to vector<256x1x32xf32>
    tpu.vector_store %arg14[%swap3A_263, %swap3A_264, %swap3A_265], %swap3A_268 {strides = array<i32>} : memref<256x32x32xf32, #tpu.memory_space<vmem>>, vector<256x1x32xf32>,
    %get3A_269 = arith.constant 17 : index
    %get3A_270 = arith.constant 0 : index
    %get3A_271 = arith.constant 0 : index
    %get3A_272 = vector.load %arg1[%get3A_269, %get3A_270, %get3A_271] : memref<32x12x256xf32, #tpu.memory_space<vmem>>, vector<1x12x256xf32>
    %get3A_273 = vector.shape_cast %get3A_272 : vector<1x12x256xf32> to vector<12x256xf32>
    %get3A_274 = arith.constant 0 : index
    %get3A_275 = arith.constant 0 : index
    %get3A_276 = vector.load %arg6[%get3A_274, %get3A_275] : memref<12x32xf32, #tpu.memory_space<vmem>>, vector<12x32xf32>
    %dot_general3A_277 = arith.constant dense<0.000000e+00> : vector<256x32xf32>
    %dot_general3A_278 = tpu.matmul %get3A_273, %get3A_276, %dot_general3A_277 {dimension_numbers = #tpu.dot_dimension_numbers<[0], [0], [1], [1], [0, 1, 1, 1], [], []>, transpose_lhs_hint = false} : vector<12x256xf32>, vector<12x32xf32>, vector<256x32xf32> -> vector<256x32xf32>
    %swap3A_279 = arith.constant 0 : index
    %swap3A_280 = arith.constant 17 : index
    %swap3A_281 = arith.constant 0 : index
    %swap3A_282 = vector.load %arg14[%swap3A_279, %swap3A_280, %swap3A_281] : memref<256x32x32xf32, #tpu.memory_space<vmem>>, vector<256x1x32xf32>
    %swap3A_283 = vector.shape_cast %swap3A_282 : vector<256x1x32xf32> to vector<256x32xf32>
    %swap3A_284 = vector.shape_cast %dot_general3A_278 : vector<256x32xf32> to vector<256x1x32xf32>
    tpu.vector_store %arg14[%swap3A_279, %swap3A_280, %swap3A_281], %swap3A_284 {strides = array<i32>} : memref<256x32x32xf32, #tpu.memory_space<vmem>>, vector<256x1x32xf32>,
    %get3A_285 = arith.constant 18 : index
    %get3A_286 = arith.constant 0 : index
    %get3A_287 = arith.constant 0 : index
    %get3A_288 = vector.load %arg1[%get3A_285, %get3A_286, %get3A_287] : memref<32x12x256xf32, #tpu.memory_space<vmem>>, vector<1x12x256xf32>
    %get3A_289 = vector.shape_cast %get3A_288 : vector<1x12x256xf32> to vector<12x256xf32>
    %get3A_290 = arith.constant 0 : index
    %get3A_291 = arith.constant 0 : index
    %get3A_292 = vector.load %arg6[%get3A_290, %get3A_291] : memref<12x32xf32, #tpu.memory_space<vmem>>, vector<12x32xf32>
    %dot_general3A_293 = arith.constant dense<0.000000e+00> : vector<256x32xf32>
    %dot_general3A_294 = tpu.matmul %get3A_289, %get3A_292, %dot_general3A_293 {dimension_numbers = #tpu.dot_dimension_numbers<[0], [0], [1], [1], [0, 1, 1, 1], [], []>, transpose_lhs_hint = false} : vector<12x256xf32>, vector<12x32xf32>, vector<256x32xf32> -> vector<256x32xf32>
    %swap3A_295 = arith.constant 0 : index
    %swap3A_296 = arith.constant 18 : index
    %swap3A_297 = arith.constant 0 : index
    %swap3A_298 = vector.load %arg14[%swap3A_295, %swap3A_296, %swap3A_297] : memref<256x32x32xf32, #tpu.memory_space<vmem>>, vector<256x1x32xf32>
    %swap3A_299 = vector.shape_cast %swap3A_298 : vector<256x1x32xf32> to vector<256x32xf32>
    %swap3A_300 = vector.shape_cast %dot_general3A_294 : vector<256x32xf32> to vector<256x1x32xf32>
    tpu.vector_store %arg14[%swap3A_295, %swap3A_296, %swap3A_297], %swap3A_300 {strides = array<i32>} : memref<256x32x32xf32, #tpu.memory_space<vmem>>, vector<256x1x32xf32>,
    %get3A_301 = arith.constant 19 : index
    %get3A_302 = arith.constant 0 : index
    %get3A_303 = arith.constant 0 : index
    %get3A_304 = vector.load %arg1[%get3A_301, %get3A_302, %get3A_303] : memref<32x12x256xf32, #tpu.memory_space<vmem>>, vector<1x12x256xf32>
    %get3A_305 = vector.shape_cast %get3A_304 : vector<1x12x256xf32> to vector<12x256xf32>
    %get3A_306 = arith.constant 0 : index
    %get3A_307 = arith.constant 0 : index
    %get3A_308 = vector.load %arg6[%get3A_306, %get3A_307] : memref<12x32xf32, #tpu.memory_space<vmem>>, vector<12x32xf32>
    %dot_general3A_309 = arith.constant dense<0.000000e+00> : vector<256x32xf32>
    %dot_general3A_310 = tpu.matmul %get3A_305, %get3A_308, %dot_general3A_309 {dimension_numbers = #tpu.dot_dimension_numbers<[0], [0], [1], [1], [0, 1, 1, 1], [], []>, transpose_lhs_hint = false} : vector<12x256xf32>, vector<12x32xf32>, vector<256x32xf32> -> vector<256x32xf32>
    %swap3A_311 = arith.constant 0 : index
    %swap3A_312 = arith.constant 19 : index
    %swap3A_313 = arith.constant 0 : index
    %swap3A_314 = vector.load %arg14[%swap3A_311, %swap3A_312, %swap3A_313] : memref<256x32x32xf32, #tpu.memory_space<vmem>>, vector<256x1x32xf32>
    %swap3A_315 = vector.shape_cast %swap3A_314 : vector<256x1x32xf32> to vector<256x32xf32>
    %swap3A_316 = vector.shape_cast %dot_general3A_310 : vector<256x32xf32> to vector<256x1x32xf32>
    tpu.vector_store %arg14[%swap3A_311, %swap3A_312, %swap3A_313], %swap3A_316 {strides = array<i32>} : memref<256x32x32xf32, #tpu.memory_space<vmem>>, vector<256x1x32xf32>,
    %get3A_317 = arith.constant 20 : index
    %get3A_318 = arith.constant 0 : index
    %get3A_319 = arith.constant 0 : index
    %get3A_320 = vector.load %arg1[%get3A_317, %get3A_318, %get3A_319] : memref<32x12x256xf32, #tpu.memory_space<vmem>>, vector<1x12x256xf32>
    %get3A_321 = vector.shape_cast %get3A_320 : vector<1x12x256xf32> to vector<12x256xf32>
    %get3A_322 = arith.constant 0 : index
    %get3A_323 = arith.constant 0 : index
    %get3A_324 = vector.load %arg6[%get3A_322, %get3A_323] : memref<12x32xf32, #tpu.memory_space<vmem>>, vector<12x32xf32>
    %dot_general3A_325 = arith.constant dense<0.000000e+00> : vector<256x32xf32>
    %dot_general3A_326 = tpu.matmul %get3A_321, %get3A_324, %dot_general3A_325 {dimension_numbers = #tpu.dot_dimension_numbers<[0], [0], [1], [1], [0, 1, 1, 1], [], []>, transpose_lhs_hint = false} : vector<12x256xf32>, vector<12x32xf32>, vector<256x32xf32> -> vector<256x32xf32>
    %swap3A_327 = arith.constant 0 : index
    %swap3A_328 = arith.constant 20 : index
    %swap3A_329 = arith.constant 0 : index
    %swap3A_330 = vector.load %arg14[%swap3A_327, %swap3A_328, %swap3A_329] : memref<256x32x32xf32, #tpu.memory_space<vmem>>, vector<256x1x32xf32>
    %swap3A_331 = vector.shape_cast %swap3A_330 : vector<256x1x32xf32> to vector<256x32xf32>
    %swap3A_332 = vector.shape_cast %dot_general3A_326 : vector<256x32xf32> to vector<256x1x32xf32>
    tpu.vector_store %arg14[%swap3A_327, %swap3A_328, %swap3A_329], %swap3A_332 {strides = array<i32>} : memref<256x32x32xf32, #tpu.memory_space<vmem>>, vector<256x1x32xf32>,
    %get3A_333 = arith.constant 21 : index
    %get3A_334 = arith.constant 0 : index
    %get3A_335 = arith.constant 0 : index
    %get3A_336 = vector.load %arg1[%get3A_333, %get3A_334, %get3A_335] : memref<32x12x256xf32, #tpu.memory_space<vmem>>, vector<1x12x256xf32>
    %get3A_337 = vector.shape_cast %get3A_336 : vector<1x12x256xf32> to vector<12x256xf32>
    %get3A_338 = arith.constant 0 : index
    %get3A_339 = arith.constant 0 : index
    %get3A_340 = vector.load %arg6[%get3A_338, %get3A_339] : memref<12x32xf32, #tpu.memory_space<vmem>>, vector<12x32xf32>
    %dot_general3A_341 = arith.constant dense<0.000000e+00> : vector<256x32xf32>
    %dot_general3A_342 = tpu.matmul %get3A_337, %get3A_340, %dot_general3A_341 {dimension_numbers = #tpu.dot_dimension_numbers<[0], [0], [1], [1], [0, 1, 1, 1], [], []>, transpose_lhs_hint = false} : vector<12x256xf32>, vector<12x32xf32>, vector<256x32xf32> -> vector<256x32xf32>
    %swap3A_343 = arith.constant 0 : index
    %swap3A_344 = arith.constant 21 : index
    %swap3A_345 = arith.constant 0 : index
    %swap3A_346 = vector.load %arg14[%swap3A_343, %swap3A_344, %swap3A_345] : memref<256x32x32xf32, #tpu.memory_space<vmem>>, vector<256x1x32xf32>
    %swap3A_347 = vector.shape_cast %swap3A_346 : vector<256x1x32xf32> to vector<256x32xf32>
    %swap3A_348 = vector.shape_cast %dot_general3A_342 : vector<256x32xf32> to vector<256x1x32xf32>
    tpu.vector_store %arg14[%swap3A_343, %swap3A_344, %swap3A_345], %swap3A_348 {strides = array<i32>} : memref<256x32x32xf32, #tpu.memory_space<vmem>>, vector<256x1x32xf32>,
    %get3A_349 = arith.constant 22 : index
    %get3A_350 = arith.constant 0 : index
    %get3A_351 = arith.constant 0 : index
    %get3A_352 = vector.load %arg1[%get3A_349, %get3A_350, %get3A_351] : memref<32x12x256xf32, #tpu.memory_space<vmem>>, vector<1x12x256xf32>
    %get3A_353 = vector.shape_cast %get3A_352 : vector<1x12x256xf32> to vector<12x256xf32>
    %get3A_354 = arith.constant 0 : index
    %get3A_355 = arith.constant 0 : index
    %get3A_356 = vector.load %arg6[%get3A_354, %get3A_355] : memref<12x32xf32, #tpu.memory_space<vmem>>, vector<12x32xf32>
    %dot_general3A_357 = arith.constant dense<0.000000e+00> : vector<256x32xf32>
    %dot_general3A_358 = tpu.matmul %get3A_353, %get3A_356, %dot_general3A_357 {dimension_numbers = #tpu.dot_dimension_numbers<[0], [0], [1], [1], [0, 1, 1, 1], [], []>, transpose_lhs_hint = false} : vector<12x256xf32>, vector<12x32xf32>, vector<256x32xf32> -> vector<256x32xf32>
    %swap3A_359 = arith.constant 0 : index
    %swap3A_360 = arith.constant 22 : index
    %swap3A_361 = arith.constant 0 : index
    %swap3A_362 = vector.load %arg14[%swap3A_359, %swap3A_360, %swap3A_361] : memref<256x32x32xf32, #tpu.memory_space<vmem>>, vector<256x1x32xf32>
    %swap3A_363 = vector.shape_cast %swap3A_362 : vector<256x1x32xf32> to vector<256x32xf32>
    %swap3A_364 = vector.shape_cast %dot_general3A_358 : vector<256x32xf32> to vector<256x1x32xf32>
    tpu.vector_store %arg14[%swap3A_359, %swap3A_360, %swap3A_361], %swap3A_364 {strides = array<i32>} : memref<256x32x32xf32, #tpu.memory_space<vmem>>, vector<256x1x32xf32>,
    %get3A_365 = arith.constant 23 : index
    %get3A_366 = arith.constant 0 : index
    %get3A_367 = arith.constant 0 : index
    %get3A_368 = vector.load %arg1[%get3A_365, %get3A_366, %get3A_367] : memref<32x12x256xf32, #tpu.memory_space<vmem>>, vector<1x12x256xf32>
    %get3A_369 = vector.shape_cast %get3A_368 : vector<1x12x256xf32> to vector<12x256xf32>
    %get3A_370 = arith.constant 0 : index
    %get3A_371 = arith.constant 0 : index
    %get3A_372 = vector.load %arg6[%get3A_370, %get3A_371] : memref<12x32xf32, #tpu.memory_space<vmem>>, vector<12x32xf32>
    %dot_general3A_373 = arith.constant dense<0.000000e+00> : vector<256x32xf32>
    %dot_general3A_374 = tpu.matmul %get3A_369, %get3A_372, %dot_general3A_373 {dimension_numbers = #tpu.dot_dimension_numbers<[0], [0], [1], [1], [0, 1, 1, 1], [], []>, transpose_lhs_hint = false} : vector<12x256xf32>, vector<12x32xf32>, vector<256x32xf32> -> vector<256x32xf32>
    %swap3A_375 = arith.constant 0 : index
    %swap3A_376 = arith.constant 23 : index
    %swap3A_377 = arith.constant 0 : index
    %swap3A_378 = vector.load %arg14[%swap3A_375, %swap3A_376, %swap3A_377] : memref<256x32x32xf32, #tpu.memory_space<vmem>>, vector<256x1x32xf32>
    %swap3A_379 = vector.shape_cast %swap3A_378 : vector<256x1x32xf32> to vector<256x32xf32>
    %swap3A_380 = vector.shape_cast %dot_general3A_374 : vector<256x32xf32> to vector<256x1x32xf32>
    tpu.vector_store %arg14[%swap3A_375, %swap3A_376, %swap3A_377], %swap3A_380 {strides = array<i32>} : memref<256x32x32xf32, #tpu.memory_space<vmem>>, vector<256x1x32xf32>,
    %get3A_381 = arith.constant 24 : index
    %get3A_382 = arith.constant 0 : index
    %get3A_383 = arith.constant 0 : index
    %get3A_384 = vector.load %arg1[%get3A_381, %get3A_382, %get3A_383] : memref<32x12x256xf32, #tpu.memory_space<vmem>>, vector<1x12x256xf32>
    %get3A_385 = vector.shape_cast %get3A_384 : vector<1x12x256xf32> to vector<12x256xf32>
    %get3A_386 = arith.constant 0 : index
    %get3A_387 = arith.constant 0 : index
    %get3A_388 = vector.load %arg6[%get3A_386, %get3A_387] : memref<12x32xf32, #tpu.memory_space<vmem>>, vector<12x32xf32>
    %dot_general3A_389 = arith.constant dense<0.000000e+00> : vector<256x32xf32>
    %dot_general3A_390 = tpu.matmul %get3A_385, %get3A_388, %dot_general3A_389 {dimension_numbers = #tpu.dot_dimension_numbers<[0], [0], [1], [1], [0, 1, 1, 1], [], []>, transpose_lhs_hint = false} : vector<12x256xf32>, vector<12x32xf32>, vector<256x32xf32> -> vector<256x32xf32>
    %swap3A_391 = arith.constant 0 : index
    %swap3A_392 = arith.constant 24 : index
    %swap3A_393 = arith.constant 0 : index
    %swap3A_394 = vector.load %arg14[%swap3A_391, %swap3A_392, %swap3A_393] : memref<256x32x32xf32, #tpu.memory_space<vmem>>, vector<256x1x32xf32>
    %swap3A_395 = vector.shape_cast %swap3A_394 : vector<256x1x32xf32> to vector<256x32xf32>
    %swap3A_396 = vector.shape_cast %dot_general3A_390 : vector<256x32xf32> to vector<256x1x32xf32>
    tpu.vector_store %arg14[%swap3A_391, %swap3A_392, %swap3A_393], %swap3A_396 {strides = array<i32>} : memref<256x32x32xf32, #tpu.memory_space<vmem>>, vector<256x1x32xf32>,
    %get3A_397 = arith.constant 25 : index
    %get3A_398 = arith.constant 0 : index
    %get3A_399 = arith.constant 0 : index
    %get3A_400 = vector.load %arg1[%get3A_397, %get3A_398, %get3A_399] : memref<32x12x256xf32, #tpu.memory_space<vmem>>, vector<1x12x256xf32>
    %get3A_401 = vector.shape_cast %get3A_400 : vector<1x12x256xf32> to vector<12x256xf32>
    %get3A_402 = arith.constant 0 : index
    %get3A_403 = arith.constant 0 : index
    %get3A_404 = vector.load %arg6[%get3A_402, %get3A_403] : memref<12x32xf32, #tpu.memory_space<vmem>>, vector<12x32xf32>
    %dot_general3A_405 = arith.constant dense<0.000000e+00> : vector<256x32xf32>
    %dot_general3A_406 = tpu.matmul %get3A_401, %get3A_404, %dot_general3A_405 {dimension_numbers = #tpu.dot_dimension_numbers<[0], [0], [1], [1], [0, 1, 1, 1], [], []>, transpose_lhs_hint = false} : vector<12x256xf32>, vector<12x32xf32>, vector<256x32xf32> -> vector<256x32xf32>
    %swap3A_407 = arith.constant 0 : index
    %swap3A_408 = arith.constant 25 : index
    %swap3A_409 = arith.constant 0 : index
    %swap3A_410 = vector.load %arg14[%swap3A_407, %swap3A_408, %swap3A_409] : memref<256x32x32xf32, #tpu.memory_space<vmem>>, vector<256x1x32xf32>
    %swap3A_411 = vector.shape_cast %swap3A_410 : vector<256x1x32xf32> to vector<256x32xf32>
    %swap3A_412 = vector.shape_cast %dot_general3A_406 : vector<256x32xf32> to vector<256x1x32xf32>
    tpu.vector_store %arg14[%swap3A_407, %swap3A_408, %swap3A_409], %swap3A_412 {strides = array<i32>} : memref<256x32x32xf32, #tpu.memory_space<vmem>>, vector<256x1x32xf32>,
    %get3A_413 = arith.constant 26 : index
    %get3A_414 = arith.constant 0 : index
    %get3A_415 = arith.constant 0 : index
    %get3A_416 = vector.load %arg1[%get3A_413, %get3A_414, %get3A_415] : memref<32x12x256xf32, #tpu.memory_space<vmem>>, vector<1x12x256xf32>
    %get3A_417 = vector.shape_cast %get3A_416 : vector<1x12x256xf32> to vector<12x256xf32>
    %get3A_418 = arith.constant 0 : index
    %get3A_419 = arith.constant 0 : index
    %get3A_420 = vector.load %arg6[%get3A_418, %get3A_419] : memref<12x32xf32, #tpu.memory_space<vmem>>, vector<12x32xf32>
    %dot_general3A_421 = arith.constant dense<0.000000e+00> : vector<256x32xf32>
    %dot_general3A_422 = tpu.matmul %get3A_417, %get3A_420, %dot_general3A_421 {dimension_numbers = #tpu.dot_dimension_numbers<[0], [0], [1], [1], [0, 1, 1, 1], [], []>, transpose_lhs_hint = false} : vector<12x256xf32>, vector<12x32xf32>, vector<256x32xf32> -> vector<256x32xf32>
    %swap3A_423 = arith.constant 0 : index
    %swap3A_424 = arith.constant 26 : index
    %swap3A_425 = arith.constant 0 : index
    %swap3A_426 = vector.load %arg14[%swap3A_423, %swap3A_424, %swap3A_425] : memref<256x32x32xf32, #tpu.memory_space<vmem>>, vector<256x1x32xf32>
    %swap3A_427 = vector.shape_cast %swap3A_426 : vector<256x1x32xf32> to vector<256x32xf32>
    %swap3A_428 = vector.shape_cast %dot_general3A_422 : vector<256x32xf32> to vector<256x1x32xf32>
    tpu.vector_store %arg14[%swap3A_423, %swap3A_424, %swap3A_425], %swap3A_428 {strides = array<i32>} : memref<256x32x32xf32, #tpu.memory_space<vmem>>, vector<256x1x32xf32>,
    %get3A_429 = arith.constant 27 : index
    %get3A_430 = arith.constant 0 : index
    %get3A_431 = arith.constant 0 : index
    %get3A_432 = vector.load %arg1[%get3A_429, %get3A_430, %get3A_431] : memref<32x12x256xf32, #tpu.memory_space<vmem>>, vector<1x12x256xf32>
    %get3A_433 = vector.shape_cast %get3A_432 : vector<1x12x256xf32> to vector<12x256xf32>
    %get3A_434 = arith.constant 0 : index
    %get3A_435 = arith.constant 0 : index
    %get3A_436 = vector.load %arg6[%get3A_434, %get3A_435] : memref<12x32xf32, #tpu.memory_space<vmem>>, vector<12x32xf32>
    %dot_general3A_437 = arith.constant dense<0.000000e+00> : vector<256x32xf32>
    %dot_general3A_438 = tpu.matmul %get3A_433, %get3A_436, %dot_general3A_437 {dimension_numbers = #tpu.dot_dimension_numbers<[0], [0], [1], [1], [0, 1, 1, 1], [], []>, transpose_lhs_hint = false} : vector<12x256xf32>, vector<12x32xf32>, vector<256x32xf32> -> vector<256x32xf32>
    %swap3A_439 = arith.constant 0 : index
    %swap3A_440 = arith.constant 27 : index
    %swap3A_441 = arith.constant 0 : index
    %swap3A_442 = vector.load %arg14[%swap3A_439, %swap3A_440, %swap3A_441] : memref<256x32x32xf32, #tpu.memory_space<vmem>>, vector<256x1x32xf32>
    %swap3A_443 = vector.shape_cast %swap3A_442 : vector<256x1x32xf32> to vector<256x32xf32>
    %swap3A_444 = vector.shape_cast %dot_general3A_438 : vector<256x32xf32> to vector<256x1x32xf32>
    tpu.vector_store %arg14[%swap3A_439, %swap3A_440, %swap3A_441], %swap3A_444 {strides = array<i32>} : memref<256x32x32xf32, #tpu.memory_space<vmem>>, vector<256x1x32xf32>,
    %get3A_445 = arith.constant 28 : index
    %get3A_446 = arith.constant 0 : index
    %get3A_447 = arith.constant 0 : index
    %get3A_448 = vector.load %arg1[%get3A_445, %get3A_446, %get3A_447] : memref<32x12x256xf32, #tpu.memory_space<vmem>>, vector<1x12x256xf32>
    %get3A_449 = vector.shape_cast %get3A_448 : vector<1x12x256xf32> to vector<12x256xf32>
    %get3A_450 = arith.constant 0 : index
    %get3A_451 = arith.constant 0 : index
    %get3A_452 = vector.load %arg6[%get3A_450, %get3A_451] : memref<12x32xf32, #tpu.memory_space<vmem>>, vector<12x32xf32>
    %dot_general3A_453 = arith.constant dense<0.000000e+00> : vector<256x32xf32>
    %dot_general3A_454 = tpu.matmul %get3A_449, %get3A_452, %dot_general3A_453 {dimension_numbers = #tpu.dot_dimension_numbers<[0], [0], [1], [1], [0, 1, 1, 1], [], []>, transpose_lhs_hint = false} : vector<12x256xf32>, vector<12x32xf32>, vector<256x32xf32> -> vector<256x32xf32>
    %swap3A_455 = arith.constant 0 : index
    %swap3A_456 = arith.constant 28 : index
    %swap3A_457 = arith.constant 0 : index
    %swap3A_458 = vector.load %arg14[%swap3A_455, %swap3A_456, %swap3A_457] : memref<256x32x32xf32, #tpu.memory_space<vmem>>, vector<256x1x32xf32>
    %swap3A_459 = vector.shape_cast %swap3A_458 : vector<256x1x32xf32> to vector<256x32xf32>
    %swap3A_460 = vector.shape_cast %dot_general3A_454 : vector<256x32xf32> to vector<256x1x32xf32>
    tpu.vector_store %arg14[%swap3A_455, %swap3A_456, %swap3A_457], %swap3A_460 {strides = array<i32>} : memref<256x32x32xf32, #tpu.memory_space<vmem>>, vector<256x1x32xf32>,
    %get3A_461 = arith.constant 29 : index
    %get3A_462 = arith.constant 0 : index
    %get3A_463 = arith.constant 0 : index
    %get3A_464 = vector.load %arg1[%get3A_461, %get3A_462, %get3A_463] : memref<32x12x256xf32, #tpu.memory_space<vmem>>, vector<1x12x256xf32>
    %get3A_465 = vector.shape_cast %get3A_464 : vector<1x12x256xf32> to vector<12x256xf32>
    %get3A_466 = arith.constant 0 : index
    %get3A_467 = arith.constant 0 : index
    %get3A_468 = vector.load %arg6[%get3A_466, %get3A_467] : memref<12x32xf32, #tpu.memory_space<vmem>>, vector<12x32xf32>
    %dot_general3A_469 = arith.constant dense<0.000000e+00> : vector<256x32xf32>
    %dot_general3A_470 = tpu.matmul %get3A_465, %get3A_468, %dot_general3A_469 {dimension_numbers = #tpu.dot_dimension_numbers<[0], [0], [1], [1], [0, 1, 1, 1], [], []>, transpose_lhs_hint = false} : vector<12x256xf32>, vector<12x32xf32>, vector<256x32xf32> -> vector<256x32xf32>
    %swap3A_471 = arith.constant 0 : index
    %swap3A_472 = arith.constant 29 : index
    %swap3A_473 = arith.constant 0 : index
    %swap3A_474 = vector.load %arg14[%swap3A_471, %swap3A_472, %swap3A_473] : memref<256x32x32xf32, #tpu.memory_space<vmem>>, vector<256x1x32xf32>
    %swap3A_475 = vector.shape_cast %swap3A_474 : vector<256x1x32xf32> to vector<256x32xf32>
    %swap3A_476 = vector.shape_cast %dot_general3A_470 : vector<256x32xf32> to vector<256x1x32xf32>
    tpu.vector_store %arg14[%swap3A_471, %swap3A_472, %swap3A_473], %swap3A_476 {strides = array<i32>} : memref<256x32x32xf32, #tpu.memory_space<vmem>>, vector<256x1x32xf32>,
    %get3A_477 = arith.constant 30 : index
    %get3A_478 = arith.constant 0 : index
    %get3A_479 = arith.constant 0 : index
    %get3A_480 = vector.load %arg1[%get3A_477, %get3A_478, %get3A_479] : memref<32x12x256xf32, #tpu.memory_space<vmem>>, vector<1x12x256xf32>
    %get3A_481 = vector.shape_cast %get3A_480 : vector<1x12x256xf32> to vector<12x256xf32>
    %get3A_482 = arith.constant 0 : index
    %get3A_483 = arith.constant 0 : index
    %get3A_484 = vector.load %arg6[%get3A_482, %get3A_483] : memref<12x32xf32, #tpu.memory_space<vmem>>, vector<12x32xf32>
    %dot_general3A_485 = arith.constant dense<0.000000e+00> : vector<256x32xf32>
    %dot_general3A_486 = tpu.matmul %get3A_481, %get3A_484, %dot_general3A_485 {dimension_numbers = #tpu.dot_dimension_numbers<[0], [0], [1], [1], [0, 1, 1, 1], [], []>, transpose_lhs_hint = false} : vector<12x256xf32>, vector<12x32xf32>, vector<256x32xf32> -> vector<256x32xf32>
    %swap3A_487 = arith.constant 0 : index
    %swap3A_488 = arith.constant 30 : index
    %swap3A_489 = arith.constant 0 : index
    %swap3A_490 = vector.load %arg14[%swap3A_487, %swap3A_488, %swap3A_489] : memref<256x32x32xf32, #tpu.memory_space<vmem>>, vector<256x1x32xf32>
    %swap3A_491 = vector.shape_cast %swap3A_490 : vector<256x1x32xf32> to vector<256x32xf32>
    %swap3A_492 = vector.shape_cast %dot_general3A_486 : vector<256x32xf32> to vector<256x1x32xf32>
    tpu.vector_store %arg14[%swap3A_487, %swap3A_488, %swap3A_489], %swap3A_492 {strides = array<i32>} : memref<256x32x32xf32, #tpu.memory_space<vmem>>, vector<256x1x32xf32>,
    %get3A_493 = arith.constant 31 : index
    %get3A_494 = arith.constant 0 : index
    %get3A_495 = arith.constant 0 : index
    %get3A_496 = vector.load %arg1[%get3A_493, %get3A_494, %get3A_495] : memref<32x12x256xf32, #tpu.memory_space<vmem>>, vector<1x12x256xf32>
    %get3A_497 = vector.shape_cast %get3A_496 : vector<1x12x256xf32> to vector<12x256xf32>
    %get3A_498 = arith.constant 0 : index
    %get3A_499 = arith.constant 0 : index
    %get3A_500 = vector.load %arg6[%get3A_498, %get3A_499] : memref<12x32xf32, #tpu.memory_space<vmem>>, vector<12x32xf32>
    %dot_general3A_501 = arith.constant dense<0.000000e+00> : vector<256x32xf32>
    %dot_general3A_502 = tpu.matmul %get3A_497, %get3A_500, %dot_general3A_501 {dimension_numbers = #tpu.dot_dimension_numbers<[0], [0], [1], [1], [0, 1, 1, 1], [], []>, transpose_lhs_hint = false} : vector<12x256xf32>, vector<12x32xf32>, vector<256x32xf32> -> vector<256x32xf32>
    %swap3A_503 = arith.constant 0 : index
    %swap3A_504 = arith.constant 31 : index
    %swap3A_505 = arith.constant 0 : index
    %swap3A_506 = vector.load %arg14[%swap3A_503, %swap3A_504, %swap3A_505] : memref<256x32x32xf32, #tpu.memory_space<vmem>>, vector<256x1x32xf32>
    %swap3A_507 = vector.shape_cast %swap3A_506 : vector<256x1x32xf32> to vector<256x32xf32>
    %swap3A_508 = vector.shape_cast %dot_general3A_502 : vector<256x32xf32> to vector<256x1x32xf32>
    tpu.vector_store %arg14[%swap3A_503, %swap3A_504, %swap3A_505], %swap3A_508 {strides = array<i32>} : memref<256x32x32xf32, #tpu.memory_space<vmem>>, vector<256x1x32xf32>,
    %get3A_509 = arith.constant 0 : index
    %get3A_510 = arith.constant 0 : index
    %get3A_511 = arith.constant 0 : index
    %get3A_512 = vector.load %arg14[%get3A_509, %get3A_510, %get3A_511] : memref<256x32x32xf32, #tpu.memory_space<vmem>>, vector<256x32x32xf32>
    %reshape3A = vector.shape_cast %get3A_512 : vector<256x32x32xf32> to vector<8192x32xf32>
    %get3A_513 = arith.constant 0 : index
    %get3A_514 = arith.constant 0 : index
    %get3A_515 = vector.load %arg4[%get3A_513, %get3A_514] : memref<256x32xf32, #tpu.memory_space<vmem>>, vector<256x32xf32>
    %broadcast_in_dim3A = vector.shape_cast %get3A_515 : vector<256x32xf32> to vector<256x1x32xf32>
    %broadcast_in_dim3A_516 = vector.shape_cast %broadcast_in_dim3A : vector<256x1x32xf32> to vector<256x1x32xf32>
    %broadcast_in_dim3A_517 = vector.broadcast %broadcast_in_dim3A_516 : vector<256x1x32xf32> to vector<256x32x32xf32>
    %reshape3A_518 = vector.shape_cast %broadcast_in_dim3A_517 : vector<256x32x32xf32> to vector<8192x32xf32>
    %get3A_519 = arith.constant 0 : index
    %get3A_520 = arith.constant 0 : index
    %get3A_521 = vector.load %arg2[%get3A_519, %get3A_520] : memref<8192x32xf32, #tpu.memory_space<vmem>>, vector<8192x32xf32>
    %get3A_522 = arith.constant 0 : index
    %get3A_523 = arith.constant 0 : index
    %get3A_524 = vector.load %arg3[%get3A_522, %get3A_523] : memref<8192x32xf32, #tpu.memory_space<vmem>>, vector<8192x32xf32>
    %get3A_525 = arith.constant 0 : index
    %get3A_526 = arith.constant 0 : index
    %get3A_527 = vector.load %arg5[%get3A_525, %get3A_526] : memref<8192x32xbf16, #tpu.memory_space<vmem>>, vector<8192x32xbf16>
    %convert_element_type3A = arith.extf %get3A_527 : vector<8192x32xbf16> to vector<8192x32xf32>
    %concatenate3A = tpu.concatenate %reshape3A, %reshape3A_518, %get3A_521, %get3A_524, %convert_element_type3A in 1 : vector<8192x32xf32>, vector<8192x32xf32>, vector<8192x32xf32>, vector<8192x32xf32>, vector<8192x32xf32> -> vector<8192x160xf32>
    %convert_element_type3A_528 = arith.truncf %concatenate3A : vector<8192x160xf32> to vector<8192x160xbf16>
    %get3A_529 = arith.constant 0 : index
    %get3A_530 = arith.constant 0 : index
    %get3A_531 = arith.constant 0 : index
    %get3A_532 = vector.load %arg7[%get3A_529, %get3A_530, %get3A_531] : memref<3x160x160xbf16, #tpu.memory_space<vmem>>, vector<1x160x160xbf16>
    %get3A_533 = vector.shape_cast %get3A_532 : vector<1x160x160xbf16> to vector<160x160xbf16>
    %dot_general3A_534 = arith.constant dense<0.000000e+00> : vector<8192x160xf32>
    %dot_general3A_535 = tpu.matmul %convert_element_type3A_528, %get3A_533, %dot_general3A_534 {dimension_numbers = #tpu.dot_dimension_numbers<[1], [0], [0], [1], [0, 0, 1, 1], [], []>, transpose_lhs_hint = false} : vector<8192x160xbf16>, vector<160x160xbf16>, vector<8192x160xf32> -> vector<8192x160xf32>
    %get3A_536 = arith.constant 0 : index
    %get3A_537 = arith.constant 0 : index
    %get3A_538 = arith.constant 0 : index
    %get3A_539 = vector.load %arg8[%get3A_536, %get3A_537, %get3A_538] : memref<3x1x160xf32, #tpu.memory_space<vmem>>, vector<1x1x160xf32>
    %get3A_540 = vector.shape_cast %get3A_539 : vector<1x1x160xf32> to vector<1x160xf32>
    %add3A = vector.broadcast %get3A_540 : vector<1x160xf32> to vector<8192x160xf32>
    %add3A_541 = arith.addf %dot_general3A_535, %add3A : vector<8192x160xf32>
    %max3A = arith.constant 0.000000e+00 : f32
    %max3A_542 = vector.broadcast %max3A : f32 to vector<8192x160xf32>
    %max3A_543 = arith.maximumf %add3A_541, %max3A_542 : vector<8192x160xf32>
    %convert_element_type3A_544 = arith.truncf %max3A_543 : vector<8192x160xf32> to vector<8192x160xbf16>
    %get3A_545 = arith.constant 0 : index
    %get3A_546 = arith.constant 0 : index
    %get3A_547 = arith.constant 0 : index
    %get3A_548 = vector.load %arg9[%get3A_545, %get3A_546, %get3A_547] : memref<3x160x160xbf16, #tpu.memory_space<vmem>>, vector<1x160x160xbf16>
    %get3A_549 = vector.shape_cast %get3A_548 : vector<1x160x160xbf16> to vector<160x160xbf16>
    %dot_general3A_550 = arith.constant dense<0.000000e+00> : vector<8192x160xf32>
    %dot_general3A_551 = tpu.matmul %convert_element_type3A_544, %get3A_549, %dot_general3A_550 {dimension_numbers = #tpu.dot_dimension_numbers<[1], [0], [0], [1], [0, 0, 1, 1], [], []>, transpose_lhs_hint = false} : vector<8192x160xbf16>, vector<160x160xbf16>, vector<8192x160xf32> -> vector<8192x160xf32>
    %add3A_552 = arith.addf %concatenate3A, %dot_general3A_551 : vector<8192x160xf32>
    %get3A_553 = arith.constant 0 : index
    %get3A_554 = arith.constant 0 : index
    %get3A_555 = arith.constant 0 : index
    %get3A_556 = vector.load %arg10[%get3A_553, %get3A_554, %get3A_555] : memref<3x1x160xf32, #tpu.memory_space<vmem>>, vector<1x1x160xf32>
    %get3A_557 = vector.shape_cast %get3A_556 : vector<1x1x160xf32> to vector<1x160xf32>
    %add3A_558 = vector.broadcast %get3A_557 : vector<1x160xf32> to vector<8192x160xf32>
    %add3A_559 = arith.addf %add3A_552, %add3A_558 : vector<8192x160xf32>
    %convert_element_type3A_560 = arith.truncf %add3A_559 : vector<8192x160xf32> to vector<8192x160xbf16>
    %get3A_561 = arith.constant 1 : index
    %get3A_562 = arith.constant 0 : index
    %get3A_563 = arith.constant 0 : index
    %get3A_564 = vector.load %arg7[%get3A_561, %get3A_562, %get3A_563] : memref<3x160x160xbf16, #tpu.memory_space<vmem>>, vector<1x160x160xbf16>
    %get3A_565 = vector.shape_cast %get3A_564 : vector<1x160x160xbf16> to vector<160x160xbf16>
    %dot_general3A_566 = arith.constant dense<0.000000e+00> : vector<8192x160xf32>
    %dot_general3A_567 = tpu.matmul %convert_element_type3A_560, %get3A_565, %dot_general3A_566 {dimension_numbers = #tpu.dot_dimension_numbers<[1], [0], [0], [1], [0, 0, 1, 1], [], []>, transpose_lhs_hint = false} : vector<8192x160xbf16>, vector<160x160xbf16>, vector<8192x160xf32> -> vector<8192x160xf32>
    %get3A_568 = arith.constant 1 : index
    %get3A_569 = arith.constant 0 : index
    %get3A_570 = arith.constant 0 : index
    %get3A_571 = vector.load %arg8[%get3A_568, %get3A_569, %get3A_570] : memref<3x1x160xf32, #tpu.memory_space<vmem>>, vector<1x1x160xf32>
    %get3A_572 = vector.shape_cast %get3A_571 : vector<1x1x160xf32> to vector<1x160xf32>
    %add3A_573 = vector.broadcast %get3A_572 : vector<1x160xf32> to vector<8192x160xf32>
    %add3A_574 = arith.addf %dot_general3A_567, %add3A_573 : vector<8192x160xf32>
    %max3A_575 = arith.constant 0.000000e+00 : f32
    %max3A_576 = vector.broadcast %max3A_575 : f32 to vector<8192x160xf32>
    %max3A_577 = arith.maximumf %add3A_574, %max3A_576 : vector<8192x160xf32>
    %convert_element_type3A_578 = arith.truncf %max3A_577 : vector<8192x160xf32> to vector<8192x160xbf16>
    %get3A_579 = arith.constant 1 : index
    %get3A_580 = arith.constant 0 : index
    %get3A_581 = arith.constant 0 : index
    %get3A_582 = vector.load %arg9[%get3A_579, %get3A_580, %get3A_581] : memref<3x160x160xbf16, #tpu.memory_space<vmem>>, vector<1x160x160xbf16>
    %get3A_583 = vector.shape_cast %get3A_582 : vector<1x160x160xbf16> to vector<160x160xbf16>
    %dot_general3A_584 = arith.constant dense<0.000000e+00> : vector<8192x160xf32>
    %dot_general3A_585 = tpu.matmul %convert_element_type3A_578, %get3A_583, %dot_general3A_584 {dimension_numbers = #tpu.dot_dimension_numbers<[1], [0], [0], [1], [0, 0, 1, 1], [], []>, transpose_lhs_hint = false} : vector<8192x160xbf16>, vector<160x160xbf16>, vector<8192x160xf32> -> vector<8192x160xf32>
    %add3A_586 = arith.addf %add3A_559, %dot_general3A_585 : vector<8192x160xf32>
    %get3A_587 = arith.constant 1 : index
    %get3A_588 = arith.constant 0 : index
    %get3A_589 = arith.constant 0 : index
    %get3A_590 = vector.load %arg10[%get3A_587, %get3A_588, %get3A_589] : memref<3x1x160xf32, #tpu.memory_space<vmem>>, vector<1x1x160xf32>
    %get3A_591 = vector.shape_cast %get3A_590 : vector<1x1x160xf32> to vector<1x160xf32>
    %add3A_592 = vector.broadcast %get3A_591 : vector<1x160xf32> to vector<8192x160xf32>
    %add3A_593 = arith.addf %add3A_586, %add3A_592 : vector<8192x160xf32>
    %convert_element_type3A_594 = arith.truncf %add3A_593 : vector<8192x160xf32> to vector<8192x160xbf16>
    %get3A_595 = arith.constant 2 : index
    %get3A_596 = arith.constant 0 : index
    %get3A_597 = arith.constant 0 : index
    %get3A_598 = vector.load %arg7[%get3A_595, %get3A_596, %get3A_597] : memref<3x160x160xbf16, #tpu.memory_space<vmem>>, vector<1x160x160xbf16>
    %get3A_599 = vector.shape_cast %get3A_598 : vector<1x160x160xbf16> to vector<160x160xbf16>
    %dot_general3A_600 = arith.constant dense<0.000000e+00> : vector<8192x160xf32>
    %dot_general3A_601 = tpu.matmul %convert_element_type3A_594, %get3A_599, %dot_general3A_600 {dimension_numbers = #tpu.dot_dimension_numbers<[1], [0], [0], [1], [0, 0, 1, 1], [], []>, transpose_lhs_hint = false} : vector<8192x160xbf16>, vector<160x160xbf16>, vector<8192x160xf32> -> vector<8192x160xf32>
    %get3A_602 = arith.constant 2 : index
    %get3A_603 = arith.constant 0 : index
    %get3A_604 = arith.constant 0 : index
    %get3A_605 = vector.load %arg8[%get3A_602, %get3A_603, %get3A_604] : memref<3x1x160xf32, #tpu.memory_space<vmem>>, vector<1x1x160xf32>
    %get3A_606 = vector.shape_cast %get3A_605 : vector<1x1x160xf32> to vector<1x160xf32>
    %add3A_607 = vector.broadcast %get3A_606 : vector<1x160xf32> to vector<8192x160xf32>
    %add3A_608 = arith.addf %dot_general3A_601, %add3A_607 : vector<8192x160xf32>
    %max3A_609 = arith.constant 0.000000e+00 : f32
    %max3A_610 = vector.broadcast %max3A_609 : f32 to vector<8192x160xf32>
    %max3A_611 = arith.maximumf %add3A_608, %max3A_610 : vector<8192x160xf32>
    %convert_element_type3A_612 = arith.truncf %max3A_611 : vector<8192x160xf32> to vector<8192x160xbf16>
    %get3A_613 = arith.constant 2 : index
    %get3A_614 = arith.constant 0 : index
    %get3A_615 = arith.constant 0 : index
    %get3A_616 = vector.load %arg9[%get3A_613, %get3A_614, %get3A_615] : memref<3x160x160xbf16, #tpu.memory_space<vmem>>, vector<1x160x160xbf16>
    %get3A_617 = vector.shape_cast %get3A_616 : vector<1x160x160xbf16> to vector<160x160xbf16>
    %dot_general3A_618 = arith.constant dense<0.000000e+00> : vector<8192x160xf32>
    %dot_general3A_619 = tpu.matmul %convert_element_type3A_612, %get3A_617, %dot_general3A_618 {dimension_numbers = #tpu.dot_dimension_numbers<[1], [0], [0], [1], [0, 0, 1, 1], [], []>, transpose_lhs_hint = false} : vector<8192x160xbf16>, vector<160x160xbf16>, vector<8192x160xf32> -> vector<8192x160xf32>
    %add3A_620 = arith.addf %add3A_593, %dot_general3A_619 : vector<8192x160xf32>
    %get3A_621 = arith.constant 2 : index
    %get3A_622 = arith.constant 0 : index
    %get3A_623 = arith.constant 0 : index
    %get3A_624 = vector.load %arg10[%get3A_621, %get3A_622, %get3A_623] : memref<3x1x160xf32, #tpu.memory_space<vmem>>, vector<1x1x160xf32>
    %get3A_625 = vector.shape_cast %get3A_624 : vector<1x1x160xf32> to vector<1x160xf32>
    %add3A_626 = vector.broadcast %get3A_625 : vector<1x160xf32> to vector<8192x160xf32>
    %add3A_627 = arith.addf %add3A_620, %add3A_626 : vector<8192x160xf32>
    %convert_element_type3A_628 = arith.truncf %add3A_627 : vector<8192x160xf32> to vector<8192x160xbf16>
    %get3A_629 = arith.constant 0 : index
    %get3A_630 = arith.constant 0 : index
    %get3A_631 = vector.load %arg11[%get3A_629, %get3A_630] : memref<160x12xbf16, #tpu.memory_space<vmem>>, vector<160x12xbf16>
    %dot_general3A_632 = arith.constant dense<0.000000e+00> : vector<8192x12xf32>
    %dot_general3A_633 = tpu.matmul %convert_element_type3A_628, %get3A_631, %dot_general3A_632 {dimension_numbers = #tpu.dot_dimension_numbers<[1], [0], [0], [1], [0, 0, 1, 1], [], []>, transpose_lhs_hint = false} : vector<8192x160xbf16>, vector<160x12xbf16>, vector<8192x12xf32> -> vector<8192x12xf32>
    %get3A_634 = arith.constant 0 : index
    %get3A_635 = arith.constant 0 : index
    %get3A_636 = vector.load %arg12[%get3A_634, %get3A_635] : memref<1x12xf32, #tpu.memory_space<vmem>>, vector<1x12xf32>
    %add3A_637 = vector.broadcast %get3A_636 : vector<1x12xf32> to vector<8192x12xf32>
    %add3A_638 = arith.addf %dot_general3A_633, %add3A_637 : vector<8192x12xf32>
    %swap3A_639 = arith.constant 0 : index
    %swap3A_640 = arith.constant 0 : index
    %swap3A_641 = vector.load %arg13[%swap3A_639, %swap3A_640] : memref<8192x12xf32, #tpu.memory_space<vmem>>, vector<8192x12xf32>
    tpu.vector_store %arg13[%swap3A_639, %swap3A_640], %add3A_638 {strides = array<i32>} : memref<8192x12xf32, #tpu.memory_space<vmem>>, vector<8192x12xf32>,
    return
  }
  func.func @transform_0(%arg0: i32) -> (i32, i32, i32) {
    %c0_i32 = arith.constant 0 : i32
    %c0_i32_0 = arith.constant 0 : i32
    %c0_i32_1 = arith.constant 0 : i32
    return %c0_i32, %c0_i32_0, %arg0 : i32, i32, i32
  }
  func.func @transform_1(%arg0: i32) -> (i32, i32) {
    %c0_i32 = arith.constant 0 : i32
    %c0_i32_0 = arith.constant 0 : i32
    return %arg0, %c0_i32 : i32, i32
  }
  func.func @transform_2(%arg0: i32) -> (i32, i32) {
    %c0_i32 = arith.constant 0 : i32
    %c0_i32_0 = arith.constant 0 : i32
    return %arg0, %c0_i32 : i32, i32
  }
  func.func @transform_3(%arg0: i32) -> (i32, i32) {
    %c0_i32 = arith.constant 0 : i32
    %c0_i32_0 = arith.constant 0 : i32
    return %arg0, %c0_i32 : i32, i32
  }
  func.func @transform_4(%arg0: i32) -> (i32, i32) {
    %c0_i32 = arith.constant 0 : i32
    %c0_i32_0 = arith.constant 0 : i32
    return %arg0, %c0_i32 : i32, i32
  }
  func.func @transform_5(%arg0: i32) -> (i32, i32) {
    %c0_i32 = arith.constant 0 : i32
    %c0_i32_0 = arith.constant 0 : i32
    %c0_i32_1 = arith.constant 0 : i32
    return %c0_i32, %c0_i32_0 : i32, i32
  }
  func.func @transform_6(%arg0: i32) -> (i32, i32, i32) {
    %c0_i32 = arith.constant 0 : i32
    %c0_i32_0 = arith.constant 0 : i32
    %c0_i32_1 = arith.constant 0 : i32
    %c0_i32_2 = arith.constant 0 : i32
    return %c0_i32, %c0_i32_0, %c0_i32_1 : i32, i32, i32
  }
  func.func @transform_7(%arg0: i32) -> (i32, i32, i32) {
    %c0_i32 = arith.constant 0 : i32
    %c0_i32_0 = arith.constant 0 : i32
    %c0_i32_1 = arith.constant 0 : i32
    %c0_i32_2 = arith.constant 0 : i32
    return %c0_i32, %c0_i32_0, %c0_i32_1 : i32, i32, i32
  }
  func.func @transform_8(%arg0: i32) -> (i32, i32, i32) {
    %c0_i32 = arith.constant 0 : i32
    %c0_i32_0 = arith.constant 0 : i32
    %c0_i32_1 = arith.constant 0 : i32
    %c0_i32_2 = arith.constant 0 : i32
    return %c0_i32, %c0_i32_0, %c0_i32_1 : i32, i32, i32
  }
  func.func @transform_9(%arg0: i32) -> (i32, i32, i32) {
    %c0_i32 = arith.constant 0 : i32
    %c0_i32_0 = arith.constant 0 : i32
    %c0_i32_1 = arith.constant 0 : i32
    %c0_i32_2 = arith.constant 0 : i32
    return %c0_i32, %c0_i32_0, %c0_i32_1 : i32, i32, i32
  }
  func.func @transform_10(%arg0: i32) -> (i32, i32) {
    %c0_i32 = arith.constant 0 : i32
    %c0_i32_0 = arith.constant 0 : i32
    %c0_i32_1 = arith.constant 0 : i32
    return %c0_i32, %c0_i32_0 : i32, i32
  }
  func.func @transform_11(%arg0: i32) -> (i32, i32) {
    %c0_i32 = arith.constant 0 : i32
    %c0_i32_0 = arith.constant 0 : i32
    %c0_i32_1 = arith.constant 0 : i32
    return %c0_i32, %c0_i32_0 : i32, i32
  }
  func.func @transform_12(%arg0: i32) -> (i32, i32) {
    %c0_i32 = arith.constant 0 : i32
    %c0_i32_0 = arith.constant 0 : i32
    return %arg0, %c0_i32 : i32, i32
  }
}

</mosaic_0001>

<sc_bundles>
// kernel: kernel.7.cloned.1.call-start
scs
__scs_entry_jumppad:
0x0: {  	(pc) =	sbr.rel $0x88, $3  }
0x1: {  	(tag) =	ssettag $0x0;
	lr =	simm.s32 $0x1  }
0x2: {  	[smem:$0x3F92] =	sst lr;
	_ =	strace $0xD0000000  }
0x3: {  	_ = 	snop  }
0x4: {  	_ = 	snop  }
0x5: {  	_ = 	snop  }
0x6: {  	_ = 	snop  }
0x7: {  	_ = 	snop  }
__scs_overlays_trampoline_lowered:
0x8: {  	[smem:$0x3FA1] =	sst s0  }
0x9: {  	[smem:$0x3FA2] =	sst s1  }
0xa: {  	[smem:$0x3FA3] =	sst s2  }
0xb: {  	[smem:$0x3FA4] =	sst s3  }
0xc: {  	[smem:$0x3FA5] =	sst s4  }
0xd: {  	[smem:$0x3FA6] =	sst s5  }
0xe: {  	[smem:$0x3FA7] =	sst s6  }
0xf: {  	[smem:$0x3FA8] =	sst s7  }
0x10: {  	[smem:$0x3FA9] =	sst s8  }
0x11: {  	[smem:$0x3FAA] =	sst s9;
	s0 =	simm.s32 @!p0 $0x0  }
0x12: {  	s1 =	sld [smem:$0x3F90];
	s0 =	simm.s32 @p0 $0x1  }
0x13: {  	[smem:$0x3FAB] =	sst s0;
	s0 =	simm.s32 @!p1 $0x0  }
0x14: {  	s2 =	sld [smem:$0x3F8F];
	s0 =	simm.s32 @p1 $0x1  }
0x15: {  	[smem:$0x3FAC] =	sst s0;
	s0 =	simm.s32 @!p2 $0x0  }
0x16: {  	s3 =	sld [smem:$0x3FDB];
	s0 =	simm.s32 @p2 $0x1  }
0x17: {  	s4 =	simm.s32 $0x1BF5;
	[smem:$0x3FAE] =	sst s0  }
0x18: {  	s0 =	sld [smem:$0x3F91];
	_ =	swait.ge [sflag:s4], $0x0  }
0x19: {  	s7 =	sld [smem:$0x3F92]  }
0x1a: {  	s8 =	sadd.s32 $0xFFFFE003, lr  }
0x1b: {  	s9 =	sadd.s32 $0xFFFFFEF7, lr;
	s5 =	simm.s32 $0xFFFFFFFF;
	p2 =	slt.u32 s8, $0xFFFFF086  }
0x1c: {  	p1 =	slt.u32 s9, $0xF7A;
	s5 =	simm.s32 @!p2 $0x0  }
0x1d: {  	s5 =	simm.s32 @p1 $0x1;
	p0 =	seq.s32 s7, s2  }
0x1e: {  	s7 =	smul.u32 @!p0 $0xF7A, s2;
	p2 =	seq.s32 @!p0 s5, $0x0  }
0x1f: {  	s9 =	smul.u32 $0xF7A, s1;
	s8 =	simm.s32 @!p0 $0x1BF5;
	p2 =	por !p2, p0  }
0x20: {  	[sflag:s8] =	ssyncset.s32 @!p0 $0xFFFFF086;
	s6 =	sadd.s32 @!p0 s3, s7;
	s7 =	simm.s32 @!p0 $0x108  }
0x21: {  	s3 =	sadd.s32 s3, s9;
	s6 =	sadd.s32 @!p0 $0x88, s6;
	s7 =	simm.s32 @p2 $0x1082  }
0x22: {  	[simem:s7], [sflag:s8] =	dma.local @!p0 [hbm:s6], $0xF7A  }
0x23: {  	s9 =	sor.u32 $0xD0000000, s2;
	s6 =	simm.s32 $0x108;
	_ =	swait.ge @!p0 [sflag:s8], $0x0  }
0x24: {  	s3 =	sadd.s32 $0x88, s3;
	s6 =	simm.s32 @!p1 $0x1082;
	[sflag:s4] =	ssyncset.s32 $0xFFFFF086  }
0x25: {  	[simem:s6], [sflag:s4] =	dma.local [hbm:s3], $0xF7A  }
0x26: {  	[smem:$0x3F92] =	sst s1;
	(tag) =	ssettag s2;
	_ =	strace s9  }
0x27: {  	s1 =	sld [smem:$0x3FA2]  }
0x28: {  	s2 =	sld [smem:$0x3FA3]  }
0x29: {  	s4 =	sld [smem:$0x3FA5]  }
0x2a: {  	p0 =	seq.s32 s5, $0x0;
	s5 =	sld [smem:$0x3FA6]  }
0x2b: {  	s6 =	sld [smem:$0x3FA7]  }
0x2c: {  	s7 =	sld [smem:$0x3FA8]  }
0x2d: {  	s3 =	simm.s32 $0x108;
	s8 =	sld [smem:$0x3FA9]  }
0x2e: {  	s3 =	simm.s32 @!p0 $0x1082;
	s9 =	sld [smem:$0x3FAA]  }
0x2f: {  	lr =	sadd.s32 s0, s3;
	s0 =	sld [smem:$0x3FA1]  }
0x30: {  	s3 =	sld [smem:$0x3FA4]  }
0x31: {  	[smem:$0x3FAD] =	sst s10  }
0x32: {  	s10 =	sld [smem:$0x3FAB];
	_ =	sdelay $0x3  }
0x33: {  	p0 =	seq.s32 s10, $0x1;
	s10 =	sld [smem:$0x3FAD];
	_ =	sdelay $0x3  }
0x34: {  	[smem:$0x3FAD] =	sst s10  }
0x35: {  	s10 =	sld [smem:$0x3FAC];
	_ =	sdelay $0x3  }
0x36: {  	p1 =	seq.s32 s10, $0x1;
	s10 =	sld [smem:$0x3FAD];
	_ =	sdelay $0x3  }
0x37: {  	[smem:$0x3FAD] =	sst s10  }
0x38: {  	s10 =	sld [smem:$0x3FAE]  }
0x39: {  	_ = 	snop;
	(pc) =	sbr.ind lr, $3  }
0x3a: {  	_ = 	snop  }
0x3b: {  	_ = 	snop  }
0x3c: {  	p2 =	seq.s32 s10, $0x1;
	s10 =	sld [smem:$0x3FAD]  }
0x3d: {  	_ =	shalt  }
0x3e: {  	_ =	shalt  }
0x3f: {  	_ =	shalt  }
0x40: {  	_ =	shalt  }
0x41: {  	_ =	shalt  }
0x42: {  	_ =	shalt  }
0x43: {  	_ =	shalt  }
0x44: {  	_ =	shalt  }
0x45: {  	_ =	shalt  }
0x46: {  	_ =	shalt  }
0x47: {  	_ =	shalt  }
0x48: {  	_ =	shalt  }
0x49: {  	_ =	shalt  }
0x4a: {  	_ =	shalt  }
0x4b: {  	_ =	shalt  }
0x4c: {  	_ =	shalt  }
0x4d: {  	_ =	shalt  }
0x4e: {  	_ =	shalt  }
0x4f: {  	_ =	shalt  }
0x50: {  	_ =	shalt  }
0x51: {  	_ =	shalt  }
0x52: {  	_ =	shalt  }
0x53: {  	_ =	shalt  }
0x54: {  	_ =	shalt  }
0x55: {  	_ =	shalt  }
0x56: {  	_ =	shalt  }
0x57: {  	_ =	shalt  }
0x58: {  	_ =	shalt  }
0x59: {  	_ =	shalt  }
0x5a: {  	_ =	shalt  }
0x5b: {  	_ =	shalt  }
0x5c: {  	_ =	shalt  }
0x5d: {  	_ =	shalt  }
0x5e: {  	_ =	shalt  }
0x5f: {  	_ =	shalt  }
0x60: {  	_ =	shalt  }
0x61: {  	_ =	shalt  }
0x62: {  	_ =	shalt  }
0x63: {  	_ =	shalt  }
0x64: {  	_ =	shalt  }
0x65: {  	_ =	shalt  }
0x66: {  	_ =	shalt  }
0x67: {  	_ =	shalt  }
0x68: {  	_ =	shalt  }
0x69: {  	_ =	shalt  }
0x6a: {  	_ =	shalt  }
0x6b: {  	_ =	shalt  }
0x6c: {  	_ =	shalt  }
0x6d: {  	_ =	shalt  }
0x6e: {  	_ =	shalt  }
0x6f: {  	_ =	shalt  }
0x70: {  	_ =	shalt  }
0x71: {  	_ =	shalt  }
0x72: {  	_ =	shalt  }
0x73: {  	_ =	shalt  }
0x74: {  	_ =	shalt  }
0x75: {  	_ =	shalt  }
0x76: {  	_ =	shalt  }
0x77: {  	_ =	shalt  }
0x78: {  	_ =	shalt  }
0x79: {  	_ =	shalt  }
0x7a: {  	_ =	shalt  }
0x7b: {  	_ =	shalt  }
0x7c: {  	_ =	shalt  }
0x7d: {  	_ =	shalt  }
0x7e: {  	_ =	shalt  }
0x7f: {  	_ =	shalt  }
0x80: {  	_ =	shalt  }
0x81: {  	_ =	shalt  }
0x82: {  	_ =	shalt  }
0x83: {  	_ =	shalt  }
0x84: {  	_ =	shalt  }
0x85: {  	_ =	shalt  }
0x86: {  	_ =	shalt  }
0x87: {  	_ =	shalt  }
.Lfunc_end0:
.L_simem_size_0:
called_computation_lowered:
.L_overlay_start_0:
0x88: {  	s2 =	sld [smem:$0x3FD9]  }
0x89: {  	s3 =	sld [smem:$0x3FFE];
	_ =	sdelay $0x1  }
0x8a: {  	s1 =	srdreg.scid  }
0x8b: {  	s0 =	sand.u32 $0x1, s1  }
0x8c: {  	s16 =	sshll.u32 s0, $0xA;
	s2 =	sadd.s32 s3, s2  }
0x8d: {  	s2 =	sadd.s32 s2, s16  }
0x8e: {  	[smem:$0x3FB9] =	sst s2  }
0x8f: {  	_ = 	snop  }
0x90: {  	(tm) =	ssettm $0x1  }
0x91: {  	s17 =	sld [smem:$0x3FFB];
	_ =	sdelay $0x3  }
0x92: {  	_ =	strace s17  }
0x93: {  	s2 =	sld [smem:$0x3FFC];
	_ =	sdelay $0x3  }
0x94: {  	_ =	strace s2  }
0x95: {  	s2 =	sld [smem:$0x3FFD];
	_ =	sdelay $0x3  }
0x96: {  	_ =	strace s2  }
0x97: {  	_ =	strace $0x8FFFFFFF  }
0x98: {  	s18 =	sld [smem:$0x3FDB];
	_ =	sdelay $0x1  }
0x99: {  	s19 =	simm.s32 $_scs_section_size  }
0x9a: {  	s4 =	simm.s32 $_size__tile_overlayer_lowered;
	s5 =	simm.s32 $_tile_overlayer_lowered  }
0x9b: {  	s22 =	simm.s32 $0x1BFF;
	s21 =	sshll.u32 s5, $0x1;
	s2 =	sadd.s32 s19, s18  }
0x9c: {  	s6 =	simm.s32 $0x0;
	s20 =	sshll.u32 s4, $0x1;
	s4 =	sadd.s32 s21, s2  }
0x9d: {  	[timem:s6], [sflag:s22] =	dma.local [hbm:s4], s20  }
0x9e: {  	_ =	swait.ge [sflag:s22], s20  }
0x9f: {  	s3 =	ssub.s32 $0x0, s20;
	[sflag:s22] =	ssyncset.done $0x0  }
0xa0: {  	[sflag:s22] =	ssyncadd.s32 s3;
	_ =	sdelay $0x1  }
0xa1: {  	s23 =	simm.s32 $0x1B8B  }
0xa2: {  	_ =	swait.ge [sflag:s23], $0x1  }
0xa3: {  	[sflag:s23] =	ssyncset.done $0x0  }
0xa4: {  	s25 =	simm.s32 $0x1B8E;
	s24 =	sld [smem:$0x3FFE];
	[sflag:s23] =	ssyncadd.s32 $0xFFFFFFFF  }
0xa5: {  	s26 =	simm.s32 $execute0_lowered;
	[smem:$0x3FD2] =	sst s25  }
0xa6: {  	s4 =	sshll.u32 s26, $0x1;
	_ =	strace $0x80000046;
	[dreg:$0x1] =	wrdreg $0xFFFFFFFF  }
0xa7: {  	s28 =	simm.s32 $_size_execute0_lowered;
	s2 =	sadd.s32 s2, s4;
	[dreg:$0x0] =	wrdreg $0x0  }
0xa8: {  	s4 =	sshll.u32 s28, $0x1;
	[dreg:$0x2] =	wrdreg s2  }
0xa9: {  	[dreg:$0x3] =	wrdreg s4  }
0xaa: {  	[dreg:$0x4] =	wrdreg $0xC0  }
0xab: {  	_ =	task [dreg:s6], $0x5FFFF  }
0xac: {  	[dreg:$0x1] =	wrdreg $0xFFFFFFFF  }
0xad: {  	[dreg:$0x0] =	wrdreg $0x60  }
0xae: {  	[dreg:$0x2] =	wrdreg s24  }
0xaf: {  	[dreg:$0x3] =	wrdreg $0x9  }
0xb0: {  	_ =	task.clear_ibuf [dreg:s6], $0x4FFFF;
	_ =	strace $0x90000046  }
0xb1: {  	s29 =	simm.s32 $0x9;
	_ =	strace $0x80000048  }
0xb2: {  	_ =	swait.ge [sflag:s29], $0x1  }
0xb3: {  	[sflag:s29] =	ssyncadd.s32 $0xFFFFFFFF  }
0xb4: {  	_ =	strace $0x90000048  }
0xb5: {  	_ =	sfence  }
0xb6: {  	s30 =	sld [smem:$0x0];
	_ =	sdelay $0x2  }
0xb7: {  	s31 =	sshll.u32 s1, $0xD;
	s1 =	sshrl.u32 s1, $0x2  }
0xb8: {  	s3 =	sand.u32 $0x4000, s31;
	s1 =	sadd.s32 s1, s30  }
0xb9: {  	s0 =	sor.u32 s3, s0;
	s1 =	sshll.u32 s1, $0x11  }
0xba: {  	s0 =	sor.u32 s1, s0  }
0xbb: {  	s0 =	sadd.s32 $0x8F2B, s0  }
0xbc: {  	[sflag:s0] =	ssyncadd.remote.s32 $0x1  }
0xbd: {  	_ =	sfence.sel $0xFFFF  }
0xbe: {  	[dreg:$0x0] =	wrdreg $0xFFFFFFFF;
	(pc) =	sbr.abs _section_cstart, $3  }
0xbf: {  	[dreg:$0x1] =	wrdreg $0xFFFFFFFF  }
0xc0: {  	_ =	task.clear_ibuf [dreg:s6], $0x2FFFF;
	_ =	strace $0x9FFFFFFF  }
0xc1: {  	(tm) =	ssettm $0x7FFFFFFF  }
tec
execute0_lowered:
.L_overlay_start_1:
0x0: {  	(tag) =	ssettag $0x1  }
0x1: {  	v19 =	vlaneseq.u32;
	v29 =	vimm.s32 $0x14131211  }
0x2: {  	v1 =	vimm.s32 $0x18171615;
	v30 =	vimm.s32 $0x1C1B1A19;
	v31 =	vimm.s32 $0x1F1E1D  }
0x3: {  	v3 =	vimm.s32 $0x74533211;
	vm0 =	vcmask $0x1F10;
	vm1 =	vcmask $0xF00  }
0x4: {  	v44 =	vimm.s32 $0xF8D7B695;
	v4 =	vimm.s32 $0x15141312;
	v33 =	vimm.s32 $0x75543312  }
0x5: {  	v48 =	vimm.s32 $0xF9D8B796;
	v49 =	vimm.s32 $0x16151413;
	v50 =	vimm.s32 $0x1E1D1C1B  }
0x6: {  	v41 =	vimm.s32 $0x201001F;
	v51 =	vimm.s32 $0x76553413;
	v52 =	vimm.s32 $0xFAD9B897  }
0x7: {  	v56 =	vimm.s32 $0x3020100;
	vm2 =	vcmask $0x2F10;
	vm3 =	vcmask $0x3F30  }
0x8: {  	vm5 =	vcmask $0x2320;
	vm6 =	vcmask $0x2724;
	vm4 =	vcmask $0x2B28  }
0x9: {  	vm12 =	vcmask $0x2F2C;
	vm13 =	vcmask $0x3330;
	vm14 =	vcmask $0x3734  }
0xa: {  	vm15 =	vcmask $0x3B38;
	v6 =	vmul.u32 $0x21, v19;
	v57 =	vadd.s32 $0x8, v19  }
0xb: {  	v59 =	vadd.s32 $0x9, v19;
	v61 =	vadd.s32 $0xA, v19;
	v63 =	vadd.s32 $0xB, v19  }
0xc: {  	v25 =	vadd.s32 $0xC, v19;
	v27 =	vadd.s32 $0xD, v19;
	v2 =	vadd.s32 $0xE, v19  }
0xd: {  	v5 =	vunpack.c.0.s8.s32 v1;
	v35 =	vunpack.c.0.s8.s32 v30;
	v34 =	vunpack.c.0.s8.s32 v3  }
0xe: {  	v43 =	vadd.s32 $0xF, v19;
	v3 =	vunpack.c.0.s8.s32 v44;
	v32 =	vunpack.c.0.s8.s32 v4;
	[tilespmem:$0x1FCC0] =	vst v57  }
0xf: {  	v4 =	vimm.s32 $0x19181716;
	v46 =	vunpack.c.0.s8.s32 v33;
	v33 =	vunpack.c.0.s8.s32 v49;
	[tilespmem:$0x1FCE0] =	vst v59  }
0x10: {  	v49 =	vimm.s32 $0x4030201;
	v30 =	vimm.s32 $0x6050403;
	[tilespmem:$0x1FD80] =	vst v2;
	v2 =	vunpack.c.0.s8.s32 v31  }
0x11: {  	[tilespmem:$0x1FD00] =	vst v61;
	v36 =	vunpack.c.0.s8.s32 v4;
	v4 =	vimm.s32 $0x1D1C1B1A;
	v31 =	vimm.s32 $0x1001F1E  }
0x12: {  	[tilespmem:$0x1FD20] =	vst v63;
	v57 =	vunpack.c.0.s8.s32 v56;
	v59 =	vimm.s32 $0x17161514;
	v61 =	vunpack.c.0.s8.s32 v49  }
0x13: {  	[tilespmem:$0x1FD40] =	vst v25;
	v63 =	vimm.s32 $0xFCDBBA99;
	v25 =	vimm.s32 $0x5040302;
	v0 =	vadd.s32 $0x7, v6  }
0x14: {  	v58 =	vadd.s32 $0x8, v6;
	v60 =	vadd.s32 $0x9, v6;
	v62 =	vadd.s32 $0xA, v6  }
0x15: {  	v24 =	vadd.s32 $0xB, v6;
	v26 =	vadd.s32 $0xC, v6;
	v28 =	vadd.s32 $0xD, v6  }
0x16: {  	v42 =	vadd.s32 $0xE, v6;
	v1 =	vand.u32 $0xFF, v34;
	v37 =	vunpack.c.0.s8.s32 v4  }
0x17: {  	v4 =	vunpack.c.0.s8.s32 v31;
	v3 =	vand.u32 $0xFF, v3;
	v34 =	vimm.s32 $0x1A191817  }
0x18: {  	v31 =	vimm.s32 $0x7A593817;
	[tilespmem:$0x1FCB0] =	vst v0;
	v0 =	vunpack.c.0.s8.s32 v29;
	v39 =	vsel vm0, v2, v35  }
0x19: {  	[tilespmem:$0x1FCD0] =	vst v58;
	v45 =	vnsel vm1, $0x1E0, v1;
	v32 =	vsel vm0, v36, v32;
	v1 =	vand.u32 $0xFF, v46  }
0x1a: {  	[tilespmem:$0x1FD90] =	vst v42;
	v38 =	vunpack.c.0.s8.s32 v34;
	v42 =	vunpack.c.0.s8.s32 v50;
	v46 =	vunpack.c.0.s8.s32 v41  }
0x1b: {  	[tilespmem:$0x1FD10] =	vst v62;
	v34 =	vunpack.c.0.s8.s32 v51;
	v41 =	vunpack.c.0.s8.s32 v52;
	v58 =	vimm.s32 $0x1F1E1D1C  }
0x1c: {  	[tilespmem:$0x1FD50] =	vst v26;
	v62 =	vimm.s32 $0x78573615;
	v35 =	vsel vm0, v35, v5;
	v26 =	vimm.s32 $0x79583716  }
0x1d: {  	v50 =	vimm.s32 $0xFDDCBB9A;
	v40 =	vsel vm0, v4, v37;
	v1 =	vnsel vm1, $0x1E1, v1  }
0x1e: {  	[tilespmem:$0x1FD70] =	vst v28;
	v44 =	vunpack.c.0.s8.s32 v58;
	v49 =	vunpack.c.0.s8.s32 v62;
	v28 =	vunpack.c.0.s8.s32 v50  }
0x1f: {  	v36 =	vsel vm0, v37, v36;
	v58 =	vimm.s32 $0x87654321;
	v0 =	vsel vm0, v5, v0  }
0x20: {  	[tilespmem:$0x1FDA0] =	vst v43;
	v47 =	vcombine.low v32, v40;
	v33 =	vsel vm0, v38, v33;
	v43 =	vsel vm0, v46, v42  }
0x21: {  	v54 =	vand.u32 $0xFF, v34;
	v55 =	vand.u32 $0xFF, v41;
	v41 =	vunpack.c.0.s8.s32 v59  }
0x22: {  	v38 =	vsel vm0, v42, v38;
	v59 =	vimm.s32 $0xFFDEBD9C;
	v0 =	vcombine.low v0, v39  }
0x23: {  	[tilespmem:$0x1FD30] =	vst v24;
	v53 =	vcombine.low v33, v43;
	v34 =	vsel vm0, v57, v44;
	v24 =	vand.u32 $0xFF, v49  }
0x24: {  	v49 =	vunpack.c.0.s8.s32 v26;
	v33 =	vunpack.c.0.s8.s32 v31;
	v57 =	vimm.s32 $0x7B5A3918;
	[tilespmem:$0x1FDC0] =	vst v47  }
0x25: {  	v31 =	vimm.s32 $0xA9876543;
	v47 =	vimm.s32 $0x77563514;
	[tilespmem:$0x1FDB0] =	vst v0;
	v0 =	vsel vm0, v3, v45  }
0x26: {  	v3 =	vunpack.c.0.s8.s32 v48;
	v45 =	vimm.s32 $0x1B1A1918;
	v47 =	vunpack.c.0.s8.s32 v47  }
0x27: {  	v48 =	vimm.s32 $0xFBDAB998;
	v29 =	vand.u32 $0xFF, v49;
	v45 =	vunpack.c.0.s8.s32 v45  }
0x28: {  	v48 =	vunpack.c.0.s8.s32 v48;
	v37 =	vnsel vm1, $0x1E5, v29;
	v29 =	vimm.s32 $0x7D5C3B1A  }
0x29: {  	[tilespmem:$0x1FCF0] =	vst v60;
	v0 =	vsel vm5, $0x119, v0;
	v3 =	vand.u32 $0xFF, v3;
	v60 =	vand.u32 $0xFF, v47  }
0x2a: {  	v47 =	vsel vm0, v61, v2;
	v0 =	vsel vm6, $0x13A, v0;
	v1 =	vsel vm0, v3, v1  }
0x2b: {  	v3 =	vnsel vm1, $0x1E2, v54;
	v41 =	vsel vm0, v45, v41;
	v48 =	vand.u32 $0xFF, v48  }
0x2c: {  	v54 =	vimm.s32 $0x76543210;
	v45 =	vsel vm0, v44, v45;
	v0 =	vsel vm4, $0x15B, v0  }
0x2d: {  	v3 =	vsel vm0, v55, v3;
	v21 =	vcombine.low v41, v34;
	v41 =	vnsel vm1, $0x1E3, v60  }
0x2e: {  	v34 =	vimm.s32 $0xFEDDBC9B;
	v55 =	vand.u32 $0xFF, v33;
	v56 =	vunpack.c.l.s4.s8 v54  }
0x2f: {  	v60 =	vunpack.c.0.s8.s32 v59;
	v54 =	vimm.s32 $0xB0A0908;
	v59 =	vimm.s32 $0xE3C2A180  }
0x30: {  	v0 =	vsel vm12, $0x17C, v0;
	v1 =	vsel vm5, $0x11A, v1;
	v5 =	vsel vm0, v48, v41  }
0x31: {  	v41 =	vunpack.c.0.s8.s32 v63;
	v48 =	vunpack.c.0.s8.s32 v25;
	v63 =	vimm.s32 $0x7C5B3A19  }
0x32: {  	v25 =	vimm.s32 $0x98765432;
	v3 =	vsel vm5, $0x11B, v3;
	v1 =	vsel vm6, $0x13B, v1  }
0x33: {  	v0 =	vsel vm13, $0x19D, v0;
	[tilespmem:$0x1FDE0] =	vst v21;
	v21 =	vcombine.low v35, v47;
	v47 =	vnsel vm1, $0x1E4, v24  }
0x34: {  	v35 =	vunpack.c.0.s8.s32 v34;
	v24 =	vimm.s32 $0xE0DFBE9D;
	v49 =	vunpack.c.l.s4.s8 v25  }
0x35: {  	v34 =	vimm.s32 $0x7E5D3C1B;
	v25 =	vimm.s32 $0x605F3E1D;
	v3 =	vsel vm6, $0x13C, v3  }
0x36: {  	v1 =	vsel vm4, $0x15C, v1;
	v0 =	vsel vm14, $0x1BE, v0;
	v41 =	vand.u32 $0xFF, v41  }
0x37: {  	[tilespmem:$0x1FD60] =	vst v27;
	v27 =	vsel vm0, v48, v4;
	v48 =	vunpack.c.0.s8.s32 v30;
	v30 =	vunpack.c.0.s8.s32 v29  }
0x38: {  	v3 =	vsel vm4, $0x15D, v3;
	v1 =	vsel vm12, $0x17D, v1;
	v0 =	vsel vm15, $0x1DF, v0  }
0x39: {  	[tilespmem:$0x1FDF0] =	vst v21;
	v52 =	vsel vm0, v41, v47;
	v47 =	vand.u32 $0xFF, v28;
	v21 =	vcombine.low v36, v27  }
0x3a: {  	v42 =	vand.u32 $0xFF, v35;
	v41 =	vunpack.c.0.s8.s32 v56;
	v28 =	vunpack.c.0.s8.s32 v49  }
0x3b: {  	v35 =	vimm.s32 $0x32107654;
	v36 =	vimm.s32 $0xE2C1A09F;
	v3 =	vsel vm12, $0x17E, v3  }
0x3c: {  	[tilespmem:$0x1FDD0] =	vst v53;
	v1 =	vsel vm13, $0x19E, v1;
	v53 =	vsel vm0, v47, v37;
	v32 =	vsel vm0, v48, v46  }
0x3d: {  	v47 =	vunpack.c.0.s8.s32 v57;
	v48 =	vunpack.c.l.s4.s8 v58;
	v49 =	vunpack.c.0.s8.s32 v36  }
0x3e: {  	v3 =	vsel vm13, $0x19F, v3;
	v1 =	vsel vm14, $0x1BF, v1;
	[tilespmem:$0x1FE00] =	vst v21;
	v21 =	vcombine.low v38, v32  }
0x3f: {  	v38 =	vnsel vm1, $0x1E6, v55;
	v32 =	vimm.s32 $0xE1C0BF9E;
	v3 =	vsel vm14, $0x1A0, v3  }
0x40: {  	v55 =	vsel vm0, v42, v38;
	v61 =	vand.u32 $0xFF, v47;
	v62 =	vunpack.c.0.s8.s32 v48  }
0x41: {  	v47 =	vunpack.c.0.s8.s32 v63;
	v48 =	vunpack.c.0.s8.s32 v24;
	v33 =	vunpack.c.0.s8.s32 v32  }
0x42: {  	v38 =	vand.u32 $0xFF, v49;
	v49 =	vunpack.c.0.s8.s32 v59;
	v63 =	vimm.s32 $0x54329876  }
0x43: {  	v24 =	vimm.s32 $0xC0B0A09;
	[tilespmem:$0x1FE10] =	vst v21;
	v21 =	vcombine.low v45, v41;
	v42 =	vnsel vm1, $0x1E7, v61  }
0x44: {  	v41 =	vand.u32 $0xFF, v60;
	v45 =	vand.u32 $0xF, v62;
	v47 =	vand.u32 $0xFF, v47  }
0x45: {  	v56 =	vsel vm0, v41, v42;
	v27 =	vand.u32 $0xFF, v48;
	v42 =	vunpack.c.l.s4.s8 v31  }
0x46: {  	v41 =	vand.u32 $0xFF, v30;
	v48 =	vunpack.c.l.s4.s8 v35;
	v61 =	vand.u32 $0xFF, v49  }
0x47: {  	v49 =	vunpack.c.0.s8.s32 v25;
	v31 =	vimm.s32 $0x61403F1E;
	v35 =	vimm.s32 $0xD0C0B0A  }
0x48: {  	[tilespmem:$0x1FE20] =	vst v21;
	v21 =	vcombine.low v39, v45;
	v26 =	vnsel vm1, $0x1E8, v47;
	v45 =	vand.u32 $0xF, v28  }
0x49: {  	v41 =	vnsel vm1, $0x1E9, v41;
	v47 =	vunpack.c.0.s8.s32 v34;
	v32 =	vunpack.c.0.s8.s32 v31  }
0x4a: {  	v34 =	vimm.s32 $0x6543A987;
	v50 =	vsel vm5, $0x100, v56;
	v57 =	vsel vm0, v27, v26  }
0x4b: {  	v42 =	vunpack.c.0.s8.s32 v42;
	v48 =	vunpack.c.0.s8.s32 v48;
	v26 =	vimm.s32 $0xE4C3A281  }
0x4c: {  	v28 =	vand.u32 $0xFF, v49;
	[tilespmem:$0x1FE30] =	vst v21;
	v21 =	vcombine.low v40, v45;
	v45 =	vand.u32 $0xFF, v33  }
0x4d: {  	v47 =	vand.u32 $0xFF, v47;
	v40 =	vimm.s32 $0x7F5E3D1C;
	v27 =	vunpack.c.0.s8.s32 v26  }
0x4e: {  	v33 =	vimm.s32 $0xE5C4A382;
	v51 =	vsel vm5, $0x101, v57;
	v42 =	vand.u32 $0xF, v42  }
0x4f: {  	v58 =	vsel vm0, v45, v41;
	v37 =	vnsel vm1, $0x1EA, v47;
	v39 =	vand.u32 $0xF, v48  }
0x50: {  	v41 =	vimm.s32 $0x43218765;
	v45 =	vunpack.c.0.s8.s32 v40;
	v48 =	vunpack.c.0.s8.s32 v54  }
0x51: {  	v36 =	vunpack.c.0.s8.s32 v33;
	v40 =	vimm.s32 $0xE6C5A483;
	[tilespmem:$0x1FE40] =	vst v21;
	v21 =	vcombine.low v43, v42  }
0x52: {  	v44 =	vsel vm2, v39, v44;
	v47 =	vunpack.c.l.s4.s8 v41;
	v59 =	vsel vm0, v38, v37  }
0x53: {  	v29 =	vand.u32 $0xFF, v27;
	v38 =	vimm.s32 $0xE0D0C0B;
	v39 =	vimm.s32 $0x6241201F  }
0x54: {  	v41 =	vunpack.c.0.s8.s32 v40;
	v42 =	vsel vm15, $0x1C0, v1;
	v43 =	vsel vm15, $0x1C1, v3  }
0x55: {  	v54 =	vsel vm5, $0x102, v58;
	v45 =	vand.u32 $0xFF, v45;
	v49 =	vand.u32 $0xFF, v36  }
0x56: {  	[tilespmem:$0x1FE50] =	vst v21;
	v47 =	vunpack.c.0.s8.s32 v47;
	v21 =	vsel vm3, v48, v44;
	v60 =	vnsel vm1, $0x1EB, v45  }
0x57: {  	v48 =	vunpack.c.0.s8.s32 v24;
	v45 =	vand.u32 $0xFF, v32;
	v44 =	vsel vm5, $0x11C, v5  }
0x58: {  	[tilespmem:$0x1FE60] =	vst v21;
	v60 =	vsel vm0, v61, v60;
	v21 =	vadd.s32 $0xF, v6;
	v37 =	vnsel vm1, $0x1ED, v45  }
0x59: {  	[tilespmem:$0x1FED0] =	vst v0;
	v45 =	vsel vm5, $0x11D, v52;
	v0 =	vsel vm6, $0x13D, v44;
	v62 =	vand.u32 $0xF, v47  }
0x5a: {  	v47 =	vunpack.c.l.s4.s8 v63;
	v1 =	vsel vm6, $0x13E, v45;
	v0 =	vsel vm4, $0x15E, v0  }
0x5b: {  	v56 =	vsel vm5, $0x104, v60;
	v2 =	vsel vm2, v62, v2;
	v1 =	vsel vm4, $0x15F, v1  }
0x5c: {  	v0 =	vsel vm12, $0x17F, v0;
	v47 =	vunpack.c.0.s8.s32 v47;
	v2 =	vsel vm3, v48, v2  }
0x5d: {  	v48 =	vunpack.c.0.s8.s32 v35;
	v1 =	vsel vm12, $0x160, v1;
	v0 =	vsel vm13, $0x180, v0  }
0x5e: {  	[tilespmem:$0x1FE70] =	vst v2;
	v2 =	vnsel vm1, $0x1EC, v28;
	v30 =	vand.u32 $0xF, v47;
	v47 =	vunpack.c.l.s4.s8 v34  }
0x5f: {  	v1 =	vsel vm13, $0x181, v1;
	v0 =	vsel vm14, $0x1A1, v0;
	v4 =	vsel vm2, v30, v4  }
0x60: {  	v2 =	vsel vm0, v29, v2;
	v47 =	vunpack.c.0.s8.s32 v47;
	v4 =	vsel vm3, v48, v4  }
0x61: {  	v1 =	vsel vm14, $0x1A2, v1;
	[tilespmem:$0x1FE90] =	vst v4;
	v4 =	vsel vm0, v49, v37;
	v49 =	vunpack.c.0.s8.s32 v39  }
0x62: {  	v0 =	vsel vm15, $0x1C2, v0;
	v48 =	vunpack.c.0.s8.s32 v38;
	v47 =	vand.u32 $0xF, v47  }
0x63: {  	v60 =	vsel vm5, $0x106, v4;
	v46 =	vsel vm2, v47, v46;
	v49 =	vand.u32 $0xFF, v49  }
0x64: {  	[tilespmem:$0x1FE80] =	vst v21;
	v47 =	vsel vm15, $0x1C3, v1;
	v1 =	vsel vm6, $0x121, v50;
	v21 =	vsel vm3, v48, v46  }
0x65: {  	v49 =	vnsel vm1, $0x1EE, v49;
	v48 =	vand.u32 $0xFF, v41;
	v46 =	vsel vm5, $0x11E, v53  }
0x66: {  	v1 =	vsel vm4, $0x142, v1;
	[tilespmem:$0x1FEA0] =	vst v21;
	v21 =	vor.u32 $0x10, v19;
	v61 =	vsel vm0, v48, v49  }
0x67: {  	v3 =	vsel vm6, $0x13F, v46;
	v49 =	vsel vm5, $0x11F, v55;
	v1 =	vsel vm12, $0x163, v1  }
0x68: {  	v55 =	vsel vm5, $0x103, v59;
	v59 =	vsel vm5, $0x105, v2;
	[tilespmem:$0x1FEB0] =	vst v21;
	v21 =	vadd.s32 $0x10, v6  }
0x69: {  	[tilespmem:$0x1FF00] =	vst v0;
	v3 =	vsel vm4, $0x140, v3;
	v0 =	vsel vm6, $0x120, v49;
	v1 =	vsel vm13, $0x184, v1  }
0x6a: {  	v61 =	vsel vm5, $0x107, v61;
	v3 =	vsel vm12, $0x161, v3;
	v0 =	vsel vm4, $0x141, v0  }
0x6b: {  	v1 =	vsel vm14, $0x1A5, v1;
	v2 =	vsel vm6, $0x128, v61;
	v3 =	vsel vm13, $0x182, v3  }
0x6c: {  	v0 =	vsel vm12, $0x162, v0;
	v52 =	vsel vm15, $0x1C6, v1;
	v1 =	vsel vm6, $0x124, v55  }
0x6d: {  	v2 =	vsel vm4, $0x149, v2;
	v3 =	vsel vm14, $0x1A3, v3;
	v0 =	vsel vm13, $0x183, v0  }
0x6e: {  	v1 =	vsel vm4, $0x145, v1;
	v48 =	vsel vm15, $0x1C4, v3;
	v3 =	vsel vm6, $0x122, v51  }
0x6f: {  	[tilespmem:$0x1FEE0] =	vst v42;
	v2 =	vsel vm12, $0x16A, v2;
	v0 =	vsel vm14, $0x1A4, v0;
	v3 =	vsel vm4, $0x143, v3  }
0x70: {  	[tilespmem:$0x1FEF0] =	vst v43;
	v1 =	vsel vm12, $0x166, v1;
	v0 =	vsel vm15, $0x1C5, v0;
	v3 =	vsel vm12, $0x164, v3  }
0x71: {  	v1 =	vsel vm13, $0x187, v1;
	[tilespmem:$0x1FF30] =	vst v0;
	v0 =	vsel vm6, $0x123, v54;
	v3 =	vsel vm13, $0x185, v3  }
0x72: {  	[tilespmem:$0x1FF10] =	vst v47;
	v1 =	vsel vm14, $0x1A8, v1;
	v0 =	vsel vm4, $0x144, v0;
	v3 =	vsel vm14, $0x1A6, v3  }
0x73: {  	[tilespmem:$0x1FEC0] =	vst v21;
	v57 =	vsel vm15, $0x1C9, v1;
	v53 =	vsel vm15, $0x1C7, v3;
	v3 =	vsel vm6, $0x125, v56  }
0x74: {  	[tilespmem:$0x1FF40] =	vst v52;
	v1 =	vsel vm6, $0x127, v60;
	v0 =	vsel vm12, $0x165, v0;
	v3 =	vsel vm4, $0x146, v3  }
0x75: {  	[tilespmem:$0x1FF20] =	vst v48;
	v1 =	vsel vm4, $0x148, v1;
	v0 =	vsel vm13, $0x186, v0;
	v3 =	vsel vm12, $0x167, v3  }
0x76: {  	s5 =	rddreg [dreg:$0x0];
	[tilespmem:$0x1FF70] =	vst v57;
	v1 =	vsel vm12, $0x169, v1;
	v0 =	vsel vm14, $0x1A7, v0;
	v3 =	vsel vm13, $0x188, v3  }
0x77: {  	s0 =	rddreg [dreg:$0x1];
	[tilespmem:$0x1FF50] =	vst v53;
	v1 =	vsel vm13, $0x18A, v1;
	v0 =	vsel vm15, $0x1C8, v0;
	v3 =	vsel vm14, $0x1A9, v3  }
0x78: {  	s3 =	srdreg.scid;
	s1 =	stileid.u32;
	s2 =	simm.s32 $0x0;
	v2 =	vsel vm13, $0x18B, v2;
	v1 =	vsel vm14, $0x1AB, v1;
	[tilespmem:$0x1FF60] =	vst v0;
	v58 =	vsel vm15, $0x1CA, v3  }
0x79: {  	s11 =	simm.s32 $0x2500;
	s12 =	simm.s32 $0x2D00;
	[smem:$0x7FF] =	sst s2;
	v2 =	vsel vm14, $0x1AC, v2;
	v62 =	vsel vm15, $0x1CC, v1;
	[tilespmem:$0x1FF80] =	vst v58  }
0x7a: {  	s4 =	sand.u32 $0x1, s3;
	s31 =	sshll.u32 s1, $0x1;
	v63 =	vsel vm15, $0x1CD, v2;
	v0 =	vsel vm6, $0x126, v59;
	_ =	strace $0x80000047;
	[tilespmem:$0x1FFA0] =	vst v62  }
0x7b: {  	s13 =	simm.s32 $0x2400;
	s14 =	simm.s32 $0x0;
	v7 =	vadd.s32 $0x1, v19;
	v9 =	vadd.s32 $0x2, v19;
	s6 =	sor.u32 s4, s31;
	v0 =	vsel vm4, $0x147, v0;
	[tilespmem:$0x1FFB0] =	vst v63  }
0x7c: {  	v11 =	vadd.s32 $0x3, v19;
	v13 =	vadd.s32 $0x4, v19;
	s8 =	ssub.s32 $0x2, s4;
	s4 =	sadd.s32 $0x2800, s5;
	s3 =	sshll.u32 s6, $0x8;
	v0 =	vsel vm12, $0x168, v0;
	[tilespmem:$0x1FFC0] =	vst v6  }
0x7d: {  	v15 =	vadd.s32 $0x5, v19;
	v8 =	vadd.s32 $0x1, v6;
	s6 =	sshll.u32 s6, $0xD;
	s9 =	sshrl.u32 s8, $0x1;
	s7 =	sadd.s32 s3, s5;
	v0 =	vsel vm13, $0x189, v0;
	[tilespmem:$0x1FFD0] =	vst v7  }
0x7e: {  	v17 =	vadd.s32 $0x6, v19;
	v20 =	vadd.s32 $0x7, v19;
	s3 =	sadd.s32 $0x2A00, s5;
	s10 =	sadd.s32 s6, s5;
	s9 =	ssub.s32 s8, s9;
	v0 =	vsel vm14, $0x1AA, v0;
	[tilespmem:$0x1FFE0] =	vst v8  }
0x7f: {  	v10 =	vadd.s32 $0x2, v6;
	v12 =	vadd.s32 $0x3, v6;
	s5 =	sadd.s32 $0x5000, s7;
	s6 =	sadd.s32 $0x7000, s10;
	s7 =	sadd.s32 $0x3000, s7;
	[tilespmem:$0x1FFF0] =	vst v9;
	v0 =	vsel vm15, $0x1CB, v0  }
0x80: {  	v14 =	vadd.s32 $0x4, v6;
	v16 =	vadd.s32 $0x5, v6;
	v18 =	vadd.s32 $0x6, v6;
	s8 =	sadd.s32 $0x47000, s10;
	s9 =	smax.u32 s9, $0x1;
	s10 =	simm.s32 $0x1;
	[tilespmem:$0x1FF90] =	vst v0  }
.LBB2_1:
0x81: {  	[tilespmem:s2], [sflag:$0x1] =	stream.linear.gather [hbm4b:s3+s2], $0x2400, $0x38;
	[tilespmem:$0x12D00] =	vst v63  }
0x82: {  	_ =	swait.ge [sflag:s10], $0x2400  }
0x83: {  	[sflag:s10] =	ssyncset.done $0x0  }
0x84: {  	[sflag:s10] =	ssyncadd.s32 $0xFFFFDC00  }
0x85: {  	[tilespmem:s11], [sflag:$0x1] =	stream.linear.gather [hbm4b:s5+s2], $0x800, $0x38;
	[tilespmem:$0x12D00] =	vst v63  }
0x86: {  	_ =	swait.ge [sflag:s10], $0x800  }
0x87: {  	v4 =	vld [tilespmem:$0x1FCB0]  }
0x88: {  	v5 =	vld [tilespmem:$0x1FCC0]  }
0x89: {  	v57 =	vld [tilespmem:$0x1FCE0]  }
0x8a: {  	v59 =	vld [tilespmem:$0x1FD00]  }
0x8b: {  	v61 =	vld [tilespmem:$0x1FD20]  }
0x8c: {  	v63 =	vld [tilespmem:$0x1FD40]  }
0x8d: {  	v36 =	vld [tilespmem:$0x1FD60]  }
0x8e: {  	v38 =	vld [tilespmem:$0x1FD80]  }
0x8f: {  	s15 =	simm.s32 $0xFFFFFFF8;
	[sflag:s10] =	ssyncset.done $0x0;
	v40 =	vld [tilespmem:$0x1FDA0]  }
0x90: {  	s16 =	simm.s32 $0xE00;
	s17 =	simm.s32 $0x2540;
	v48 =	vld [tilespmem:$0x1FE80];
	[sflag:s10] =	ssyncadd.s32 $0xFFFFF800  }
.LBB2_2:
0x91: {  	v0 =	vld [tilespmem:s17+$0xFFFFFFC0];
	_ =	sdelay $0x4  }
0x92: {  	v0 =	vmul.f32 $2.880000000e+02, v0;
	_ =	sdelay $0x1  }
0x93: {  	v0 =	vtrunc.f32 v0  }
0x94: {  	v0 =	vcvt.f32.s32 v0;
	_ =	sdelay $0x1  }
0x95: {  	vm0 =	vgt.s32 v0, $0x0  }
0x96: {  	v0 =	vnsel vm0, $0x0, v0  }
0x97: {  	v0 =	vmin.u32 v0, $0x11F  }
0x98: {  	v0 =	vshll.u32 v0, $0x5  }
0x99: {  	v1 =	vor.u32 v19, v0;
	_ =	sdelay $0x3  }
0x9a: {  	s19 =	sadd.s32 $0xFFFFF200, s16  }
0x9b: {  	v2 =	vor.u32 s19, v6;
	v1 =	vld.idx.msk [tilespmem:v1+s2+$0x0], $0xffff  }
0x9c: {  	v3 =	vor.u32 v7, v0;
	_ =	sdelay $0x3  }
0x9d: {  	[tilespmem:v2+s12+$0x0] =	vst.idx.msk $0xffff, v1  }
0x9e: {  	v51 =	vor.u32 s19, v8;
	v1 =	vld.idx.msk [tilespmem:v3+s2+$0x0], $0xffff  }
0x9f: {  	v3 =	vor.u32 v9, v0;
	_ =	sdelay $0x3  }
0xa0: {  	[tilespmem:v51+s12+$0x0] =	vst.idx.msk $0xffff, v1  }
0xa1: {  	v52 =	vor.u32 s19, v10;
	v1 =	vld.idx.msk [tilespmem:v3+s2+$0x0], $0xffff  }
0xa2: {  	v3 =	vor.u32 v11, v0;
	_ =	sdelay $0x3  }
0xa3: {  	[tilespmem:v52+s12+$0x0] =	vst.idx.msk $0xffff, v1  }
0xa4: {  	v53 =	vor.u32 s19, v12;
	v1 =	vld.idx.msk [tilespmem:v3+s2+$0x0], $0xffff  }
0xa5: {  	v3 =	vor.u32 v13, v0;
	_ =	sdelay $0x3  }
0xa6: {  	[tilespmem:v53+s12+$0x0] =	vst.idx.msk $0xffff, v1  }
0xa7: {  	v54 =	vor.u32 s19, v14;
	v1 =	vld.idx.msk [tilespmem:v3+s2+$0x0], $0xffff  }
0xa8: {  	v3 =	vor.u32 v15, v0;
	_ =	sdelay $0x3  }
0xa9: {  	[tilespmem:v54+s12+$0x0] =	vst.idx.msk $0xffff, v1  }
0xaa: {  	v55 =	vor.u32 s19, v16;
	v1 =	vld.idx.msk [tilespmem:v3+s2+$0x0], $0xffff  }
0xab: {  	v3 =	vor.u32 v17, v0;
	_ =	sdelay $0x3  }
0xac: {  	[tilespmem:v55+s12+$0x0] =	vst.idx.msk $0xffff, v1  }
0xad: {  	v56 =	vor.u32 s19, v18;
	v1 =	vld.idx.msk [tilespmem:v3+s2+$0x0], $0xffff  }
0xae: {  	v3 =	vor.u32 v20, v0;
	_ =	sdelay $0x3  }
0xaf: {  	[tilespmem:v56+s12+$0x0] =	vst.idx.msk $0xffff, v1  }
0xb0: {  	v58 =	vor.u32 s19, v4;
	v1 =	vld.idx.msk [tilespmem:v3+s2+$0x0], $0xffff;
	_ =	sdelay $0x4  }
0xb1: {  	v3 =	vor.u32 v5, v0;
	[tilespmem:v58+s12+$0x0] =	vst.idx.msk $0xffff, v1;
	v58 =	vmov v57;
	v57 =	vld [tilespmem:$0x1FCD0];
	_ =	sdelay $0x4  }
0xb2: {  	v1 =	vld.idx.msk [tilespmem:v3+s2+$0x0], $0xffff;
	v60 =	vor.u32 s19, v57;
	_ =	sdelay $0x4  }
0xb3: {  	v3 =	vor.u32 v58, v0;
	[tilespmem:v60+s12+$0x0] =	vst.idx.msk $0xffff, v1;
	v60 =	vmov v59;
	v59 =	vld [tilespmem:$0x1FCF0];
	_ =	sdelay $0x3  }
0xb4: {  	v32 =	vld [tilespmem:s17+$0xFFFFFFD0]  }
0xb5: {  	v1 =	vld.idx.msk [tilespmem:v3+s2+$0x0], $0xffff;
	v62 =	vor.u32 s19, v59;
	_ =	sdelay $0x4  }
0xb6: {  	[tilespmem:v62+s12+$0x0] =	vst.idx.msk $0xffff, v1;
	v1 =	vmul.f32 $2.880000000e+02, v32;
	_ =	sdelay $0x1  }
0xb7: {  	v1 =	vtrunc.f32 v1  }
0xb8: {  	v1 =	vcvt.f32.s32 v1;
	_ =	sdelay $0x1  }
0xb9: {  	vm9 =	vgt.s32 v1, $0x0  }
0xba: {  	v1 =	vnsel vm9, $0x0, v1  }
0xbb: {  	v1 =	vmin.u32 v1, $0x11F  }
0xbc: {  	v1 =	vshll.u32 v1, $0x5  }
0xbd: {  	v33 =	vor.u32 v19, v1;
	_ =	sdelay $0x3  }
0xbe: {  	s18 =	sadd.s32 $0xFFFFF400, s16  }
0xbf: {  	v3 =	vor.u32 s18, v6;
	v2 =	vld.idx.msk [tilespmem:v33+s2+$0x0], $0xffff  }
0xc0: {  	v55 =	vmov v4;
	v4 =	vor.u32 v7, v1;
	_ =	sdelay $0x3  }
0xc1: {  	[tilespmem:v3+s12+$0x0] =	vst.idx.msk $0xffff, v2  }
0xc2: {  	v3 =	vor.u32 s18, v8;
	v2 =	vld.idx.msk [tilespmem:v4+s2+$0x0], $0xffff  }
0xc3: {  	v4 =	vor.u32 v9, v1;
	_ =	sdelay $0x3  }
0xc4: {  	[tilespmem:v3+s12+$0x0] =	vst.idx.msk $0xffff, v2  }
0xc5: {  	v3 =	vor.u32 s18, v10;
	v2 =	vld.idx.msk [tilespmem:v4+s2+$0x0], $0xffff  }
0xc6: {  	v4 =	vor.u32 v11, v1;
	_ =	sdelay $0x3  }
0xc7: {  	[tilespmem:v3+s12+$0x0] =	vst.idx.msk $0xffff, v2  }
0xc8: {  	v3 =	vor.u32 s18, v12;
	v2 =	vld.idx.msk [tilespmem:v4+s2+$0x0], $0xffff  }
0xc9: {  	v4 =	vor.u32 v13, v1;
	_ =	sdelay $0x3  }
0xca: {  	[tilespmem:v3+s12+$0x0] =	vst.idx.msk $0xffff, v2  }
0xcb: {  	v3 =	vor.u32 s18, v14;
	v2 =	vld.idx.msk [tilespmem:v4+s2+$0x0], $0xffff  }
0xcc: {  	v4 =	vor.u32 v15, v1;
	_ =	sdelay $0x3  }
0xcd: {  	[tilespmem:v3+s12+$0x0] =	vst.idx.msk $0xffff, v2  }
0xce: {  	v3 =	vor.u32 s18, v16;
	v2 =	vld.idx.msk [tilespmem:v4+s2+$0x0], $0xffff  }
0xcf: {  	v4 =	vor.u32 v17, v1;
	_ =	sdelay $0x3  }
0xd0: {  	[tilespmem:v3+s12+$0x0] =	vst.idx.msk $0xffff, v2  }
0xd1: {  	v3 =	vor.u32 s18, v18;
	v2 =	vld.idx.msk [tilespmem:v4+s2+$0x0], $0xffff  }
0xd2: {  	v4 =	vor.u32 v20, v1;
	_ =	sdelay $0x3  }
0xd3: {  	[tilespmem:v3+s12+$0x0] =	vst.idx.msk $0xffff, v2  }
0xd4: {  	v3 =	vor.u32 s18, v55;
	v2 =	vld.idx.msk [tilespmem:v4+s2+$0x0], $0xffff  }
0xd5: {  	v4 =	vor.u32 v5, v1;
	_ =	sdelay $0x3  }
0xd6: {  	[tilespmem:v3+s12+$0x0] =	vst.idx.msk $0xffff, v2  }
0xd7: {  	v3 =	vor.u32 s18, v57;
	v2 =	vld.idx.msk [tilespmem:v4+s2+$0x0], $0xffff  }
0xd8: {  	v4 =	vor.u32 v58, v1;
	_ =	sdelay $0x1  }
0xd9: {  	v62 =	vmov v61;
	v61 =	vld [tilespmem:$0x1FD10];
	v5 =	vor.u32 v60, v0;
	_ =	sdelay $0x1  }
0xda: {  	[tilespmem:v3+s12+$0x0] =	vst.idx.msk $0xffff, v2  }
0xdb: {  	v3 =	vor.u32 s18, v59;
	v2 =	vld.idx.msk [tilespmem:v4+s2+$0x0], $0xffff  }
0xdc: {  	v4 =	vor.u32 v60, v1  }
0xdd: {  	v6 =	vor.u32 s19, v61;
	v5 =	vld.idx.msk [tilespmem:v5+s2+$0x0], $0xffff  }
0xde: {  	v35 =	vmov v63;
	v63 =	vld [tilespmem:$0x1FD30];
	v7 =	vor.u32 v62, v0;
	_ =	sdelay $0x1  }
0xdf: {  	[tilespmem:v3+s12+$0x0] =	vst.idx.msk $0xffff, v2  }
0xe0: {  	v3 =	vor.u32 s18, v61;
	v2 =	vld.idx.msk [tilespmem:v4+s2+$0x0], $0xffff  }
0xe1: {  	[tilespmem:v6+s12+$0x0] =	vst.idx.msk $0xffff, v5;
	v4 =	vor.u32 v62, v1  }
0xe2: {  	v6 =	vor.u32 s19, v63;
	v5 =	vld.idx.msk [tilespmem:v7+s2+$0x0], $0xffff  }
0xe3: {  	v37 =	vmov v36;
	v36 =	vld [tilespmem:$0x1FD50];
	v7 =	vor.u32 v35, v0;
	_ =	sdelay $0x1  }
0xe4: {  	[tilespmem:v3+s12+$0x0] =	vst.idx.msk $0xffff, v2  }
0xe5: {  	v3 =	vor.u32 s18, v63;
	v2 =	vld.idx.msk [tilespmem:v4+s2+$0x0], $0xffff  }
0xe6: {  	[tilespmem:v6+s12+$0x0] =	vst.idx.msk $0xffff, v5;
	v4 =	vor.u32 v35, v1  }
0xe7: {  	v6 =	vor.u32 s19, v36;
	v5 =	vld.idx.msk [tilespmem:v7+s2+$0x0], $0xffff  }
0xe8: {  	v39 =	vmov v38;
	v38 =	vld [tilespmem:$0x1FD70];
	v7 =	vor.u32 v37, v0;
	_ =	sdelay $0x1  }
0xe9: {  	[tilespmem:v3+s12+$0x0] =	vst.idx.msk $0xffff, v2  }
0xea: {  	v3 =	vor.u32 s18, v36;
	v2 =	vld.idx.msk [tilespmem:v4+s2+$0x0], $0xffff  }
0xeb: {  	[tilespmem:v6+s12+$0x0] =	vst.idx.msk $0xffff, v5;
	v4 =	vor.u32 v37, v1  }
0xec: {  	v6 =	vor.u32 s19, v38;
	v5 =	vld.idx.msk [tilespmem:v7+s2+$0x0], $0xffff  }
0xed: {  	v41 =	vmov v40;
	v40 =	vld [tilespmem:$0x1FD90];
	v7 =	vor.u32 v39, v0;
	_ =	sdelay $0x1  }
0xee: {  	[tilespmem:v3+s12+$0x0] =	vst.idx.msk $0xffff, v2  }
0xef: {  	v3 =	vor.u32 s18, v38;
	v2 =	vld.idx.msk [tilespmem:v4+s2+$0x0], $0xffff  }
0xf0: {  	[tilespmem:v6+s12+$0x0] =	vst.idx.msk $0xffff, v5;
	v4 =	vor.u32 v39, v1  }
0xf1: {  	v6 =	vor.u32 s19, v40;
	v5 =	vld.idx.msk [tilespmem:v7+s2+$0x0], $0xffff  }
0xf2: {  	v7 =	vor.u32 v41, v0;
	_ =	sdelay $0x1  }
0xf3: {  	[tilespmem:v3+s12+$0x0] =	vst.idx.msk $0xffff, v2  }
0xf4: {  	v3 =	vor.u32 s18, v40;
	v2 =	vld.idx.msk [tilespmem:v4+s2+$0x0], $0xffff  }
0xf5: {  	v51 =	vld [tilespmem:$0x1FEB0];
	[tilespmem:v6+s12+$0x0] =	vst.idx.msk $0xffff, v5;
	v4 =	vor.u32 v41, v1  }
0xf6: {  	v6 =	vor.u32 s19, v48;
	v5 =	vld.idx.msk [tilespmem:v7+s2+$0x0], $0xffff;
	_ =	sdelay $0x2  }
0xf7: {  	[tilespmem:v3+s12+$0x0] =	vst.idx.msk $0xffff, v2  }
0xf8: {  	v3 =	vor.u32 s18, v48;
	v2 =	vld.idx.msk [tilespmem:v4+s2+$0x0], $0xffff  }
0xf9: {  	v7 =	vor.u32 v51, v0;
	[tilespmem:v6+s12+$0x0] =	vst.idx.msk $0xffff, v5;
	v6 =	vld [tilespmem:$0x1FEC0]  }
0xfa: {  	v42 =	vld [tilespmem:$0x1FDB0];
	_ =	sdelay $0x2  }
0xfb: {  	v4 =	vor.u32 v51, v1;
	[tilespmem:v3+s12+$0x0] =	vst.idx.msk $0xffff, v2;
	v3 =	vld [tilespmem:$0x1FEC0]  }
0xfc: {  	v5 =	vld.idx.msk [tilespmem:v7+s2+$0x0], $0xffff;
	v6 =	vor.u32 s19, v6  }
0xfd: {  	v7 =	vor.u32 v42, v0  }
0xfe: {  	v52 =	vld [tilespmem:$0x1FED0];
	_ =	sdelay $0x1  }
0xff: {  	v2 =	vld.idx.msk [tilespmem:v4+s2+$0x0], $0xffff;
	v3 =	vor.u32 s18, v3  }
0x100: {  	[tilespmem:v6+s12+$0x0] =	vst.idx.msk $0xffff, v5;
	v4 =	vor.u32 v42, v1  }
0x101: {  	v5 =	vld.idx.msk [tilespmem:v7+s2+$0x0], $0xffff  }
0x102: {  	v6 =	vor.u32 s19, v52;
	v7 =	vld [tilespmem:$0x1FDC0];
	_ =	sdelay $0x1  }
0x103: {  	[tilespmem:v3+s12+$0x0] =	vst.idx.msk $0xffff, v2  }
0x104: {  	v2 =	vld.idx.msk [tilespmem:v4+s2+$0x0], $0xffff  }
0x105: {  	v3 =	vor.u32 s18, v52;
	v4 =	vld [tilespmem:$0x1FDC0]  }
0x106: {  	v7 =	vor.u32 v7, v0;
	[tilespmem:v6+s12+$0x0] =	vst.idx.msk $0xffff, v5;
	v6 =	vld [tilespmem:$0x1FEE0]  }
0x107: {  	v43 =	vld [tilespmem:$0x1FDD0];
	_ =	sdelay $0x2  }
0x108: {  	v4 =	vor.u32 v4, v1;
	[tilespmem:v3+s12+$0x0] =	vst.idx.msk $0xffff, v2;
	v3 =	vld [tilespmem:$0x1FEE0]  }
0x109: {  	v5 =	vld.idx.msk [tilespmem:v7+s2+$0x0], $0xffff;
	v6 =	vor.u32 s19, v6  }
0x10a: {  	v7 =	vor.u32 v43, v0  }
0x10b: {  	v53 =	vld [tilespmem:$0x1FEF0];
	_ =	sdelay $0x1  }
0x10c: {  	v2 =	vld.idx.msk [tilespmem:v4+s2+$0x0], $0xffff;
	v3 =	vor.u32 s18, v3  }
0x10d: {  	[tilespmem:v6+s12+$0x0] =	vst.idx.msk $0xffff, v5;
	v4 =	vor.u32 v43, v1  }
0x10e: {  	v5 =	vld.idx.msk [tilespmem:v7+s2+$0x0], $0xffff  }
0x10f: {  	v6 =	vor.u32 s19, v53;
	v7 =	vld [tilespmem:$0x1FDE0];
	_ =	sdelay $0x1  }
0x110: {  	[tilespmem:v3+s12+$0x0] =	vst.idx.msk $0xffff, v2  }
0x111: {  	v2 =	vld.idx.msk [tilespmem:v4+s2+$0x0], $0xffff  }
0x112: {  	v3 =	vor.u32 s18, v53;
	v4 =	vld [tilespmem:$0x1FDE0]  }
0x113: {  	v7 =	vor.u32 v7, v0;
	[tilespmem:v6+s12+$0x0] =	vst.idx.msk $0xffff, v5;
	v6 =	vld [tilespmem:$0x1FF00]  }
0x114: {  	v44 =	vld [tilespmem:$0x1FDF0];
	_ =	sdelay $0x2  }
0x115: {  	v4 =	vor.u32 v4, v1;
	[tilespmem:v3+s12+$0x0] =	vst.idx.msk $0xffff, v2;
	v3 =	vld [tilespmem:$0x1FF00]  }
0x116: {  	v5 =	vld.idx.msk [tilespmem:v7+s2+$0x0], $0xffff;
	v6 =	vor.u32 s19, v6  }
0x117: {  	v7 =	vor.u32 v44, v0  }
0x118: {  	v54 =	vld [tilespmem:$0x1FF10];
	_ =	sdelay $0x1  }
0x119: {  	v2 =	vld.idx.msk [tilespmem:v4+s2+$0x0], $0xffff;
	v3 =	vor.u32 s18, v3  }
0x11a: {  	[tilespmem:v6+s12+$0x0] =	vst.idx.msk $0xffff, v5;
	v4 =	vor.u32 v44, v1  }
0x11b: {  	v5 =	vld.idx.msk [tilespmem:v7+s2+$0x0], $0xffff  }
0x11c: {  	v6 =	vor.u32 s19, v54;
	v7 =	vld [tilespmem:$0x1FE00];
	_ =	sdelay $0x1  }
0x11d: {  	[tilespmem:v3+s12+$0x0] =	vst.idx.msk $0xffff, v2  }
0x11e: {  	v2 =	vld.idx.msk [tilespmem:v4+s2+$0x0], $0xffff  }
0x11f: {  	v3 =	vor.u32 s18, v54;
	v4 =	vld [tilespmem:$0x1FE00]  }
0x120: {  	v7 =	vor.u32 v7, v0;
	[tilespmem:v6+s12+$0x0] =	vst.idx.msk $0xffff, v5;
	v6 =	vld [tilespmem:$0x1FF20]  }
0x121: {  	v45 =	vld [tilespmem:$0x1FE10];
	_ =	sdelay $0x2  }
0x122: {  	v4 =	vor.u32 v4, v1;
	[tilespmem:v3+s12+$0x0] =	vst.idx.msk $0xffff, v2;
	v3 =	vld [tilespmem:$0x1FF20]  }
0x123: {  	v5 =	vld.idx.msk [tilespmem:v7+s2+$0x0], $0xffff;
	v6 =	vor.u32 s19, v6  }
0x124: {  	v7 =	vor.u32 v45, v0  }
0x125: {  	v56 =	vld [tilespmem:$0x1FF30];
	_ =	sdelay $0x1  }
0x126: {  	v2 =	vld.idx.msk [tilespmem:v4+s2+$0x0], $0xffff;
	v3 =	vor.u32 s18, v3  }
0x127: {  	[tilespmem:v6+s12+$0x0] =	vst.idx.msk $0xffff, v5;
	v4 =	vor.u32 v45, v1  }
0x128: {  	v5 =	vld.idx.msk [tilespmem:v7+s2+$0x0], $0xffff  }
0x129: {  	v6 =	vor.u32 s19, v56;
	v7 =	vld [tilespmem:$0x1FE20];
	_ =	sdelay $0x1  }
0x12a: {  	[tilespmem:v3+s12+$0x0] =	vst.idx.msk $0xffff, v2  }
0x12b: {  	v2 =	vld.idx.msk [tilespmem:v4+s2+$0x0], $0xffff  }
0x12c: {  	v3 =	vor.u32 s18, v56;
	v4 =	vld [tilespmem:$0x1FE20]  }
0x12d: {  	v7 =	vor.u32 v7, v0;
	[tilespmem:v6+s12+$0x0] =	vst.idx.msk $0xffff, v5;
	v6 =	vld [tilespmem:$0x1FF40]  }
0x12e: {  	v46 =	vld [tilespmem:$0x1FE30];
	_ =	sdelay $0x2  }
0x12f: {  	v4 =	vor.u32 v4, v1;
	[tilespmem:v3+s12+$0x0] =	vst.idx.msk $0xffff, v2;
	v3 =	vld [tilespmem:$0x1FF40]  }
0x130: {  	v5 =	vld.idx.msk [tilespmem:v7+s2+$0x0], $0xffff;
	v6 =	vor.u32 s19, v6  }
0x131: {  	v7 =	vor.u32 v46, v0  }
0x132: {  	v21 =	vld [tilespmem:$0x1FF50];
	_ =	sdelay $0x1  }
0x133: {  	v2 =	vld.idx.msk [tilespmem:v4+s2+$0x0], $0xffff;
	v3 =	vor.u32 s18, v3  }
0x134: {  	v4 =	vor.u32 v46, v1;
	[tilespmem:v6+s12+$0x0] =	vst.idx.msk $0xffff, v5  }
0x135: {  	v5 =	vld.idx.msk [tilespmem:v7+s2+$0x0], $0xffff  }
0x136: {  	v6 =	vor.u32 s19, v21;
	v7 =	vld [tilespmem:$0x1FE40];
	_ =	sdelay $0x1  }
0x137: {  	[tilespmem:v3+s12+$0x0] =	vst.idx.msk $0xffff, v2  }
0x138: {  	v2 =	vld.idx.msk [tilespmem:v4+s2+$0x0], $0xffff  }
0x139: {  	v4 =	vld [tilespmem:$0x1FE40]  }
0x13a: {  	v7 =	vor.u32 v7, v0;
	[tilespmem:v6+s12+$0x0] =	vst.idx.msk $0xffff, v5;
	v6 =	vld [tilespmem:$0x1FF60]  }
0x13b: {  	v47 =	vld [tilespmem:$0x1FE50]  }
0x13c: {  	v3 =	vor.u32 s18, v21;
	_ =	sdelay $0x2  }
0x13d: {  	v4 =	vor.u32 v4, v1;
	v5 =	vld.idx.msk [tilespmem:v7+s2+$0x0], $0xffff;
	v6 =	vor.u32 s19, v6  }
0x13e: {  	v7 =	vor.u32 v47, v0  }
0x13f: {  	[tilespmem:v3+s12+$0x0] =	vst.idx.msk $0xffff, v2;
	v3 =	vld [tilespmem:$0x1FF60];
	_ =	sdelay $0x1  }
0x140: {  	v22 =	vld [tilespmem:$0x1FF70]  }
0x141: {  	v2 =	vld.idx.msk [tilespmem:v4+s2+$0x0], $0xffff;
	[tilespmem:v6+s12+$0x0] =	vst.idx.msk $0xffff, v5  }
0x142: {  	v5 =	vld.idx.msk [tilespmem:v7+s2+$0x0], $0xffff  }
0x143: {  	v3 =	vor.u32 s18, v3;
	v7 =	vld [tilespmem:$0x1FE60]  }
0x144: {  	v4 =	vor.u32 v47, v1;
	_ =	sdelay $0x2  }
0x145: {  	v6 =	vor.u32 s19, v22  }
0x146: {  	[tilespmem:v3+s12+$0x0] =	vst.idx.msk $0xffff, v2;
	v7 =	vor.u32 v7, v0  }
0x147: {  	v2 =	vld.idx.msk [tilespmem:v4+s2+$0x0], $0xffff  }
0x148: {  	v4 =	vld [tilespmem:$0x1FE60]  }
0x149: {  	v8 =	vld [tilespmem:s17+$0xFFFFFFE0]  }
0x14a: {  	v49 =	vmov v48;
	v48 =	vld [tilespmem:$0x1FE70];
	[tilespmem:v6+s12+$0x0] =	vst.idx.msk $0xffff, v5  }
0x14b: {  	v6 =	vld.idx.msk [tilespmem:v7+s2+$0x0], $0xffff  }
0x14c: {  	v3 =	vor.u32 s18, v22;
	v7 =	vld [tilespmem:$0x1FF80]  }
0x14d: {  	v50 =	vld [tilespmem:$0x1FE90];
	v4 =	vor.u32 v4, v1  }
0x14e: {  	v25 =	vmov v10;
	v10 =	vld [tilespmem:$0x1FF80]  }
0x14f: {  	v5 =	vld [tilespmem:s17+$0xFFFFFFF0]  }
0x150: {  	v27 =	vmov v12;
	v12 =	vld [tilespmem:$0x1FEA0]  }
0x151: {  	v23 =	vld [tilespmem:$0x1FF90];
	[tilespmem:v3+s12+$0x0] =	vst.idx.msk $0xffff, v2;
	v7 =	vor.u32 s19, v7  }
0x152: {  	v2 =	vld.idx.msk [tilespmem:v4+s2+$0x0], $0xffff;
	v4 =	vmul.f32 $2.880000000e+02, v8  }
0x153: {  	v34 =	vld [tilespmem:$0x1FEA0];
	v9 =	vor.u32 v48, v0  }
0x154: {  	v26 =	vmovc v11;
	v11 =	vld [tilespmem:s17+$0x0];
	v10 =	vor.u32 s18, v10;
	v5 =	vmul.f32 $2.880000000e+02, v5;
	v4 =	vtrunc.f32 v4  }
0x155: {  	v12 =	vor.u32 v12, v0;
	v8 =	vor.u32 v50, v0;
	v0 =	vcvt.f32.s32 v4  }
0x156: {  	v29 =	vmov v14;
	v14 =	vld [tilespmem:s17+$0x10];
	v4 =	vtrunc.f32 v5;
	[tilespmem:v7+s12+$0x0] =	vst.idx.msk $0xffff, v6;
	v7 =	vor.u32 v48, v1  }
0x157: {  	v32 =	vmov v17;
	v17 =	vld [tilespmem:s17+$0x20];
	v4 =	vcvt.f32.s32 v4;
	vm10 =	vgt.s32 v0, $0x0  }
0x158: {  	v33 =	vmovc v18;
	v18 =	vor.u32 v34, v1;
	v3 =	vor.u32 s19, v23;
	v6 =	vld [tilespmem:$0x1FFA0];
	v0 =	vnsel vm10, $0x0, v0  }
0x159: {  	[tilespmem:v10+s12+$0x0] =	vst.idx.msk $0xffff, v2;
	v10 =	vmul.f32 $2.880000000e+02, v11;
	v9 =	vld.idx.msk [tilespmem:v9+s2+$0x0], $0xffff;
	vm11 =	vgt.s32 v4, $0x0;
	v0 =	vmin.u32 v0, $0x11F  }
0x15a: {  	v5 =	vor.u32 s18, v23;
	v11 =	vld [tilespmem:s17+$0x30];
	v34 =	vnsel vm11, $0x0, v4;
	v2 =	vshll.u32 v0, $0x5  }
0x15b: {  	v0 =	vmin.u32 v34, $0x11F;
	v34 =	vtrunc.f32 v10;
	v10 =	vor.u32 v19, v2;
	v7 =	vld.idx.msk [tilespmem:v7+s2+$0x0], $0xffff  }
0x15c: {  	v30 =	vmov v15;
	v31 =	vmov v16;
	v16 =	vld [tilespmem:$0x1FFA0];
	v15 =	vor.u32 v50, v1  }
0x15d: {  	v4 =	vmul.f32 $2.880000000e+02, v14;
	v0 =	vshll.u32 v0, $0x5;
	v1 =	vcvt.f32.s32 v34  }
0x15e: {  	v24 =	vld [tilespmem:$0x1FFB0];
	v17 =	vmul.f32 $2.880000000e+02, v17;
	v14 =	vor.u32 v19, v0;
	[tilespmem:v3+s12+$0x0] =	vst.idx.msk $0xffff, v9  }
0x15f: {  	v6 =	vor.u32 s19, v6;
	vm12 =	vgt.s32 v1, $0x0;
	v3 =	vtrunc.f32 v4;
	v8 =	vld.idx.msk [tilespmem:v8+s2+$0x0], $0xffff  }
0x160: {  	v4 =	vmul.f32 $2.880000000e+02, v11;
	v1 =	vnsel vm12, $0x0, v1;
	v10 =	vld.idx.msk [tilespmem:v10+s2+$0x0], $0xffff;
	[tilespmem:v5+s12+$0x0] =	vst.idx.msk $0xffff, v7;
	v5 =	vcvt.f32.s32 v3  }
0x161: {  	v16 =	vor.u32 s18, v16;
	v1 =	vmin.u32 v1, $0x11F;
	v3 =	vtrunc.f32 v17;
	v7 =	vld.idx.msk [tilespmem:v15+s2+$0x0], $0xffff  }
0x162: {  	v4 =	vtrunc.f32 v4;
	v17 =	vld [tilespmem:$0x1FFD0];
	v9 =	vcvt.f32.s32 v3;
	vm13 =	vgt.s32 v5, $0x0  }
0x163: {  	v4 =	vcvt.f32.s32 v4;
	v14 =	vld.idx.msk [tilespmem:v14+s2+$0x0], $0xffff;
	v3 =	vshll.u32 v1, $0x5;
	v34 =	vnsel vm13, $0x0, v5  }
0x164: {  	v15 =	vld [tilespmem:$0x1FFC0];
	v11 =	vor.u32 v19, v3;
	[tilespmem:v6+s12+$0x0] =	vst.idx.msk $0xffff, v8;
	vm14 =	vgt.s32 v9, $0x0  }
0x165: {  	v28 =	vmovc v13;
	v13 =	vor.u32 s19, v24;
	vm15 =	vgt.s32 v4, $0x0;
	v8 =	vld.idx.msk [tilespmem:v12+s2+$0x0], $0xffff;
	v5 =	vnsel vm14, $0x0, v9  }
0x166: {  	v6 =	vnsel vm15, $0x0, v4;
	v1 =	vmin.u32 v34, $0x11F;
	v5 =	vmin.u32 v5, $0x11F;
	[tilespmem:v16+s12+$0x0] =	vst.idx.msk $0xffff, v7;
	v34 =	vmovc v20;
	v20 =	vld [tilespmem:$0x1FFC0]  }
0x167: {  	v1 =	vshll.u32 v1, $0x5;
	v4 =	vshll.u32 v5, $0x5;
	v5 =	vmin.u32 v6, $0x11F;
	v6 =	vld.idx.msk [tilespmem:v18+s2+$0x0], $0xffff  }
0x168: {  	s30 =	sadd.s32 $0xFFFFF600, s16;
	v7 =	vor.u32 v19, v1;
	v18 =	vld [tilespmem:$0x1FFC0]  }
0x169: {  	v15 =	vor.u32 s30, v15;
	v5 =	vshll.u32 v5, $0x5;
	v11 =	vld.idx.msk [tilespmem:v11+s2+$0x0], $0xffff  }
0x16a: {  	v9 =	vor.u32 s18, v24;
	v12 =	vor.u32 v19, v4;
	v16 =	vor.u32 v19, v5;
	v19 =	vld [tilespmem:$0x1FFD0]  }
0x16b: {  	[tilespmem:v13+s12+$0x0] =	vst.idx.msk $0xffff, v8;
	v8 =	vld [tilespmem:$0x1FFD0]  }
0x16c: {  	v13 =	vld [tilespmem:$0x1FFC0]  }
0x16d: {  	v17 =	vor.u32 v17, v2;
	v7 =	vld.idx.msk [tilespmem:v7+s2+$0x0], $0xffff  }
0x16e: {  	[tilespmem:v15+s12+$0x0] =	vst.idx.msk $0xffff, v10;
	v10 =	vld [tilespmem:$0x1FFD0]  }
0x16f: {  	s20 =	sadd.s32 $0xFFFFFA00, s16;
	[tilespmem:v9+s12+$0x0] =	vst.idx.msk $0xffff, v6;
	v6 =	vld [tilespmem:$0x1FFD0]  }
0x170: {  	s31 =	sadd.s32 $0xFFFFF800, s16;
	v20 =	vor.u32 s20, v20;
	v9 =	vld.idx.msk [tilespmem:v12+s2+$0x0], $0xffff  }
0x171: {  	v18 =	vor.u32 s31, v18;
	v12 =	vld [tilespmem:$0x1FFC0]  }
0x172: {  	v17 =	vld.idx.msk [tilespmem:v17+s2+$0x0], $0xffff  }
0x173: {  	v15 =	vld.idx.msk [tilespmem:v16+s2+$0x0], $0xffff  }
0x174: {  	s21 =	sadd.s32 $0xFFFFFC00, s16;
	v19 =	vor.u32 v19, v0;
	v16 =	vld [tilespmem:$0x1FFC0]  }
0x175: {  	v13 =	vor.u32 s21, v13;
	[tilespmem:v20+s12+$0x0] =	vst.idx.msk $0xffff, v11;
	v11 =	vld [tilespmem:$0x1FFF0]  }
0x176: {  	s22 =	sadd.s32 $0xFFFFFE00, s16;
	[tilespmem:v18+s12+$0x0] =	vst.idx.msk $0xffff, v14;
	v14 =	vld [tilespmem:$0x1FFE0]  }
0x177: {  	v12 =	vor.u32 s22, v12;
	v18 =	vld [tilespmem:$0x1FFD0]  }
0x178: {  	v20 =	vld [tilespmem:$0x1FFE0]  }
0x179: {  	v16 =	vor.u32 s16, v16;
	v19 =	vld.idx.msk [tilespmem:v19+s2+$0x0], $0xffff  }
0x17a: {  	[tilespmem:v13+s12+$0x0] =	vst.idx.msk $0xffff, v7;
	v7 =	vld [tilespmem:$0x1FFF0]  }
0x17b: {  	v13 =	vld [tilespmem:$0x1FFE0];
	v14 =	vor.u32 s30, v14  }
0x17c: {  	v18 =	vor.u32 v18, v5;
	[tilespmem:v12+s12+$0x0] =	vst.idx.msk $0xffff, v9;
	v9 =	vld [tilespmem:$0x1FFF0]  }
0x17d: {  	v12 =	vld [tilespmem:$0x1FFE0]  }
0x17e: {  	v20 =	vor.u32 s31, v20;
	[tilespmem:v16+s12+$0x0] =	vst.idx.msk $0xffff, v15;
	v15 =	vld [tilespmem:$0x1FFF0]  }
0x17f: {  	v8 =	vor.u32 v8, v3;
	v16 =	vld [tilespmem:$0x1FFE0]  }
0x180: {  	v6 =	vor.u32 v6, v1;
	[tilespmem:v14+s12+$0x0] =	vst.idx.msk $0xffff, v17;
	v14 =	vld [tilespmem:$0x1FFF0]  }
0x181: {  	v10 =	vor.u32 v10, v4;
	v17 =	vld.idx.msk [tilespmem:v18+s2+$0x0], $0xffff  }
0x182: {  	v18 =	vld [tilespmem:$0x1FFE0]  }
0x183: {  	v11 =	vor.u32 v11, v2;
	[tilespmem:v20+s12+$0x0] =	vst.idx.msk $0xffff, v19;
	v20 =	vld [tilespmem:$0x1FFF0]  }
0x184: {  	v8 =	vld.idx.msk [tilespmem:v8+s2+$0x0], $0xffff;
	v7 =	vor.u32 v7, v0;
	v13 =	vor.u32 s20, v13  }
0x185: {  	v6 =	vld.idx.msk [tilespmem:v6+s2+$0x0], $0xffff;
	v9 =	vor.u32 v9, v3;
	v12 =	vor.u32 s21, v12  }
0x186: {  	v10 =	vld.idx.msk [tilespmem:v10+s2+$0x0], $0xffff;
	v15 =	vor.u32 v15, v1;
	v16 =	vor.u32 s22, v16  }
0x187: {  	v14 =	vor.u32 v14, v4;
	v18 =	vor.u32 s16, v18  }
0x188: {  	v19 =	vor.u32 s30, v25;
	v11 =	vld.idx.msk [tilespmem:v11+s2+$0x0], $0xffff;
	v20 =	vor.u32 v20, v5  }
0x189: {  	[tilespmem:v13+s12+$0x0] =	vst.idx.msk $0xffff, v8;
	v8 =	vor.u32 v26, v2;
	v7 =	vld.idx.msk [tilespmem:v7+s2+$0x0], $0xffff;
	v13 =	vor.u32 s31, v25  }
0x18a: {  	[tilespmem:v12+s12+$0x0] =	vst.idx.msk $0xffff, v6;
	v6 =	vor.u32 v26, v0;
	v9 =	vld.idx.msk [tilespmem:v9+s2+$0x0], $0xffff;
	v12 =	vor.u32 s20, v25  }
0x18b: {  	[tilespmem:v16+s12+$0x0] =	vst.idx.msk $0xffff, v10;
	v10 =	vor.u32 v26, v3;
	v15 =	vld.idx.msk [tilespmem:v15+s2+$0x0], $0xffff;
	v16 =	vor.u32 s21, v25  }
0x18c: {  	[tilespmem:v18+s12+$0x0] =	vst.idx.msk $0xffff, v17;
	v17 =	vor.u32 v26, v1;
	v14 =	vld.idx.msk [tilespmem:v14+s2+$0x0], $0xffff;
	v18 =	vor.u32 s22, v25  }
0x18d: {  	[tilespmem:v19+s12+$0x0] =	vst.idx.msk $0xffff, v11;
	v11 =	vor.u32 v26, v4;
	v19 =	vld.idx.msk [tilespmem:v20+s2+$0x0], $0xffff;
	v20 =	vor.u32 s16, v25  }
0x18e: {  	[tilespmem:v13+s12+$0x0] =	vst.idx.msk $0xffff, v7;
	v7 =	vor.u32 s30, v27;
	v13 =	vor.u32 v26, v5;
	v8 =	vld.idx.msk [tilespmem:v8+s2+$0x0], $0xffff  }
0x18f: {  	[tilespmem:v12+s12+$0x0] =	vst.idx.msk $0xffff, v9;
	v9 =	vor.u32 v28, v2;
	v6 =	vld.idx.msk [tilespmem:v6+s2+$0x0], $0xffff;
	v12 =	vor.u32 s31, v27  }
0x190: {  	[tilespmem:v16+s12+$0x0] =	vst.idx.msk $0xffff, v15;
	v15 =	vor.u32 v28, v0;
	v10 =	vld.idx.msk [tilespmem:v10+s2+$0x0], $0xffff;
	v16 =	vor.u32 s20, v27  }
0x191: {  	[tilespmem:v18+s12+$0x0] =	vst.idx.msk $0xffff, v14;
	v14 =	vor.u32 v28, v3;
	v17 =	vld.idx.msk [tilespmem:v17+s2+$0x0], $0xffff;
	v18 =	vor.u32 s21, v27  }
0x192: {  	[tilespmem:v20+s12+$0x0] =	vst.idx.msk $0xffff, v19;
	v19 =	vor.u32 v28, v1;
	v11 =	vld.idx.msk [tilespmem:v11+s2+$0x0], $0xffff;
	v20 =	vor.u32 s22, v27  }
0x193: {  	[tilespmem:v7+s12+$0x0] =	vst.idx.msk $0xffff, v8;
	v7 =	vor.u32 v28, v4;
	v8 =	vld.idx.msk [tilespmem:v13+s2+$0x0], $0xffff;
	v13 =	vor.u32 s16, v27  }
0x194: {  	v9 =	vld.idx.msk [tilespmem:v9+s2+$0x0], $0xffff;
	[tilespmem:v12+s12+$0x0] =	vst.idx.msk $0xffff, v6;
	v6 =	vor.u32 s30, v29;
	v12 =	vor.u32 v28, v5  }
0x195: {  	[tilespmem:v16+s12+$0x0] =	vst.idx.msk $0xffff, v10;
	v10 =	vor.u32 v30, v2;
	v15 =	vld.idx.msk [tilespmem:v15+s2+$0x0], $0xffff;
	v16 =	vor.u32 s31, v29  }
0x196: {  	[tilespmem:v18+s12+$0x0] =	vst.idx.msk $0xffff, v17;
	v17 =	vor.u32 v30, v0;
	v14 =	vld.idx.msk [tilespmem:v14+s2+$0x0], $0xffff;
	v18 =	vor.u32 s20, v29  }
0x197: {  	[tilespmem:v20+s12+$0x0] =	vst.idx.msk $0xffff, v11;
	v11 =	vor.u32 v30, v3;
	v19 =	vld.idx.msk [tilespmem:v19+s2+$0x0], $0xffff;
	v20 =	vor.u32 s21, v29  }
0x198: {  	[tilespmem:v13+s12+$0x0] =	vst.idx.msk $0xffff, v8;
	v8 =	vor.u32 v30, v1;
	v7 =	vld.idx.msk [tilespmem:v7+s2+$0x0], $0xffff;
	v13 =	vor.u32 s22, v29  }
0x199: {  	[tilespmem:v6+s12+$0x0] =	vst.idx.msk $0xffff, v9;
	v6 =	vor.u32 v30, v4;
	v9 =	vld.idx.msk [tilespmem:v12+s2+$0x0], $0xffff;
	v12 =	vor.u32 s16, v29  }
0x19a: {  	v10 =	vld.idx.msk [tilespmem:v10+s2+$0x0], $0xffff;
	[tilespmem:v16+s12+$0x0] =	vst.idx.msk $0xffff, v15;
	v15 =	vor.u32 s30, v31;
	v16 =	vor.u32 v30, v5  }
0x19b: {  	[tilespmem:v18+s12+$0x0] =	vst.idx.msk $0xffff, v14;
	v14 =	vor.u32 v32, v2;
	v17 =	vld.idx.msk [tilespmem:v17+s2+$0x0], $0xffff;
	v18 =	vor.u32 s31, v31  }
0x19c: {  	[tilespmem:v20+s12+$0x0] =	vst.idx.msk $0xffff, v19;
	v19 =	vor.u32 v32, v0;
	v11 =	vld.idx.msk [tilespmem:v11+s2+$0x0], $0xffff;
	v20 =	vor.u32 s20, v31  }
0x19d: {  	[tilespmem:v13+s12+$0x0] =	vst.idx.msk $0xffff, v7;
	v7 =	vor.u32 v32, v3;
	v8 =	vld.idx.msk [tilespmem:v8+s2+$0x0], $0xffff;
	v13 =	vor.u32 s21, v31  }
0x19e: {  	[tilespmem:v12+s12+$0x0] =	vst.idx.msk $0xffff, v9;
	v9 =	vor.u32 v32, v1;
	v6 =	vld.idx.msk [tilespmem:v6+s2+$0x0], $0xffff;
	v12 =	vor.u32 s22, v31  }
0x19f: {  	[tilespmem:v15+s12+$0x0] =	vst.idx.msk $0xffff, v10;
	v10 =	vor.u32 v32, v4;
	v15 =	vld.idx.msk [tilespmem:v16+s2+$0x0], $0xffff;
	v16 =	vor.u32 s16, v31  }
0x1a0: {  	v14 =	vld.idx.msk [tilespmem:v14+s2+$0x0], $0xffff;
	[tilespmem:v18+s12+$0x0] =	vst.idx.msk $0xffff, v17;
	v17 =	vor.u32 s30, v33;
	v18 =	vor.u32 v32, v5  }
0x1a1: {  	[tilespmem:v20+s12+$0x0] =	vst.idx.msk $0xffff, v11;
	v11 =	vor.u32 v34, v2;
	v19 =	vld.idx.msk [tilespmem:v19+s2+$0x0], $0xffff;
	v20 =	vor.u32 s31, v33  }
0x1a2: {  	[tilespmem:v13+s12+$0x0] =	vst.idx.msk $0xffff, v8;
	v7 =	vld.idx.msk [tilespmem:v7+s2+$0x0], $0xffff;
	v13 =	vor.u32 s20, v33  }
0x1a3: {  	v8 =	vor.u32 v34, v0;
	[tilespmem:v12+s12+$0x0] =	vst.idx.msk $0xffff, v6;
	v9 =	vld.idx.msk [tilespmem:v9+s2+$0x0], $0xffff  }
0x1a4: {  	v12 =	vor.u32 s21, v33;
	[tilespmem:v16+s12+$0x0] =	vst.idx.msk $0xffff, v15;
	v10 =	vld.idx.msk [tilespmem:v10+s2+$0x0], $0xffff  }
0x1a5: {  	v16 =	vor.u32 s22, v33;
	[tilespmem:v17+s12+$0x0] =	vst.idx.msk $0xffff, v14;
	v17 =	vld.idx.msk [tilespmem:v18+s2+$0x0], $0xffff  }
0x1a6: {  	v18 =	vor.u32 s16, v33;
	v11 =	vld.idx.msk [tilespmem:v11+s2+$0x0], $0xffff;
	[tilespmem:v20+s12+$0x0] =	vst.idx.msk $0xffff, v19  }
0x1a7: {  	v19 =	vor.u32 s30, v55;
	[tilespmem:v13+s12+$0x0] =	vst.idx.msk $0xffff, v7;
	v7 =	vld [tilespmem:$0x1FCC0]  }
0x1a8: {  	v8 =	vld.idx.msk [tilespmem:v8+s2+$0x0], $0xffff;
	v13 =	vor.u32 s31, v55  }
0x1a9: {  	v6 =	vor.u32 v34, v3;
	[tilespmem:v12+s12+$0x0] =	vst.idx.msk $0xffff, v9;
	v9 =	vld [tilespmem:$0x1FCC0]  }
0x1aa: {  	v15 =	vor.u32 v34, v1;
	[tilespmem:v16+s12+$0x0] =	vst.idx.msk $0xffff, v10;
	v10 =	vld [tilespmem:$0x1FCC0]  }
0x1ab: {  	v14 =	vor.u32 v34, v4;
	[tilespmem:v18+s12+$0x0] =	vst.idx.msk $0xffff, v17;
	v17 =	vld [tilespmem:$0x1FCC0]  }
0x1ac: {  	v20 =	vor.u32 v34, v5;
	[tilespmem:v19+s12+$0x0] =	vst.idx.msk $0xffff, v11;
	v11 =	vld [tilespmem:$0x1FCC0]  }
0x1ad: {  	v7 =	vor.u32 v7, v2;
	[tilespmem:v13+s12+$0x0] =	vst.idx.msk $0xffff, v8;
	v13 =	vld [tilespmem:$0x1FCC0]  }
0x1ae: {  	v6 =	vld.idx.msk [tilespmem:v6+s2+$0x0], $0xffff;
	v12 =	vor.u32 s20, v55;
	v9 =	vor.u32 v9, v0  }
0x1af: {  	v15 =	vld.idx.msk [tilespmem:v15+s2+$0x0], $0xffff;
	v16 =	vor.u32 s21, v55;
	v10 =	vor.u32 v10, v3  }
0x1b0: {  	v14 =	vld.idx.msk [tilespmem:v14+s2+$0x0], $0xffff;
	v18 =	vor.u32 s22, v55;
	v17 =	vor.u32 v17, v1  }
0x1b1: {  	v19 =	vld.idx.msk [tilespmem:v20+s2+$0x0], $0xffff;
	v20 =	vor.u32 s16, v55;
	v11 =	vor.u32 v11, v4  }
0x1b2: {  	v8 =	vor.u32 s30, v57;
	v7 =	vld.idx.msk [tilespmem:v7+s2+$0x0], $0xffff;
	v13 =	vor.u32 v13, v5  }
0x1b3: {  	[tilespmem:v12+s12+$0x0] =	vst.idx.msk $0xffff, v6;
	v6 =	vor.u32 v58, v2;
	v12 =	vor.u32 s31, v57;
	v9 =	vld.idx.msk [tilespmem:v9+s2+$0x0], $0xffff  }
0x1b4: {  	[tilespmem:v16+s12+$0x0] =	vst.idx.msk $0xffff, v15;
	v15 =	vor.u32 v58, v0;
	v16 =	vor.u32 s20, v57;
	v10 =	vld.idx.msk [tilespmem:v10+s2+$0x0], $0xffff  }
0x1b5: {  	[tilespmem:v18+s12+$0x0] =	vst.idx.msk $0xffff, v14;
	v14 =	vor.u32 v58, v3;
	v18 =	vor.u32 s21, v57;
	v17 =	vld.idx.msk [tilespmem:v17+s2+$0x0], $0xffff  }
0x1b6: {  	[tilespmem:v20+s12+$0x0] =	vst.idx.msk $0xffff, v19;
	v19 =	vor.u32 v58, v1;
	v20 =	vor.u32 s22, v57;
	v11 =	vld.idx.msk [tilespmem:v11+s2+$0x0], $0xffff  }
0x1b7: {  	[tilespmem:v8+s12+$0x0] =	vst.idx.msk $0xffff, v7;
	v7 =	vor.u32 v58, v4;
	v8 =	vld.idx.msk [tilespmem:v13+s2+$0x0], $0xffff;
	v13 =	vor.u32 s16, v57  }
0x1b8: {  	v6 =	vld.idx.msk [tilespmem:v6+s2+$0x0], $0xffff;
	[tilespmem:v12+s12+$0x0] =	vst.idx.msk $0xffff, v9;
	v9 =	vor.u32 s30, v59;
	v12 =	vor.u32 v58, v5  }
0x1b9: {  	[tilespmem:v16+s12+$0x0] =	vst.idx.msk $0xffff, v10;
	v10 =	vor.u32 v60, v2;
	v15 =	vld.idx.msk [tilespmem:v15+s2+$0x0], $0xffff;
	v16 =	vor.u32 s31, v59  }
0x1ba: {  	[tilespmem:v18+s12+$0x0] =	vst.idx.msk $0xffff, v17;
	v17 =	vor.u32 v60, v0;
	v14 =	vld.idx.msk [tilespmem:v14+s2+$0x0], $0xffff;
	v18 =	vor.u32 s20, v59  }
0x1bb: {  	[tilespmem:v20+s12+$0x0] =	vst.idx.msk $0xffff, v11;
	v11 =	vor.u32 v60, v3;
	v19 =	vld.idx.msk [tilespmem:v19+s2+$0x0], $0xffff;
	v20 =	vor.u32 s21, v59  }
0x1bc: {  	[tilespmem:v13+s12+$0x0] =	vst.idx.msk $0xffff, v8;
	v8 =	vor.u32 v60, v1;
	v7 =	vld.idx.msk [tilespmem:v7+s2+$0x0], $0xffff;
	v13 =	vor.u32 s22, v59  }
0x1bd: {  	[tilespmem:v9+s12+$0x0] =	vst.idx.msk $0xffff, v6;
	v6 =	vor.u32 v60, v4;
	v9 =	vld.idx.msk [tilespmem:v12+s2+$0x0], $0xffff;
	v12 =	vor.u32 s16, v59  }
0x1be: {  	v10 =	vld.idx.msk [tilespmem:v10+s2+$0x0], $0xffff;
	[tilespmem:v16+s12+$0x0] =	vst.idx.msk $0xffff, v15;
	v15 =	vor.u32 s30, v61;
	v16 =	vor.u32 v60, v5  }
0x1bf: {  	[tilespmem:v18+s12+$0x0] =	vst.idx.msk $0xffff, v14;
	v14 =	vor.u32 v62, v2;
	v17 =	vld.idx.msk [tilespmem:v17+s2+$0x0], $0xffff;
	v18 =	vor.u32 s31, v61  }
0x1c0: {  	[tilespmem:v20+s12+$0x0] =	vst.idx.msk $0xffff, v19;
	v19 =	vor.u32 v62, v0;
	v11 =	vld.idx.msk [tilespmem:v11+s2+$0x0], $0xffff;
	v20 =	vor.u32 s20, v61  }
0x1c1: {  	[tilespmem:v13+s12+$0x0] =	vst.idx.msk $0xffff, v7;
	v7 =	vor.u32 v62, v3;
	v8 =	vld.idx.msk [tilespmem:v8+s2+$0x0], $0xffff;
	v13 =	vor.u32 s21, v61  }
0x1c2: {  	[tilespmem:v12+s12+$0x0] =	vst.idx.msk $0xffff, v9;
	v9 =	vor.u32 v62, v1;
	v6 =	vld.idx.msk [tilespmem:v6+s2+$0x0], $0xffff;
	v12 =	vor.u32 s22, v61  }
0x1c3: {  	[tilespmem:v15+s12+$0x0] =	vst.idx.msk $0xffff, v10;
	v10 =	vor.u32 v62, v4;
	v15 =	vld.idx.msk [tilespmem:v16+s2+$0x0], $0xffff;
	v16 =	vor.u32 s16, v61  }
0x1c4: {  	v14 =	vld.idx.msk [tilespmem:v14+s2+$0x0], $0xffff;
	[tilespmem:v18+s12+$0x0] =	vst.idx.msk $0xffff, v17;
	v17 =	vor.u32 s30, v63;
	v18 =	vor.u32 v62, v5  }
0x1c5: {  	[tilespmem:v20+s12+$0x0] =	vst.idx.msk $0xffff, v11;
	v11 =	vor.u32 v35, v2;
	v19 =	vld.idx.msk [tilespmem:v19+s2+$0x0], $0xffff;
	v20 =	vor.u32 s31, v63  }
0x1c6: {  	[tilespmem:v13+s12+$0x0] =	vst.idx.msk $0xffff, v8;
	v8 =	vor.u32 v35, v0;
	v7 =	vld.idx.msk [tilespmem:v7+s2+$0x0], $0xffff;
	v13 =	vor.u32 s20, v63  }
0x1c7: {  	[tilespmem:v12+s12+$0x0] =	vst.idx.msk $0xffff, v6;
	v6 =	vor.u32 v35, v3;
	v9 =	vld.idx.msk [tilespmem:v9+s2+$0x0], $0xffff;
	v12 =	vor.u32 s21, v63  }
0x1c8: {  	[tilespmem:v16+s12+$0x0] =	vst.idx.msk $0xffff, v15;
	v15 =	vor.u32 v35, v1;
	v10 =	vld.idx.msk [tilespmem:v10+s2+$0x0], $0xffff;
	v16 =	vor.u32 s22, v63  }
0x1c9: {  	[tilespmem:v17+s12+$0x0] =	vst.idx.msk $0xffff, v14;
	v14 =	vor.u32 v35, v4;
	v17 =	vld.idx.msk [tilespmem:v18+s2+$0x0], $0xffff;
	v18 =	vor.u32 s16, v63  }
0x1ca: {  	v11 =	vld.idx.msk [tilespmem:v11+s2+$0x0], $0xffff;
	[tilespmem:v20+s12+$0x0] =	vst.idx.msk $0xffff, v19;
	v19 =	vor.u32 s30, v36;
	v20 =	vor.u32 v35, v5  }
0x1cb: {  	[tilespmem:v13+s12+$0x0] =	vst.idx.msk $0xffff, v7;
	v7 =	vor.u32 v37, v2;
	v8 =	vld.idx.msk [tilespmem:v8+s2+$0x0], $0xffff;
	v13 =	vor.u32 s31, v36  }
0x1cc: {  	[tilespmem:v12+s12+$0x0] =	vst.idx.msk $0xffff, v9;
	v9 =	vor.u32 v37, v0;
	v6 =	vld.idx.msk [tilespmem:v6+s2+$0x0], $0xffff;
	v12 =	vor.u32 s20, v36  }
0x1cd: {  	[tilespmem:v16+s12+$0x0] =	vst.idx.msk $0xffff, v10;
	v10 =	vor.u32 v37, v3;
	v15 =	vld.idx.msk [tilespmem:v15+s2+$0x0], $0xffff;
	v16 =	vor.u32 s21, v36  }
0x1ce: {  	[tilespmem:v18+s12+$0x0] =	vst.idx.msk $0xffff, v17;
	v17 =	vor.u32 v37, v1;
	v14 =	vld.idx.msk [tilespmem:v14+s2+$0x0], $0xffff;
	v18 =	vor.u32 s22, v36  }
0x1cf: {  	[tilespmem:v19+s12+$0x0] =	vst.idx.msk $0xffff, v11;
	v11 =	vor.u32 v37, v4;
	v19 =	vld.idx.msk [tilespmem:v20+s2+$0x0], $0xffff;
	v20 =	vor.u32 s16, v36  }
0x1d0: {  	v7 =	vld.idx.msk [tilespmem:v7+s2+$0x0], $0xffff;
	[tilespmem:v13+s12+$0x0] =	vst.idx.msk $0xffff, v8;
	v8 =	vor.u32 s30, v38;
	v13 =	vor.u32 v37, v5  }
0x1d1: {  	[tilespmem:v12+s12+$0x0] =	vst.idx.msk $0xffff, v6;
	v6 =	vor.u32 v39, v2;
	v9 =	vld.idx.msk [tilespmem:v9+s2+$0x0], $0xffff;
	v12 =	vor.u32 s31, v38  }
0x1d2: {  	[tilespmem:v16+s12+$0x0] =	vst.idx.msk $0xffff, v15;
	v15 =	vor.u32 v39, v0;
	v10 =	vld.idx.msk [tilespmem:v10+s2+$0x0], $0xffff;
	v16 =	vor.u32 s20, v38  }
0x1d3: {  	[tilespmem:v18+s12+$0x0] =	vst.idx.msk $0xffff, v14;
	v14 =	vor.u32 v39, v3;
	v17 =	vld.idx.msk [tilespmem:v17+s2+$0x0], $0xffff;
	v18 =	vor.u32 s21, v38  }
0x1d4: {  	[tilespmem:v20+s12+$0x0] =	vst.idx.msk $0xffff, v19;
	v11 =	vld.idx.msk [tilespmem:v11+s2+$0x0], $0xffff;
	v20 =	vor.u32 s22, v38  }
0x1d5: {  	v19 =	vor.u32 v39, v1;
	[tilespmem:v8+s12+$0x0] =	vst.idx.msk $0xffff, v7;
	v8 =	vld.idx.msk [tilespmem:v13+s2+$0x0], $0xffff;
	v13 =	vor.u32 s16, v38  }
0x1d6: {  	v7 =	vor.u32 v39, v4;
	v6 =	vld.idx.msk [tilespmem:v6+s2+$0x0], $0xffff;
	[tilespmem:v12+s12+$0x0] =	vst.idx.msk $0xffff, v9;
	v9 =	vor.u32 s30, v40  }
0x1d7: {  	v12 =	vor.u32 v39, v5;
	[tilespmem:v16+s12+$0x0] =	vst.idx.msk $0xffff, v10;
	v15 =	vld.idx.msk [tilespmem:v15+s2+$0x0], $0xffff;
	v16 =	vor.u32 s31, v40  }
0x1d8: {  	[tilespmem:v18+s12+$0x0] =	vst.idx.msk $0xffff, v17;
	v17 =	vor.u32 v41, v0;
	v14 =	vld.idx.msk [tilespmem:v14+s2+$0x0], $0xffff;
	v18 =	vor.u32 s20, v40  }
0x1d9: {  	v10 =	vor.u32 v41, v2;
	[tilespmem:v20+s12+$0x0] =	vst.idx.msk $0xffff, v11  }
0x1da: {  	v19 =	vld.idx.msk [tilespmem:v19+s2+$0x0], $0xffff;
	v20 =	vor.u32 s21, v40;
	[tilespmem:v13+s12+$0x0] =	vst.idx.msk $0xffff, v8  }
0x1db: {  	v7 =	vld.idx.msk [tilespmem:v7+s2+$0x0], $0xffff;
	v13 =	vor.u32 s22, v40;
	[tilespmem:v9+s12+$0x0] =	vst.idx.msk $0xffff, v6  }
0x1dc: {  	v11 =	vor.u32 v41, v3;
	v9 =	vld.idx.msk [tilespmem:v12+s2+$0x0], $0xffff;
	v12 =	vor.u32 s16, v40;
	[tilespmem:v16+s12+$0x0] =	vst.idx.msk $0xffff, v15  }
0x1dd: {  	[tilespmem:v18+s12+$0x0] =	vst.idx.msk $0xffff, v14;
	v17 =	vld.idx.msk [tilespmem:v17+s2+$0x0], $0xffff;
	v18 =	vor.u32 s31, v49  }
0x1de: {  	v10 =	vld.idx.msk [tilespmem:v10+s2+$0x0], $0xffff;
	v15 =	vor.u32 s30, v49  }
0x1df: {  	v8 =	vor.u32 v41, v1;
	[tilespmem:v20+s12+$0x0] =	vst.idx.msk $0xffff, v19  }
0x1e0: {  	v6 =	vor.u32 v41, v4;
	v16 =	vor.u32 v41, v5;
	[tilespmem:v13+s12+$0x0] =	vst.idx.msk $0xffff, v7  }
0x1e1: {  	v14 =	vor.u32 v51, v2;
	v19 =	vor.u32 v51, v0;
	v11 =	vld.idx.msk [tilespmem:v11+s2+$0x0], $0xffff;
	[tilespmem:v12+s12+$0x0] =	vst.idx.msk $0xffff, v9  }
0x1e2: {  	v7 =	vor.u32 v51, v3;
	v9 =	vor.u32 v51, v1;
	[tilespmem:v18+s12+$0x0] =	vst.idx.msk $0xffff, v17;
	v17 =	vld [tilespmem:$0x1FEC0]  }
0x1e3: {  	v20 =	vor.u32 s20, v49;
	[tilespmem:v15+s12+$0x0] =	vst.idx.msk $0xffff, v10;
	v10 =	vor.u32 v51, v4;
	v18 =	vor.u32 v51, v5;
	v51 =	vld [tilespmem:$0x1FEC0]  }
0x1e4: {  	v8 =	vld.idx.msk [tilespmem:v8+s2+$0x0], $0xffff;
	v13 =	vor.u32 s21, v49  }
0x1e5: {  	v6 =	vld.idx.msk [tilespmem:v6+s2+$0x0], $0xffff;
	v12 =	vor.u32 s22, v49  }
0x1e6: {  	v15 =	vld.idx.msk [tilespmem:v16+s2+$0x0], $0xffff;
	v16 =	vor.u32 s16, v49  }
0x1e7: {  	v14 =	vld.idx.msk [tilespmem:v14+s2+$0x0], $0xffff;
	v17 =	vor.u32 s30, v17  }
0x1e8: {  	[tilespmem:v20+s12+$0x0] =	vst.idx.msk $0xffff, v11;
	v11 =	vor.u32 v42, v2;
	v19 =	vld.idx.msk [tilespmem:v19+s2+$0x0], $0xffff;
	v20 =	vor.u32 s31, v51  }
0x1e9: {  	[tilespmem:v13+s12+$0x0] =	vst.idx.msk $0xffff, v8;
	v7 =	vld.idx.msk [tilespmem:v7+s2+$0x0], $0xffff;
	v13 =	vor.u32 s20, v51  }
0x1ea: {  	[tilespmem:v12+s12+$0x0] =	vst.idx.msk $0xffff, v6;
	v9 =	vld.idx.msk [tilespmem:v9+s2+$0x0], $0xffff;
	v12 =	vor.u32 s21, v51  }
0x1eb: {  	v8 =	vor.u32 v42, v0;
	[tilespmem:v16+s12+$0x0] =	vst.idx.msk $0xffff, v15;
	v10 =	vld.idx.msk [tilespmem:v10+s2+$0x0], $0xffff;
	v16 =	vor.u32 s22, v51  }
0x1ec: {  	v6 =	vor.u32 v42, v3;
	[tilespmem:v17+s12+$0x0] =	vst.idx.msk $0xffff, v14;
	v17 =	vld.idx.msk [tilespmem:v18+s2+$0x0], $0xffff;
	v18 =	vor.u32 s16, v51  }
0x1ed: {  	[tilespmem:v20+s12+$0x0] =	vst.idx.msk $0xffff, v19;
	v19 =	vor.u32 s30, v52;
	v20 =	vor.u32 v42, v5;
	v11 =	vld.idx.msk [tilespmem:v11+s2+$0x0], $0xffff  }
0x1ee: {  	v15 =	vor.u32 v42, v1;
	v14 =	vor.u32 v42, v4;
	v42 =	vld [tilespmem:$0x1FDC0];
	[tilespmem:v13+s12+$0x0] =	vst.idx.msk $0xffff, v7  }
0x1ef: {  	[tilespmem:v12+s12+$0x0] =	vst.idx.msk $0xffff, v9  }
0x1f0: {  	[tilespmem:v16+s12+$0x0] =	vst.idx.msk $0xffff, v10  }
0x1f1: {  	v13 =	vor.u32 s31, v52;
	v8 =	vld.idx.msk [tilespmem:v8+s2+$0x0], $0xffff;
	[tilespmem:v18+s12+$0x0] =	vst.idx.msk $0xffff, v17  }
0x1f2: {  	v12 =	vor.u32 s20, v52;
	v16 =	vor.u32 s21, v52;
	[tilespmem:v19+s12+$0x0] =	vst.idx.msk $0xffff, v11;
	v19 =	vld.idx.msk [tilespmem:v20+s2+$0x0], $0xffff  }
0x1f3: {  	v7 =	vor.u32 v42, v2;
	v18 =	vor.u32 s22, v52;
	v20 =	vor.u32 s16, v52;
	v52 =	vld [tilespmem:$0x1FEE0]  }
0x1f4: {  	v6 =	vld.idx.msk [tilespmem:v6+s2+$0x0], $0xffff;
	v9 =	vor.u32 v42, v0  }
0x1f5: {  	v15 =	vld.idx.msk [tilespmem:v15+s2+$0x0], $0xffff  }
0x1f6: {  	v14 =	vld.idx.msk [tilespmem:v14+s2+$0x0], $0xffff  }
0x1f7: {  	v10 =	vor.u32 v42, v3  }
0x1f8: {  	v17 =	vor.u32 v42, v1;
	[tilespmem:v13+s12+$0x0] =	vst.idx.msk $0xffff, v8;
	v7 =	vld.idx.msk [tilespmem:v7+s2+$0x0], $0xffff;
	v8 =	vor.u32 s30, v52  }
0x1f9: {  	[tilespmem:v12+s12+$0x0] =	vst.idx.msk $0xffff, v6;
	v9 =	vld.idx.msk [tilespmem:v9+s2+$0x0], $0xffff;
	v12 =	vor.u32 s31, v52  }
0x1fa: {  	v51 =	vld [tilespmem:$0x1FE00];
	v11 =	vor.u32 v42, v4;
	[tilespmem:v16+s12+$0x0] =	vst.idx.msk $0xffff, v15  }
0x1fb: {  	v13 =	vor.u32 v42, v5;
	v6 =	vor.u32 v43, v2;
	v42 =	vld [tilespmem:$0x1FF00];
	[tilespmem:v18+s12+$0x0] =	vst.idx.msk $0xffff, v14  }
0x1fc: {  	v15 =	vor.u32 v43, v0;
	v10 =	vld.idx.msk [tilespmem:v10+s2+$0x0], $0xffff;
	v14 =	vor.u32 v43, v3;
	[tilespmem:v20+s12+$0x0] =	vst.idx.msk $0xffff, v19  }
0x1fd: {  	v17 =	vld.idx.msk [tilespmem:v17+s2+$0x0], $0xffff;
	v16 =	vor.u32 s20, v52;
	v19 =	vor.u32 v43, v1;
	[tilespmem:v8+s12+$0x0] =	vst.idx.msk $0xffff, v7  }
0x1fe: {  	v18 =	vor.u32 s21, v52;
	v7 =	vor.u32 v43, v4;
	[tilespmem:v12+s12+$0x0] =	vst.idx.msk $0xffff, v9;
	v12 =	vor.u32 v43, v5;
	v43 =	vld [tilespmem:$0x1FDE0]  }
0x1ff: {  	v11 =	vld.idx.msk [tilespmem:v11+s2+$0x0], $0xffff;
	v20 =	vor.u32 s22, v52  }
0x200: {  	v8 =	vld.idx.msk [tilespmem:v13+s2+$0x0], $0xffff;
	v13 =	vor.u32 s16, v52  }
0x201: {  	v9 =	vor.u32 s30, v53;
	v6 =	vld.idx.msk [tilespmem:v6+s2+$0x0], $0xffff  }
0x202: {  	[tilespmem:v16+s12+$0x0] =	vst.idx.msk $0xffff, v10;
	v16 =	vor.u32 s31, v53;
	v15 =	vld.idx.msk [tilespmem:v15+s2+$0x0], $0xffff  }
0x203: {  	[tilespmem:v18+s12+$0x0] =	vst.idx.msk $0xffff, v17;
	v14 =	vld.idx.msk [tilespmem:v14+s2+$0x0], $0xffff;
	v10 =	vor.u32 v43, v2  }
0x204: {  	v18 =	vor.u32 s20, v53;
	[tilespmem:v20+s12+$0x0] =	vst.idx.msk $0xffff, v11;
	v19 =	vld.idx.msk [tilespmem:v19+s2+$0x0], $0xffff;
	v17 =	vor.u32 v43, v0  }
0x205: {  	v20 =	vor.u32 s21, v53;
	v11 =	vor.u32 v43, v3;
	[tilespmem:v13+s12+$0x0] =	vst.idx.msk $0xffff, v8;
	v7 =	vld.idx.msk [tilespmem:v7+s2+$0x0], $0xffff  }
0x206: {  	v8 =	vor.u32 v43, v1;
	v13 =	vor.u32 s22, v53;
	[tilespmem:v9+s12+$0x0] =	vst.idx.msk $0xffff, v6;
	v9 =	vld.idx.msk [tilespmem:v12+s2+$0x0], $0xffff  }
0x207: {  	v6 =	vor.u32 v43, v4;
	v12 =	vor.u32 s16, v53;
	[tilespmem:v16+s12+$0x0] =	vst.idx.msk $0xffff, v15;
	v16 =	vor.u32 v43, v5;
	v43 =	vld [tilespmem:$0x1FE20]  }
0x208: {  	v15 =	vor.u32 s30, v42;
	v10 =	vld.idx.msk [tilespmem:v10+s2+$0x0], $0xffff  }
0x209: {  	[tilespmem:v18+s12+$0x0] =	vst.idx.msk $0xffff, v14;
	v17 =	vld.idx.msk [tilespmem:v17+s2+$0x0], $0xffff  }
0x20a: {  	v14 =	vor.u32 v44, v2;
	v18 =	vor.u32 s31, v42;
	[tilespmem:v20+s12+$0x0] =	vst.idx.msk $0xffff, v19;
	v11 =	vld.idx.msk [tilespmem:v11+s2+$0x0], $0xffff  }
0x20b: {  	v19 =	vor.u32 v44, v0;
	v20 =	vor.u32 s20, v42;
	[tilespmem:v13+s12+$0x0] =	vst.idx.msk $0xffff, v7;
	v8 =	vld.idx.msk [tilespmem:v8+s2+$0x0], $0xffff  }
0x20c: {  	v7 =	vor.u32 v44, v3;
	v13 =	vor.u32 s21, v42;
	[tilespmem:v12+s12+$0x0] =	vst.idx.msk $0xffff, v9;
	v6 =	vld.idx.msk [tilespmem:v6+s2+$0x0], $0xffff  }
0x20d: {  	v9 =	vor.u32 v44, v1;
	v12 =	vor.u32 s22, v42;
	[tilespmem:v15+s12+$0x0] =	vst.idx.msk $0xffff, v10;
	v15 =	vld.idx.msk [tilespmem:v16+s2+$0x0], $0xffff  }
0x20e: {  	v10 =	vor.u32 v44, v4;
	v16 =	vor.u32 s16, v42;
	v42 =	vld [tilespmem:$0x1FF20]  }
0x20f: {  	[tilespmem:v18+s12+$0x0] =	vst.idx.msk $0xffff, v17;
	v17 =	vor.u32 s30, v54;
	v18 =	vor.u32 v44, v5;
	v14 =	vld.idx.msk [tilespmem:v14+s2+$0x0], $0xffff  }
0x210: {  	[tilespmem:v20+s12+$0x0] =	vst.idx.msk $0xffff, v11;
	v20 =	vor.u32 s31, v54;
	v19 =	vld.idx.msk [tilespmem:v19+s2+$0x0], $0xffff  }
0x211: {  	v11 =	vor.u32 v51, v2;
	[tilespmem:v13+s12+$0x0] =	vst.idx.msk $0xffff, v8;
	v7 =	vld.idx.msk [tilespmem:v7+s2+$0x0], $0xffff  }
0x212: {  	v8 =	vor.u32 v51, v0;
	v13 =	vor.u32 s20, v54;
	[tilespmem:v12+s12+$0x0] =	vst.idx.msk $0xffff, v6;
	v9 =	vld.idx.msk [tilespmem:v9+s2+$0x0], $0xffff  }
0x213: {  	v6 =	vor.u32 v51, v3;
	v12 =	vor.u32 s21, v54;
	[tilespmem:v16+s12+$0x0] =	vst.idx.msk $0xffff, v15;
	v10 =	vld.idx.msk [tilespmem:v10+s2+$0x0], $0xffff  }
0x214: {  	v15 =	vor.u32 v51, v1;
	v16 =	vor.u32 s22, v54;
	[tilespmem:v17+s12+$0x0] =	vst.idx.msk $0xffff, v14;
	v17 =	vld.idx.msk [tilespmem:v18+s2+$0x0], $0xffff  }
0x215: {  	v14 =	vor.u32 v51, v4;
	v18 =	vor.u32 s16, v54;
	[tilespmem:v20+s12+$0x0] =	vst.idx.msk $0xffff, v19;
	v20 =	vor.u32 v51, v5;
	v51 =	vld [tilespmem:$0x1FF40]  }
0x216: {  	v19 =	vor.u32 s30, v42;
	v11 =	vld.idx.msk [tilespmem:v11+s2+$0x0], $0xffff  }
0x217: {  	[tilespmem:v13+s12+$0x0] =	vst.idx.msk $0xffff, v7;
	v7 =	vor.u32 v45, v2;
	v13 =	vor.u32 s31, v42;
	v8 =	vld.idx.msk [tilespmem:v8+s2+$0x0], $0xffff  }
0x218: {  	[tilespmem:v12+s12+$0x0] =	vst.idx.msk $0xffff, v9;
	v9 =	vor.u32 v45, v0;
	v12 =	vor.u32 s20, v42;
	v6 =	vld.idx.msk [tilespmem:v6+s2+$0x0], $0xffff  }
0x219: {  	[tilespmem:v16+s12+$0x0] =	vst.idx.msk $0xffff, v10;
	v10 =	vor.u32 v45, v3;
	v15 =	vld.idx.msk [tilespmem:v15+s2+$0x0], $0xffff;
	v16 =	vor.u32 s21, v42  }
0x21a: {  	[tilespmem:v18+s12+$0x0] =	vst.idx.msk $0xffff, v17;
	v17 =	vor.u32 v45, v1;
	v14 =	vld.idx.msk [tilespmem:v14+s2+$0x0], $0xffff;
	v18 =	vor.u32 s22, v42  }
0x21b: {  	[tilespmem:v19+s12+$0x0] =	vst.idx.msk $0xffff, v11;
	v11 =	vor.u32 v45, v4;
	v19 =	vld.idx.msk [tilespmem:v20+s2+$0x0], $0xffff;
	v20 =	vor.u32 s16, v42  }
0x21c: {  	[tilespmem:v13+s12+$0x0] =	vst.idx.msk $0xffff, v8;
	v8 =	vor.u32 s30, v56;
	v13 =	vor.u32 v45, v5;
	v7 =	vld.idx.msk [tilespmem:v7+s2+$0x0], $0xffff  }
0x21d: {  	[tilespmem:v12+s12+$0x0] =	vst.idx.msk $0xffff, v6;
	v6 =	vor.u32 v43, v2;
	v12 =	vor.u32 s31, v56;
	v9 =	vld.idx.msk [tilespmem:v9+s2+$0x0], $0xffff  }
0x21e: {  	[tilespmem:v16+s12+$0x0] =	vst.idx.msk $0xffff, v15;
	v15 =	vor.u32 v43, v0;
	v10 =	vld.idx.msk [tilespmem:v10+s2+$0x0], $0xffff;
	v16 =	vor.u32 s20, v56  }
0x21f: {  	[tilespmem:v18+s12+$0x0] =	vst.idx.msk $0xffff, v14;
	v17 =	vld.idx.msk [tilespmem:v17+s2+$0x0], $0xffff;
	v18 =	vor.u32 s21, v56  }
0x220: {  	v14 =	vor.u32 v43, v3;
	[tilespmem:v20+s12+$0x0] =	vst.idx.msk $0xffff, v19;
	v11 =	vld.idx.msk [tilespmem:v11+s2+$0x0], $0xffff;
	v20 =	vor.u32 s22, v56  }
0x221: {  	v19 =	vor.u32 v43, v1;
	[tilespmem:v8+s12+$0x0] =	vst.idx.msk $0xffff, v7;
	v8 =	vld.idx.msk [tilespmem:v13+s2+$0x0], $0xffff;
	v13 =	vor.u32 s16, v56  }
0x222: {  	[tilespmem:v12+s12+$0x0] =	vst.idx.msk $0xffff, v9;
	v9 =	vor.u32 s30, v51;
	v12 =	vor.u32 v43, v5;
	v6 =	vld.idx.msk [tilespmem:v6+s2+$0x0], $0xffff  }
0x223: {  	[tilespmem:v16+s12+$0x0] =	vst.idx.msk $0xffff, v10;
	v10 =	vor.u32 v46, v2;
	v15 =	vld.idx.msk [tilespmem:v15+s2+$0x0], $0xffff;
	v16 =	vor.u32 s31, v51  }
0x224: {  	v52 =	vld [tilespmem:$0x1FE40];
	v7 =	vor.u32 v43, v4;
	[tilespmem:v18+s12+$0x0] =	vst.idx.msk $0xffff, v17  }
0x225: {  	v14 =	vld.idx.msk [tilespmem:v14+s2+$0x0], $0xffff;
	v18 =	vor.u32 s20, v51;
	[tilespmem:v20+s12+$0x0] =	vst.idx.msk $0xffff, v11  }
0x226: {  	v19 =	vld.idx.msk [tilespmem:v19+s2+$0x0], $0xffff;
	v20 =	vor.u32 s21, v51;
	[tilespmem:v13+s12+$0x0] =	vst.idx.msk $0xffff, v8  }
0x227: {  	v17 =	vor.u32 v46, v0;
	[tilespmem:v9+s12+$0x0] =	vst.idx.msk $0xffff, v6;
	v9 =	vld.idx.msk [tilespmem:v12+s2+$0x0], $0xffff;
	v12 =	vor.u32 s16, v51  }
0x228: {  	v10 =	vld.idx.msk [tilespmem:v10+s2+$0x0], $0xffff;
	[tilespmem:v16+s12+$0x0] =	vst.idx.msk $0xffff, v15;
	v15 =	vor.u32 s30, v21;
	v16 =	vor.u32 v46, v5  }
0x229: {  	v7 =	vld.idx.msk [tilespmem:v7+s2+$0x0], $0xffff;
	v13 =	vor.u32 s22, v51  }
0x22a: {  	v11 =	vor.u32 v46, v3;
	[tilespmem:v18+s12+$0x0] =	vst.idx.msk $0xffff, v14  }
0x22b: {  	v8 =	vor.u32 v46, v1;
	[tilespmem:v20+s12+$0x0] =	vst.idx.msk $0xffff, v19  }
0x22c: {  	v6 =	vor.u32 v46, v4;
	v17 =	vld.idx.msk [tilespmem:v17+s2+$0x0], $0xffff;
	[tilespmem:v12+s12+$0x0] =	vst.idx.msk $0xffff, v9  }
0x22d: {  	v14 =	vor.u32 v52, v2;
	v18 =	vor.u32 s31, v21;
	v20 =	vor.u32 s20, v21;
	[tilespmem:v15+s12+$0x0] =	vst.idx.msk $0xffff, v10;
	v15 =	vld.idx.msk [tilespmem:v16+s2+$0x0], $0xffff  }
0x22e: {  	[tilespmem:v13+s12+$0x0] =	vst.idx.msk $0xffff, v7;
	v13 =	vor.u32 s21, v21;
	v12 =	vor.u32 s22, v21;
	v16 =	vor.u32 s16, v21;
	v21 =	vld [tilespmem:$0x1FF60]  }
0x22f: {  	v19 =	vor.u32 v52, v0;
	v11 =	vld.idx.msk [tilespmem:v11+s2+$0x0], $0xffff  }
0x230: {  	v8 =	vld.idx.msk [tilespmem:v8+s2+$0x0], $0xffff  }
0x231: {  	v7 =	vor.u32 v52, v3;
	v6 =	vld.idx.msk [tilespmem:v6+s2+$0x0], $0xffff  }
0x232: {  	v9 =	vor.u32 v52, v1  }
0x233: {  	v14 =	vld.idx.msk [tilespmem:v14+s2+$0x0], $0xffff;
	[tilespmem:v18+s12+$0x0] =	vst.idx.msk $0xffff, v17;
	v18 =	vor.u32 v52, v5;
	v17 =	vor.u32 s30, v21  }
0x234: {  	[tilespmem:v20+s12+$0x0] =	vst.idx.msk $0xffff, v11;
	v11 =	vor.u32 v47, v2;
	v19 =	vld.idx.msk [tilespmem:v19+s2+$0x0], $0xffff;
	v20 =	vor.u32 s31, v21  }
0x235: {  	v53 =	vld [tilespmem:$0x1FE60];
	v10 =	vor.u32 v52, v4;
	[tilespmem:v13+s12+$0x0] =	vst.idx.msk $0xffff, v8  }
0x236: {  	v7 =	vld.idx.msk [tilespmem:v7+s2+$0x0], $0xffff;
	[tilespmem:v12+s12+$0x0] =	vst.idx.msk $0xffff, v6;
	v13 =	vor.u32 s20, v21  }
0x237: {  	v9 =	vld.idx.msk [tilespmem:v9+s2+$0x0], $0xffff;
	v12 =	vor.u32 s21, v21;
	[tilespmem:v16+s12+$0x0] =	vst.idx.msk $0xffff, v15  }
0x238: {  	v8 =	vor.u32 v47, v0;
	[tilespmem:v17+s12+$0x0] =	vst.idx.msk $0xffff, v14;
	v17 =	vld.idx.msk [tilespmem:v18+s2+$0x0], $0xffff;
	v18 =	vor.u32 s16, v21  }
0x239: {  	[tilespmem:v20+s12+$0x0] =	vst.idx.msk $0xffff, v19;
	v19 =	vor.u32 s30, v22;
	v20 =	vor.u32 v47, v5;
	v11 =	vld.idx.msk [tilespmem:v11+s2+$0x0], $0xffff  }
0x23a: {  	v10 =	vld.idx.msk [tilespmem:v10+s2+$0x0], $0xffff;
	v16 =	vor.u32 s22, v21  }
0x23b: {  	v6 =	vor.u32 v47, v3;
	[tilespmem:v13+s12+$0x0] =	vst.idx.msk $0xffff, v7  }
0x23c: {  	v15 =	vor.u32 v47, v1;
	[tilespmem:v12+s12+$0x0] =	vst.idx.msk $0xffff, v9  }
0x23d: {  	v14 =	vor.u32 v47, v4;
	v8 =	vld.idx.msk [tilespmem:v8+s2+$0x0], $0xffff;
	[tilespmem:v18+s12+$0x0] =	vst.idx.msk $0xffff, v17  }
0x23e: {  	v7 =	vor.u32 v53, v2;
	v13 =	vor.u32 s31, v22;
	v12 =	vor.u32 s20, v22;
	[tilespmem:v19+s12+$0x0] =	vst.idx.msk $0xffff, v11;
	v19 =	vld.idx.msk [tilespmem:v20+s2+$0x0], $0xffff  }
0x23f: {  	[tilespmem:v16+s12+$0x0] =	vst.idx.msk $0xffff, v10;
	v16 =	vor.u32 s21, v22;
	v18 =	vor.u32 s22, v22;
	v20 =	vor.u32 s16, v22;
	v22 =	vld [tilespmem:$0x1FF80]  }
0x240: {  	v9 =	vor.u32 v53, v0;
	v6 =	vld.idx.msk [tilespmem:v6+s2+$0x0], $0xffff  }
0x241: {  	v15 =	vld.idx.msk [tilespmem:v15+s2+$0x0], $0xffff  }
0x242: {  	v10 =	vor.u32 v53, v3;
	v14 =	vld.idx.msk [tilespmem:v14+s2+$0x0], $0xffff  }
0x243: {  	v17 =	vor.u32 v53, v1  }
0x244: {  	[tilespmem:v13+s12+$0x0] =	vst.idx.msk $0xffff, v8;
	v13 =	vor.u32 v53, v5;
	v7 =	vld.idx.msk [tilespmem:v7+s2+$0x0], $0xffff;
	v8 =	vor.u32 s30, v22  }
0x245: {  	[tilespmem:v12+s12+$0x0] =	vst.idx.msk $0xffff, v6;
	v6 =	vor.u32 v48, v2;
	v9 =	vld.idx.msk [tilespmem:v9+s2+$0x0], $0xffff;
	v12 =	vor.u32 s31, v22  }
0x246: {  	v11 =	vor.u32 v53, v4;
	[tilespmem:v16+s12+$0x0] =	vst.idx.msk $0xffff, v15  }
0x247: {  	v10 =	vld.idx.msk [tilespmem:v10+s2+$0x0], $0xffff;
	[tilespmem:v18+s12+$0x0] =	vst.idx.msk $0xffff, v14;
	v16 =	vor.u32 s20, v22  }
0x248: {  	v17 =	vld.idx.msk [tilespmem:v17+s2+$0x0], $0xffff;
	v18 =	vor.u32 s21, v22;
	[tilespmem:v20+s12+$0x0] =	vst.idx.msk $0xffff, v19  }
0x249: {  	v15 =	vor.u32 v48, v0;
	[tilespmem:v8+s12+$0x0] =	vst.idx.msk $0xffff, v7;
	v8 =	vld.idx.msk [tilespmem:v13+s2+$0x0], $0xffff;
	v13 =	vor.u32 s16, v22  }
0x24a: {  	[tilespmem:v12+s12+$0x0] =	vst.idx.msk $0xffff, v9;
	v9 =	vor.u32 s30, v23;
	v12 =	vor.u32 v48, v5;
	v6 =	vld.idx.msk [tilespmem:v6+s2+$0x0], $0xffff  }
0x24b: {  	v11 =	vld.idx.msk [tilespmem:v11+s2+$0x0], $0xffff;
	v20 =	vor.u32 s22, v22  }
0x24c: {  	v14 =	vor.u32 v48, v3;
	[tilespmem:v16+s12+$0x0] =	vst.idx.msk $0xffff, v10  }
0x24d: {  	v54 =	vld [tilespmem:$0x1FEA0];
	v19 =	vor.u32 v48, v1;
	[tilespmem:v18+s12+$0x0] =	vst.idx.msk $0xffff, v17  }
0x24e: {  	v7 =	vor.u32 v48, v4;
	v15 =	vld.idx.msk [tilespmem:v15+s2+$0x0], $0xffff;
	[tilespmem:v13+s12+$0x0] =	vst.idx.msk $0xffff, v8  }
0x24f: {  	v10 =	vor.u32 v50, v2;
	v16 =	vor.u32 s31, v23;
	v18 =	vor.u32 s20, v23;
	[tilespmem:v9+s12+$0x0] =	vst.idx.msk $0xffff, v6;
	v9 =	vld.idx.msk [tilespmem:v12+s2+$0x0], $0xffff  }
0x250: {  	[tilespmem:v20+s12+$0x0] =	vst.idx.msk $0xffff, v11;
	v20 =	vor.u32 s21, v23;
	v13 =	vor.u32 s22, v23;
	v12 =	vor.u32 s16, v23;
	v23 =	vld [tilespmem:$0x1FFA0]  }
0x251: {  	v17 =	vor.u32 v50, v0;
	v14 =	vld.idx.msk [tilespmem:v14+s2+$0x0], $0xffff  }
0x252: {  	v11 =	vor.u32 v50, v3;
	v19 =	vld.idx.msk [tilespmem:v19+s2+$0x0], $0xffff  }
0x253: {  	v8 =	vor.u32 v50, v1;
	v7 =	vld.idx.msk [tilespmem:v7+s2+$0x0], $0xffff  }
0x254: {  	v6 =	vor.u32 v50, v4  }
0x255: {  	[tilespmem:v16+s12+$0x0] =	vst.idx.msk $0xffff, v15;
	v16 =	vor.u32 v50, v5;
	v10 =	vld.idx.msk [tilespmem:v10+s2+$0x0], $0xffff;
	v15 =	vor.u32 s30, v23  }
0x256: {  	v2 =	vor.u32 v54, v2;
	[tilespmem:v18+s12+$0x0] =	vst.idx.msk $0xffff, v14;
	v14 =	vld.idx.msk [tilespmem:v17+s2+$0x0], $0xffff;
	v17 =	vor.u32 s31, v23  }
0x257: {  	v0 =	vor.u32 v54, v0;
	[tilespmem:v20+s12+$0x0] =	vst.idx.msk $0xffff, v19;
	v11 =	vld.idx.msk [tilespmem:v11+s2+$0x0], $0xffff;
	v18 =	vor.u32 s20, v23  }
0x258: {  	v3 =	vor.u32 v54, v3;
	[tilespmem:v13+s12+$0x0] =	vst.idx.msk $0xffff, v7;
	v7 =	vld.idx.msk [tilespmem:v8+s2+$0x0], $0xffff;
	v8 =	vor.u32 s21, v23  }
0x259: {  	v1 =	vor.u32 v54, v1;
	[tilespmem:v12+s12+$0x0] =	vst.idx.msk $0xffff, v9;
	v6 =	vld.idx.msk [tilespmem:v6+s2+$0x0], $0xffff;
	v9 =	vor.u32 s22, v23  }
0x25a: {  	v4 =	vor.u32 v54, v4;
	v12 =	vor.u32 s16, v23;
	[tilespmem:v15+s12+$0x0] =	vst.idx.msk $0xffff, v10;
	v10 =	vld.idx.msk [tilespmem:v16+s2+$0x0], $0xffff  }
0x25b: {  	v5 =	vor.u32 v54, v5;
	v13 =	vor.u32 s30, v24;
	[tilespmem:v17+s12+$0x0] =	vst.idx.msk $0xffff, v14;
	v2 =	vld.idx.msk [tilespmem:v2+s2+$0x0], $0xffff  }
0x25c: {  	[tilespmem:v18+s12+$0x0] =	vst.idx.msk $0xffff, v11;
	v11 =	vor.u32 s31, v24;
	v0 =	vld.idx.msk [tilespmem:v0+s2+$0x0], $0xffff  }
0x25d: {  	[tilespmem:v8+s12+$0x0] =	vst.idx.msk $0xffff, v7;
	v7 =	vor.u32 s20, v24;
	v3 =	vld.idx.msk [tilespmem:v3+s2+$0x0], $0xffff  }
0x25e: {  	[tilespmem:v9+s12+$0x0] =	vst.idx.msk $0xffff, v6;
	v6 =	vor.u32 s21, v24;
	v1 =	vld.idx.msk [tilespmem:v1+s2+$0x0], $0xffff  }
0x25f: {  	s15 =	sadd.s32 $0x8, s15;
	v8 =	vor.u32 s22, v24;
	v4 =	vld.idx.msk [tilespmem:v4+s2+$0x0], $0xffff;
	[tilespmem:v12+s12+$0x0] =	vst.idx.msk $0xffff, v10  }
0x260: {  	p0 =	slt.u32 s15, $0x78;
	[tilespmem:v13+s12+$0x0] =	vst.idx.msk $0xffff, v2;
	v56 =	vld.idx.msk [tilespmem:v5+s2+$0x0], $0xffff;
	v5 =	vor.u32 s16, v24  }
.Ltmp0:
0x261: {  	v9 =	vld [tilespmem:$0x1FFF0];
	[tilespmem:v11+s12+$0x0] =	vst.idx.msk $0xffff, v0;
	(pc) =	sbr.rel @p0 .LBB2_2-.Ltmp0, $4  }
0x262: {  	v57 =	vmovc v58;
	v59 =	vmovc v60;
	v61 =	vmov v62;
	v63 =	vmov v35;
	v36 =	vmov v37;
	[tilespmem:v7+s12+$0x0] =	vst.idx.msk $0xffff, v3;
	v7 =	vld [tilespmem:$0x1FFD0]  }
0x263: {  	v38 =	vmovc v39;
	v40 =	vmovc v41;
	v48 =	vmov v49;
	v20 =	vmov v34;
	v19 =	vlaneseq.u32;
	[tilespmem:v6+s12+$0x0] =	vst.idx.msk $0xffff, v1;
	v6 =	vld [tilespmem:$0x1FFC0]  }
0x264: {  	v15 =	vmovc v30;
	v16 =	vmovc v31;
	v17 =	vmov v32;
	v14 =	vmov v29;
	v18 =	vmov v33;
	[tilespmem:v8+s12+$0x0] =	vst.idx.msk $0xffff, v4;
	v8 =	vld [tilespmem:$0x1FFE0]  }
0x265: {  	s17 =	sadd.s32 $0x80, s17;
	v12 =	vmovc v27;
	v10 =	vmovc v25;
	v13 =	vmov v28;
	v11 =	vmov v26;
	v4 =	vmov v55;
	s16 =	sadd.s32 $0x1000, s16;
	[tilespmem:v5+s12+$0x0] =	vst.idx.msk $0xffff, v56;
	v5 =	vld [tilespmem:$0x1FCC0]  }
0x266: {  	[hbm4b:s6+s2] =	stream.linear.scatter [tilespmem:s12], [sflag:$0x1], $0x10000, $0x38;
	[tilespmem:$0x12D00] =	vst v63  }
0x267: {  	_ =	swait.ge [sflag:s10], $0x10000  }
0x268: {  	[sflag:s10] =	ssyncset.done $0x0  }
0x269: {  	[sflag:s10] =	ssyncadd.s32 $0xFFFF0000  }
0x26a: {  	[tilespmem:s13], [sflag:$0x1] =	stream.linear.gather [hbm4b:s4+s2], $0x100, $0x38;
	[tilespmem:$0x12D00] =	vst v63  }
0x26b: {  	_ =	swait.ge [sflag:s10], $0x100  }
0x26c: {  	[sflag:s10] =	ssyncset.done $0x0  }
0x26d: {  	[sflag:s10] =	ssyncadd.s32 $0xFFFFFF00  }
0x26e: {  	[tilespmem:s11], [sflag:$0x1] =	stream.linear.gather [hbm4b:s7+s2], $0x800, $0x38;
	[tilespmem:$0x12D00] =	vst v63  }
0x26f: {  	_ =	swait.ge [sflag:s10], $0x800  }
0x270: {  	s15 =	simm.s32 $0xFFFFFFF8;
	[sflag:s10] =	ssyncset.done $0x0  }
0x271: {  	s16 =	simm.s32 $0xE00;
	s17 =	simm.s32 $0x2540;
	[sflag:s10] =	ssyncadd.s32 $0xFFFFF800  }
.LBB2_4:
0x272: {  	v0 =	vld [tilespmem:s17+$0xFFFFFFC0];
	_ =	sdelay $0x4  }
0x273: {  	v0 =	vmul.f32 $7.000000000e+00, v0;
	_ =	sdelay $0x1  }
0x274: {  	v0 =	vtrunc.f32 v0  }
0x275: {  	v0 =	vcvt.f32.s32 v0;
	_ =	sdelay $0x1  }
0x276: {  	vm0 =	vgt.s32 v0, $0x0  }
0x277: {  	v0 =	vnsel vm0, $0x0, v0  }
0x278: {  	v0 =	vmin.u32 v0, $0x6  }
0x279: {  	v0 =	vshll.u32 v0, $0x5  }
0x27a: {  	v1 =	vor.u32 v19, v0;
	_ =	sdelay $0x3  }
0x27b: {  	s19 =	sadd.s32 $0xFFFFF200, s16  }
0x27c: {  	v2 =	vor.u32 s19, v6;
	v1 =	vld.idx.msk [tilespmem:v1+s13+$0x0], $0xffff  }
0x27d: {  	v3 =	vor.u32 v7, v0;
	_ =	sdelay $0x3  }
0x27e: {  	[tilespmem:v2+s12+$0x0] =	vst.idx.msk $0xffff, v1  }
0x27f: {  	v44 =	vor.u32 s19, v8;
	v1 =	vld.idx.msk [tilespmem:v3+s13+$0x0], $0xffff  }
0x280: {  	v3 =	vor.u32 v9, v0;
	_ =	sdelay $0x3  }
0x281: {  	[tilespmem:v44+s12+$0x0] =	vst.idx.msk $0xffff, v1  }
0x282: {  	v45 =	vor.u32 s19, v10;
	v1 =	vld.idx.msk [tilespmem:v3+s13+$0x0], $0xffff  }
0x283: {  	v3 =	vor.u32 v11, v0;
	_ =	sdelay $0x3  }
0x284: {  	[tilespmem:v45+s12+$0x0] =	vst.idx.msk $0xffff, v1  }
0x285: {  	v46 =	vor.u32 s19, v12;
	v1 =	vld.idx.msk [tilespmem:v3+s13+$0x0], $0xffff  }
0x286: {  	v3 =	vor.u32 v13, v0;
	_ =	sdelay $0x3  }
0x287: {  	[tilespmem:v46+s12+$0x0] =	vst.idx.msk $0xffff, v1  }
0x288: {  	v47 =	vor.u32 s19, v14;
	v1 =	vld.idx.msk [tilespmem:v3+s13+$0x0], $0xffff  }
0x289: {  	v3 =	vor.u32 v15, v0;
	_ =	sdelay $0x3  }
0x28a: {  	[tilespmem:v47+s12+$0x0] =	vst.idx.msk $0xffff, v1  }
0x28b: {  	v50 =	vor.u32 s19, v16;
	v1 =	vld.idx.msk [tilespmem:v3+s13+$0x0], $0xffff  }
0x28c: {  	v3 =	vor.u32 v17, v0;
	_ =	sdelay $0x3  }
0x28d: {  	[tilespmem:v50+s12+$0x0] =	vst.idx.msk $0xffff, v1  }
0x28e: {  	v51 =	vor.u32 s19, v18;
	v1 =	vld.idx.msk [tilespmem:v3+s13+$0x0], $0xffff  }
0x28f: {  	v3 =	vor.u32 v20, v0;
	_ =	sdelay $0x3  }
0x290: {  	[tilespmem:v51+s12+$0x0] =	vst.idx.msk $0xffff, v1  }
0x291: {  	v52 =	vor.u32 s19, v4;
	v1 =	vld.idx.msk [tilespmem:v3+s13+$0x0], $0xffff  }
0x292: {  	v57 =	vld [tilespmem:$0x1FCD0];
	v3 =	vor.u32 v5, v0;
	_ =	sdelay $0x3  }
0x293: {  	[tilespmem:v52+s12+$0x0] =	vst.idx.msk $0xffff, v1  }
0x294: {  	v53 =	vor.u32 s19, v57;
	v1 =	vld.idx.msk [tilespmem:v3+s13+$0x0], $0xffff  }
0x295: {  	v59 =	vld [tilespmem:$0x1FCF0];
	v3 =	vor.u32 v58, v0;
	_ =	sdelay $0x3  }
0x296: {  	v56 =	vld [tilespmem:s17+$0xFFFFFFD0];
	[tilespmem:v53+s12+$0x0] =	vst.idx.msk $0xffff, v1  }
0x297: {  	v54 =	vor.u32 s19, v59;
	v1 =	vld.idx.msk [tilespmem:v3+s13+$0x0], $0xffff;
	_ =	sdelay $0x4  }
0x298: {  	[tilespmem:v54+s12+$0x0] =	vst.idx.msk $0xffff, v1;
	v1 =	vmul.f32 $7.000000000e+00, v56;
	_ =	sdelay $0x1  }
0x299: {  	v1 =	vtrunc.f32 v1  }
0x29a: {  	v1 =	vcvt.f32.s32 v1;
	_ =	sdelay $0x1  }
0x29b: {  	vm9 =	vgt.s32 v1, $0x0  }
0x29c: {  	v1 =	vnsel vm9, $0x0, v1  }
0x29d: {  	v1 =	vmin.u32 v1, $0x6  }
0x29e: {  	v1 =	vshll.u32 v1, $0x5  }
0x29f: {  	v61 =	vor.u32 v19, v1;
	_ =	sdelay $0x3  }
0x2a0: {  	s18 =	sadd.s32 $0xFFFFF400, s16  }
0x2a1: {  	v3 =	vor.u32 s18, v6;
	v2 =	vld.idx.msk [tilespmem:v61+s13+$0x0], $0xffff  }
0x2a2: {  	v4 =	vor.u32 v7, v1;
	_ =	sdelay $0x3  }
0x2a3: {  	[tilespmem:v3+s12+$0x0] =	vst.idx.msk $0xffff, v2  }
0x2a4: {  	v3 =	vor.u32 s18, v8;
	v2 =	vld.idx.msk [tilespmem:v4+s13+$0x0], $0xffff  }
0x2a5: {  	v4 =	vor.u32 v9, v1;
	_ =	sdelay $0x3  }
0x2a6: {  	[tilespmem:v3+s12+$0x0] =	vst.idx.msk $0xffff, v2  }
0x2a7: {  	v3 =	vor.u32 s18, v10;
	v2 =	vld.idx.msk [tilespmem:v4+s13+$0x0], $0xffff  }
0x2a8: {  	v4 =	vor.u32 v11, v1;
	_ =	sdelay $0x3  }
0x2a9: {  	[tilespmem:v3+s12+$0x0] =	vst.idx.msk $0xffff, v2  }
0x2aa: {  	v3 =	vor.u32 s18, v12;
	v2 =	vld.idx.msk [tilespmem:v4+s13+$0x0], $0xffff  }
0x2ab: {  	v4 =	vor.u32 v13, v1;
	_ =	sdelay $0x3  }
0x2ac: {  	[tilespmem:v3+s12+$0x0] =	vst.idx.msk $0xffff, v2  }
0x2ad: {  	v3 =	vor.u32 s18, v14;
	v2 =	vld.idx.msk [tilespmem:v4+s13+$0x0], $0xffff  }
0x2ae: {  	v4 =	vor.u32 v15, v1;
	_ =	sdelay $0x3  }
0x2af: {  	[tilespmem:v3+s12+$0x0] =	vst.idx.msk $0xffff, v2  }
0x2b0: {  	v3 =	vor.u32 s18, v16;
	v2 =	vld.idx.msk [tilespmem:v4+s13+$0x0], $0xffff  }
0x2b1: {  	v4 =	vor.u32 v17, v1;
	_ =	sdelay $0x3  }
0x2b2: {  	[tilespmem:v3+s12+$0x0] =	vst.idx.msk $0xffff, v2  }
0x2b3: {  	v3 =	vor.u32 s18, v18;
	v2 =	vld.idx.msk [tilespmem:v4+s13+$0x0], $0xffff  }
0x2b4: {  	v4 =	vor.u32 v20, v1;
	_ =	sdelay $0x3  }
0x2b5: {  	[tilespmem:v3+s12+$0x0] =	vst.idx.msk $0xffff, v2  }
0x2b6: {  	v3 =	vor.u32 s18, v55;
	v2 =	vld.idx.msk [tilespmem:v4+s13+$0x0], $0xffff  }
0x2b7: {  	v4 =	vor.u32 v5, v1;
	_ =	sdelay $0x3  }
0x2b8: {  	[tilespmem:v3+s12+$0x0] =	vst.idx.msk $0xffff, v2  }
0x2b9: {  	v3 =	vor.u32 s18, v57;
	v2 =	vld.idx.msk [tilespmem:v4+s13+$0x0], $0xffff  }
0x2ba: {  	v4 =	vor.u32 v58, v1;
	_ =	sdelay $0x1  }
0x2bb: {  	v61 =	vld [tilespmem:$0x1FD10];
	v5 =	vor.u32 v60, v0;
	_ =	sdelay $0x1  }
0x2bc: {  	[tilespmem:v3+s12+$0x0] =	vst.idx.msk $0xffff, v2  }
0x2bd: {  	v3 =	vor.u32 s18, v59;
	v2 =	vld.idx.msk [tilespmem:v4+s13+$0x0], $0xffff  }
0x2be: {  	v4 =	vor.u32 v60, v1  }
0x2bf: {  	v6 =	vor.u32 s19, v61;
	v5 =	vld.idx.msk [tilespmem:v5+s13+$0x0], $0xffff  }
0x2c0: {  	v63 =	vld [tilespmem:$0x1FD30];
	v7 =	vor.u32 v62, v0;
	_ =	sdelay $0x1  }
0x2c1: {  	[tilespmem:v3+s12+$0x0] =	vst.idx.msk $0xffff, v2  }
0x2c2: {  	v3 =	vor.u32 s18, v61;
	v2 =	vld.idx.msk [tilespmem:v4+s13+$0x0], $0xffff  }
0x2c3: {  	[tilespmem:v6+s12+$0x0] =	vst.idx.msk $0xffff, v5;
	v4 =	vor.u32 v62, v1  }
0x2c4: {  	v6 =	vor.u32 s19, v63;
	v5 =	vld.idx.msk [tilespmem:v7+s13+$0x0], $0xffff  }
0x2c5: {  	v36 =	vld [tilespmem:$0x1FD50];
	v7 =	vor.u32 v35, v0;
	_ =	sdelay $0x1  }
0x2c6: {  	[tilespmem:v3+s12+$0x0] =	vst.idx.msk $0xffff, v2  }
0x2c7: {  	v3 =	vor.u32 s18, v63;
	v2 =	vld.idx.msk [tilespmem:v4+s13+$0x0], $0xffff  }
0x2c8: {  	[tilespmem:v6+s12+$0x0] =	vst.idx.msk $0xffff, v5;
	v4 =	vor.u32 v35, v1  }
0x2c9: {  	v6 =	vor.u32 s19, v36;
	v5 =	vld.idx.msk [tilespmem:v7+s13+$0x0], $0xffff  }
0x2ca: {  	v38 =	vld [tilespmem:$0x1FD70];
	v7 =	vor.u32 v37, v0;
	_ =	sdelay $0x1  }
0x2cb: {  	[tilespmem:v3+s12+$0x0] =	vst.idx.msk $0xffff, v2  }
0x2cc: {  	v3 =	vor.u32 s18, v36;
	v2 =	vld.idx.msk [tilespmem:v4+s13+$0x0], $0xffff  }
0x2cd: {  	[tilespmem:v6+s12+$0x0] =	vst.idx.msk $0xffff, v5;
	v4 =	vor.u32 v37, v1  }
0x2ce: {  	v6 =	vor.u32 s19, v38;
	v5 =	vld.idx.msk [tilespmem:v7+s13+$0x0], $0xffff  }
0x2cf: {  	v40 =	vld [tilespmem:$0x1FD90];
	v7 =	vor.u32 v39, v0;
	_ =	sdelay $0x1  }
0x2d0: {  	[tilespmem:v3+s12+$0x0] =	vst.idx.msk $0xffff, v2  }
0x2d1: {  	v3 =	vor.u32 s18, v38;
	v2 =	vld.idx.msk [tilespmem:v4+s13+$0x0], $0xffff  }
0x2d2: {  	[tilespmem:v6+s12+$0x0] =	vst.idx.msk $0xffff, v5;
	v4 =	vor.u32 v39, v1  }
0x2d3: {  	v6 =	vor.u32 s19, v40;
	v5 =	vld.idx.msk [tilespmem:v7+s13+$0x0], $0xffff  }
0x2d4: {  	v7 =	vor.u32 v41, v0;
	_ =	sdelay $0x1  }
0x2d5: {  	[tilespmem:v3+s12+$0x0] =	vst.idx.msk $0xffff, v2  }
0x2d6: {  	v3 =	vor.u32 s18, v40;
	v2 =	vld.idx.msk [tilespmem:v4+s13+$0x0], $0xffff  }
0x2d7: {  	v51 =	vld [tilespmem:$0x1FEB0];
	[tilespmem:v6+s12+$0x0] =	vst.idx.msk $0xffff, v5;
	v4 =	vor.u32 v41, v1  }
0x2d8: {  	v6 =	vor.u32 s19, v48;
	v5 =	vld.idx.msk [tilespmem:v7+s13+$0x0], $0xffff;
	_ =	sdelay $0x2  }
0x2d9: {  	[tilespmem:v3+s12+$0x0] =	vst.idx.msk $0xffff, v2  }
0x2da: {  	v3 =	vor.u32 s18, v48;
	v2 =	vld.idx.msk [tilespmem:v4+s13+$0x0], $0xffff  }
0x2db: {  	v7 =	vor.u32 v51, v0;
	[tilespmem:v6+s12+$0x0] =	vst.idx.msk $0xffff, v5;
	v6 =	vld [tilespmem:$0x1FEC0]  }
0x2dc: {  	v42 =	vld [tilespmem:$0x1FDB0];
	_ =	sdelay $0x2  }
0x2dd: {  	v4 =	vor.u32 v51, v1;
	[tilespmem:v3+s12+$0x0] =	vst.idx.msk $0xffff, v2;
	v3 =	vld [tilespmem:$0x1FEC0]  }
0x2de: {  	v5 =	vld.idx.msk [tilespmem:v7+s13+$0x0], $0xffff;
	v6 =	vor.u32 s19, v6  }
0x2df: {  	v7 =	vor.u32 v42, v0  }
0x2e0: {  	v52 =	vld [tilespmem:$0x1FED0];
	_ =	sdelay $0x1  }
0x2e1: {  	v2 =	vld.idx.msk [tilespmem:v4+s13+$0x0], $0xffff;
	v3 =	vor.u32 s18, v3  }
0x2e2: {  	[tilespmem:v6+s12+$0x0] =	vst.idx.msk $0xffff, v5;
	v4 =	vor.u32 v42, v1  }
0x2e3: {  	v5 =	vld.idx.msk [tilespmem:v7+s13+$0x0], $0xffff  }
0x2e4: {  	v6 =	vor.u32 s19, v52;
	v7 =	vld [tilespmem:$0x1FDC0];
	_ =	sdelay $0x1  }
0x2e5: {  	[tilespmem:v3+s12+$0x0] =	vst.idx.msk $0xffff, v2  }
0x2e6: {  	v2 =	vld.idx.msk [tilespmem:v4+s13+$0x0], $0xffff  }
0x2e7: {  	v3 =	vor.u32 s18, v52;
	v4 =	vld [tilespmem:$0x1FDC0]  }
0x2e8: {  	v7 =	vor.u32 v7, v0;
	[tilespmem:v6+s12+$0x0] =	vst.idx.msk $0xffff, v5;
	v6 =	vld [tilespmem:$0x1FEE0]  }
0x2e9: {  	v43 =	vld [tilespmem:$0x1FDD0];
	_ =	sdelay $0x2  }
0x2ea: {  	v4 =	vor.u32 v4, v1;
	[tilespmem:v3+s12+$0x0] =	vst.idx.msk $0xffff, v2;
	v3 =	vld [tilespmem:$0x1FEE0]  }
0x2eb: {  	v5 =	vld.idx.msk [tilespmem:v7+s13+$0x0], $0xffff;
	v6 =	vor.u32 s19, v6  }
0x2ec: {  	v7 =	vor.u32 v43, v0  }
0x2ed: {  	v53 =	vld [tilespmem:$0x1FEF0];
	_ =	sdelay $0x1  }
0x2ee: {  	v2 =	vld.idx.msk [tilespmem:v4+s13+$0x0], $0xffff;
	v3 =	vor.u32 s18, v3  }
0x2ef: {  	[tilespmem:v6+s12+$0x0] =	vst.idx.msk $0xffff, v5;
	v4 =	vor.u32 v43, v1  }
0x2f0: {  	v5 =	vld.idx.msk [tilespmem:v7+s13+$0x0], $0xffff  }
0x2f1: {  	v6 =	vor.u32 s19, v53;
	v7 =	vld [tilespmem:$0x1FDE0];
	_ =	sdelay $0x1  }
0x2f2: {  	[tilespmem:v3+s12+$0x0] =	vst.idx.msk $0xffff, v2  }
0x2f3: {  	v2 =	vld.idx.msk [tilespmem:v4+s13+$0x0], $0xffff  }
0x2f4: {  	v3 =	vor.u32 s18, v53;
	v4 =	vld [tilespmem:$0x1FDE0]  }
0x2f5: {  	v7 =	vor.u32 v7, v0;
	[tilespmem:v6+s12+$0x0] =	vst.idx.msk $0xffff, v5;
	v6 =	vld [tilespmem:$0x1FF00]  }
0x2f6: {  	v44 =	vld [tilespmem:$0x1FDF0];
	_ =	sdelay $0x2  }
0x2f7: {  	v4 =	vor.u32 v4, v1;
	[tilespmem:v3+s12+$0x0] =	vst.idx.msk $0xffff, v2;
	v3 =	vld [tilespmem:$0x1FF00]  }
0x2f8: {  	v5 =	vld.idx.msk [tilespmem:v7+s13+$0x0], $0xffff;
	v6 =	vor.u32 s19, v6  }
0x2f9: {  	v7 =	vor.u32 v44, v0  }
0x2fa: {  	v54 =	vld [tilespmem:$0x1FF10];
	_ =	sdelay $0x1  }
0x2fb: {  	v2 =	vld.idx.msk [tilespmem:v4+s13+$0x0], $0xffff;
	v3 =	vor.u32 s18, v3  }
0x2fc: {  	[tilespmem:v6+s12+$0x0] =	vst.idx.msk $0xffff, v5;
	v4 =	vor.u32 v44, v1  }
0x2fd: {  	v5 =	vld.idx.msk [tilespmem:v7+s13+$0x0], $0xffff  }
0x2fe: {  	v6 =	vor.u32 s19, v54;
	v7 =	vld [tilespmem:$0x1FE00];
	_ =	sdelay $0x1  }
0x2ff: {  	[tilespmem:v3+s12+$0x0] =	vst.idx.msk $0xffff, v2  }
0x300: {  	v2 =	vld.idx.msk [tilespmem:v4+s13+$0x0], $0xffff  }
0x301: {  	v3 =	vor.u32 s18, v54;
	v4 =	vld [tilespmem:$0x1FE00]  }
0x302: {  	v7 =	vor.u32 v7, v0;
	[tilespmem:v6+s12+$0x0] =	vst.idx.msk $0xffff, v5;
	v6 =	vld [tilespmem:$0x1FF20]  }
0x303: {  	v45 =	vld [tilespmem:$0x1FE10];
	_ =	sdelay $0x2  }
0x304: {  	v4 =	vor.u32 v4, v1;
	[tilespmem:v3+s12+$0x0] =	vst.idx.msk $0xffff, v2;
	v3 =	vld [tilespmem:$0x1FF20]  }
0x305: {  	v5 =	vld.idx.msk [tilespmem:v7+s13+$0x0], $0xffff;
	v6 =	vor.u32 s19, v6  }
0x306: {  	v7 =	vor.u32 v45, v0  }
0x307: {  	v56 =	vld [tilespmem:$0x1FF30];
	_ =	sdelay $0x1  }
0x308: {  	v2 =	vld.idx.msk [tilespmem:v4+s13+$0x0], $0xffff;
	v3 =	vor.u32 s18, v3  }
0x309: {  	[tilespmem:v6+s12+$0x0] =	vst.idx.msk $0xffff, v5;
	v4 =	vor.u32 v45, v1  }
0x30a: {  	v5 =	vld.idx.msk [tilespmem:v7+s13+$0x0], $0xffff  }
0x30b: {  	v6 =	vor.u32 s19, v56;
	v7 =	vld [tilespmem:$0x1FE20];
	_ =	sdelay $0x1  }
0x30c: {  	[tilespmem:v3+s12+$0x0] =	vst.idx.msk $0xffff, v2  }
0x30d: {  	v2 =	vld.idx.msk [tilespmem:v4+s13+$0x0], $0xffff  }
0x30e: {  	v3 =	vor.u32 s18, v56;
	v4 =	vld [tilespmem:$0x1FE20]  }
0x30f: {  	v7 =	vor.u32 v7, v0;
	[tilespmem:v6+s12+$0x0] =	vst.idx.msk $0xffff, v5;
	v6 =	vld [tilespmem:$0x1FF40]  }
0x310: {  	v46 =	vld [tilespmem:$0x1FE30];
	_ =	sdelay $0x2  }
0x311: {  	v4 =	vor.u32 v4, v1;
	[tilespmem:v3+s12+$0x0] =	vst.idx.msk $0xffff, v2;
	v3 =	vld [tilespmem:$0x1FF40]  }
0x312: {  	v5 =	vld.idx.msk [tilespmem:v7+s13+$0x0], $0xffff;
	v6 =	vor.u32 s19, v6  }
0x313: {  	v7 =	vor.u32 v46, v0  }
0x314: {  	v21 =	vld [tilespmem:$0x1FF50];
	_ =	sdelay $0x1  }
0x315: {  	v2 =	vld.idx.msk [tilespmem:v4+s13+$0x0], $0xffff;
	v3 =	vor.u32 s18, v3  }
0x316: {  	v4 =	vor.u32 v46, v1;
	[tilespmem:v6+s12+$0x0] =	vst.idx.msk $0xffff, v5  }
0x317: {  	v5 =	vld.idx.msk [tilespmem:v7+s13+$0x0], $0xffff  }
0x318: {  	v6 =	vor.u32 s19, v21;
	v7 =	vld [tilespmem:$0x1FE40];
	_ =	sdelay $0x1  }
0x319: {  	[tilespmem:v3+s12+$0x0] =	vst.idx.msk $0xffff, v2  }
0x31a: {  	v2 =	vld.idx.msk [tilespmem:v4+s13+$0x0], $0xffff  }
0x31b: {  	v4 =	vld [tilespmem:$0x1FE40]  }
0x31c: {  	v7 =	vor.u32 v7, v0;
	[tilespmem:v6+s12+$0x0] =	vst.idx.msk $0xffff, v5;
	v6 =	vld [tilespmem:$0x1FF60]  }
0x31d: {  	v47 =	vld [tilespmem:$0x1FE50]  }
0x31e: {  	v3 =	vor.u32 s18, v21;
	_ =	sdelay $0x2  }
0x31f: {  	v4 =	vor.u32 v4, v1;
	v5 =	vld.idx.msk [tilespmem:v7+s13+$0x0], $0xffff;
	v6 =	vor.u32 s19, v6  }
0x320: {  	v7 =	vor.u32 v47, v0  }
0x321: {  	[tilespmem:v3+s12+$0x0] =	vst.idx.msk $0xffff, v2;
	v3 =	vld [tilespmem:$0x1FF60];
	_ =	sdelay $0x1  }
0x322: {  	v22 =	vld [tilespmem:$0x1FF70]  }
0x323: {  	v2 =	vld.idx.msk [tilespmem:v4+s13+$0x0], $0xffff;
	[tilespmem:v6+s12+$0x0] =	vst.idx.msk $0xffff, v5  }
0x324: {  	v5 =	vld.idx.msk [tilespmem:v7+s13+$0x0], $0xffff  }
0x325: {  	v3 =	vor.u32 s18, v3;
	v7 =	vld [tilespmem:$0x1FE60]  }
0x326: {  	v4 =	vor.u32 v47, v1;
	_ =	sdelay $0x2  }
0x327: {  	v6 =	vor.u32 s19, v22  }
0x328: {  	[tilespmem:v3+s12+$0x0] =	vst.idx.msk $0xffff, v2;
	v7 =	vor.u32 v7, v0  }
0x329: {  	v2 =	vld.idx.msk [tilespmem:v4+s13+$0x0], $0xffff  }
0x32a: {  	v4 =	vld [tilespmem:$0x1FE60];
	_ =	sdelay $0x1  }
0x32b: {  	v8 =	vld [tilespmem:s17+$0xFFFFFFE0];
	[tilespmem:v6+s12+$0x0] =	vst.idx.msk $0xffff, v5  }
0x32c: {  	v6 =	vld.idx.msk [tilespmem:v7+s13+$0x0], $0xffff  }
0x32d: {  	v3 =	vor.u32 s18, v22;
	v7 =	vld [tilespmem:$0x1FF80]  }
0x32e: {  	v10 =	vld [tilespmem:$0x1FF80];
	v4 =	vor.u32 v4, v1  }
0x32f: {  	v48 =	vld [tilespmem:$0x1FE70]  }
0x330: {  	v50 =	vld [tilespmem:$0x1FE90]  }
0x331: {  	v12 =	vld [tilespmem:$0x1FEA0]  }
0x332: {  	v5 =	vld [tilespmem:s17+$0xFFFFFFF0];
	[tilespmem:v3+s12+$0x0] =	vst.idx.msk $0xffff, v2;
	v7 =	vor.u32 s19, v7  }
0x333: {  	v10 =	vor.u32 s18, v10;
	v2 =	vld.idx.msk [tilespmem:v4+s13+$0x0], $0xffff  }
0x334: {  	v23 =	vld [tilespmem:$0x1FF90]  }
0x335: {  	v11 =	vld [tilespmem:s17+$0x0];
	v4 =	vmul.f32 $7.000000000e+00, v8  }
0x336: {  	v14 =	vld [tilespmem:s17+$0x10];
	v9 =	vor.u32 v48, v0  }
0x337: {  	v16 =	vld [tilespmem:$0x1FFA0];
	v12 =	vor.u32 v12, v0;
	v5 =	vmul.f32 $7.000000000e+00, v5;
	v4 =	vtrunc.f32 v4;
	[tilespmem:v7+s12+$0x0] =	vst.idx.msk $0xffff, v6  }
0x338: {  	v8 =	vor.u32 v50, v0;
	v0 =	vcvt.f32.s32 v4;
	v7 =	vor.u32 v48, v1;
	[tilespmem:v10+s12+$0x0] =	vst.idx.msk $0xffff, v2;
	v2 =	vld [tilespmem:$0x1FEA0]  }
0x339: {  	v17 =	vld [tilespmem:s17+$0x20];
	v4 =	vtrunc.f32 v5  }
0x33a: {  	v4 =	vcvt.f32.s32 v4;
	vm10 =	vgt.s32 v0, $0x0;
	v10 =	vmul.f32 $7.000000000e+00, v11;
	v11 =	vld [tilespmem:s17+$0x30]  }
0x33b: {  	v15 =	vor.u32 v50, v1;
	v3 =	vor.u32 s19, v23;
	v9 =	vld.idx.msk [tilespmem:v9+s13+$0x0], $0xffff;
	v0 =	vnsel vm10, $0x0, v0  }
0x33c: {  	v5 =	vor.u32 s18, v23;
	v6 =	vld [tilespmem:$0x1FFA0];
	vm11 =	vgt.s32 v4, $0x0;
	v0 =	vmin.u32 v0, $0x6  }
0x33d: {  	v7 =	vld.idx.msk [tilespmem:v7+s13+$0x0], $0xffff;
	v18 =	vor.u32 v2, v1;
	v1 =	vnsel vm11, $0x0, v4;
	v2 =	vshll.u32 v0, $0x5  }
0x33e: {  	v4 =	vmul.f32 $7.000000000e+00, v14;
	v0 =	vmin.u32 v1, $0x6;
	v1 =	vtrunc.f32 v10  }
0x33f: {  	v16 =	vor.u32 s18, v16;
	v1 =	vcvt.f32.s32 v1  }
0x340: {  	v24 =	vld [tilespmem:$0x1FFB0];
	v10 =	vor.u32 v19, v2;
	[tilespmem:v3+s12+$0x0] =	vst.idx.msk $0xffff, v9;
	v3 =	vtrunc.f32 v4;
	v4 =	vmul.f32 $7.000000000e+00, v11  }
0x341: {  	v17 =	vmul.f32 $7.000000000e+00, v17;
	v6 =	vor.u32 s19, v6;
	v0 =	vshll.u32 v0, $0x5;
	v8 =	vld.idx.msk [tilespmem:v8+s13+$0x0], $0xffff  }
0x342: {  	v20 =	vld [tilespmem:$0x1FFC0];
	v14 =	vor.u32 v19, v0;
	vm12 =	vgt.s32 v1, $0x0;
	v4 =	vtrunc.f32 v4;
	[tilespmem:v5+s12+$0x0] =	vst.idx.msk $0xffff, v7  }
0x343: {  	v1 =	vnsel vm12, $0x0, v1;
	v5 =	vcvt.f32.s32 v3;
	v3 =	vtrunc.f32 v17;
	v7 =	vld.idx.msk [tilespmem:v15+s13+$0x0], $0xffff  }
0x344: {  	v4 =	vcvt.f32.s32 v4;
	v17 =	vld [tilespmem:$0x1FFD0];
	v1 =	vmin.u32 v1, $0x6;
	v9 =	vcvt.f32.s32 v3  }
0x345: {  	v13 =	vor.u32 s19, v24;
	v10 =	vld.idx.msk [tilespmem:v10+s13+$0x0], $0xffff;
	v3 =	vshll.u32 v1, $0x5  }
0x346: {  	v15 =	vld [tilespmem:$0x1FFC0];
	vm13 =	vgt.s32 v5, $0x0;
	vm15 =	vgt.s32 v4, $0x0;
	[tilespmem:v6+s12+$0x0] =	vst.idx.msk $0xffff, v8;
	vm14 =	vgt.s32 v9, $0x0  }
0x347: {  	v11 =	vor.u32 v19, v3;
	v1 =	vnsel vm13, $0x0, v5;
	v8 =	vld.idx.msk [tilespmem:v12+s13+$0x0], $0xffff;
	v5 =	vnsel vm14, $0x0, v9  }
0x348: {  	v6 =	vnsel vm15, $0x0, v4;
	v14 =	vld.idx.msk [tilespmem:v14+s13+$0x0], $0xffff;
	v1 =	vmin.u32 v1, $0x6;
	v5 =	vmin.u32 v5, $0x6;
	[tilespmem:v16+s12+$0x0] =	vst.idx.msk $0xffff, v7  }
0x349: {  	v1 =	vshll.u32 v1, $0x5;
	v4 =	vshll.u32 v5, $0x5;
	v5 =	vmin.u32 v6, $0x6;
	v6 =	vld.idx.msk [tilespmem:v18+s13+$0x0], $0xffff  }
0x34a: {  	s30 =	sadd.s32 $0xFFFFF600, s16;
	v7 =	vor.u32 v19, v1;
	v5 =	vshll.u32 v5, $0x5;
	v18 =	vld [tilespmem:$0x1FFC0]  }
0x34b: {  	v15 =	vor.u32 s30, v15;
	v12 =	vor.u32 v19, v4;
	v16 =	vor.u32 v19, v5;
	v19 =	vld [tilespmem:$0x1FFD0]  }
0x34c: {  	v9 =	vor.u32 s18, v24;
	v11 =	vld.idx.msk [tilespmem:v11+s13+$0x0], $0xffff  }
0x34d: {  	[tilespmem:v13+s12+$0x0] =	vst.idx.msk $0xffff, v8;
	v8 =	vld [tilespmem:$0x1FFD0]  }
0x34e: {  	v13 =	vld [tilespmem:$0x1FFC0]  }
0x34f: {  	v17 =	vor.u32 v17, v2;
	v7 =	vld.idx.msk [tilespmem:v7+s13+$0x0], $0xffff  }
0x350: {  	[tilespmem:v15+s12+$0x0] =	vst.idx.msk $0xffff, v10;
	v10 =	vld [tilespmem:$0x1FFD0]  }
0x351: {  	s20 =	sadd.s32 $0xFFFFFA00, s16;
	[tilespmem:v9+s12+$0x0] =	vst.idx.msk $0xffff, v6;
	v6 =	vld [tilespmem:$0x1FFD0]  }
0x352: {  	s31 =	sadd.s32 $0xFFFFF800, s16;
	v20 =	vor.u32 s20, v20;
	v9 =	vld.idx.msk [tilespmem:v12+s13+$0x0], $0xffff  }
0x353: {  	v18 =	vor.u32 s31, v18;
	v12 =	vld [tilespmem:$0x1FFC0]  }
0x354: {  	v17 =	vld.idx.msk [tilespmem:v17+s13+$0x0], $0xffff  }
0x355: {  	v15 =	vld.idx.msk [tilespmem:v16+s13+$0x0], $0xffff  }
0x356: {  	s21 =	sadd.s32 $0xFFFFFC00, s16;
	v19 =	vor.u32 v19, v0;
	v16 =	vld [tilespmem:$0x1FFC0]  }
0x357: {  	v13 =	vor.u32 s21, v13;
	[tilespmem:v20+s12+$0x0] =	vst.idx.msk $0xffff, v11;
	v11 =	vld [tilespmem:$0x1FFF0]  }
0x358: {  	s22 =	sadd.s32 $0xFFFFFE00, s16;
	[tilespmem:v18+s12+$0x0] =	vst.idx.msk $0xffff, v14;
	v14 =	vld [tilespmem:$0x1FFE0]  }
0x359: {  	v12 =	vor.u32 s22, v12;
	v18 =	vld [tilespmem:$0x1FFD0]  }
0x35a: {  	v20 =	vld [tilespmem:$0x1FFE0]  }
0x35b: {  	v16 =	vor.u32 s16, v16;
	v19 =	vld.idx.msk [tilespmem:v19+s13+$0x0], $0xffff  }
0x35c: {  	[tilespmem:v13+s12+$0x0] =	vst.idx.msk $0xffff, v7;
	v7 =	vld [tilespmem:$0x1FFF0]  }
0x35d: {  	v13 =	vld [tilespmem:$0x1FFE0];
	v14 =	vor.u32 s30, v14  }
0x35e: {  	v18 =	vor.u32 v18, v5;
	[tilespmem:v12+s12+$0x0] =	vst.idx.msk $0xffff, v9;
	v9 =	vld [tilespmem:$0x1FFF0]  }
0x35f: {  	v12 =	vld [tilespmem:$0x1FFE0]  }
0x360: {  	v20 =	vor.u32 s31, v20;
	[tilespmem:v16+s12+$0x0] =	vst.idx.msk $0xffff, v15;
	v15 =	vld [tilespmem:$0x1FFF0]  }
0x361: {  	v8 =	vor.u32 v8, v3;
	v16 =	vld [tilespmem:$0x1FFE0]  }
0x362: {  	v6 =	vor.u32 v6, v1;
	[tilespmem:v14+s12+$0x0] =	vst.idx.msk $0xffff, v17;
	v14 =	vld [tilespmem:$0x1FFF0]  }
0x363: {  	v10 =	vor.u32 v10, v4;
	v17 =	vld.idx.msk [tilespmem:v18+s13+$0x0], $0xffff  }
0x364: {  	v18 =	vld [tilespmem:$0x1FFE0]  }
0x365: {  	v11 =	vor.u32 v11, v2;
	[tilespmem:v20+s12+$0x0] =	vst.idx.msk $0xffff, v19;
	v20 =	vld [tilespmem:$0x1FFF0]  }
0x366: {  	v8 =	vld.idx.msk [tilespmem:v8+s13+$0x0], $0xffff;
	v7 =	vor.u32 v7, v0;
	v13 =	vor.u32 s20, v13  }
0x367: {  	v6 =	vld.idx.msk [tilespmem:v6+s13+$0x0], $0xffff;
	v9 =	vor.u32 v9, v3;
	v12 =	vor.u32 s21, v12  }
0x368: {  	v10 =	vld.idx.msk [tilespmem:v10+s13+$0x0], $0xffff;
	v15 =	vor.u32 v15, v1;
	v16 =	vor.u32 s22, v16  }
0x369: {  	v14 =	vor.u32 v14, v4;
	v18 =	vor.u32 s16, v18  }
0x36a: {  	v19 =	vor.u32 s30, v25;
	v11 =	vld.idx.msk [tilespmem:v11+s13+$0x0], $0xffff;
	v20 =	vor.u32 v20, v5  }
0x36b: {  	[tilespmem:v13+s12+$0x0] =	vst.idx.msk $0xffff, v8;
	v8 =	vor.u32 v26, v2;
	v7 =	vld.idx.msk [tilespmem:v7+s13+$0x0], $0xffff;
	v13 =	vor.u32 s31, v25  }
0x36c: {  	[tilespmem:v12+s12+$0x0] =	vst.idx.msk $0xffff, v6;
	v6 =	vor.u32 v26, v0;
	v9 =	vld.idx.msk [tilespmem:v9+s13+$0x0], $0xffff;
	v12 =	vor.u32 s20, v25  }
0x36d: {  	[tilespmem:v16+s12+$0x0] =	vst.idx.msk $0xffff, v10;
	v10 =	vor.u32 v26, v3;
	v15 =	vld.idx.msk [tilespmem:v15+s13+$0x0], $0xffff;
	v16 =	vor.u32 s21, v25  }
0x36e: {  	[tilespmem:v18+s12+$0x0] =	vst.idx.msk $0xffff, v17;
	v17 =	vor.u32 v26, v1;
	v14 =	vld.idx.msk [tilespmem:v14+s13+$0x0], $0xffff;
	v18 =	vor.u32 s22, v25  }
0x36f: {  	[tilespmem:v19+s12+$0x0] =	vst.idx.msk $0xffff, v11;
	v11 =	vor.u32 v26, v4;
	v19 =	vld.idx.msk [tilespmem:v20+s13+$0x0], $0xffff;
	v20 =	vor.u32 s16, v25  }
0x370: {  	[tilespmem:v13+s12+$0x0] =	vst.idx.msk $0xffff, v7;
	v7 =	vor.u32 s30, v27;
	v13 =	vor.u32 v26, v5;
	v8 =	vld.idx.msk [tilespmem:v8+s13+$0x0], $0xffff  }
0x371: {  	[tilespmem:v12+s12+$0x0] =	vst.idx.msk $0xffff, v9;
	v9 =	vor.u32 v28, v2;
	v6 =	vld.idx.msk [tilespmem:v6+s13+$0x0], $0xffff;
	v12 =	vor.u32 s31, v27  }
0x372: {  	[tilespmem:v16+s12+$0x0] =	vst.idx.msk $0xffff, v15;
	v15 =	vor.u32 v28, v0;
	v10 =	vld.idx.msk [tilespmem:v10+s13+$0x0], $0xffff;
	v16 =	vor.u32 s20, v27  }
0x373: {  	[tilespmem:v18+s12+$0x0] =	vst.idx.msk $0xffff, v14;
	v14 =	vor.u32 v28, v3;
	v17 =	vld.idx.msk [tilespmem:v17+s13+$0x0], $0xffff;
	v18 =	vor.u32 s21, v27  }
0x374: {  	[tilespmem:v20+s12+$0x0] =	vst.idx.msk $0xffff, v19;
	v19 =	vor.u32 v28, v1;
	v11 =	vld.idx.msk [tilespmem:v11+s13+$0x0], $0xffff;
	v20 =	vor.u32 s22, v27  }
0x375: {  	[tilespmem:v7+s12+$0x0] =	vst.idx.msk $0xffff, v8;
	v7 =	vor.u32 v28, v4;
	v8 =	vld.idx.msk [tilespmem:v13+s13+$0x0], $0xffff;
	v13 =	vor.u32 s16, v27  }
0x376: {  	v9 =	vld.idx.msk [tilespmem:v9+s13+$0x0], $0xffff;
	[tilespmem:v12+s12+$0x0] =	vst.idx.msk $0xffff, v6;
	v6 =	vor.u32 s30, v29;
	v12 =	vor.u32 v28, v5  }
0x377: {  	[tilespmem:v16+s12+$0x0] =	vst.idx.msk $0xffff, v10;
	v10 =	vor.u32 v30, v2;
	v15 =	vld.idx.msk [tilespmem:v15+s13+$0x0], $0xffff;
	v16 =	vor.u32 s31, v29  }
0x378: {  	[tilespmem:v18+s12+$0x0] =	vst.idx.msk $0xffff, v17;
	v17 =	vor.u32 v30, v0;
	v14 =	vld.idx.msk [tilespmem:v14+s13+$0x0], $0xffff;
	v18 =	vor.u32 s20, v29  }
0x379: {  	[tilespmem:v20+s12+$0x0] =	vst.idx.msk $0xffff, v11;
	v11 =	vor.u32 v30, v3;
	v19 =	vld.idx.msk [tilespmem:v19+s13+$0x0], $0xffff;
	v20 =	vor.u32 s21, v29  }
0x37a: {  	[tilespmem:v13+s12+$0x0] =	vst.idx.msk $0xffff, v8;
	v8 =	vor.u32 v30, v1;
	v7 =	vld.idx.msk [tilespmem:v7+s13+$0x0], $0xffff;
	v13 =	vor.u32 s22, v29  }
0x37b: {  	[tilespmem:v6+s12+$0x0] =	vst.idx.msk $0xffff, v9;
	v6 =	vor.u32 v30, v4;
	v9 =	vld.idx.msk [tilespmem:v12+s13+$0x0], $0xffff;
	v12 =	vor.u32 s16, v29  }
0x37c: {  	v10 =	vld.idx.msk [tilespmem:v10+s13+$0x0], $0xffff;
	[tilespmem:v16+s12+$0x0] =	vst.idx.msk $0xffff, v15;
	v15 =	vor.u32 s30, v31;
	v16 =	vor.u32 v30, v5  }
0x37d: {  	[tilespmem:v18+s12+$0x0] =	vst.idx.msk $0xffff, v14;
	v14 =	vor.u32 v32, v2;
	v17 =	vld.idx.msk [tilespmem:v17+s13+$0x0], $0xffff;
	v18 =	vor.u32 s31, v31  }
0x37e: {  	[tilespmem:v20+s12+$0x0] =	vst.idx.msk $0xffff, v19;
	v19 =	vor.u32 v32, v0;
	v11 =	vld.idx.msk [tilespmem:v11+s13+$0x0], $0xffff;
	v20 =	vor.u32 s20, v31  }
0x37f: {  	[tilespmem:v13+s12+$0x0] =	vst.idx.msk $0xffff, v7;
	v7 =	vor.u32 v32, v3;
	v8 =	vld.idx.msk [tilespmem:v8+s13+$0x0], $0xffff;
	v13 =	vor.u32 s21, v31  }
0x380: {  	[tilespmem:v12+s12+$0x0] =	vst.idx.msk $0xffff, v9;
	v9 =	vor.u32 v32, v1;
	v6 =	vld.idx.msk [tilespmem:v6+s13+$0x0], $0xffff;
	v12 =	vor.u32 s22, v31  }
0x381: {  	[tilespmem:v15+s12+$0x0] =	vst.idx.msk $0xffff, v10;
	v10 =	vor.u32 v32, v4;
	v15 =	vld.idx.msk [tilespmem:v16+s13+$0x0], $0xffff;
	v16 =	vor.u32 s16, v31  }
0x382: {  	v14 =	vld.idx.msk [tilespmem:v14+s13+$0x0], $0xffff;
	[tilespmem:v18+s12+$0x0] =	vst.idx.msk $0xffff, v17;
	v17 =	vor.u32 s30, v33;
	v18 =	vor.u32 v32, v5  }
0x383: {  	[tilespmem:v20+s12+$0x0] =	vst.idx.msk $0xffff, v11;
	v11 =	vor.u32 v34, v2;
	v19 =	vld.idx.msk [tilespmem:v19+s13+$0x0], $0xffff;
	v20 =	vor.u32 s31, v33  }
0x384: {  	[tilespmem:v13+s12+$0x0] =	vst.idx.msk $0xffff, v8;
	v7 =	vld.idx.msk [tilespmem:v7+s13+$0x0], $0xffff;
	v13 =	vor.u32 s20, v33  }
0x385: {  	v8 =	vor.u32 v34, v0;
	[tilespmem:v12+s12+$0x0] =	vst.idx.msk $0xffff, v6;
	v9 =	vld.idx.msk [tilespmem:v9+s13+$0x0], $0xffff  }
0x386: {  	v12 =	vor.u32 s21, v33;
	[tilespmem:v16+s12+$0x0] =	vst.idx.msk $0xffff, v15;
	v10 =	vld.idx.msk [tilespmem:v10+s13+$0x0], $0xffff  }
0x387: {  	v16 =	vor.u32 s22, v33;
	[tilespmem:v17+s12+$0x0] =	vst.idx.msk $0xffff, v14;
	v17 =	vld.idx.msk [tilespmem:v18+s13+$0x0], $0xffff  }
0x388: {  	v18 =	vor.u32 s16, v33;
	v11 =	vld.idx.msk [tilespmem:v11+s13+$0x0], $0xffff;
	[tilespmem:v20+s12+$0x0] =	vst.idx.msk $0xffff, v19  }
0x389: {  	v19 =	vor.u32 s30, v55;
	[tilespmem:v13+s12+$0x0] =	vst.idx.msk $0xffff, v7;
	v7 =	vld [tilespmem:$0x1FCC0]  }
0x38a: {  	v8 =	vld.idx.msk [tilespmem:v8+s13+$0x0], $0xffff;
	v13 =	vor.u32 s31, v55  }
0x38b: {  	v6 =	vor.u32 v34, v3;
	[tilespmem:v12+s12+$0x0] =	vst.idx.msk $0xffff, v9;
	v9 =	vld [tilespmem:$0x1FCC0]  }
0x38c: {  	v15 =	vor.u32 v34, v1;
	[tilespmem:v16+s12+$0x0] =	vst.idx.msk $0xffff, v10;
	v10 =	vld [tilespmem:$0x1FCC0]  }
0x38d: {  	v14 =	vor.u32 v34, v4;
	[tilespmem:v18+s12+$0x0] =	vst.idx.msk $0xffff, v17;
	v17 =	vld [tilespmem:$0x1FCC0]  }
0x38e: {  	v20 =	vor.u32 v34, v5;
	[tilespmem:v19+s12+$0x0] =	vst.idx.msk $0xffff, v11;
	v11 =	vld [tilespmem:$0x1FCC0]  }
0x38f: {  	v7 =	vor.u32 v7, v2;
	[tilespmem:v13+s12+$0x0] =	vst.idx.msk $0xffff, v8;
	v13 =	vld [tilespmem:$0x1FCC0]  }
0x390: {  	v6 =	vld.idx.msk [tilespmem:v6+s13+$0x0], $0xffff;
	v12 =	vor.u32 s20, v55;
	v9 =	vor.u32 v9, v0  }
0x391: {  	v15 =	vld.idx.msk [tilespmem:v15+s13+$0x0], $0xffff;
	v16 =	vor.u32 s21, v55;
	v10 =	vor.u32 v10, v3  }
0x392: {  	v14 =	vld.idx.msk [tilespmem:v14+s13+$0x0], $0xffff;
	v18 =	vor.u32 s22, v55;
	v17 =	vor.u32 v17, v1  }
0x393: {  	v19 =	vld.idx.msk [tilespmem:v20+s13+$0x0], $0xffff;
	v20 =	vor.u32 s16, v55;
	v11 =	vor.u32 v11, v4  }
0x394: {  	v8 =	vor.u32 s30, v57;
	v7 =	vld.idx.msk [tilespmem:v7+s13+$0x0], $0xffff;
	v13 =	vor.u32 v13, v5  }
0x395: {  	[tilespmem:v12+s12+$0x0] =	vst.idx.msk $0xffff, v6;
	v6 =	vor.u32 v58, v2;
	v12 =	vor.u32 s31, v57;
	v9 =	vld.idx.msk [tilespmem:v9+s13+$0x0], $0xffff  }
0x396: {  	[tilespmem:v16+s12+$0x0] =	vst.idx.msk $0xffff, v15;
	v15 =	vor.u32 v58, v0;
	v16 =	vor.u32 s20, v57;
	v10 =	vld.idx.msk [tilespmem:v10+s13+$0x0], $0xffff  }
0x397: {  	[tilespmem:v18+s12+$0x0] =	vst.idx.msk $0xffff, v14;
	v14 =	vor.u32 v58, v3;
	v18 =	vor.u32 s21, v57;
	v17 =	vld.idx.msk [tilespmem:v17+s13+$0x0], $0xffff  }
0x398: {  	[tilespmem:v20+s12+$0x0] =	vst.idx.msk $0xffff, v19;
	v19 =	vor.u32 v58, v1;
	v20 =	vor.u32 s22, v57;
	v11 =	vld.idx.msk [tilespmem:v11+s13+$0x0], $0xffff  }
0x399: {  	[tilespmem:v8+s12+$0x0] =	vst.idx.msk $0xffff, v7;
	v7 =	vor.u32 v58, v4;
	v8 =	vld.idx.msk [tilespmem:v13+s13+$0x0], $0xffff;
	v13 =	vor.u32 s16, v57  }
0x39a: {  	v6 =	vld.idx.msk [tilespmem:v6+s13+$0x0], $0xffff;
	[tilespmem:v12+s12+$0x0] =	vst.idx.msk $0xffff, v9;
	v9 =	vor.u32 s30, v59;
	v12 =	vor.u32 v58, v5  }
0x39b: {  	[tilespmem:v16+s12+$0x0] =	vst.idx.msk $0xffff, v10;
	v10 =	vor.u32 v60, v2;
	v15 =	vld.idx.msk [tilespmem:v15+s13+$0x0], $0xffff;
	v16 =	vor.u32 s31, v59  }
0x39c: {  	[tilespmem:v18+s12+$0x0] =	vst.idx.msk $0xffff, v17;
	v17 =	vor.u32 v60, v0;
	v14 =	vld.idx.msk [tilespmem:v14+s13+$0x0], $0xffff;
	v18 =	vor.u32 s20, v59  }
0x39d: {  	[tilespmem:v20+s12+$0x0] =	vst.idx.msk $0xffff, v11;
	v11 =	vor.u32 v60, v3;
	v19 =	vld.idx.msk [tilespmem:v19+s13+$0x0], $0xffff;
	v20 =	vor.u32 s21, v59  }
0x39e: {  	[tilespmem:v13+s12+$0x0] =	vst.idx.msk $0xffff, v8;
	v8 =	vor.u32 v60, v1;
	v7 =	vld.idx.msk [tilespmem:v7+s13+$0x0], $0xffff;
	v13 =	vor.u32 s22, v59  }
0x39f: {  	[tilespmem:v9+s12+$0x0] =	vst.idx.msk $0xffff, v6;
	v6 =	vor.u32 v60, v4;
	v9 =	vld.idx.msk [tilespmem:v12+s13+$0x0], $0xffff;
	v12 =	vor.u32 s16, v59  }
0x3a0: {  	v10 =	vld.idx.msk [tilespmem:v10+s13+$0x0], $0xffff;
	[tilespmem:v16+s12+$0x0] =	vst.idx.msk $0xffff, v15;
	v15 =	vor.u32 s30, v61;
	v16 =	vor.u32 v60, v5  }
0x3a1: {  	[tilespmem:v18+s12+$0x0] =	vst.idx.msk $0xffff, v14;
	v14 =	vor.u32 v62, v2;
	v17 =	vld.idx.msk [tilespmem:v17+s13+$0x0], $0xffff;
	v18 =	vor.u32 s31, v61  }
0x3a2: {  	[tilespmem:v20+s12+$0x0] =	vst.idx.msk $0xffff, v19;
	v19 =	vor.u32 v62, v0;
	v11 =	vld.idx.msk [tilespmem:v11+s13+$0x0], $0xffff;
	v20 =	vor.u32 s20, v61  }
0x3a3: {  	[tilespmem:v13+s12+$0x0] =	vst.idx.msk $0xffff, v7;
	v7 =	vor.u32 v62, v3;
	v8 =	vld.idx.msk [tilespmem:v8+s13+$0x0], $0xffff;
	v13 =	vor.u32 s21, v61  }
0x3a4: {  	[tilespmem:v12+s12+$0x0] =	vst.idx.msk $0xffff, v9;
	v9 =	vor.u32 v62, v1;
	v6 =	vld.idx.msk [tilespmem:v6+s13+$0x0], $0xffff;
	v12 =	vor.u32 s22, v61  }
0x3a5: {  	[tilespmem:v15+s12+$0x0] =	vst.idx.msk $0xffff, v10;
	v10 =	vor.u32 v62, v4;
	v15 =	vld.idx.msk [tilespmem:v16+s13+$0x0], $0xffff;
	v16 =	vor.u32 s16, v61  }
0x3a6: {  	v14 =	vld.idx.msk [tilespmem:v14+s13+$0x0], $0xffff;
	[tilespmem:v18+s12+$0x0] =	vst.idx.msk $0xffff, v17;
	v17 =	vor.u32 s30, v63;
	v18 =	vor.u32 v62, v5  }
0x3a7: {  	[tilespmem:v20+s12+$0x0] =	vst.idx.msk $0xffff, v11;
	v11 =	vor.u32 v35, v2;
	v19 =	vld.idx.msk [tilespmem:v19+s13+$0x0], $0xffff;
	v20 =	vor.u32 s31, v63  }
0x3a8: {  	[tilespmem:v13+s12+$0x0] =	vst.idx.msk $0xffff, v8;
	v8 =	vor.u32 v35, v0;
	v7 =	vld.idx.msk [tilespmem:v7+s13+$0x0], $0xffff;
	v13 =	vor.u32 s20, v63  }
0x3a9: {  	[tilespmem:v12+s12+$0x0] =	vst.idx.msk $0xffff, v6;
	v6 =	vor.u32 v35, v3;
	v9 =	vld.idx.msk [tilespmem:v9+s13+$0x0], $0xffff;
	v12 =	vor.u32 s21, v63  }
0x3aa: {  	[tilespmem:v16+s12+$0x0] =	vst.idx.msk $0xffff, v15;
	v15 =	vor.u32 v35, v1;
	v10 =	vld.idx.msk [tilespmem:v10+s13+$0x0], $0xffff;
	v16 =	vor.u32 s22, v63  }
0x3ab: {  	[tilespmem:v17+s12+$0x0] =	vst.idx.msk $0xffff, v14;
	v14 =	vor.u32 v35, v4;
	v17 =	vld.idx.msk [tilespmem:v18+s13+$0x0], $0xffff;
	v18 =	vor.u32 s16, v63  }
0x3ac: {  	v11 =	vld.idx.msk [tilespmem:v11+s13+$0x0], $0xffff;
	[tilespmem:v20+s12+$0x0] =	vst.idx.msk $0xffff, v19;
	v19 =	vor.u32 s30, v36;
	v20 =	vor.u32 v35, v5  }
0x3ad: {  	[tilespmem:v13+s12+$0x0] =	vst.idx.msk $0xffff, v7;
	v7 =	vor.u32 v37, v2;
	v8 =	vld.idx.msk [tilespmem:v8+s13+$0x0], $0xffff;
	v13 =	vor.u32 s31, v36  }
0x3ae: {  	[tilespmem:v12+s12+$0x0] =	vst.idx.msk $0xffff, v9;
	v9 =	vor.u32 v37, v0;
	v6 =	vld.idx.msk [tilespmem:v6+s13+$0x0], $0xffff;
	v12 =	vor.u32 s20, v36  }
0x3af: {  	[tilespmem:v16+s12+$0x0] =	vst.idx.msk $0xffff, v10;
	v10 =	vor.u32 v37, v3;
	v15 =	vld.idx.msk [tilespmem:v15+s13+$0x0], $0xffff;
	v16 =	vor.u32 s21, v36  }
0x3b0: {  	[tilespmem:v18+s12+$0x0] =	vst.idx.msk $0xffff, v17;
	v17 =	vor.u32 v37, v1;
	v14 =	vld.idx.msk [tilespmem:v14+s13+$0x0], $0xffff;
	v18 =	vor.u32 s22, v36  }
0x3b1: {  	[tilespmem:v19+s12+$0x0] =	vst.idx.msk $0xffff, v11;
	v11 =	vor.u32 v37, v4;
	v19 =	vld.idx.msk [tilespmem:v20+s13+$0x0], $0xffff;
	v20 =	vor.u32 s16, v36  }
0x3b2: {  	v7 =	vld.idx.msk [tilespmem:v7+s13+$0x0], $0xffff;
	[tilespmem:v13+s12+$0x0] =	vst.idx.msk $0xffff, v8;
	v8 =	vor.u32 s30, v38;
	v13 =	vor.u32 v37, v5  }
0x3b3: {  	[tilespmem:v12+s12+$0x0] =	vst.idx.msk $0xffff, v6;
	v6 =	vor.u32 v39, v2;
	v9 =	vld.idx.msk [tilespmem:v9+s13+$0x0], $0xffff;
	v12 =	vor.u32 s31, v38  }
0x3b4: {  	[tilespmem:v16+s12+$0x0] =	vst.idx.msk $0xffff, v15;
	v15 =	vor.u32 v39, v0;
	v10 =	vld.idx.msk [tilespmem:v10+s13+$0x0], $0xffff;
	v16 =	vor.u32 s20, v38  }
0x3b5: {  	[tilespmem:v18+s12+$0x0] =	vst.idx.msk $0xffff, v14;
	v14 =	vor.u32 v39, v3;
	v17 =	vld.idx.msk [tilespmem:v17+s13+$0x0], $0xffff;
	v18 =	vor.u32 s21, v38  }
0x3b6: {  	[tilespmem:v20+s12+$0x0] =	vst.idx.msk $0xffff, v19;
	v11 =	vld.idx.msk [tilespmem:v11+s13+$0x0], $0xffff;
	v20 =	vor.u32 s22, v38  }
0x3b7: {  	v19 =	vor.u32 v39, v1;
	[tilespmem:v8+s12+$0x0] =	vst.idx.msk $0xffff, v7;
	v8 =	vld.idx.msk [tilespmem:v13+s13+$0x0], $0xffff;
	v13 =	vor.u32 s16, v38  }
0x3b8: {  	v7 =	vor.u32 v39, v4;
	v6 =	vld.idx.msk [tilespmem:v6+s13+$0x0], $0xffff;
	[tilespmem:v12+s12+$0x0] =	vst.idx.msk $0xffff, v9;
	v9 =	vor.u32 s30, v40  }
0x3b9: {  	v12 =	vor.u32 v39, v5;
	[tilespmem:v16+s12+$0x0] =	vst.idx.msk $0xffff, v10;
	v15 =	vld.idx.msk [tilespmem:v15+s13+$0x0], $0xffff;
	v16 =	vor.u32 s31, v40  }
0x3ba: {  	[tilespmem:v18+s12+$0x0] =	vst.idx.msk $0xffff, v17;
	v17 =	vor.u32 v41, v0;
	v14 =	vld.idx.msk [tilespmem:v14+s13+$0x0], $0xffff;
	v18 =	vor.u32 s20, v40  }
0x3bb: {  	v63 =	vld [tilespmem:$0x1FEC0];
	v10 =	vor.u32 v41, v2;
	[tilespmem:v20+s12+$0x0] =	vst.idx.msk $0xffff, v11  }
0x3bc: {  	v11 =	vor.u32 v41, v3;
	v19 =	vld.idx.msk [tilespmem:v19+s13+$0x0], $0xffff;
	v20 =	vor.u32 s21, v40;
	[tilespmem:v13+s12+$0x0] =	vst.idx.msk $0xffff, v8  }
0x3bd: {  	v8 =	vor.u32 v41, v1;
	v7 =	vld.idx.msk [tilespmem:v7+s13+$0x0], $0xffff;
	v13 =	vor.u32 s22, v40;
	[tilespmem:v9+s12+$0x0] =	vst.idx.msk $0xffff, v6  }
0x3be: {  	v6 =	vor.u32 v41, v4;
	v9 =	vld.idx.msk [tilespmem:v12+s13+$0x0], $0xffff;
	v12 =	vor.u32 s16, v40;
	[tilespmem:v16+s12+$0x0] =	vst.idx.msk $0xffff, v15  }
0x3bf: {  	[tilespmem:v18+s12+$0x0] =	vst.idx.msk $0xffff, v14;
	v17 =	vld.idx.msk [tilespmem:v17+s13+$0x0], $0xffff;
	v18 =	vor.u32 s31, v49  }
0x3c0: {  	v10 =	vld.idx.msk [tilespmem:v10+s13+$0x0], $0xffff;
	v15 =	vor.u32 s30, v49;
	v16 =	vor.u32 v41, v5  }
0x3c1: {  	[tilespmem:v20+s12+$0x0] =	vst.idx.msk $0xffff, v19;
	v19 =	vor.u32 v51, v0;
	v11 =	vld.idx.msk [tilespmem:v11+s13+$0x0], $0xffff;
	v20 =	vor.u32 s20, v49  }
0x3c2: {  	[tilespmem:v13+s12+$0x0] =	vst.idx.msk $0xffff, v7;
	v7 =	vor.u32 v51, v3;
	v8 =	vld.idx.msk [tilespmem:v8+s13+$0x0], $0xffff;
	v13 =	vor.u32 s21, v49  }
0x3c3: {  	[tilespmem:v12+s12+$0x0] =	vst.idx.msk $0xffff, v9;
	v6 =	vld.idx.msk [tilespmem:v6+s13+$0x0], $0xffff;
	v12 =	vor.u32 s22, v49  }
0x3c4: {  	v14 =	vor.u32 v51, v2;
	[tilespmem:v18+s12+$0x0] =	vst.idx.msk $0xffff, v17;
	v17 =	vld [tilespmem:$0x1FEC0]  }
0x3c5: {  	v9 =	vor.u32 v51, v1;
	[tilespmem:v15+s12+$0x0] =	vst.idx.msk $0xffff, v10;
	v15 =	vld.idx.msk [tilespmem:v16+s13+$0x0], $0xffff;
	v16 =	vor.u32 s16, v49  }
0x3c6: {  	v10 =	vor.u32 v51, v4;
	[tilespmem:v20+s12+$0x0] =	vst.idx.msk $0xffff, v11;
	v19 =	vld.idx.msk [tilespmem:v19+s13+$0x0], $0xffff;
	v20 =	vor.u32 s31, v63  }
0x3c7: {  	[tilespmem:v13+s12+$0x0] =	vst.idx.msk $0xffff, v8;
	v8 =	vor.u32 v42, v0;
	v7 =	vld.idx.msk [tilespmem:v7+s13+$0x0], $0xffff;
	v13 =	vor.u32 s20, v63  }
0x3c8: {  	v40 =	vld [tilespmem:$0x1FDC0];
	[tilespmem:v12+s12+$0x0] =	vst.idx.msk $0xffff, v6;
	v6 =	vor.u32 v42, v3  }
0x3c9: {  	v14 =	vld.idx.msk [tilespmem:v14+s13+$0x0], $0xffff;
	v18 =	vor.u32 v51, v5;
	v17 =	vor.u32 s30, v17  }
0x3ca: {  	v9 =	vld.idx.msk [tilespmem:v9+s13+$0x0], $0xffff;
	v12 =	vor.u32 s21, v63;
	[tilespmem:v16+s12+$0x0] =	vst.idx.msk $0xffff, v15  }
0x3cb: {  	v11 =	vor.u32 v42, v2;
	v10 =	vld.idx.msk [tilespmem:v10+s13+$0x0], $0xffff;
	[tilespmem:v20+s12+$0x0] =	vst.idx.msk $0xffff, v19  }
0x3cc: {  	v16 =	vor.u32 s22, v63;
	[tilespmem:v13+s12+$0x0] =	vst.idx.msk $0xffff, v7;
	v8 =	vld.idx.msk [tilespmem:v8+s13+$0x0], $0xffff  }
0x3cd: {  	v15 =	vor.u32 v42, v1;
	v13 =	vor.u32 s31, v52;
	v6 =	vld.idx.msk [tilespmem:v6+s13+$0x0], $0xffff  }
0x3ce: {  	[tilespmem:v17+s12+$0x0] =	vst.idx.msk $0xffff, v14;
	v14 =	vor.u32 v42, v4;
	v17 =	vld.idx.msk [tilespmem:v18+s13+$0x0], $0xffff;
	v18 =	vor.u32 s16, v63  }
0x3cf: {  	v20 =	vor.u32 v42, v5;
	[tilespmem:v12+s12+$0x0] =	vst.idx.msk $0xffff, v9;
	v9 =	vor.u32 v40, v0;
	v12 =	vor.u32 s20, v52;
	v42 =	vld [tilespmem:$0x1FEE0]  }
0x3d0: {  	v19 =	vor.u32 s30, v52;
	v11 =	vld.idx.msk [tilespmem:v11+s13+$0x0], $0xffff  }
0x3d1: {  	v7 =	vor.u32 v40, v2;
	[tilespmem:v16+s12+$0x0] =	vst.idx.msk $0xffff, v10  }
0x3d2: {  	v15 =	vld.idx.msk [tilespmem:v15+s13+$0x0], $0xffff;
	v16 =	vor.u32 s21, v52;
	[tilespmem:v13+s12+$0x0] =	vst.idx.msk $0xffff, v8  }
0x3d3: {  	v10 =	vor.u32 v40, v3;
	[tilespmem:v18+s12+$0x0] =	vst.idx.msk $0xffff, v17;
	v14 =	vld.idx.msk [tilespmem:v14+s13+$0x0], $0xffff;
	v18 =	vor.u32 s22, v52  }
0x3d4: {  	[tilespmem:v12+s12+$0x0] =	vst.idx.msk $0xffff, v6;
	v9 =	vld.idx.msk [tilespmem:v9+s13+$0x0], $0xffff;
	v12 =	vor.u32 s31, v42  }
0x3d5: {  	v17 =	vor.u32 v40, v1;
	[tilespmem:v19+s12+$0x0] =	vst.idx.msk $0xffff, v11;
	v19 =	vld.idx.msk [tilespmem:v20+s13+$0x0], $0xffff;
	v20 =	vor.u32 s16, v52  }
0x3d6: {  	v8 =	vor.u32 s30, v42;
	v7 =	vld.idx.msk [tilespmem:v7+s13+$0x0], $0xffff  }
0x3d7: {  	v51 =	vld [tilespmem:$0x1FF00];
	[tilespmem:v16+s12+$0x0] =	vst.idx.msk $0xffff, v15;
	v11 =	vor.u32 v40, v4  }
0x3d8: {  	v13 =	vor.u32 v40, v5;
	v10 =	vld.idx.msk [tilespmem:v10+s13+$0x0], $0xffff;
	[tilespmem:v18+s12+$0x0] =	vst.idx.msk $0xffff, v14  }
0x3d9: {  	v6 =	vor.u32 v43, v2;
	v15 =	vor.u32 v43, v0;
	v16 =	vor.u32 s20, v42;
	v52 =	vld [tilespmem:$0x1FE00];
	[tilespmem:v12+s12+$0x0] =	vst.idx.msk $0xffff, v9  }
0x3da: {  	v14 =	vor.u32 v43, v3;
	v17 =	vld.idx.msk [tilespmem:v17+s13+$0x0], $0xffff;
	v12 =	vor.u32 v43, v5;
	[tilespmem:v20+s12+$0x0] =	vst.idx.msk $0xffff, v19  }
0x3db: {  	v18 =	vor.u32 s21, v42;
	v19 =	vor.u32 v43, v1;
	[tilespmem:v8+s12+$0x0] =	vst.idx.msk $0xffff, v7;
	v7 =	vor.u32 v43, v4;
	v43 =	vld [tilespmem:$0x1FDE0]  }
0x3dc: {  	v11 =	vld.idx.msk [tilespmem:v11+s13+$0x0], $0xffff;
	v20 =	vor.u32 s22, v42  }
0x3dd: {  	v8 =	vld.idx.msk [tilespmem:v13+s13+$0x0], $0xffff;
	v13 =	vor.u32 s16, v42  }
0x3de: {  	v9 =	vor.u32 s30, v53;
	v6 =	vld.idx.msk [tilespmem:v6+s13+$0x0], $0xffff  }
0x3df: {  	[tilespmem:v16+s12+$0x0] =	vst.idx.msk $0xffff, v10;
	v15 =	vld.idx.msk [tilespmem:v15+s13+$0x0], $0xffff  }
0x3e0: {  	v16 =	vor.u32 s31, v53;
	[tilespmem:v18+s12+$0x0] =	vst.idx.msk $0xffff, v17;
	v14 =	vld.idx.msk [tilespmem:v14+s13+$0x0], $0xffff;
	v10 =	vor.u32 v43, v2  }
0x3e1: {  	v18 =	vor.u32 s20, v53;
	[tilespmem:v20+s12+$0x0] =	vst.idx.msk $0xffff, v11;
	v19 =	vld.idx.msk [tilespmem:v19+s13+$0x0], $0xffff;
	v17 =	vor.u32 v43, v0  }
0x3e2: {  	v20 =	vor.u32 s21, v53;
	v11 =	vor.u32 v43, v3;
	[tilespmem:v13+s12+$0x0] =	vst.idx.msk $0xffff, v8;
	v7 =	vld.idx.msk [tilespmem:v7+s13+$0x0], $0xffff  }
0x3e3: {  	v8 =	vor.u32 v43, v1;
	v13 =	vor.u32 s22, v53;
	[tilespmem:v9+s12+$0x0] =	vst.idx.msk $0xffff, v6;
	v9 =	vld.idx.msk [tilespmem:v12+s13+$0x0], $0xffff  }
0x3e4: {  	v6 =	vor.u32 v43, v4;
	v12 =	vor.u32 s16, v53;
	v53 =	vld [tilespmem:$0x1FF20]  }
0x3e5: {  	[tilespmem:v16+s12+$0x0] =	vst.idx.msk $0xffff, v15;
	v15 =	vor.u32 s30, v51;
	v16 =	vor.u32 v43, v5;
	v10 =	vld.idx.msk [tilespmem:v10+s13+$0x0], $0xffff  }
0x3e6: {  	[tilespmem:v18+s12+$0x0] =	vst.idx.msk $0xffff, v14;
	v14 =	vor.u32 v44, v2;
	v18 =	vor.u32 s31, v51;
	v17 =	vld.idx.msk [tilespmem:v17+s13+$0x0], $0xffff  }
0x3e7: {  	[tilespmem:v20+s12+$0x0] =	vst.idx.msk $0xffff, v19;
	v19 =	vor.u32 v44, v0;
	v20 =	vor.u32 s20, v51;
	v11 =	vld.idx.msk [tilespmem:v11+s13+$0x0], $0xffff  }
0x3e8: {  	[tilespmem:v13+s12+$0x0] =	vst.idx.msk $0xffff, v7;
	v7 =	vor.u32 v44, v3;
	v8 =	vld.idx.msk [tilespmem:v8+s13+$0x0], $0xffff;
	v13 =	vor.u32 s21, v51  }
0x3e9: {  	[tilespmem:v12+s12+$0x0] =	vst.idx.msk $0xffff, v9;
	v9 =	vor.u32 v44, v1;
	v6 =	vld.idx.msk [tilespmem:v6+s13+$0x0], $0xffff;
	v12 =	vor.u32 s22, v51  }
0x3ea: {  	[tilespmem:v15+s12+$0x0] =	vst.idx.msk $0xffff, v10;
	v10 =	vor.u32 v44, v4;
	v15 =	vld.idx.msk [tilespmem:v16+s13+$0x0], $0xffff;
	v16 =	vor.u32 s16, v51  }
0x3eb: {  	[tilespmem:v18+s12+$0x0] =	vst.idx.msk $0xffff, v17;
	v17 =	vor.u32 s30, v54;
	v18 =	vor.u32 v44, v5;
	v14 =	vld.idx.msk [tilespmem:v14+s13+$0x0], $0xffff  }
0x3ec: {  	[tilespmem:v20+s12+$0x0] =	vst.idx.msk $0xffff, v11;
	v11 =	vor.u32 v52, v2;
	v20 =	vor.u32 s31, v54;
	v19 =	vld.idx.msk [tilespmem:v19+s13+$0x0], $0xffff  }
0x3ed: {  	[tilespmem:v13+s12+$0x0] =	vst.idx.msk $0xffff, v8;
	v8 =	vor.u32 v52, v0;
	v13 =	vor.u32 s20, v54;
	v7 =	vld.idx.msk [tilespmem:v7+s13+$0x0], $0xffff  }
0x3ee: {  	[tilespmem:v12+s12+$0x0] =	vst.idx.msk $0xffff, v6;
	v9 =	vld.idx.msk [tilespmem:v9+s13+$0x0], $0xffff;
	v12 =	vor.u32 s21, v54  }
0x3ef: {  	v6 =	vor.u32 v52, v3;
	[tilespmem:v16+s12+$0x0] =	vst.idx.msk $0xffff, v15;
	v10 =	vld.idx.msk [tilespmem:v10+s13+$0x0], $0xffff;
	v16 =	vor.u32 s22, v54  }
0x3f0: {  	v15 =	vor.u32 v52, v1;
	[tilespmem:v17+s12+$0x0] =	vst.idx.msk $0xffff, v14;
	v17 =	vld.idx.msk [tilespmem:v18+s13+$0x0], $0xffff;
	v18 =	vor.u32 s16, v54  }
0x3f1: {  	[tilespmem:v20+s12+$0x0] =	vst.idx.msk $0xffff, v19;
	v19 =	vor.u32 s30, v53;
	v20 =	vor.u32 v52, v5;
	v11 =	vld.idx.msk [tilespmem:v11+s13+$0x0], $0xffff  }
0x3f2: {  	[tilespmem:v13+s12+$0x0] =	vst.idx.msk $0xffff, v7;
	v7 =	vor.u32 v45, v2;
	v13 =	vor.u32 s31, v53;
	v8 =	vld.idx.msk [tilespmem:v8+s13+$0x0], $0xffff  }
0x3f3: {  	v14 =	vor.u32 v52, v4;
	[tilespmem:v12+s12+$0x0] =	vst.idx.msk $0xffff, v9;
	v54 =	vld [tilespmem:$0x1FE20]  }
0x3f4: {  	v12 =	vor.u32 s20, v53;
	v6 =	vld.idx.msk [tilespmem:v6+s13+$0x0], $0xffff;
	[tilespmem:v16+s12+$0x0] =	vst.idx.msk $0xffff, v10  }
0x3f5: {  	v15 =	vld.idx.msk [tilespmem:v15+s13+$0x0], $0xffff;
	v16 =	vor.u32 s21, v53;
	[tilespmem:v18+s12+$0x0] =	vst.idx.msk $0xffff, v17  }
0x3f6: {  	v9 =	vor.u32 v45, v0;
	[tilespmem:v19+s12+$0x0] =	vst.idx.msk $0xffff, v11;
	v19 =	vld.idx.msk [tilespmem:v20+s13+$0x0], $0xffff;
	v20 =	vor.u32 s16, v53  }
0x3f7: {  	[tilespmem:v13+s12+$0x0] =	vst.idx.msk $0xffff, v8;
	v8 =	vor.u32 s30, v56;
	v13 =	vor.u32 v45, v5;
	v7 =	vld.idx.msk [tilespmem:v7+s13+$0x0], $0xffff  }
0x3f8: {  	v14 =	vld.idx.msk [tilespmem:v14+s13+$0x0], $0xffff;
	v18 =	vor.u32 s22, v53  }
0x3f9: {  	v10 =	vor.u32 v45, v3;
	[tilespmem:v12+s12+$0x0] =	vst.idx.msk $0xffff, v6  }
0x3fa: {  	v17 =	vor.u32 v45, v1;
	[tilespmem:v16+s12+$0x0] =	vst.idx.msk $0xffff, v15  }
0x3fb: {  	v11 =	vor.u32 v45, v4;
	v9 =	vld.idx.msk [tilespmem:v9+s13+$0x0], $0xffff;
	[tilespmem:v20+s12+$0x0] =	vst.idx.msk $0xffff, v19  }
0x3fc: {  	v6 =	vor.u32 v54, v2;
	v12 =	vor.u32 s31, v56;
	v16 =	vor.u32 s20, v56;
	[tilespmem:v8+s12+$0x0] =	vst.idx.msk $0xffff, v7;
	v8 =	vld.idx.msk [tilespmem:v13+s13+$0x0], $0xffff  }
0x3fd: {  	[tilespmem:v18+s12+$0x0] =	vst.idx.msk $0xffff, v14;
	v18 =	vor.u32 s21, v56;
	v20 =	vor.u32 s22, v56;
	v13 =	vor.u32 s16, v56;
	v56 =	vld [tilespmem:$0x1FF40]  }
0x3fe: {  	v15 =	vor.u32 v54, v0;
	v10 =	vld.idx.msk [tilespmem:v10+s13+$0x0], $0xffff  }
0x3ff: {  	v17 =	vld.idx.msk [tilespmem:v17+s13+$0x0], $0xffff  }
0x400: {  	v14 =	vor.u32 v54, v3;
	v11 =	vld.idx.msk [tilespmem:v11+s13+$0x0], $0xffff  }
0x401: {  	v19 =	vor.u32 v54, v1  }
0x402: {  	[tilespmem:v12+s12+$0x0] =	vst.idx.msk $0xffff, v9;
	v12 =	vor.u32 v54, v5;
	v6 =	vld.idx.msk [tilespmem:v6+s13+$0x0], $0xffff;
	v9 =	vor.u32 s30, v56  }
0x403: {  	[tilespmem:v16+s12+$0x0] =	vst.idx.msk $0xffff, v10;
	v10 =	vor.u32 v46, v2;
	v15 =	vld.idx.msk [tilespmem:v15+s13+$0x0], $0xffff;
	v16 =	vor.u32 s31, v56  }
0x404: {  	v57 =	vld [tilespmem:$0x1FE40];
	v7 =	vor.u32 v54, v4;
	[tilespmem:v18+s12+$0x0] =	vst.idx.msk $0xffff, v17  }
0x405: {  	v14 =	vld.idx.msk [tilespmem:v14+s13+$0x0], $0xffff;
	[tilespmem:v20+s12+$0x0] =	vst.idx.msk $0xffff, v11;
	v18 =	vor.u32 s20, v56  }
0x406: {  	v19 =	vld.idx.msk [tilespmem:v19+s13+$0x0], $0xffff;
	v20 =	vor.u32 s21, v56;
	[tilespmem:v13+s12+$0x0] =	vst.idx.msk $0xffff, v8  }
0x407: {  	v17 =	vor.u32 v46, v0;
	[tilespmem:v9+s12+$0x0] =	vst.idx.msk $0xffff, v6;
	v9 =	vld.idx.msk [tilespmem:v12+s13+$0x0], $0xffff;
	v12 =	vor.u32 s16, v56  }
0x408: {  	[tilespmem:v16+s12+$0x0] =	vst.idx.msk $0xffff, v15;
	v15 =	vor.u32 s30, v21;
	v16 =	vor.u32 v46, v5;
	v10 =	vld.idx.msk [tilespmem:v10+s13+$0x0], $0xffff  }
0x409: {  	v7 =	vld.idx.msk [tilespmem:v7+s13+$0x0], $0xffff;
	v13 =	vor.u32 s22, v56  }
0x40a: {  	v11 =	vor.u32 v46, v3;
	[tilespmem:v18+s12+$0x0] =	vst.idx.msk $0xffff, v14  }
0x40b: {  	v59 =	vld [tilespmem:$0x1FE60];
	v8 =	vor.u32 v46, v1;
	[tilespmem:v20+s12+$0x0] =	vst.idx.msk $0xffff, v19  }
0x40c: {  	v6 =	vor.u32 v46, v4;
	v17 =	vld.idx.msk [tilespmem:v17+s13+$0x0], $0xffff;
	[tilespmem:v12+s12+$0x0] =	vst.idx.msk $0xffff, v9  }
0x40d: {  	v14 =	vor.u32 v57, v2;
	v18 =	vor.u32 s31, v21;
	v20 =	vor.u32 s20, v21;
	[tilespmem:v15+s12+$0x0] =	vst.idx.msk $0xffff, v10;
	v15 =	vld.idx.msk [tilespmem:v16+s13+$0x0], $0xffff  }
0x40e: {  	[tilespmem:v13+s12+$0x0] =	vst.idx.msk $0xffff, v7;
	v13 =	vor.u32 s21, v21;
	v12 =	vor.u32 s22, v21;
	v16 =	vor.u32 s16, v21;
	v21 =	vld [tilespmem:$0x1FF60]  }
0x40f: {  	v19 =	vor.u32 v57, v0;
	v11 =	vld.idx.msk [tilespmem:v11+s13+$0x0], $0xffff  }
0x410: {  	v7 =	vor.u32 v57, v3;
	v8 =	vld.idx.msk [tilespmem:v8+s13+$0x0], $0xffff  }
0x411: {  	v9 =	vor.u32 v57, v1;
	v6 =	vld.idx.msk [tilespmem:v6+s13+$0x0], $0xffff  }
0x412: {  	v61 =	vld [tilespmem:$0x1FEA0];
	v10 =	vor.u32 v57, v4  }
0x413: {  	[tilespmem:v18+s12+$0x0] =	vst.idx.msk $0xffff, v17;
	v18 =	vor.u32 v57, v5;
	v14 =	vld.idx.msk [tilespmem:v14+s13+$0x0], $0xffff;
	v17 =	vor.u32 s30, v21  }
0x414: {  	[tilespmem:v20+s12+$0x0] =	vst.idx.msk $0xffff, v11;
	v19 =	vld.idx.msk [tilespmem:v19+s13+$0x0], $0xffff  }
0x415: {  	v11 =	vor.u32 v47, v2;
	[tilespmem:v13+s12+$0x0] =	vst.idx.msk $0xffff, v8;
	v7 =	vld.idx.msk [tilespmem:v7+s13+$0x0], $0xffff;
	v20 =	vor.u32 s31, v21  }
0x416: {  	v8 =	vor.u32 v47, v0;
	[tilespmem:v12+s12+$0x0] =	vst.idx.msk $0xffff, v6;
	v9 =	vld.idx.msk [tilespmem:v9+s13+$0x0], $0xffff;
	v13 =	vor.u32 s20, v21  }
0x417: {  	v6 =	vor.u32 v47, v3;
	v12 =	vor.u32 s21, v21;
	[tilespmem:v16+s12+$0x0] =	vst.idx.msk $0xffff, v15;
	v10 =	vld.idx.msk [tilespmem:v10+s13+$0x0], $0xffff  }
0x418: {  	v15 =	vor.u32 v47, v1;
	v16 =	vor.u32 s22, v21;
	[tilespmem:v17+s12+$0x0] =	vst.idx.msk $0xffff, v14;
	v17 =	vld.idx.msk [tilespmem:v18+s13+$0x0], $0xffff  }
0x419: {  	v14 =	vor.u32 v47, v4;
	v18 =	vor.u32 s16, v21;
	v21 =	vld [tilespmem:$0x1FF80]  }
0x41a: {  	[tilespmem:v20+s12+$0x0] =	vst.idx.msk $0xffff, v19;
	v19 =	vor.u32 s30, v22;
	v20 =	vor.u32 v47, v5;
	v11 =	vld.idx.msk [tilespmem:v11+s13+$0x0], $0xffff  }
0x41b: {  	[tilespmem:v13+s12+$0x0] =	vst.idx.msk $0xffff, v7;
	v7 =	vor.u32 v59, v2;
	v13 =	vor.u32 s31, v22;
	v8 =	vld.idx.msk [tilespmem:v8+s13+$0x0], $0xffff  }
0x41c: {  	[tilespmem:v12+s12+$0x0] =	vst.idx.msk $0xffff, v9;
	v9 =	vor.u32 v59, v0;
	v12 =	vor.u32 s20, v22;
	v6 =	vld.idx.msk [tilespmem:v6+s13+$0x0], $0xffff  }
0x41d: {  	[tilespmem:v16+s12+$0x0] =	vst.idx.msk $0xffff, v10;
	v10 =	vor.u32 v59, v3;
	v16 =	vor.u32 s21, v22;
	v15 =	vld.idx.msk [tilespmem:v15+s13+$0x0], $0xffff  }
0x41e: {  	[tilespmem:v18+s12+$0x0] =	vst.idx.msk $0xffff, v17;
	v17 =	vor.u32 v59, v1;
	v14 =	vld.idx.msk [tilespmem:v14+s13+$0x0], $0xffff;
	v18 =	vor.u32 s22, v22  }
0x41f: {  	[tilespmem:v19+s12+$0x0] =	vst.idx.msk $0xffff, v11;
	v11 =	vor.u32 v59, v4;
	v19 =	vld.idx.msk [tilespmem:v20+s13+$0x0], $0xffff;
	v20 =	vor.u32 s16, v22  }
0x420: {  	[tilespmem:v13+s12+$0x0] =	vst.idx.msk $0xffff, v8;
	v8 =	vor.u32 s30, v21;
	v13 =	vor.u32 v59, v5;
	v7 =	vld.idx.msk [tilespmem:v7+s13+$0x0], $0xffff  }
0x421: {  	[tilespmem:v12+s12+$0x0] =	vst.idx.msk $0xffff, v6;
	v9 =	vld.idx.msk [tilespmem:v9+s13+$0x0], $0xffff  }
0x422: {  	v6 =	vor.u32 v48, v2;
	v12 =	vor.u32 s31, v21;
	[tilespmem:v16+s12+$0x0] =	vst.idx.msk $0xffff, v15;
	v10 =	vld.idx.msk [tilespmem:v10+s13+$0x0], $0xffff  }
0x423: {  	v15 =	vor.u32 v48, v0;
	v16 =	vor.u32 s20, v21;
	[tilespmem:v18+s12+$0x0] =	vst.idx.msk $0xffff, v14;
	v17 =	vld.idx.msk [tilespmem:v17+s13+$0x0], $0xffff  }
0x424: {  	v14 =	vor.u32 v48, v3;
	v18 =	vor.u32 s21, v21;
	[tilespmem:v20+s12+$0x0] =	vst.idx.msk $0xffff, v19;
	v11 =	vld.idx.msk [tilespmem:v11+s13+$0x0], $0xffff  }
0x425: {  	v19 =	vor.u32 v48, v1;
	v20 =	vor.u32 s22, v21;
	[tilespmem:v8+s12+$0x0] =	vst.idx.msk $0xffff, v7;
	v8 =	vld.idx.msk [tilespmem:v13+s13+$0x0], $0xffff  }
0x426: {  	v7 =	vor.u32 v48, v4;
	v13 =	vor.u32 s16, v21;
	v21 =	vld [tilespmem:$0x1FFA0]  }
0x427: {  	[tilespmem:v12+s12+$0x0] =	vst.idx.msk $0xffff, v9;
	v9 =	vor.u32 s30, v23;
	v12 =	vor.u32 v48, v5;
	v6 =	vld.idx.msk [tilespmem:v6+s13+$0x0], $0xffff  }
0x428: {  	[tilespmem:v16+s12+$0x0] =	vst.idx.msk $0xffff, v10;
	v10 =	vor.u32 v50, v2;
	v16 =	vor.u32 s31, v23;
	v15 =	vld.idx.msk [tilespmem:v15+s13+$0x0], $0xffff  }
0x429: {  	[tilespmem:v18+s12+$0x0] =	vst.idx.msk $0xffff, v17;
	v17 =	vor.u32 v50, v0;
	v14 =	vld.idx.msk [tilespmem:v14+s13+$0x0], $0xffff;
	v18 =	vor.u32 s20, v23  }
0x42a: {  	[tilespmem:v20+s12+$0x0] =	vst.idx.msk $0xffff, v11;
	v11 =	vor.u32 v50, v3;
	v19 =	vld.idx.msk [tilespmem:v19+s13+$0x0], $0xffff;
	v20 =	vor.u32 s21, v23  }
0x42b: {  	[tilespmem:v13+s12+$0x0] =	vst.idx.msk $0xffff, v8;
	v8 =	vor.u32 v50, v1;
	v7 =	vld.idx.msk [tilespmem:v7+s13+$0x0], $0xffff;
	v13 =	vor.u32 s22, v23  }
0x42c: {  	[tilespmem:v9+s12+$0x0] =	vst.idx.msk $0xffff, v6;
	v6 =	vor.u32 v50, v4;
	v9 =	vld.idx.msk [tilespmem:v12+s13+$0x0], $0xffff;
	v12 =	vor.u32 s16, v23  }
0x42d: {  	[tilespmem:v16+s12+$0x0] =	vst.idx.msk $0xffff, v15;
	v15 =	vor.u32 s30, v21;
	v16 =	vor.u32 v50, v5;
	v10 =	vld.idx.msk [tilespmem:v10+s13+$0x0], $0xffff  }
0x42e: {  	v2 =	vor.u32 v61, v2;
	[tilespmem:v18+s12+$0x0] =	vst.idx.msk $0xffff, v14;
	v14 =	vld.idx.msk [tilespmem:v17+s13+$0x0], $0xffff;
	v17 =	vor.u32 s31, v21  }
0x42f: {  	v0 =	vor.u32 v61, v0;
	v18 =	vor.u32 s20, v21;
	[tilespmem:v20+s12+$0x0] =	vst.idx.msk $0xffff, v19;
	v11 =	vld.idx.msk [tilespmem:v11+s13+$0x0], $0xffff  }
0x430: {  	v3 =	vor.u32 v61, v3;
	[tilespmem:v13+s12+$0x0] =	vst.idx.msk $0xffff, v7;
	v7 =	vld.idx.msk [tilespmem:v8+s13+$0x0], $0xffff;
	v8 =	vor.u32 s21, v21  }
0x431: {  	v1 =	vor.u32 v61, v1;
	[tilespmem:v12+s12+$0x0] =	vst.idx.msk $0xffff, v9;
	v6 =	vld.idx.msk [tilespmem:v6+s13+$0x0], $0xffff;
	v9 =	vor.u32 s22, v21  }
0x432: {  	v4 =	vor.u32 v61, v4;
	v12 =	vor.u32 s16, v21;
	[tilespmem:v15+s12+$0x0] =	vst.idx.msk $0xffff, v10;
	v10 =	vld.idx.msk [tilespmem:v16+s13+$0x0], $0xffff  }
0x433: {  	v5 =	vor.u32 v61, v5;
	v13 =	vor.u32 s30, v24;
	[tilespmem:v17+s12+$0x0] =	vst.idx.msk $0xffff, v14;
	v2 =	vld.idx.msk [tilespmem:v2+s13+$0x0], $0xffff  }
0x434: {  	[tilespmem:v18+s12+$0x0] =	vst.idx.msk $0xffff, v11;
	v11 =	vor.u32 s31, v24;
	v0 =	vld.idx.msk [tilespmem:v0+s13+$0x0], $0xffff  }
0x435: {  	[tilespmem:v8+s12+$0x0] =	vst.idx.msk $0xffff, v7;
	v7 =	vor.u32 s20, v24;
	v3 =	vld.idx.msk [tilespmem:v3+s13+$0x0], $0xffff  }
0x436: {  	[tilespmem:v9+s12+$0x0] =	vst.idx.msk $0xffff, v6;
	v6 =	vor.u32 s21, v24;
	v1 =	vld.idx.msk [tilespmem:v1+s13+$0x0], $0xffff  }
0x437: {  	s15 =	sadd.s32 $0x8, s15;
	v8 =	vor.u32 s22, v24;
	[tilespmem:v12+s12+$0x0] =	vst.idx.msk $0xffff, v10;
	v4 =	vld.idx.msk [tilespmem:v4+s13+$0x0], $0xffff  }
0x438: {  	p0 =	slt.u32 s15, $0x78;
	[tilespmem:v13+s12+$0x0] =	vst.idx.msk $0xffff, v2;
	v63 =	vld.idx.msk [tilespmem:v5+s13+$0x0], $0xffff;
	v5 =	vor.u32 s16, v24  }
.Ltmp1:
0x439: {  	v9 =	vld [tilespmem:$0x1FFF0];
	[tilespmem:v11+s12+$0x0] =	vst.idx.msk $0xffff, v0;
	(pc) =	sbr.rel @p0 .LBB2_4-.Ltmp1, $4  }
0x43a: {  	[tilespmem:v7+s12+$0x0] =	vst.idx.msk $0xffff, v3;
	v7 =	vld [tilespmem:$0x1FFD0]  }
0x43b: {  	v48 =	vmov v49;
	v20 =	vmov v34;
	v19 =	vlaneseq.u32;
	[tilespmem:v6+s12+$0x0] =	vst.idx.msk $0xffff, v1;
	v6 =	vld [tilespmem:$0x1FFC0]  }
0x43c: {  	v15 =	vmovc v30;
	v16 =	vmovc v31;
	v17 =	vmov v32;
	v14 =	vmov v29;
	v18 =	vmov v33;
	[tilespmem:v8+s12+$0x0] =	vst.idx.msk $0xffff, v4;
	v8 =	vld [tilespmem:$0x1FFE0]  }
0x43d: {  	s17 =	sadd.s32 $0x80, s17;
	v12 =	vmovc v27;
	v10 =	vmovc v25;
	v13 =	vmov v28;
	s16 =	sadd.s32 $0x1000, s16;
	v11 =	vmov v26;
	v4 =	vmov v55;
	[tilespmem:v5+s12+$0x0] =	vst.idx.msk $0xffff, v63;
	v5 =	vld [tilespmem:$0x1FCC0]  }
0x43e: {  	s14 =	sadd.s32 $0x1, s14  }
0x43f: {  	p0 =	sne.s32 s14, s9  }
.Ltmp2:
0x440: {  	_ = 	snop;
	(pc) =	sbr.rel @p0 .LBB2_1-.Ltmp2, $4  }
0x441: {  	[hbm4b:s8+s2] =	stream.linear.scatter [tilespmem:s12], [sflag:$0x1], $0x10000, $0x38;
	[tilespmem:$0x12D00] =	vst v63  }
0x442: {  	_ =	swait.ge [sflag:s10], $0x10000  }
0x443: {  	[sflag:s10] =	ssyncset.done $0x0  }
0x444: {  	[sflag:s10] =	ssyncadd.s32 $0xFFFF0000  }
0x445: {  	_ =	sfence.sel $0x180000  }
0x446: {  	[bflag:$0x0] =	sbarrier.arrive $0xFFFF  }
0x447: {  	p0 =	sne.s32 s1, $0x0;
	_ =	strace $0x90000047  }
0x448: {  	s0 =	sadd.s32 @!p0 $0x100000, s0;
	[bflag:$0x2] =	sbarrier.arrive $0xFFFF  }
0x449: {  	[sflag:s0] =	ssyncadd.tile.s32 @!p0 $0x1;
	_ =	shalt  }
.Lfunc_end2:
_tile_overlayer_lowered:
.L_overlay_start_2:
0x44a: {  	(tag) =	ssettag $0x2  }
0x44b: {  	s0 =	rddreg [dreg:$0x0];
	s2 =	stileid.u32  }
0x44c: {  	s1 =	rddreg [dreg:$0x1];
	p0 =	sne.s32 s2, $0x0  }
0x44d: {  	s3 =	rddreg [dreg:$0x2];
	[bflag:$0x3] =	sbarrier.arrive $0xFFFF;
	s2 =	simm.s32 @!p0 $0x1C01  }
0x44e: {  	[timem:s3], [sflag:s2] =	dma.local @!p0 [hbm:s0], s1  }
0x44f: {  	s0 =	simm.s32 @!p0 $0x1  }
0x450: {  	_ =	swait.ge @!p0 [sflag:s0], s1  }
0x451: {  	s1 =	ssub.s32 @!p0 $0x0, s1;
	[sflag:s0] =	ssyncset.done @!p0 $0x0  }
0x452: {  	[sflag:s0] =	ssyncadd.s32 @!p0 s1  }
0x453: {  	[bflag:$0x3] =	sbarrier.arrive $0xFFFF  }
0x454: {  	_ =	shalt  }

</sc_bundles>
